<compile_context>
chip_gen: v7x
topology: tpu7x:2x2x1
jax: 0.10.2.dev20260603
libtpu: 0.0.44.dev20260713+nightly
codegen_flags: <defaults>
</compile_context>

<pallas_src>
import functools

import jax
import jax.numpy as jnp
from jax import lax
from jax.experimental import pallas as pl
from jax.experimental.pallas import tpu as pltpu
from jax.experimental.pallas import tpu_sc as plsc

N = 10000
E = 320000
HID = 64
IN_F = 128
OUT_F = 128
NORM_FACTOR = 100.0
NORM_CONST = 1.0
COORDS_RANGE = 15.0

NBLK = 1000
EBLK = 2560


def _silu(v):
    return v * jax.nn.sigmoid(v)


def _full(shape):
    return pl.BlockSpec(shape, lambda i: tuple(0 for _ in shape))



def _emb_in_body(x_ref, we_ref, be_ref, wr_ref, wc_ref, h_ref, a_ref, b_ref):
    h = x_ref[...] @ we_ref[...] + be_ref[...]
    h_ref[...] = h
    a_ref[...] = h @ wr_ref[...]
    b_ref[...] = h @ wc_ref[...]


def _emb_in(x, We, be, W1r, W1c):
    return pl.pallas_call(
        _emb_in_body,
        grid=(N // NBLK,),
        in_specs=[
            pl.BlockSpec((NBLK, IN_F), lambda i: (i, 0)),
            _full((IN_F, HID)), _full((HID,)),
            _full((HID, HID)), _full((HID, HID)),
        ],
        out_specs=[
            pl.BlockSpec((NBLK, HID), lambda i: (i, 0)),
            pl.BlockSpec((NBLK, HID), lambda i: (i, 0)),
            pl.BlockSpec((NBLK, HID), lambda i: (i, 0)),
        ],
        out_shape=[
            jax.ShapeDtypeStruct((N, HID), jnp.float32),
            jax.ShapeDtypeStruct((N, HID), jnp.float32),
            jax.ShapeDtypeStruct((N, HID), jnp.float32),
        ],
    )(x, We, be, W1r, W1c)


def _node_update_body(h_ref, s0_ref, s1_ref, mask_ref, wn1h_ref, wn1a_ref,
                      bn1_ref, wn2_ref, bn2_ref, *proj_refs):
    nproj = (len(proj_refs) - 1) // 2
    h = h_ref[...]
    agg = (s0_ref[...] + s1_ref[...]) * (1.0 / NORM_FACTOR)
    u = _silu(h @ wn1h_ref[...] + agg @ wn1a_ref[...] + bn1_ref[...])
    hn = (h + u @ wn2_ref[...] + bn2_ref[...]) * mask_ref[...]
    out_refs = proj_refs[nproj:]
    out_refs[0][...] = hn
    for k in range(nproj):
        out_refs[1 + k][...] = hn @ proj_refs[k][...]


def _node_update(h, s2n, mask, Wn1h, Wn1a, bn1, Wn2, bn2, proj_ws):
    nproj = len(proj_ws)
    return pl.pallas_call(
        _node_update_body,
        grid=(N // NBLK,),
        in_specs=[
            pl.BlockSpec((NBLK, HID), lambda i: (i, 0)),
            pl.BlockSpec((NBLK, HID), lambda i: (i, 0)),
            pl.BlockSpec((NBLK, HID), lambda i: (i + N // NBLK, 0)),
            pl.BlockSpec((NBLK, 1), lambda i: (i, 0)),
            _full((HID, HID)), _full((HID, HID)), _full((HID,)),
            _full((HID, HID)), _full((HID,)),
        ] + [_full((HID, HID)) for _ in range(nproj)],
        out_specs=[pl.BlockSpec((NBLK, HID), lambda i: (i, 0))
                   for _ in range(1 + nproj)],
        out_shape=[jax.ShapeDtypeStruct((N, HID), jnp.float32)
                   for _ in range(1 + nproj)],
    )(h, s2n, s2n, mask, Wn1h, Wn1a, bn1, Wn2, bn2, *proj_ws)


def _emb_out_body(h_ref, w_ref, b_ref, mask_ref, o_ref):
    o_ref[...] = (h_ref[...] @ w_ref[...] + b_ref[...]) * mask_ref[...]


def _emb_out(h, Wo, bo, mask):
    return pl.pallas_call(
        _emb_out_body,
        grid=(N // NBLK,),
        in_specs=[
            pl.BlockSpec((NBLK, HID), lambda i: (i, 0)),
            _full((HID, OUT_F)), _full((OUT_F,)),
            pl.BlockSpec((NBLK, 1), lambda i: (i, 0)),
        ],
        out_specs=pl.BlockSpec((NBLK, OUT_F), lambda i: (i, 0)),
        out_shape=jax.ShapeDtypeStruct((N, OUT_F), jnp.float32),
    )(h, Wo, bo, mask)



E2 = E // 2
EB2 = 1280


def _edge_mlp_body(pre_ref, f_ref, w1_ref, b1_ref, w2_ref, b2_ref, o_ref):
    z = _silu(pre_ref[...] + f_ref[...] @ w1_ref[...] + b1_ref[...])
    o_ref[...] = _silu(z @ w2_ref[...] + b2_ref[...])


def _edge_mlp(pre_p, F, W1bd, b1p, W2bd, b2p):
    return pl.pallas_call(
        _edge_mlp_body,
        grid=(E2 // EB2,),
        in_specs=[
            pl.BlockSpec((EB2, 128), lambda i: (i, 0)),
            pl.BlockSpec((EB2, 128), lambda i: (i, 0)),
            _full((128, 128)), _full((128,)),
            _full((128, 128)), _full((128,)),
        ],
        out_specs=pl.BlockSpec((EB2, 128), lambda i: (i, 0)),
        out_shape=jax.ShapeDtypeStruct((E2, 128), jnp.float32),
    )(pre_p, F, W1bd, b1p, W2bd, b2p)


def _coord_mlp_body(pre_ref, f_ref, g_ref, w1_ref, b1_ref, w2_ref, b2_ref,
                    w3_ref, rsel_ref, o_ref):
    z = _silu(pre_ref[...] + f_ref[...] @ w1_ref[...] + b1_ref[...])
    z = _silu(z @ w2_ref[...] + b2_ref[...])
    phi = jnp.tanh(z @ w3_ref[...]) * COORDS_RANGE
    g = g_ref[...]
    radial = g @ rsel_ref[...]
    scale = phi / (jnp.sqrt(radial + 1e-8) + NORM_CONST)
    lane = lax.broadcasted_iota(jnp.int32, g.shape, 1) % 64
    keep = jnp.logical_and(lane >= 1, lane <= 3).astype(jnp.float32)
    o_ref[...] = g * scale * keep


def _coord_mlp(pre_p, F, G, W1bd, b1p, W2bd, b2p, W3sel, RSEL):
    return pl.pallas_call(
        _coord_mlp_body,
        grid=(E2 // EB2,),
        in_specs=[
            pl.BlockSpec((EB2, 128), lambda i: (i, 0)),
            pl.BlockSpec((EB2, 128), lambda i: (i, 0)),
            pl.BlockSpec((EB2, 128), lambda i: (i, 0)),
            _full((128, 128)), _full((128,)),
            _full((128, 128)), _full((128,)),
            _full((128, 128)), _full((128, 128)),
        ],
        out_specs=pl.BlockSpec((EB2, 128), lambda i: (i, 0)),
        out_shape=jax.ShapeDtypeStruct((E2, 128), jnp.float32),
    )(pre_p, F, G, W1bd, b1p, W2bd, b2p, W3sel, RSEL)


def _pad_feat_w(W17):
    Z = jnp.zeros((HID, HID), jnp.float32)
    return Z.at[0, :].set(W17[0]).at[4:20, :].set(W17[1:17])


def _blockdiag(W):
    Z = jnp.zeros((HID, HID), jnp.float32)
    return jnp.block([[W, Z], [Z, W]])



NW = 32
EPW = E // NW
CCH = 1000


def _sc_mesh():
    return plsc.VectorSubcoreMesh(core_axis_name="c", subcore_axis_name="s")


CCB = 400
NPAIR = (EPW // CCB) // 2


def _combine(A, B, row, col, pxyz=None, ea=None):
    with_geom = pxyz is not None
    with_ea = ea is not None
    ccb = 400
    nch = EPW // ccb
    npair = nch // 2
    has_tail = nch % 2 == 1
    out_type = [jax.ShapeDtypeStruct((E, HID), jnp.float32)]
    scratch = [
        pltpu.VMEM((ccb,), jnp.int32), pltpu.VMEM((ccb,), jnp.int32),
        pltpu.VMEM((ccb,), jnp.int32), pltpu.VMEM((ccb,), jnp.int32),
        pltpu.VMEM((ccb, HID), jnp.float32),
        pltpu.VMEM((ccb, HID), jnp.float32),
    ] + [pltpu.SemaphoreType.DMA] * 6
    if with_geom:
        out_type.append(jax.ShapeDtypeStruct((E * HID,), jnp.float32))
        scratch += [
            pltpu.VMEM((N,), jnp.float32), pltpu.VMEM((N,), jnp.float32),
            pltpu.VMEM((N,), jnp.float32),
            pltpu.VMEM((ccb * HID,), jnp.float32),
        ]
        if with_ea:
            scratch += [pltpu.VMEM((ccb, 16), jnp.float32)]

    @functools.partial(
        pl.kernel,
        out_type=tuple(out_type) if with_geom else out_type[0],
        mesh=_sc_mesh(),
        scratch_types=scratch,
        compiler_params=pltpu.CompilerParams(
            use_tc_tiling_on_sc=False, needs_layout_passes=False),
    )
    def k(*refs):
        if with_geom:
            if with_ea:
                (a_hbm, b_hbm, row_hbm, col_hbm, px_hbm, py_hbm, pz_hbm,
                 ea_hbm, o_hbm, g_hbm,
                 rid0, cid0, rid1, cid1, buf0, buf1,
                 sa0, sa1, sb0, sb1, sw0, sw1,
                 pxv, pyv, pzv, gbuf, eabuf) = refs
            else:
                (a_hbm, b_hbm, row_hbm, col_hbm, px_hbm, py_hbm, pz_hbm,
                 o_hbm, g_hbm,
                 rid0, cid0, rid1, cid1, buf0, buf1,
                 sa0, sa1, sb0, sb1, sw0, sw1,
                 pxv, pyv, pzv, gbuf) = refs
        else:
            (a_hbm, b_hbm, row_hbm, col_hbm, o_hbm,
             rid0, cid0, rid1, cid1, buf0, buf1,
             sa0, sa1, sb0, sb1, sw0, sw1) = refs
        wid = lax.axis_index("s") * 2 + lax.axis_index("c")
        base = wid * EPW
        if with_geom:
            pltpu.sync_copy(px_hbm, pxv)
            pltpu.sync_copy(py_hbm, pyv)
            pltpu.sync_copy(pz_hbm, pzv)
            zv = jnp.zeros((16,), jnp.float32)

            def zinit(i, carry):
                gbuf[pl.ds(i * 16, 16)] = zv
                return carry

            lax.fori_loop(0, ccb * HID // 16, zinit, 0)

        def geom_chunk(off, rid, cid, gbuf):
            if with_ea:
                pltpu.sync_copy(ea_hbm.at[pl.ds(off, ccb)], eabuf)

            def grp(g, carry2):
                rvec = rid[pl.ds(g * 16, 16)]
                cvec = cid[pl.ds(g * 16, 16)]
                dx = plsc.load_gather(pxv, [rvec]) - plsc.load_gather(pxv, [cvec])
                dy = plsc.load_gather(pyv, [rvec]) - plsc.load_gather(pyv, [cvec])
                dz = plsc.load_gather(pzv, [rvec]) - plsc.load_gather(pzv, [cvec])
                dist = dx * dx + dy * dy + dz * dz
                iot = lax.iota(jnp.int32, 16)
                rows = g * (16 * HID) + iot * HID
                plsc.store_scatter(gbuf, [rows], dist)
                plsc.store_scatter(gbuf, [rows + 1], dx)
                plsc.store_scatter(gbuf, [rows + 2], dy)
                plsc.store_scatter(gbuf, [rows + 3], dz)
                return carry2

            lax.fori_loop(0, ccb // 16, grp, 0)
            if with_ea:
                def emerge(e, carry3):
                    gbuf[pl.ds(e * HID + 4, 16)] = eabuf[e]
                    return carry3

                lax.fori_loop(0, ccb, emerge, 0)

        def do_chunk_sync(off, rid, cid, buf, gbuf, sa, sb, sw):
            pltpu.sync_copy(row_hbm.at[pl.ds(off, ccb)], rid)
            pltpu.sync_copy(col_hbm.at[pl.ds(off, ccb)], cid)
            pltpu.async_copy(a_hbm.at[rid], buf, sa).wait()
            cb = pltpu.async_copy(b_hbm.at[cid], buf, sb, add=True)
            if with_geom:
                geom_chunk(off, rid, cid, gbuf)
            cb.wait()
            w = pltpu.async_copy(buf, o_hbm.at[pl.ds(off, ccb)], sw)
            if with_geom:
                pltpu.sync_copy(gbuf, g_hbm.at[pl.ds(off * HID, ccb * HID)])
            w.wait()

        def pair(pp, carry):
            off0 = base + pp * 2 * ccb
            off1 = off0 + ccb
            pltpu.sync_copy(row_hbm.at[pl.ds(off0, ccb)], rid0)
            pltpu.sync_copy(col_hbm.at[pl.ds(off0, ccb)], cid0)
            pltpu.sync_copy(row_hbm.at[pl.ds(off1, ccb)], rid1)
            pltpu.sync_copy(col_hbm.at[pl.ds(off1, ccb)], cid1)
            a0 = pltpu.async_copy(a_hbm.at[rid0], buf0, sa0)
            a1 = pltpu.async_copy(a_hbm.at[rid1], buf1, sa1)
            a0.wait()
            b0 = pltpu.async_copy(b_hbm.at[cid0], buf0, sb0, add=True)
            a1.wait()
            b1 = pltpu.async_copy(b_hbm.at[cid1], buf1, sb1, add=True)
            if with_geom:
                geom_chunk(off0, rid0, cid0, gbuf)
            b0.wait()
            w0 = pltpu.async_copy(buf0, o_hbm.at[pl.ds(off0, ccb)], sw0)
            if with_geom:
                pltpu.sync_copy(gbuf, g_hbm.at[pl.ds(off0 * HID, ccb * HID)])
                geom_chunk(off1, rid1, cid1, gbuf)
            b1.wait()
            w1 = pltpu.async_copy(buf1, o_hbm.at[pl.ds(off1, ccb)], sw1)
            if with_geom:
                pltpu.sync_copy(gbuf, g_hbm.at[pl.ds(off1 * HID, ccb * HID)])
            w0.wait()
            w1.wait()
            return carry

        lax.fori_loop(0, npair, pair, 0)
        if has_tail:
            do_chunk_sync(base + 2 * npair * ccb, rid0, cid0, buf0,
                          gbuf if with_geom else None, sa0, sb0, sw0)

    if with_ea:
        return k(A, B, row, col, *pxyz, ea)
    if with_geom:
        return k(A, B, row, col, *pxyz)
    return k(A, B, row, col)


def _segsum(vals, row, K, zeros):
    npr = N // 16

    @functools.partial(
        pl.kernel,
        out_type=jax.ShapeDtypeStruct((2 * N, K), jnp.float32),
        mesh=_sc_mesh(),
        scratch_types=[
            pltpu.VMEM((CCB,), jnp.int32),
            pltpu.VMEM((CCB,), jnp.int32),
            pltpu.VMEM((CCB, K), jnp.float32),
            pltpu.VMEM((CCB, K), jnp.float32),
            pltpu.VMEM_SHARED((N, K), jnp.float32),
        ] + [pltpu.SemaphoreType.DMA] * 4,
        compiler_params=pltpu.CompilerParams(use_tc_tiling_on_sc=False),
    )
    def k(vals_hbm, row_hbm, zeros_hbm, out_hbm,
          rid0, rid1, vbuf0, vbuf1, acc, sv0, sv1, ss0, ss1):
        ci = lax.axis_index("c")
        sid = lax.axis_index("s")
        wid = sid * 2 + ci
        pltpu.sync_copy(zeros_hbm.at[pl.ds(sid * npr, npr)],
                        acc.at[pl.ds(sid * npr, npr)])
        plsc.subcore_barrier()
        base = wid * EPW

        def pair(p, carry):
            off0 = base + p * 2 * CCB
            off1 = off0 + CCB
            pltpu.sync_copy(row_hbm.at[pl.ds(off0, CCB)], rid0)
            pltpu.sync_copy(row_hbm.at[pl.ds(off1, CCB)], rid1)
            v0 = pltpu.async_copy(vals_hbm.at[pl.ds(off0, CCB)], vbuf0, sv0)
            v1 = pltpu.async_copy(vals_hbm.at[pl.ds(off1, CCB)], vbuf1, sv1)
            v0.wait()
            c0 = pltpu.async_copy(vbuf0, acc.at[rid0], ss0, add=True)
            v1.wait()
            c1 = pltpu.async_copy(vbuf1, acc.at[rid1], ss1, add=True)
            c0.wait()
            c1.wait()
            return carry

        lax.fori_loop(0, NPAIR, pair, 0)
        off = base + 2 * NPAIR * CCB
        pltpu.sync_copy(row_hbm.at[pl.ds(off, CCB)], rid0)
        pltpu.sync_copy(vals_hbm.at[pl.ds(off, CCB)], vbuf0)
        pltpu.sync_copy(vbuf0, acc.at[rid0], add=True)
        plsc.subcore_barrier()
        pltpu.sync_copy(acc.at[pl.ds(sid * npr, npr)],
                        out_hbm.at[pl.ds(ci * N + sid * npr, npr)])

    return k(vals, row, zeros)


def _split_w1(W1):
    return W1[:HID], W1[HID:2 * HID], W1[2 * HID:]


def kernel(x, pos, mask, edge_attr, params, edge_index):
    row = edge_index[0]
    col = edge_index[1]
    blocks = params['blocks']

    gcl0 = blocks[0]['gcls'][0]
    W1_0 = gcl0['edge_mlp'][0][0]
    W1r0, W1c0, _ = _split_w1(W1_0)
    We, be = params['emb_in']
    h, A, B = _emb_in(x, We, be, W1r0, W1c0)
    zeros64 = jnp.zeros((N, HID), jnp.float32)
    ones_row = jnp.ones((1, HID), jnp.float32)
    SEL0 = jnp.zeros((HID, HID), jnp.float32).at[0, :].set(1.0)
    RSEL = _blockdiag(SEL0)
    F = None

    for bi, blk in enumerate(blocks):
        gcl = blk['gcls'][0]
        (W1, b1), (W2, b2) = gcl['edge_mlp']
        _, _, W1e = _split_w1(W1)
        pre, gflat = _combine(A, B, row, col,
                              (pos[:, 0], pos[:, 1], pos[:, 2]),
                              edge_attr if bi == 0 else None)
        G = gflat.reshape(E2, 128)
        if F is None:
            F = G
        W1e_pad = _pad_feat_w(W1e)
        m_p = _edge_mlp(pre.reshape(E2, 128), F,
                        _blockdiag(W1e_pad), jnp.concatenate([b1, b1]),
                        _blockdiag(W2), jnp.concatenate([b2, b2]))
        s2n = _segsum(m_p.reshape(E, HID), row, HID, zeros64)

        (Wn1, bn1), (Wn2, bn2) = gcl['node_mlp']
        Wn1h, Wn1a = Wn1[:HID], Wn1[HID:]
        (Wc1, bc1), (Wc2, bc2), (Wc3,) = blk['coord_mlp']
        Wc1r, Wc1c, Wc1e = _split_w1(Wc1)
        proj_ws = [Wc1r, Wc1c]
        if bi + 1 < len(blocks):
            gcl_n = blocks[bi + 1]['gcls'][0]
            W1n = gcl_n['edge_mlp'][0][0]
            W1rn, W1cn, _ = _split_w1(W1n)
            proj_ws += [W1rn, W1cn]
        outs = _node_update(h, s2n, mask, Wn1h, Wn1a, bn1, Wn2, bn2, proj_ws)
        h, Ac, Bc = outs[0], outs[1], outs[2]
        if bi + 1 < len(blocks):
            A, B = outs[3], outs[4]

        pre_c = _combine(Ac, Bc, row, col)
        Wc1e_pad = _pad_feat_w(Wc1e)
        W3sel = _blockdiag(Wc3 @ ones_row)
        trans_p = _coord_mlp(pre_c.reshape(E2, 128), F, G,
                             _blockdiag(Wc1e_pad), jnp.concatenate([bc1, bc1]),
                             _blockdiag(Wc2), jnp.concatenate([bc2, bc2]),
                             W3sel, RSEL)
        c2n = _segsum(trans_p.reshape(E, HID), row, HID, zeros64)
        cagg = c2n[:N, 1:4] + c2n[N:, 1:4]
        pos = pos + (cagg * (1.0 / NORM_FACTOR)) * mask
        h = h * mask

    Wo, bo = params['emb_out']
    return (_emb_out(h, Wo, bo, mask), pos)

# --- scband reference (transcript-rebuilt; emitter-appended) ---
"""Pipeline reference for scband-egnn-61864708931790 (READ-ONLY COPY).

The authoritative reference and input builder live on the scoring server;
editing this copy changes nothing except your own understanding.
"""

import jax, jax.numpy as jnp
import numpy as np

N = 10000
E = 320000
IN_F = 128
OUT_F = 128
EDGE_F = 16
HID = 64
NUM_LAYERS = 2
INV_LAYERS = 1
NORM_FACTOR = 100.0
NORM_CONST = 1.0
COORDS_RANGE = 15.0


def _linear(key, din, dout, bias=True):
    k1, k2 = jax.random.split(key)
    W = jax.random.normal(k1, (din, dout), dtype=jnp.float32) * (1.0 / np.sqrt(din))
    if bias:
        return (W, jnp.zeros((dout,), dtype=jnp.float32))
    return (W,)


def _make_params(key):
    keys = jax.random.split(key, 64)
    idx = [0]
    def nk():
        k = keys[idx[0]]
        idx[0] += 1
        return k
    edge_in = 2 * HID + EDGE_F + 1
    params = {}
    params['emb_in'] = _linear(nk(), IN_F, HID)
    params['emb_out'] = _linear(nk(), HID, OUT_F)
    blocks = []
    for _ in range(NUM_LAYERS):
        gcls = []
        for _ in range(INV_LAYERS):
            gcls.append({
                'edge_mlp': [_linear(nk(), edge_in, HID), _linear(nk(), HID, HID)],
                'node_mlp': [_linear(nk(), 2 * HID, HID), _linear(nk(), HID, HID)],
            })
        coord_mlp = [_linear(nk(), edge_in, HID), _linear(nk(), HID, HID), _linear(nk(), HID, 1, bias=False)]
        blocks.append({'gcls': gcls, 'coord_mlp': coord_mlp})
    params['blocks'] = blocks
    return params


def setup_inputs(seed: int = 0):
    key = jax.random.key(seed)
    k1, k2, k3, k4, k5 = jax.random.split(key, 5)
    x = jax.random.normal(k1, (N, IN_F), dtype=jnp.float32)
    pos = jax.random.normal(k2, (N, 3), dtype=jnp.float32)
    edge_index = jax.random.randint(k3, (2, E), 0, N)
    mask = jnp.ones((N, 1), dtype=jnp.float32)
    edge_attr = jax.random.normal(k4, (E, EDGE_F), dtype=jnp.float32)
    params = _make_params(k5)
    return {'x': x, 'pos': pos, 'mask': mask, 'edge_attr': edge_attr, 'params': params, 'edge_index': edge_index}


def _silu(v):
    return v * jax.nn.sigmoid(v)


def _egnn_forward(x, pos, mask, edge_attr, params, edge_index):
    row = edge_index[0]
    col = edge_index[1]
    # get_squared_distance(pos, edge_index) -> [E, 1]
    diff0 = pos[row] - pos[col]
    dist = jnp.sum(diff0 * diff0, axis=-1, keepdims=True)
    ea = jnp.concatenate([dist, edge_attr], axis=-1)  # [E, edge_features + 1]
    W, b = params['emb_in']
    h = x @ W + b
    for blk in params['blocks']:
        # normalized coord differences from current positions
        diff = pos[row] - pos[col]
        radial = jnp.sum(diff * diff, axis=-1, keepdims=True)
        norm = jnp.sqrt(radial + 1e-8)
        cdiff = diff / (norm + NORM_CONST)
        # invariant GCL layers
        for gcl in blk['gcls']:
            inp = jnp.concatenate([h[row], h[col], ea], axis=-1)
            (W1, b1), (W2, b2) = gcl['edge_mlp']
            m = _silu(_silu(inp @ W1 + b1) @ W2 + b2)
            agg = jax.ops.segment_sum(m, row, num_segments=N) / NORM_FACTOR
            (Wn1, bn1), (Wn2, bn2) = gcl['node_mlp']
            upd = _silu(jnp.concatenate([h, agg], axis=-1) @ Wn1 + bn1) @ Wn2 + bn2
            h = (h + upd) * mask
        # equivariant coordinate update
        inp = jnp.concatenate([h[row], h[col], ea], axis=-1)
        (Wc1, bc1), (Wc2, bc2), (Wc3,) = blk['coord_mlp']
        phi = _silu(_silu(inp @ Wc1 + bc1) @ Wc2 + bc2) @ Wc3
        phi = jnp.tanh(phi) * COORDS_RANGE
        trans = cdiff * phi
        cagg = jax.ops.segment_sum(trans, row, num_segments=N) / NORM_FACTOR
        pos = pos + cagg * mask
        h = h * mask
    Wo, bo = params['emb_out']
    h = (h @ Wo + bo) * mask
    return (h, pos)


def reference(x, pos, mask, edge_attr, params, edge_index):
    return _egnn_forward(x, pos, mask, edge_attr, params, edge_index)

if __name__ == "__main__":
    import jax
    _d = setup_inputs()
    print(jax.jit(kernel)(*tuple(_d.values())))

</pallas_src>

<mosaic_0001>
#map = affine_map<(d0, d1) -> (0, 0)>
#map1 = affine_map<(d0, d1) -> (0)>
module attributes {stable_mosaic.version = 14 : i64} {
  func.func @k(%arg0: i32, %arg1: i32, %arg2: memref<320000x64xf32, #tpu.memory_space<hbm>>, %arg3: memref<320000xi32, #tpu.memory_space<hbm>>, %arg4: memref<10000x64xf32, #tpu.memory_space<hbm>>, %arg5: memref<20000x64xf32, #tpu.memory_space<hbm>>, %arg6: memref<400xi32, #tpu.memory_space<vmem>>, %arg7: memref<400xi32, #tpu.memory_space<vmem>>, %arg8: memref<400x64xf32, #tpu.memory_space<vmem>>, %arg9: memref<400x64xf32, #tpu.memory_space<vmem>>, %arg10: memref<10000x64xf32, #tpu.memory_space<vmem_shared>>, %arg11: memref<!tpu.dma_semaphore, #tpu.memory_space<semaphore_mem>>, %arg12: memref<!tpu.dma_semaphore, #tpu.memory_space<semaphore_mem>>, %arg13: memref<!tpu.dma_semaphore, #tpu.memory_space<semaphore_mem>>, %arg14: memref<!tpu.dma_semaphore, #tpu.memory_space<semaphore_mem>>) attributes {dimension_semantics = [#tpu.dimension_semantics<core_parallel>, #tpu.dimension_semantics<subcore_parallel>], iteration_bounds = array<i64: 2, 16>, scalar_prefetch = 0 : i64, scratch_operands = 9 : i64, tpu.core_type = #tpu.core_type<sc_vector_subcore>, window_params = [{transform_indices = #map}, {transform_indices = #map1}, {transform_indices = #map}, {transform_indices = #map}]} {
    %mul3A = arith.constant 2 : i32
    %mul3A_0 = arith.muli %arg1, %mul3A : i32
    %add3A = arith.addi %mul3A_0, %arg0 : i32
    %mul3A_1 = arith.constant 625 : i32
    %mul3A_2 = arith.muli %arg1, %mul3A_1 : i32
    %mul3A_3 = arith.constant 625 : i32
    %mul3A_4 = arith.muli %arg1, %mul3A_3 : i32
    "tpu.region"() ({
      %run_scoped3A = tpu.sem_alloc : memref<!tpu.dma_semaphore, #tpu.memory_space<semaphore_mem>>
      %dma_start3A = arith.constant 0 : i32
      %dma_start3A_22 = tpu.memref_slice %arg10[%mul3A_4, %dma_start3A] : memref<10000x64xf32, #tpu.memory_space<vmem_shared>> -> memref<625x64xf32, #tpu.memory_space<vmem_shared>>
      %dma_start3A_23 = arith.constant 0 : i32
      %dma_start3A_24 = tpu.memref_slice %arg4[%mul3A_2, %dma_start3A_23] : memref<10000x64xf32, #tpu.memory_space<hbm>> -> memref<625x64xf32, #tpu.memory_space<hbm>>
      tpu.enqueue_dma source(%dma_start3A_24 : memref<625x64xf32, #tpu.memory_space<hbm>>) target(%dma_start3A_22 : memref<625x64xf32, #tpu.memory_space<vmem_shared>>) target_semaphore(%run_scoped3A : memref<!tpu.dma_semaphore, #tpu.memory_space<semaphore_mem>>)
      %dma_wait3A = arith.constant 0 : i32
      %dma_wait3A_25 = tpu.memref_slice %arg10[%mul3A_4, %dma_wait3A] : memref<10000x64xf32, #tpu.memory_space<vmem_shared>> -> memref<625x64xf32, #tpu.memory_space<vmem_shared>>
      %dma_wait3A_26 = arith.constant 0 : i32
      %dma_wait3A_27 = tpu.memref_slice %arg4[%mul3A_2, %dma_wait3A_26] : memref<10000x64xf32, #tpu.memory_space<hbm>> -> memref<625x64xf32, #tpu.memory_space<hbm>>
      tpu.wait_dma2 semaphore(%run_scoped3A : memref<!tpu.dma_semaphore, #tpu.memory_space<semaphore_mem>>) src(%dma_wait3A_27 : memref<625x64xf32, #tpu.memory_space<hbm>>) dst(%dma_wait3A_25 : memref<625x64xf32, #tpu.memory_space<vmem_shared>>)
      tpu.yield
    }) : () -> ()
    %barrier3A = arith.constant 0 : index
    tpu.barrier barrier_id(%barrier3A)
    %mul3A_5 = arith.constant 10000 : i32
    %mul3A_6 = arith.muli %add3A, %mul3A_5 : i32
    %scan3A = arith.constant 0 : i32
    %scan3A_7 = arith.constant 0 : i32
    %scan3A_8 = arith.constant 12 : i32
    %scan3A_9 = arith.addi %scan3A_7, %scan3A_8 : i32
    %scan3A_10 = arith.constant 1 : i32
    scf.for %scan3A_22 = %scan3A_7 to %scan3A_9 step %scan3A_10  : i32 {
      %mul3A_23 = arith.constant 2 : i32
      %mul3A_24 = arith.muli %scan3A_22, %mul3A_23 : i32
      %mul3A_25 = arith.constant 400 : i32
      %mul3A_26 = arith.muli %mul3A_24, %mul3A_25 : i32
      %add3A_27 = arith.addi %mul3A_6, %mul3A_26 : i32
      %add3A_28 = arith.constant 400 : i32
      %add3A_29 = arith.addi %add3A_27, %add3A_28 : i32
      "tpu.region"() ({
        %run_scoped3A = tpu.sem_alloc : memref<!tpu.dma_semaphore, #tpu.memory_space<semaphore_mem>>
        %dma_start3A_56 = tpu.memref_slice %arg3[%add3A_27] : memref<320000xi32, #tpu.memory_space<hbm>> -> memref<400xi32, #tpu.memory_space<hbm>>
        %dma_start3A_57 = tpu.memref_slice %arg3[%add3A_27] : memref<320000xi32, #tpu.memory_space<hbm>> -> memref<400xi32, #tpu.memory_space<hbm>>
        tpu.enqueue_dma source(%dma_start3A_57 : memref<400xi32, #tpu.memory_space<hbm>>) target(%arg6 : memref<400xi32, #tpu.memory_space<vmem>>) target_semaphore(%run_scoped3A : memref<!tpu.dma_semaphore, #tpu.memory_space<semaphore_mem>>)
        %dma_wait3A_58 = tpu.memref_slice %arg3[%add3A_27] : memref<320000xi32, #tpu.memory_space<hbm>> -> memref<400xi32, #tpu.memory_space<hbm>>
        %dma_wait3A_59 = tpu.memref_slice %arg3[%add3A_27] : memref<320000xi32, #tpu.memory_space<hbm>> -> memref<400xi32, #tpu.memory_space<hbm>>
        tpu.wait_dma2 semaphore(%run_scoped3A : memref<!tpu.dma_semaphore, #tpu.memory_space<semaphore_mem>>) src(%dma_wait3A_59 : memref<400xi32, #tpu.memory_space<hbm>>) dst(%arg6 : memref<400xi32, #tpu.memory_space<vmem>>)
        tpu.yield
      }) : () -> ()
      "tpu.region"() ({
        %run_scoped3A = tpu.sem_alloc : memref<!tpu.dma_semaphore, #tpu.memory_space<semaphore_mem>>
        %dma_start3A_56 = tpu.memref_slice %arg3[%add3A_29] : memref<320000xi32, #tpu.memory_space<hbm>> -> memref<400xi32, #tpu.memory_space<hbm>>
        %dma_start3A_57 = tpu.memref_slice %arg3[%add3A_29] : memref<320000xi32, #tpu.memory_space<hbm>> -> memref<400xi32, #tpu.memory_space<hbm>>
        tpu.enqueue_dma source(%dma_start3A_57 : memref<400xi32, #tpu.memory_space<hbm>>) target(%arg7 : memref<400xi32, #tpu.memory_space<vmem>>) target_semaphore(%run_scoped3A : memref<!tpu.dma_semaphore, #tpu.memory_space<semaphore_mem>>)
        %dma_wait3A_58 = tpu.memref_slice %arg3[%add3A_29] : memref<320000xi32, #tpu.memory_space<hbm>> -> memref<400xi32, #tpu.memory_space<hbm>>
        %dma_wait3A_59 = tpu.memref_slice %arg3[%add3A_29] : memref<320000xi32, #tpu.memory_space<hbm>> -> memref<400xi32, #tpu.memory_space<hbm>>
        tpu.wait_dma2 semaphore(%run_scoped3A : memref<!tpu.dma_semaphore, #tpu.memory_space<semaphore_mem>>) src(%dma_wait3A_59 : memref<400xi32, #tpu.memory_space<hbm>>) dst(%arg7 : memref<400xi32, #tpu.memory_space<vmem>>)
        tpu.yield
      }) : () -> ()
      %dma_start3A = arith.constant 0 : i32
      %dma_start3A_30 = tpu.memref_slice %arg2[%add3A_27, %dma_start3A] : memref<320000x64xf32, #tpu.memory_space<hbm>> -> memref<400x64xf32, #tpu.memory_space<hbm>>
      %dma_start3A_31 = arith.constant 0 : i32
      %dma_start3A_32 = tpu.memref_slice %arg2[%add3A_27, %dma_start3A_31] : memref<320000x64xf32, #tpu.memory_space<hbm>> -> memref<400x64xf32, #tpu.memory_space<hbm>>
      tpu.enqueue_dma source(%dma_start3A_32 : memref<400x64xf32, #tpu.memory_space<hbm>>) target(%arg8 : memref<400x64xf32, #tpu.memory_space<vmem>>) target_semaphore(%arg11 : memref<!tpu.dma_semaphore, #tpu.memory_space<semaphore_mem>>)
      %dma_start3A_33 = arith.constant 0 : i32
      %dma_start3A_34 = tpu.memref_slice %arg2[%add3A_29, %dma_start3A_33] : memref<320000x64xf32, #tpu.memory_space<hbm>> -> memref<400x64xf32, #tpu.memory_space<hbm>>
      %dma_start3A_35 = arith.constant 0 : i32
      %dma_start3A_36 = tpu.memref_slice %arg2[%add3A_29, %dma_start3A_35] : memref<320000x64xf32, #tpu.memory_space<hbm>> -> memref<400x64xf32, #tpu.memory_space<hbm>>
      tpu.enqueue_dma source(%dma_start3A_36 : memref<400x64xf32, #tpu.memory_space<hbm>>) target(%arg9 : memref<400x64xf32, #tpu.memory_space<vmem>>) target_semaphore(%arg12 : memref<!tpu.dma_semaphore, #tpu.memory_space<semaphore_mem>>)
      %dma_wait3A = arith.constant 0 : i32
      %dma_wait3A_37 = tpu.memref_slice %arg2[%add3A_27, %dma_wait3A] : memref<320000x64xf32, #tpu.memory_space<hbm>> -> memref<400x64xf32, #tpu.memory_space<hbm>>
      %dma_wait3A_38 = arith.constant 0 : i32
      %dma_wait3A_39 = tpu.memref_slice %arg2[%add3A_27, %dma_wait3A_38] : memref<320000x64xf32, #tpu.memory_space<hbm>> -> memref<400x64xf32, #tpu.memory_space<hbm>>
      tpu.wait_dma2 semaphore(%arg11 : memref<!tpu.dma_semaphore, #tpu.memory_space<semaphore_mem>>) src(%dma_wait3A_39 : memref<400x64xf32, #tpu.memory_space<hbm>>) dst(%arg8 : memref<400x64xf32, #tpu.memory_space<vmem>>)
      %dma_start3A_40 = arith.constant 0 : i32
      %dma_start3A_41 = arith.constant 0 : i32
      %dma_start3A_42 = tpu.memref_slice %arg10[%dma_start3A_40, %dma_start3A_41] : memref<10000x64xf32, #tpu.memory_space<vmem_shared>> -> memref<10000x64xf32, #tpu.memory_space<vmem_shared>>
      tpu.enqueue_indirect_dma source(%arg8 : memref<400x64xf32, #tpu.memory_space<vmem>>) target(%dma_start3A_42 : memref<10000x64xf32, #tpu.memory_space<vmem_shared>>) offsets(%arg6 : memref<400xi32, #tpu.memory_space<vmem>>) semaphore(%arg13 : memref<!tpu.dma_semaphore, #tpu.memory_space<semaphore_mem>>) {add = true}
      %dma_wait3A_43 = arith.constant 0 : i32
      %dma_wait3A_44 = tpu.memref_slice %arg2[%add3A_29, %dma_wait3A_43] : memref<320000x64xf32, #tpu.memory_space<hbm>> -> memref<400x64xf32, #tpu.memory_space<hbm>>
      %dma_wait3A_45 = arith.constant 0 : i32
      %dma_wait3A_46 = tpu.memref_slice %arg2[%add3A_29, %dma_wait3A_45] : memref<320000x64xf32, #tpu.memory_space<hbm>> -> memref<400x64xf32, #tpu.memory_space<hbm>>
      tpu.wait_dma2 semaphore(%arg12 : memref<!tpu.dma_semaphore, #tpu.memory_space<semaphore_mem>>) src(%dma_wait3A_46 : memref<400x64xf32, #tpu.memory_space<hbm>>) dst(%arg9 : memref<400x64xf32, #tpu.memory_space<vmem>>)
      %dma_start3A_47 = arith.constant 0 : i32
      %dma_start3A_48 = arith.constant 0 : i32
      %dma_start3A_49 = tpu.memref_slice %arg10[%dma_start3A_47, %dma_start3A_48] : memref<10000x64xf32, #tpu.memory_space<vmem_shared>> -> memref<10000x64xf32, #tpu.memory_space<vmem_shared>>
      tpu.enqueue_indirect_dma source(%arg9 : memref<400x64xf32, #tpu.memory_space<vmem>>) target(%dma_start3A_49 : memref<10000x64xf32, #tpu.memory_space<vmem_shared>>) offsets(%arg7 : memref<400xi32, #tpu.memory_space<vmem>>) semaphore(%arg14 : memref<!tpu.dma_semaphore, #tpu.memory_space<semaphore_mem>>) {add = true}
      %dma_wait3A_50 = arith.constant 0 : i32
      %dma_wait3A_51 = arith.constant 0 : i32
      %dma_wait3A_52 = tpu.memref_slice %arg10[%dma_wait3A_50, %dma_wait3A_51] : memref<10000x64xf32, #tpu.memory_space<vmem_shared>> -> memref<10000x64xf32, #tpu.memory_space<vmem_shared>>
      tpu.wait_indirect_dma semaphore(%arg13 : memref<!tpu.dma_semaphore, #tpu.memory_space<semaphore_mem>>) src(%arg8 : memref<400x64xf32, #tpu.memory_space<vmem>>) dst(%dma_wait3A_52 : memref<10000x64xf32, #tpu.memory_space<vmem_shared>>)
      %dma_wait3A_53 = arith.constant 0 : i32
      %dma_wait3A_54 = arith.constant 0 : i32
      %dma_wait3A_55 = tpu.memref_slice %arg10[%dma_wait3A_53, %dma_wait3A_54] : memref<10000x64xf32, #tpu.memory_space<vmem_shared>> -> memref<10000x64xf32, #tpu.memory_space<vmem_shared>>
      tpu.wait_indirect_dma semaphore(%arg14 : memref<!tpu.dma_semaphore, #tpu.memory_space<semaphore_mem>>) src(%arg9 : memref<400x64xf32, #tpu.memory_space<vmem>>) dst(%dma_wait3A_55 : memref<10000x64xf32, #tpu.memory_space<vmem_shared>>)
    }
    %scan3A_11 = arith.constant 12 : i32
    %add3A_12 = arith.constant 9600 : i32
    %add3A_13 = arith.addi %mul3A_6, %add3A_12 : i32
    "tpu.region"() ({
      %run_scoped3A = tpu.sem_alloc : memref<!tpu.dma_semaphore, #tpu.memory_space<semaphore_mem>>
      %dma_start3A = tpu.memref_slice %arg3[%add3A_13] : memref<320000xi32, #tpu.memory_space<hbm>> -> memref<400xi32, #tpu.memory_space<hbm>>
      %dma_start3A_22 = tpu.memref_slice %arg3[%add3A_13] : memref<320000xi32, #tpu.memory_space<hbm>> -> memref<400xi32, #tpu.memory_space<hbm>>
      tpu.enqueue_dma source(%dma_start3A_22 : memref<400xi32, #tpu.memory_space<hbm>>) target(%arg6 : memref<400xi32, #tpu.memory_space<vmem>>) target_semaphore(%run_scoped3A : memref<!tpu.dma_semaphore, #tpu.memory_space<semaphore_mem>>)
      %dma_wait3A = tpu.memref_slice %arg3[%add3A_13] : memref<320000xi32, #tpu.memory_space<hbm>> -> memref<400xi32, #tpu.memory_space<hbm>>
      %dma_wait3A_23 = tpu.memref_slice %arg3[%add3A_13] : memref<320000xi32, #tpu.memory_space<hbm>> -> memref<400xi32, #tpu.memory_space<hbm>>
      tpu.wait_dma2 semaphore(%run_scoped3A : memref<!tpu.dma_semaphore, #tpu.memory_space<semaphore_mem>>) src(%dma_wait3A_23 : memref<400xi32, #tpu.memory_space<hbm>>) dst(%arg6 : memref<400xi32, #tpu.memory_space<vmem>>)
      tpu.yield
    }) : () -> ()
    "tpu.region"() ({
      %run_scoped3A = tpu.sem_alloc : memref<!tpu.dma_semaphore, #tpu.memory_space<semaphore_mem>>
      %dma_start3A = arith.constant 0 : i32
      %dma_start3A_22 = tpu.memref_slice %arg2[%add3A_13, %dma_start3A] : memref<320000x64xf32, #tpu.memory_space<hbm>> -> memref<400x64xf32, #tpu.memory_space<hbm>>
      %dma_start3A_23 = arith.constant 0 : i32
      %dma_start3A_24 = tpu.memref_slice %arg2[%add3A_13, %dma_start3A_23] : memref<320000x64xf32, #tpu.memory_space<hbm>> -> memref<400x64xf32, #tpu.memory_space<hbm>>
      tpu.enqueue_dma source(%dma_start3A_24 : memref<400x64xf32, #tpu.memory_space<hbm>>) target(%arg8 : memref<400x64xf32, #tpu.memory_space<vmem>>) target_semaphore(%run_scoped3A : memref<!tpu.dma_semaphore, #tpu.memory_space<semaphore_mem>>)
      %dma_wait3A = arith.constant 0 : i32
      %dma_wait3A_25 = tpu.memref_slice %arg2[%add3A_13, %dma_wait3A] : memref<320000x64xf32, #tpu.memory_space<hbm>> -> memref<400x64xf32, #tpu.memory_space<hbm>>
      %dma_wait3A_26 = arith.constant 0 : i32
      %dma_wait3A_27 = tpu.memref_slice %arg2[%add3A_13, %dma_wait3A_26] : memref<320000x64xf32, #tpu.memory_space<hbm>> -> memref<400x64xf32, #tpu.memory_space<hbm>>
      tpu.wait_dma2 semaphore(%run_scoped3A : memref<!tpu.dma_semaphore, #tpu.memory_space<semaphore_mem>>) src(%dma_wait3A_27 : memref<400x64xf32, #tpu.memory_space<hbm>>) dst(%arg8 : memref<400x64xf32, #tpu.memory_space<vmem>>)
      tpu.yield
    }) : () -> ()
    "tpu.region"() ({
      %run_scoped3A = tpu.sem_alloc : memref<!tpu.dma_semaphore, #tpu.memory_space<semaphore_mem>>
      %dma_start3A = arith.constant 0 : i32
      %dma_start3A_22 = arith.constant 0 : i32
      %dma_start3A_23 = tpu.memref_slice %arg10[%dma_start3A, %dma_start3A_22] : memref<10000x64xf32, #tpu.memory_space<vmem_shared>> -> memref<10000x64xf32, #tpu.memory_space<vmem_shared>>
      tpu.enqueue_indirect_dma source(%arg8 : memref<400x64xf32, #tpu.memory_space<vmem>>) target(%dma_start3A_23 : memref<10000x64xf32, #tpu.memory_space<vmem_shared>>) offsets(%arg6 : memref<400xi32, #tpu.memory_space<vmem>>) semaphore(%run_scoped3A : memref<!tpu.dma_semaphore, #tpu.memory_space<semaphore_mem>>) {add = true}
      %dma_wait3A = arith.constant 0 : i32
      %dma_wait3A_24 = arith.constant 0 : i32
      %dma_wait3A_25 = tpu.memref_slice %arg10[%dma_wait3A, %dma_wait3A_24] : memref<10000x64xf32, #tpu.memory_space<vmem_shared>> -> memref<10000x64xf32, #tpu.memory_space<vmem_shared>>
      tpu.wait_indirect_dma semaphore(%run_scoped3A : memref<!tpu.dma_semaphore, #tpu.memory_space<semaphore_mem>>) src(%arg8 : memref<400x64xf32, #tpu.memory_space<vmem>>) dst(%dma_wait3A_25 : memref<10000x64xf32, #tpu.memory_space<vmem_shared>>)
      tpu.yield
    }) : () -> ()
    %barrier3A_14 = arith.constant 0 : index
    tpu.barrier barrier_id(%barrier3A_14)
    %mul3A_15 = arith.constant 625 : i32
    %mul3A_16 = arith.muli %arg1, %mul3A_15 : i32
    %mul3A_17 = arith.constant 10000 : i32
    %mul3A_18 = arith.muli %arg0, %mul3A_17 : i32
    %mul3A_19 = arith.constant 625 : i32
    %mul3A_20 = arith.muli %arg1, %mul3A_19 : i32
    %add3A_21 = arith.addi %mul3A_18, %mul3A_20 : i32
    "tpu.region"() ({
      %run_scoped3A = tpu.sem_alloc : memref<!tpu.dma_semaphore, #tpu.memory_space<semaphore_mem>>
      %dma_start3A = arith.constant 0 : i32
      %dma_start3A_22 = tpu.memref_slice %arg5[%add3A_21, %dma_start3A] : memref<20000x64xf32, #tpu.memory_space<hbm>> -> memref<625x64xf32, #tpu.memory_space<hbm>>
      %dma_start3A_23 = arith.constant 0 : i32
      %dma_start3A_24 = tpu.memref_slice %arg10[%mul3A_16, %dma_start3A_23] : memref<10000x64xf32, #tpu.memory_space<vmem_shared>> -> memref<625x64xf32, #tpu.memory_space<vmem_shared>>
      tpu.enqueue_dma source(%dma_start3A_24 : memref<625x64xf32, #tpu.memory_space<vmem_shared>>) target(%dma_start3A_22 : memref<625x64xf32, #tpu.memory_space<hbm>>) target_semaphore(%run_scoped3A : memref<!tpu.dma_semaphore, #tpu.memory_space<semaphore_mem>>)
      %dma_wait3A = arith.constant 0 : i32
      %dma_wait3A_25 = tpu.memref_slice %arg5[%add3A_21, %dma_wait3A] : memref<20000x64xf32, #tpu.memory_space<hbm>> -> memref<625x64xf32, #tpu.memory_space<hbm>>
      %dma_wait3A_26 = arith.constant 0 : i32
      %dma_wait3A_27 = tpu.memref_slice %arg10[%mul3A_16, %dma_wait3A_26] : memref<10000x64xf32, #tpu.memory_space<vmem_shared>> -> memref<625x64xf32, #tpu.memory_space<vmem_shared>>
      tpu.wait_dma2 semaphore(%run_scoped3A : memref<!tpu.dma_semaphore, #tpu.memory_space<semaphore_mem>>) src(%dma_wait3A_27 : memref<625x64xf32, #tpu.memory_space<vmem_shared>>) dst(%dma_wait3A_25 : memref<625x64xf32, #tpu.memory_space<hbm>>)
      tpu.yield
    }) : () -> ()
    return
  }
}

#map = affine_map<(d0, d1) -> (0, 0)>
#map1 = affine_map<(d0, d1) -> (0)>
module attributes {stable_mosaic.version = 14 : i64} {
  func.func @k(%arg0: i32, %arg1: i32, %arg2: memref<10000x64xf32, #tpu.memory_space<hbm>>, %arg3: memref<10000x64xf32, #tpu.memory_space<hbm>>, %arg4: memref<320000xi32, #tpu.memory_space<hbm>>, %arg5: memref<320000xi32, #tpu.memory_space<hbm>>, %arg6: memref<320000x64xf32, #tpu.memory_space<hbm>>, %arg7: memref<400xi32, #tpu.memory_space<vmem>>, %arg8: memref<400xi32, #tpu.memory_space<vmem>>, %arg9: memref<400xi32, #tpu.memory_space<vmem>>, %arg10: memref<400xi32, #tpu.memory_space<vmem>>, %arg11: memref<400x64xf32, #tpu.memory_space<vmem>>, %arg12: memref<400x64xf32, #tpu.memory_space<vmem>>, %arg13: memref<!tpu.dma_semaphore, #tpu.memory_space<semaphore_mem>>, %arg14: memref<!tpu.dma_semaphore, #tpu.memory_space<semaphore_mem>>, %arg15: memref<!tpu.dma_semaphore, #tpu.memory_space<semaphore_mem>>, %arg16: memref<!tpu.dma_semaphore, #tpu.memory_space<semaphore_mem>>, %arg17: memref<!tpu.dma_semaphore, #tpu.memory_space<semaphore_mem>>, %arg18: memref<!tpu.dma_semaphore, #tpu.memory_space<semaphore_mem>>) attributes {dimension_semantics = [#tpu.dimension_semantics<core_parallel>, #tpu.dimension_semantics<subcore_parallel>], iteration_bounds = array<i64: 2, 16>, scalar_prefetch = 0 : i64, scratch_operands = 12 : i64, tpu.core_type = #tpu.core_type<sc_vector_subcore>, window_params = [{transform_indices = #map}, {transform_indices = #map}, {transform_indices = #map1}, {transform_indices = #map1}, {transform_indices = #map}]} {
    %mul3A = arith.constant 2 : i32
    %mul3A_0 = arith.muli %arg1, %mul3A : i32
    %add3A = arith.addi %mul3A_0, %arg0 : i32
    %mul3A_1 = arith.constant 10000 : i32
    %mul3A_2 = arith.muli %add3A, %mul3A_1 : i32
    %scan3A = arith.constant 0 : i32
    %scan3A_3 = arith.constant 0 : i32
    %scan3A_4 = arith.constant 12 : i32
    %scan3A_5 = arith.addi %scan3A_3, %scan3A_4 : i32
    %scan3A_6 = arith.constant 1 : i32
    scf.for %scan3A_28 = %scan3A_3 to %scan3A_5 step %scan3A_6  : i32 {
      %mul3A_29 = arith.constant 2 : i32
      %mul3A_30 = arith.muli %scan3A_28, %mul3A_29 : i32
      %mul3A_31 = arith.constant 400 : i32
      %mul3A_32 = arith.muli %mul3A_30, %mul3A_31 : i32
      %add3A_33 = arith.addi %mul3A_2, %mul3A_32 : i32
      %add3A_34 = arith.constant 400 : i32
      %add3A_35 = arith.addi %add3A_33, %add3A_34 : i32
      "tpu.region"() ({
        %run_scoped3A = tpu.sem_alloc : memref<!tpu.dma_semaphore, #tpu.memory_space<semaphore_mem>>
        %dma_start3A_76 = tpu.memref_slice %arg4[%add3A_33] : memref<320000xi32, #tpu.memory_space<hbm>> -> memref<400xi32, #tpu.memory_space<hbm>>
        %dma_start3A_77 = tpu.memref_slice %arg4[%add3A_33] : memref<320000xi32, #tpu.memory_space<hbm>> -> memref<400xi32, #tpu.memory_space<hbm>>
        tpu.enqueue_dma source(%dma_start3A_77 : memref<400xi32, #tpu.memory_space<hbm>>) target(%arg7 : memref<400xi32, #tpu.memory_space<vmem>>) target_semaphore(%run_scoped3A : memref<!tpu.dma_semaphore, #tpu.memory_space<semaphore_mem>>)
        %dma_wait3A_78 = tpu.memref_slice %arg4[%add3A_33] : memref<320000xi32, #tpu.memory_space<hbm>> -> memref<400xi32, #tpu.memory_space<hbm>>
        %dma_wait3A_79 = tpu.memref_slice %arg4[%add3A_33] : memref<320000xi32, #tpu.memory_space<hbm>> -> memref<400xi32, #tpu.memory_space<hbm>>
        tpu.wait_dma2 semaphore(%run_scoped3A : memref<!tpu.dma_semaphore, #tpu.memory_space<semaphore_mem>>) src(%dma_wait3A_79 : memref<400xi32, #tpu.memory_space<hbm>>) dst(%arg7 : memref<400xi32, #tpu.memory_space<vmem>>)
        tpu.yield
      }) : () -> ()
      "tpu.region"() ({
        %run_scoped3A = tpu.sem_alloc : memref<!tpu.dma_semaphore, #tpu.memory_space<semaphore_mem>>
        %dma_start3A_76 = tpu.memref_slice %arg5[%add3A_33] : memref<320000xi32, #tpu.memory_space<hbm>> -> memref<400xi32, #tpu.memory_space<hbm>>
        %dma_start3A_77 = tpu.memref_slice %arg5[%add3A_33] : memref<320000xi32, #tpu.memory_space<hbm>> -> memref<400xi32, #tpu.memory_space<hbm>>
        tpu.enqueue_dma source(%dma_start3A_77 : memref<400xi32, #tpu.memory_space<hbm>>) target(%arg8 : memref<400xi32, #tpu.memory_space<vmem>>) target_semaphore(%run_scoped3A : memref<!tpu.dma_semaphore, #tpu.memory_space<semaphore_mem>>)
        %dma_wait3A_78 = tpu.memref_slice %arg5[%add3A_33] : memref<320000xi32, #tpu.memory_space<hbm>> -> memref<400xi32, #tpu.memory_space<hbm>>
        %dma_wait3A_79 = tpu.memref_slice %arg5[%add3A_33] : memref<320000xi32, #tpu.memory_space<hbm>> -> memref<400xi32, #tpu.memory_space<hbm>>
        tpu.wait_dma2 semaphore(%run_scoped3A : memref<!tpu.dma_semaphore, #tpu.memory_space<semaphore_mem>>) src(%dma_wait3A_79 : memref<400xi32, #tpu.memory_space<hbm>>) dst(%arg8 : memref<400xi32, #tpu.memory_space<vmem>>)
        tpu.yield
      }) : () -> ()
      "tpu.region"() ({
        %run_scoped3A = tpu.sem_alloc : memref<!tpu.dma_semaphore, #tpu.memory_space<semaphore_mem>>
        %dma_start3A_76 = tpu.memref_slice %arg4[%add3A_35] : memref<320000xi32, #tpu.memory_space<hbm>> -> memref<400xi32, #tpu.memory_space<hbm>>
        %dma_start3A_77 = tpu.memref_slice %arg4[%add3A_35] : memref<320000xi32, #tpu.memory_space<hbm>> -> memref<400xi32, #tpu.memory_space<hbm>>
        tpu.enqueue_dma source(%dma_start3A_77 : memref<400xi32, #tpu.memory_space<hbm>>) target(%arg9 : memref<400xi32, #tpu.memory_space<vmem>>) target_semaphore(%run_scoped3A : memref<!tpu.dma_semaphore, #tpu.memory_space<semaphore_mem>>)
        %dma_wait3A_78 = tpu.memref_slice %arg4[%add3A_35] : memref<320000xi32, #tpu.memory_space<hbm>> -> memref<400xi32, #tpu.memory_space<hbm>>
        %dma_wait3A_79 = tpu.memref_slice %arg4[%add3A_35] : memref<320000xi32, #tpu.memory_space<hbm>> -> memref<400xi32, #tpu.memory_space<hbm>>
        tpu.wait_dma2 semaphore(%run_scoped3A : memref<!tpu.dma_semaphore, #tpu.memory_space<semaphore_mem>>) src(%dma_wait3A_79 : memref<400xi32, #tpu.memory_space<hbm>>) dst(%arg9 : memref<400xi32, #tpu.memory_space<vmem>>)
        tpu.yield
      }) : () -> ()
      "tpu.region"() ({
        %run_scoped3A = tpu.sem_alloc : memref<!tpu.dma_semaphore, #tpu.memory_space<semaphore_mem>>
        %dma_start3A_76 = tpu.memref_slice %arg5[%add3A_35] : memref<320000xi32, #tpu.memory_space<hbm>> -> memref<400xi32, #tpu.memory_space<hbm>>
        %dma_start3A_77 = tpu.memref_slice %arg5[%add3A_35] : memref<320000xi32, #tpu.memory_space<hbm>> -> memref<400xi32, #tpu.memory_space<hbm>>
        tpu.enqueue_dma source(%dma_start3A_77 : memref<400xi32, #tpu.memory_space<hbm>>) target(%arg10 : memref<400xi32, #tpu.memory_space<vmem>>) target_semaphore(%run_scoped3A : memref<!tpu.dma_semaphore, #tpu.memory_space<semaphore_mem>>)
        %dma_wait3A_78 = tpu.memref_slice %arg5[%add3A_35] : memref<320000xi32, #tpu.memory_space<hbm>> -> memref<400xi32, #tpu.memory_space<hbm>>
        %dma_wait3A_79 = tpu.memref_slice %arg5[%add3A_35] : memref<320000xi32, #tpu.memory_space<hbm>> -> memref<400xi32, #tpu.memory_space<hbm>>
        tpu.wait_dma2 semaphore(%run_scoped3A : memref<!tpu.dma_semaphore, #tpu.memory_space<semaphore_mem>>) src(%dma_wait3A_79 : memref<400xi32, #tpu.memory_space<hbm>>) dst(%arg10 : memref<400xi32, #tpu.memory_space<vmem>>)
        tpu.yield
      }) : () -> ()
      %dma_start3A_36 = arith.constant 0 : i32
      %dma_start3A_37 = arith.constant 0 : i32
      %dma_start3A_38 = tpu.memref_slice %arg2[%dma_start3A_36, %dma_start3A_37] : memref<10000x64xf32, #tpu.memory_space<hbm>> -> memref<10000x64xf32, #tpu.memory_space<hbm>>
      tpu.enqueue_indirect_dma source(%dma_start3A_38 : memref<10000x64xf32, #tpu.memory_space<hbm>>) target(%arg11 : memref<400x64xf32, #tpu.memory_space<vmem>>) offsets(%arg7 : memref<400xi32, #tpu.memory_space<vmem>>) semaphore(%arg13 : memref<!tpu.dma_semaphore, #tpu.memory_space<semaphore_mem>>)
      %dma_start3A_39 = arith.constant 0 : i32
      %dma_start3A_40 = arith.constant 0 : i32
      %dma_start3A_41 = tpu.memref_slice %arg2[%dma_start3A_39, %dma_start3A_40] : memref<10000x64xf32, #tpu.memory_space<hbm>> -> memref<10000x64xf32, #tpu.memory_space<hbm>>
      tpu.enqueue_indirect_dma source(%dma_start3A_41 : memref<10000x64xf32, #tpu.memory_space<hbm>>) target(%arg12 : memref<400x64xf32, #tpu.memory_space<vmem>>) offsets(%arg9 : memref<400xi32, #tpu.memory_space<vmem>>) semaphore(%arg14 : memref<!tpu.dma_semaphore, #tpu.memory_space<semaphore_mem>>)
      %dma_wait3A_42 = arith.constant 0 : i32
      %dma_wait3A_43 = arith.constant 0 : i32
      %dma_wait3A_44 = tpu.memref_slice %arg2[%dma_wait3A_42, %dma_wait3A_43] : memref<10000x64xf32, #tpu.memory_space<hbm>> -> memref<10000x64xf32, #tpu.memory_space<hbm>>
      tpu.wait_indirect_dma semaphore(%arg13 : memref<!tpu.dma_semaphore, #tpu.memory_space<semaphore_mem>>) src(%dma_wait3A_44 : memref<10000x64xf32, #tpu.memory_space<hbm>>) dst(%arg11 : memref<400x64xf32, #tpu.memory_space<vmem>>)
      %dma_start3A_45 = arith.constant 0 : i32
      %dma_start3A_46 = arith.constant 0 : i32
      %dma_start3A_47 = tpu.memref_slice %arg3[%dma_start3A_45, %dma_start3A_46] : memref<10000x64xf32, #tpu.memory_space<hbm>> -> memref<10000x64xf32, #tpu.memory_space<hbm>>
      tpu.enqueue_indirect_dma source(%dma_start3A_47 : memref<10000x64xf32, #tpu.memory_space<hbm>>) target(%arg11 : memref<400x64xf32, #tpu.memory_space<vmem>>) offsets(%arg8 : memref<400xi32, #tpu.memory_space<vmem>>) semaphore(%arg15 : memref<!tpu.dma_semaphore, #tpu.memory_space<semaphore_mem>>) {add = true}
      %dma_wait3A_48 = arith.constant 0 : i32
      %dma_wait3A_49 = arith.constant 0 : i32
      %dma_wait3A_50 = tpu.memref_slice %arg2[%dma_wait3A_48, %dma_wait3A_49] : memref<10000x64xf32, #tpu.memory_space<hbm>> -> memref<10000x64xf32, #tpu.memory_space<hbm>>
      tpu.wait_indirect_dma semaphore(%arg14 : memref<!tpu.dma_semaphore, #tpu.memory_space<semaphore_mem>>) src(%dma_wait3A_50 : memref<10000x64xf32, #tpu.memory_space<hbm>>) dst(%arg12 : memref<400x64xf32, #tpu.memory_space<vmem>>)
      %dma_start3A_51 = arith.constant 0 : i32
      %dma_start3A_52 = arith.constant 0 : i32
      %dma_start3A_53 = tpu.memref_slice %arg3[%dma_start3A_51, %dma_start3A_52] : memref<10000x64xf32, #tpu.memory_space<hbm>> -> memref<10000x64xf32, #tpu.memory_space<hbm>>
      tpu.enqueue_indirect_dma source(%dma_start3A_53 : memref<10000x64xf32, #tpu.memory_space<hbm>>) target(%arg12 : memref<400x64xf32, #tpu.memory_space<vmem>>) offsets(%arg10 : memref<400xi32, #tpu.memory_space<vmem>>) semaphore(%arg16 : memref<!tpu.dma_semaphore, #tpu.memory_space<semaphore_mem>>) {add = true}
      %dma_wait3A_54 = arith.constant 0 : i32
      %dma_wait3A_55 = arith.constant 0 : i32
      %dma_wait3A_56 = tpu.memref_slice %arg3[%dma_wait3A_54, %dma_wait3A_55] : memref<10000x64xf32, #tpu.memory_space<hbm>> -> memref<10000x64xf32, #tpu.memory_space<hbm>>
      tpu.wait_indirect_dma semaphore(%arg15 : memref<!tpu.dma_semaphore, #tpu.memory_space<semaphore_mem>>) src(%dma_wait3A_56 : memref<10000x64xf32, #tpu.memory_space<hbm>>) dst(%arg11 : memref<400x64xf32, #tpu.memory_space<vmem>>)
      %dma_start3A_57 = arith.constant 0 : i32
      %dma_start3A_58 = tpu.memref_slice %arg6[%add3A_33, %dma_start3A_57] : memref<320000x64xf32, #tpu.memory_space<hbm>> -> memref<400x64xf32, #tpu.memory_space<hbm>>
      %dma_start3A_59 = arith.constant 0 : i32
      %dma_start3A_60 = tpu.memref_slice %arg6[%add3A_33, %dma_start3A_59] : memref<320000x64xf32, #tpu.memory_space<hbm>> -> memref<400x64xf32, #tpu.memory_space<hbm>>
      tpu.enqueue_dma source(%arg11 : memref<400x64xf32, #tpu.memory_space<vmem>>) target(%dma_start3A_60 : memref<400x64xf32, #tpu.memory_space<hbm>>) target_semaphore(%arg17 : memref<!tpu.dma_semaphore, #tpu.memory_space<semaphore_mem>>)
      %dma_wait3A_61 = arith.constant 0 : i32
      %dma_wait3A_62 = arith.constant 0 : i32
      %dma_wait3A_63 = tpu.memref_slice %arg3[%dma_wait3A_61, %dma_wait3A_62] : memref<10000x64xf32, #tpu.memory_space<hbm>> -> memref<10000x64xf32, #tpu.memory_space<hbm>>
      tpu.wait_indirect_dma semaphore(%arg16 : memref<!tpu.dma_semaphore, #tpu.memory_space<semaphore_mem>>) src(%dma_wait3A_63 : memref<10000x64xf32, #tpu.memory_space<hbm>>) dst(%arg12 : memref<400x64xf32, #tpu.memory_space<vmem>>)
      %dma_start3A_64 = arith.constant 0 : i32
      %dma_start3A_65 = tpu.memref_slice %arg6[%add3A_35, %dma_start3A_64] : memref<320000x64xf32, #tpu.memory_space<hbm>> -> memref<400x64xf32, #tpu.memory_space<hbm>>
      %dma_start3A_66 = arith.constant 0 : i32
      %dma_start3A_67 = tpu.memref_slice %arg6[%add3A_35, %dma_start3A_66] : memref<320000x64xf32, #tpu.memory_space<hbm>> -> memref<400x64xf32, #tpu.memory_space<hbm>>
      tpu.enqueue_dma source(%arg12 : memref<400x64xf32, #tpu.memory_space<vmem>>) target(%dma_start3A_67 : memref<400x64xf32, #tpu.memory_space<hbm>>) target_semaphore(%arg18 : memref<!tpu.dma_semaphore, #tpu.memory_space<semaphore_mem>>)
      %dma_wait3A_68 = arith.constant 0 : i32
      %dma_wait3A_69 = tpu.memref_slice %arg6[%add3A_33, %dma_wait3A_68] : memref<320000x64xf32, #tpu.memory_space<hbm>> -> memref<400x64xf32, #tpu.memory_space<hbm>>
      %dma_wait3A_70 = arith.constant 0 : i32
      %dma_wait3A_71 = tpu.memref_slice %arg6[%add3A_33, %dma_wait3A_70] : memref<320000x64xf32, #tpu.memory_space<hbm>> -> memref<400x64xf32, #tpu.memory_space<hbm>>
      tpu.wait_dma2 semaphore(%arg17 : memref<!tpu.dma_semaphore, #tpu.memory_space<semaphore_mem>>) src(%arg11 : memref<400x64xf32, #tpu.memory_space<vmem>>) dst(%dma_wait3A_71 : memref<400x64xf32, #tpu.memory_space<hbm>>)
      %dma_wait3A_72 = arith.constant 0 : i32
      %dma_wait3A_73 = tpu.memref_slice %arg6[%add3A_35, %dma_wait3A_72] : memref<320000x64xf32, #tpu.memory_space<hbm>> -> memref<400x64xf32, #tpu.memory_space<hbm>>
      %dma_wait3A_74 = arith.constant 0 : i32
      %dma_wait3A_75 = tpu.memref_slice %arg6[%add3A_35, %dma_wait3A_74] : memref<320000x64xf32, #tpu.memory_space<hbm>> -> memref<400x64xf32, #tpu.memory_space<hbm>>
      tpu.wait_dma2 semaphore(%arg18 : memref<!tpu.dma_semaphore, #tpu.memory_space<semaphore_mem>>) src(%arg12 : memref<400x64xf32, #tpu.memory_space<vmem>>) dst(%dma_wait3A_75 : memref<400x64xf32, #tpu.memory_space<hbm>>)
    }
    %scan3A_7 = arith.constant 12 : i32
    %add3A_8 = arith.constant 9600 : i32
    %add3A_9 = arith.addi %mul3A_2, %add3A_8 : i32
    "tpu.region"() ({
      %run_scoped3A = tpu.sem_alloc : memref<!tpu.dma_semaphore, #tpu.memory_space<semaphore_mem>>
      %dma_start3A_28 = tpu.memref_slice %arg4[%add3A_9] : memref<320000xi32, #tpu.memory_space<hbm>> -> memref<400xi32, #tpu.memory_space<hbm>>
      %dma_start3A_29 = tpu.memref_slice %arg4[%add3A_9] : memref<320000xi32, #tpu.memory_space<hbm>> -> memref<400xi32, #tpu.memory_space<hbm>>
      tpu.enqueue_dma source(%dma_start3A_29 : memref<400xi32, #tpu.memory_space<hbm>>) target(%arg7 : memref<400xi32, #tpu.memory_space<vmem>>) target_semaphore(%run_scoped3A : memref<!tpu.dma_semaphore, #tpu.memory_space<semaphore_mem>>)
      %dma_wait3A_30 = tpu.memref_slice %arg4[%add3A_9] : memref<320000xi32, #tpu.memory_space<hbm>> -> memref<400xi32, #tpu.memory_space<hbm>>
      %dma_wait3A_31 = tpu.memref_slice %arg4[%add3A_9] : memref<320000xi32, #tpu.memory_space<hbm>> -> memref<400xi32, #tpu.memory_space<hbm>>
      tpu.wait_dma2 semaphore(%run_scoped3A : memref<!tpu.dma_semaphore, #tpu.memory_space<semaphore_mem>>) src(%dma_wait3A_31 : memref<400xi32, #tpu.memory_space<hbm>>) dst(%arg7 : memref<400xi32, #tpu.memory_space<vmem>>)
      tpu.yield
    }) : () -> ()
    "tpu.region"() ({
      %run_scoped3A = tpu.sem_alloc : memref<!tpu.dma_semaphore, #tpu.memory_space<semaphore_mem>>
      %dma_start3A_28 = tpu.memref_slice %arg5[%add3A_9] : memref<320000xi32, #tpu.memory_space<hbm>> -> memref<400xi32, #tpu.memory_space<hbm>>
      %dma_start3A_29 = tpu.memref_slice %arg5[%add3A_9] : memref<320000xi32, #tpu.memory_space<hbm>> -> memref<400xi32, #tpu.memory_space<hbm>>
      tpu.enqueue_dma source(%dma_start3A_29 : memref<400xi32, #tpu.memory_space<hbm>>) target(%arg8 : memref<400xi32, #tpu.memory_space<vmem>>) target_semaphore(%run_scoped3A : memref<!tpu.dma_semaphore, #tpu.memory_space<semaphore_mem>>)
      %dma_wait3A_30 = tpu.memref_slice %arg5[%add3A_9] : memref<320000xi32, #tpu.memory_space<hbm>> -> memref<400xi32, #tpu.memory_space<hbm>>
      %dma_wait3A_31 = tpu.memref_slice %arg5[%add3A_9] : memref<320000xi32, #tpu.memory_space<hbm>> -> memref<400xi32, #tpu.memory_space<hbm>>
      tpu.wait_dma2 semaphore(%run_scoped3A : memref<!tpu.dma_semaphore, #tpu.memory_space<semaphore_mem>>) src(%dma_wait3A_31 : memref<400xi32, #tpu.memory_space<hbm>>) dst(%arg8 : memref<400xi32, #tpu.memory_space<vmem>>)
      tpu.yield
    }) : () -> ()
    %dma_start3A = arith.constant 0 : i32
    %dma_start3A_10 = arith.constant 0 : i32
    %dma_start3A_11 = tpu.memref_slice %arg2[%dma_start3A, %dma_start3A_10] : memref<10000x64xf32, #tpu.memory_space<hbm>> -> memref<10000x64xf32, #tpu.memory_space<hbm>>
    tpu.enqueue_indirect_dma source(%dma_start3A_11 : memref<10000x64xf32, #tpu.memory_space<hbm>>) target(%arg11 : memref<400x64xf32, #tpu.memory_space<vmem>>) offsets(%arg7 : memref<400xi32, #tpu.memory_space<vmem>>) semaphore(%arg13 : memref<!tpu.dma_semaphore, #tpu.memory_space<semaphore_mem>>)
    %dma_wait3A = arith.constant 0 : i32
    %dma_wait3A_12 = arith.constant 0 : i32
    %dma_wait3A_13 = tpu.memref_slice %arg2[%dma_wait3A, %dma_wait3A_12] : memref<10000x64xf32, #tpu.memory_space<hbm>> -> memref<10000x64xf32, #tpu.memory_space<hbm>>
    tpu.wait_indirect_dma semaphore(%arg13 : memref<!tpu.dma_semaphore, #tpu.memory_space<semaphore_mem>>) src(%dma_wait3A_13 : memref<10000x64xf32, #tpu.memory_space<hbm>>) dst(%arg11 : memref<400x64xf32, #tpu.memory_space<vmem>>)
    %dma_start3A_14 = arith.constant 0 : i32
    %dma_start3A_15 = arith.constant 0 : i32
    %dma_start3A_16 = tpu.memref_slice %arg3[%dma_start3A_14, %dma_start3A_15] : memref<10000x64xf32, #tpu.memory_space<hbm>> -> memref<10000x64xf32, #tpu.memory_space<hbm>>
    tpu.enqueue_indirect_dma source(%dma_start3A_16 : memref<10000x64xf32, #tpu.memory_space<hbm>>) target(%arg11 : memref<400x64xf32, #tpu.memory_space<vmem>>) offsets(%arg8 : memref<400xi32, #tpu.memory_space<vmem>>) semaphore(%arg15 : memref<!tpu.dma_semaphore, #tpu.memory_space<semaphore_mem>>) {add = true}
    %dma_wait3A_17 = arith.constant 0 : i32
    %dma_wait3A_18 = arith.constant 0 : i32
    %dma_wait3A_19 = tpu.memref_slice %arg3[%dma_wait3A_17, %dma_wait3A_18] : memref<10000x64xf32, #tpu.memory_space<hbm>> -> memref<10000x64xf32, #tpu.memory_space<hbm>>
    tpu.wait_indirect_dma semaphore(%arg15 : memref<!tpu.dma_semaphore, #tpu.memory_space<semaphore_mem>>) src(%dma_wait3A_19 : memref<10000x64xf32, #tpu.memory_space<hbm>>) dst(%arg11 : memref<400x64xf32, #tpu.memory_space<vmem>>)
    %dma_start3A_20 = arith.constant 0 : i32
    %dma_start3A_21 = tpu.memref_slice %arg6[%add3A_9, %dma_start3A_20] : memref<320000x64xf32, #tpu.memory_space<hbm>> -> memref<400x64xf32, #tpu.memory_space<hbm>>
    %dma_start3A_22 = arith.constant 0 : i32
    %dma_start3A_23 = tpu.memref_slice %arg6[%add3A_9, %dma_start3A_22] : memref<320000x64xf32, #tpu.memory_space<hbm>> -> memref<400x64xf32, #tpu.memory_space<hbm>>
    tpu.enqueue_dma source(%arg11 : memref<400x64xf32, #tpu.memory_space<vmem>>) target(%dma_start3A_23 : memref<400x64xf32, #tpu.memory_space<hbm>>) target_semaphore(%arg17 : memref<!tpu.dma_semaphore, #tpu.memory_space<semaphore_mem>>)
    %dma_wait3A_24 = arith.constant 0 : i32
    %dma_wait3A_25 = tpu.memref_slice %arg6[%add3A_9, %dma_wait3A_24] : memref<320000x64xf32, #tpu.memory_space<hbm>> -> memref<400x64xf32, #tpu.memory_space<hbm>>
    %dma_wait3A_26 = arith.constant 0 : i32
    %dma_wait3A_27 = tpu.memref_slice %arg6[%add3A_9, %dma_wait3A_26] : memref<320000x64xf32, #tpu.memory_space<hbm>> -> memref<400x64xf32, #tpu.memory_space<hbm>>
    tpu.wait_dma2 semaphore(%arg17 : memref<!tpu.dma_semaphore, #tpu.memory_space<semaphore_mem>>) src(%arg11 : memref<400x64xf32, #tpu.memory_space<vmem>>) dst(%dma_wait3A_27 : memref<400x64xf32, #tpu.memory_space<hbm>>)
    return
  }
}

#map = affine_map<(d0, d1) -> (0, 0)>
#map1 = affine_map<(d0, d1) -> (0)>
module attributes {stable_mosaic.version = 14 : i64} {
  func.func @k(%arg0: i32, %arg1: i32, %arg2: memref<10000x64xf32, #tpu.memory_space<hbm>>, %arg3: memref<10000x64xf32, #tpu.memory_space<hbm>>, %arg4: memref<320000xi32, #tpu.memory_space<hbm>>, %arg5: memref<320000xi32, #tpu.memory_space<hbm>>, %arg6: memref<10000xf32, #tpu.memory_space<hbm>>, %arg7: memref<10000xf32, #tpu.memory_space<hbm>>, %arg8: memref<10000xf32, #tpu.memory_space<hbm>>, %arg9: memref<320000x16xf32, #tpu.memory_space<hbm>>, %arg10: memref<320000x64xf32, #tpu.memory_space<hbm>>, %arg11: memref<20480000xf32, #tpu.memory_space<hbm>>, %arg12: memref<400xi32, #tpu.memory_space<vmem>>, %arg13: memref<400xi32, #tpu.memory_space<vmem>>, %arg14: memref<400xi32, #tpu.memory_space<vmem>>, %arg15: memref<400xi32, #tpu.memory_space<vmem>>, %arg16: memref<400x64xf32, #tpu.memory_space<vmem>>, %arg17: memref<400x64xf32, #tpu.memory_space<vmem>>, %arg18: memref<!tpu.dma_semaphore, #tpu.memory_space<semaphore_mem>>, %arg19: memref<!tpu.dma_semaphore, #tpu.memory_space<semaphore_mem>>, %arg20: memref<!tpu.dma_semaphore, #tpu.memory_space<semaphore_mem>>, %arg21: memref<!tpu.dma_semaphore, #tpu.memory_space<semaphore_mem>>, %arg22: memref<!tpu.dma_semaphore, #tpu.memory_space<semaphore_mem>>, %arg23: memref<!tpu.dma_semaphore, #tpu.memory_space<semaphore_mem>>, %arg24: memref<10000xf32, #tpu.memory_space<vmem>>, %arg25: memref<10000xf32, #tpu.memory_space<vmem>>, %arg26: memref<10000xf32, #tpu.memory_space<vmem>>, %arg27: memref<25600xf32, #tpu.memory_space<vmem>>, %arg28: memref<400x16xf32, #tpu.memory_space<vmem>>) attributes {dimension_semantics = [#tpu.dimension_semantics<core_parallel>, #tpu.dimension_semantics<subcore_parallel>], iteration_bounds = array<i64: 2, 16>, scalar_prefetch = 0 : i64, scratch_operands = 17 : i64, tpu.core_type = #tpu.core_type<sc_vector_subcore>, window_params = [{transform_indices = #map}, {transform_indices = #map}, {transform_indices = #map1}, {transform_indices = #map1}, {transform_indices = #map1}, {transform_indices = #map1}, {transform_indices = #map1}, {transform_indices = #map}, {transform_indices = #map}, {transform_indices = #map1}]} {
    %mul3A = arith.constant 2 : i32
    %mul3A_0 = arith.muli %arg1, %mul3A : i32
    %add3A = arith.addi %mul3A_0, %arg0 : i32
    %mul3A_1 = arith.constant 10000 : i32
    %mul3A_2 = arith.muli %add3A, %mul3A_1 : i32
    "tpu.region"() ({
      %run_scoped3A = tpu.sem_alloc : memref<!tpu.dma_semaphore, #tpu.memory_space<semaphore_mem>>
      tpu.enqueue_dma source(%arg6 : memref<10000xf32, #tpu.memory_space<hbm>>) target(%arg24 : memref<10000xf32, #tpu.memory_space<vmem>>) target_semaphore(%run_scoped3A : memref<!tpu.dma_semaphore, #tpu.memory_space<semaphore_mem>>)
      tpu.wait_dma2 semaphore(%run_scoped3A : memref<!tpu.dma_semaphore, #tpu.memory_space<semaphore_mem>>) src(%arg6 : memref<10000xf32, #tpu.memory_space<hbm>>) dst(%arg24 : memref<10000xf32, #tpu.memory_space<vmem>>)
      tpu.yield
    }) : () -> ()
    "tpu.region"() ({
      %run_scoped3A = tpu.sem_alloc : memref<!tpu.dma_semaphore, #tpu.memory_space<semaphore_mem>>
      tpu.enqueue_dma source(%arg7 : memref<10000xf32, #tpu.memory_space<hbm>>) target(%arg25 : memref<10000xf32, #tpu.memory_space<vmem>>) target_semaphore(%run_scoped3A : memref<!tpu.dma_semaphore, #tpu.memory_space<semaphore_mem>>)
      tpu.wait_dma2 semaphore(%run_scoped3A : memref<!tpu.dma_semaphore, #tpu.memory_space<semaphore_mem>>) src(%arg7 : memref<10000xf32, #tpu.memory_space<hbm>>) dst(%arg25 : memref<10000xf32, #tpu.memory_space<vmem>>)
      tpu.yield
    }) : () -> ()
    "tpu.region"() ({
      %run_scoped3A = tpu.sem_alloc : memref<!tpu.dma_semaphore, #tpu.memory_space<semaphore_mem>>
      tpu.enqueue_dma source(%arg8 : memref<10000xf32, #tpu.memory_space<hbm>>) target(%arg26 : memref<10000xf32, #tpu.memory_space<vmem>>) target_semaphore(%run_scoped3A : memref<!tpu.dma_semaphore, #tpu.memory_space<semaphore_mem>>)
      tpu.wait_dma2 semaphore(%run_scoped3A : memref<!tpu.dma_semaphore, #tpu.memory_space<semaphore_mem>>) src(%arg8 : memref<10000xf32, #tpu.memory_space<hbm>>) dst(%arg26 : memref<10000xf32, #tpu.memory_space<vmem>>)
      tpu.yield
    }) : () -> ()
    %broadcast_in_dim3A = arith.constant 0.000000e+00 : f32
    %broadcast_in_dim3A_3 = vector.broadcast %broadcast_in_dim3A : f32 to vector<16xf32>
    %scan3A = arith.constant 0 : i32
    %scan3A_4 = arith.constant 0 : i32
    %scan3A_5 = arith.constant 1600 : i32
    %scan3A_6 = arith.addi %scan3A_4, %scan3A_5 : i32
    %scan3A_7 = arith.constant 1 : i32
    scf.for %scan3A_49 = %scan3A_4 to %scan3A_6 step %scan3A_7  : i32 {
      %mul3A_50 = arith.constant 16 : i32
      %mul3A_51 = arith.muli %scan3A_49, %mul3A_50 : i32
      %swap3A = arith.index_cast %mul3A_51 : i32 to index
      %swap3A_52 = tpu.vector_load %arg27[%swap3A] {strides = array<i32>} : memref<25600xf32, #tpu.memory_space<vmem>>, vector<16xf32>,
      tpu.vector_store %arg27[%swap3A], %broadcast_in_dim3A_3 {strides = array<i32>} : memref<25600xf32, #tpu.memory_space<vmem>>, vector<16xf32>,
    }
    %scan3A_8 = arith.constant 1600 : i32
    %scan3A_9 = arith.constant 0 : i32
    %scan3A_10 = arith.constant 0 : i32
    %scan3A_11 = arith.constant 12 : i32
    %scan3A_12 = arith.addi %scan3A_10, %scan3A_11 : i32
    %scan3A_13 = arith.constant 1 : i32
    scf.for %scan3A_49 = %scan3A_10 to %scan3A_12 step %scan3A_13  : i32 {
      %mul3A_50 = arith.constant 2 : i32
      %mul3A_51 = arith.muli %scan3A_49, %mul3A_50 : i32
      %mul3A_52 = arith.constant 400 : i32
      %mul3A_53 = arith.muli %mul3A_51, %mul3A_52 : i32
      %add3A_54 = arith.addi %mul3A_2, %mul3A_53 : i32
      %add3A_55 = arith.constant 400 : i32
      %add3A_56 = arith.addi %add3A_54, %add3A_55 : i32
      "tpu.region"() ({
        %run_scoped3A = tpu.sem_alloc : memref<!tpu.dma_semaphore, #tpu.memory_space<semaphore_mem>>
        %dma_start3A_125 = tpu.memref_slice %arg4[%add3A_54] : memref<320000xi32, #tpu.memory_space<hbm>> -> memref<400xi32, #tpu.memory_space<hbm>>
        %dma_start3A_126 = tpu.memref_slice %arg4[%add3A_54] : memref<320000xi32, #tpu.memory_space<hbm>> -> memref<400xi32, #tpu.memory_space<hbm>>
        tpu.enqueue_dma source(%dma_start3A_126 : memref<400xi32, #tpu.memory_space<hbm>>) target(%arg12 : memref<400xi32, #tpu.memory_space<vmem>>) target_semaphore(%run_scoped3A : memref<!tpu.dma_semaphore, #tpu.memory_space<semaphore_mem>>)
        %dma_wait3A_127 = tpu.memref_slice %arg4[%add3A_54] : memref<320000xi32, #tpu.memory_space<hbm>> -> memref<400xi32, #tpu.memory_space<hbm>>
        %dma_wait3A_128 = tpu.memref_slice %arg4[%add3A_54] : memref<320000xi32, #tpu.memory_space<hbm>> -> memref<400xi32, #tpu.memory_space<hbm>>
        tpu.wait_dma2 semaphore(%run_scoped3A : memref<!tpu.dma_semaphore, #tpu.memory_space<semaphore_mem>>) src(%dma_wait3A_128 : memref<400xi32, #tpu.memory_space<hbm>>) dst(%arg12 : memref<400xi32, #tpu.memory_space<vmem>>)
        tpu.yield
      }) : () -> ()
      "tpu.region"() ({
        %run_scoped3A = tpu.sem_alloc : memref<!tpu.dma_semaphore, #tpu.memory_space<semaphore_mem>>
        %dma_start3A_125 = tpu.memref_slice %arg5[%add3A_54] : memref<320000xi32, #tpu.memory_space<hbm>> -> memref<400xi32, #tpu.memory_space<hbm>>
        %dma_start3A_126 = tpu.memref_slice %arg5[%add3A_54] : memref<320000xi32, #tpu.memory_space<hbm>> -> memref<400xi32, #tpu.memory_space<hbm>>
        tpu.enqueue_dma source(%dma_start3A_126 : memref<400xi32, #tpu.memory_space<hbm>>) target(%arg13 : memref<400xi32, #tpu.memory_space<vmem>>) target_semaphore(%run_scoped3A : memref<!tpu.dma_semaphore, #tpu.memory_space<semaphore_mem>>)
        %dma_wait3A_127 = tpu.memref_slice %arg5[%add3A_54] : memref<320000xi32, #tpu.memory_space<hbm>> -> memref<400xi32, #tpu.memory_space<hbm>>
        %dma_wait3A_128 = tpu.memref_slice %arg5[%add3A_54] : memref<320000xi32, #tpu.memory_space<hbm>> -> memref<400xi32, #tpu.memory_space<hbm>>
        tpu.wait_dma2 semaphore(%run_scoped3A : memref<!tpu.dma_semaphore, #tpu.memory_space<semaphore_mem>>) src(%dma_wait3A_128 : memref<400xi32, #tpu.memory_space<hbm>>) dst(%arg13 : memref<400xi32, #tpu.memory_space<vmem>>)
        tpu.yield
      }) : () -> ()
      "tpu.region"() ({
        %run_scoped3A = tpu.sem_alloc : memref<!tpu.dma_semaphore, #tpu.memory_space<semaphore_mem>>
        %dma_start3A_125 = tpu.memref_slice %arg4[%add3A_56] : memref<320000xi32, #tpu.memory_space<hbm>> -> memref<400xi32, #tpu.memory_space<hbm>>
        %dma_start3A_126 = tpu.memref_slice %arg4[%add3A_56] : memref<320000xi32, #tpu.memory_space<hbm>> -> memref<400xi32, #tpu.memory_space<hbm>>
        tpu.enqueue_dma source(%dma_start3A_126 : memref<400xi32, #tpu.memory_space<hbm>>) target(%arg14 : memref<400xi32, #tpu.memory_space<vmem>>) target_semaphore(%run_scoped3A : memref<!tpu.dma_semaphore, #tpu.memory_space<semaphore_mem>>)
        %dma_wait3A_127 = tpu.memref_slice %arg4[%add3A_56] : memref<320000xi32, #tpu.memory_space<hbm>> -> memref<400xi32, #tpu.memory_space<hbm>>
        %dma_wait3A_128 = tpu.memref_slice %arg4[%add3A_56] : memref<320000xi32, #tpu.memory_space<hbm>> -> memref<400xi32, #tpu.memory_space<hbm>>
        tpu.wait_dma2 semaphore(%run_scoped3A : memref<!tpu.dma_semaphore, #tpu.memory_space<semaphore_mem>>) src(%dma_wait3A_128 : memref<400xi32, #tpu.memory_space<hbm>>) dst(%arg14 : memref<400xi32, #tpu.memory_space<vmem>>)
        tpu.yield
      }) : () -> ()
      "tpu.region"() ({
        %run_scoped3A = tpu.sem_alloc : memref<!tpu.dma_semaphore, #tpu.memory_space<semaphore_mem>>
        %dma_start3A_125 = tpu.memref_slice %arg5[%add3A_56] : memref<320000xi32, #tpu.memory_space<hbm>> -> memref<400xi32, #tpu.memory_space<hbm>>
        %dma_start3A_126 = tpu.memref_slice %arg5[%add3A_56] : memref<320000xi32, #tpu.memory_space<hbm>> -> memref<400xi32, #tpu.memory_space<hbm>>
        tpu.enqueue_dma source(%dma_start3A_126 : memref<400xi32, #tpu.memory_space<hbm>>) target(%arg15 : memref<400xi32, #tpu.memory_space<vmem>>) target_semaphore(%run_scoped3A : memref<!tpu.dma_semaphore, #tpu.memory_space<semaphore_mem>>)
        %dma_wait3A_127 = tpu.memref_slice %arg5[%add3A_56] : memref<320000xi32, #tpu.memory_space<hbm>> -> memref<400xi32, #tpu.memory_space<hbm>>
        %dma_wait3A_128 = tpu.memref_slice %arg5[%add3A_56] : memref<320000xi32, #tpu.memory_space<hbm>> -> memref<400xi32, #tpu.memory_space<hbm>>
        tpu.wait_dma2 semaphore(%run_scoped3A : memref<!tpu.dma_semaphore, #tpu.memory_space<semaphore_mem>>) src(%dma_wait3A_128 : memref<400xi32, #tpu.memory_space<hbm>>) dst(%arg15 : memref<400xi32, #tpu.memory_space<vmem>>)
        tpu.yield
      }) : () -> ()
      %dma_start3A_57 = arith.constant 0 : i32
      %dma_start3A_58 = arith.constant 0 : i32
      %dma_start3A_59 = tpu.memref_slice %arg2[%dma_start3A_57, %dma_start3A_58] : memref<10000x64xf32, #tpu.memory_space<hbm>> -> memref<10000x64xf32, #tpu.memory_space<hbm>>
      tpu.enqueue_indirect_dma source(%dma_start3A_59 : memref<10000x64xf32, #tpu.memory_space<hbm>>) target(%arg16 : memref<400x64xf32, #tpu.memory_space<vmem>>) offsets(%arg12 : memref<400xi32, #tpu.memory_space<vmem>>) semaphore(%arg18 : memref<!tpu.dma_semaphore, #tpu.memory_space<semaphore_mem>>)
      %dma_start3A_60 = arith.constant 0 : i32
      %dma_start3A_61 = arith.constant 0 : i32
      %dma_start3A_62 = tpu.memref_slice %arg2[%dma_start3A_60, %dma_start3A_61] : memref<10000x64xf32, #tpu.memory_space<hbm>> -> memref<10000x64xf32, #tpu.memory_space<hbm>>
      tpu.enqueue_indirect_dma source(%dma_start3A_62 : memref<10000x64xf32, #tpu.memory_space<hbm>>) target(%arg17 : memref<400x64xf32, #tpu.memory_space<vmem>>) offsets(%arg14 : memref<400xi32, #tpu.memory_space<vmem>>) semaphore(%arg19 : memref<!tpu.dma_semaphore, #tpu.memory_space<semaphore_mem>>)
      %dma_wait3A_63 = arith.constant 0 : i32
      %dma_wait3A_64 = arith.constant 0 : i32
      %dma_wait3A_65 = tpu.memref_slice %arg2[%dma_wait3A_63, %dma_wait3A_64] : memref<10000x64xf32, #tpu.memory_space<hbm>> -> memref<10000x64xf32, #tpu.memory_space<hbm>>
      tpu.wait_indirect_dma semaphore(%arg18 : memref<!tpu.dma_semaphore, #tpu.memory_space<semaphore_mem>>) src(%dma_wait3A_65 : memref<10000x64xf32, #tpu.memory_space<hbm>>) dst(%arg16 : memref<400x64xf32, #tpu.memory_space<vmem>>)
      %dma_start3A_66 = arith.constant 0 : i32
      %dma_start3A_67 = arith.constant 0 : i32
      %dma_start3A_68 = tpu.memref_slice %arg3[%dma_start3A_66, %dma_start3A_67] : memref<10000x64xf32, #tpu.memory_space<hbm>> -> memref<10000x64xf32, #tpu.memory_space<hbm>>
      tpu.enqueue_indirect_dma source(%dma_start3A_68 : memref<10000x64xf32, #tpu.memory_space<hbm>>) target(%arg16 : memref<400x64xf32, #tpu.memory_space<vmem>>) offsets(%arg13 : memref<400xi32, #tpu.memory_space<vmem>>) semaphore(%arg20 : memref<!tpu.dma_semaphore, #tpu.memory_space<semaphore_mem>>) {add = true}
      %dma_wait3A_69 = arith.constant 0 : i32
      %dma_wait3A_70 = arith.constant 0 : i32
      %dma_wait3A_71 = tpu.memref_slice %arg2[%dma_wait3A_69, %dma_wait3A_70] : memref<10000x64xf32, #tpu.memory_space<hbm>> -> memref<10000x64xf32, #tpu.memory_space<hbm>>
      tpu.wait_indirect_dma semaphore(%arg19 : memref<!tpu.dma_semaphore, #tpu.memory_space<semaphore_mem>>) src(%dma_wait3A_71 : memref<10000x64xf32, #tpu.memory_space<hbm>>) dst(%arg17 : memref<400x64xf32, #tpu.memory_space<vmem>>)
      %dma_start3A_72 = arith.constant 0 : i32
      %dma_start3A_73 = arith.constant 0 : i32
      %dma_start3A_74 = tpu.memref_slice %arg3[%dma_start3A_72, %dma_start3A_73] : memref<10000x64xf32, #tpu.memory_space<hbm>> -> memref<10000x64xf32, #tpu.memory_space<hbm>>
      tpu.enqueue_indirect_dma source(%dma_start3A_74 : memref<10000x64xf32, #tpu.memory_space<hbm>>) target(%arg17 : memref<400x64xf32, #tpu.memory_space<vmem>>) offsets(%arg15 : memref<400xi32, #tpu.memory_space<vmem>>) semaphore(%arg21 : memref<!tpu.dma_semaphore, #tpu.memory_space<semaphore_mem>>) {add = true}
      "tpu.region"() ({
        %run_scoped3A = tpu.sem_alloc : memref<!tpu.dma_semaphore, #tpu.memory_space<semaphore_mem>>
        %dma_start3A_125 = arith.constant 0 : i32
        %dma_start3A_126 = tpu.memref_slice %arg9[%add3A_54, %dma_start3A_125] : memref<320000x16xf32, #tpu.memory_space<hbm>> -> memref<400x16xf32, #tpu.memory_space<hbm>>
        %dma_start3A_127 = arith.constant 0 : i32
        %dma_start3A_128 = tpu.memref_slice %arg9[%add3A_54, %dma_start3A_127] : memref<320000x16xf32, #tpu.memory_space<hbm>> -> memref<400x16xf32, #tpu.memory_space<hbm>>
        tpu.enqueue_dma source(%dma_start3A_128 : memref<400x16xf32, #tpu.memory_space<hbm>>) target(%arg28 : memref<400x16xf32, #tpu.memory_space<vmem>>) target_semaphore(%run_scoped3A : memref<!tpu.dma_semaphore, #tpu.memory_space<semaphore_mem>>)
        %dma_wait3A_129 = arith.constant 0 : i32
        %dma_wait3A_130 = tpu.memref_slice %arg9[%add3A_54, %dma_wait3A_129] : memref<320000x16xf32, #tpu.memory_space<hbm>> -> memref<400x16xf32, #tpu.memory_space<hbm>>
        %dma_wait3A_131 = arith.constant 0 : i32
        %dma_wait3A_132 = tpu.memref_slice %arg9[%add3A_54, %dma_wait3A_131] : memref<320000x16xf32, #tpu.memory_space<hbm>> -> memref<400x16xf32, #tpu.memory_space<hbm>>
        tpu.wait_dma2 semaphore(%run_scoped3A : memref<!tpu.dma_semaphore, #tpu.memory_space<semaphore_mem>>) src(%dma_wait3A_132 : memref<400x16xf32, #tpu.memory_space<hbm>>) dst(%arg28 : memref<400x16xf32, #tpu.memory_space<vmem>>)
        tpu.yield
      }) : () -> ()
      %scan3A_75 = arith.constant 0 : i32
      %scan3A_76 = arith.constant 0 : i32
      %scan3A_77 = arith.constant 25 : i32
      %scan3A_78 = arith.addi %scan3A_76, %scan3A_77 : i32
      %scan3A_79 = arith.constant 1 : i32
      scf.for %scan3A_125 = %scan3A_76 to %scan3A_78 step %scan3A_79  : i32 {
        %mul3A_126 = arith.constant 16 : i32
        %mul3A_127 = arith.muli %scan3A_125, %mul3A_126 : i32
        %get3A = arith.index_cast %mul3A_127 : i32 to index
        %get3A_128 = tpu.vector_load %arg12[%get3A] {strides = array<i32>} : memref<400xi32, #tpu.memory_space<vmem>>, vector<16xi32>,
        %mul3A_129 = arith.constant 16 : i32
        %mul3A_130 = arith.muli %scan3A_125, %mul3A_129 : i32
        %get3A_131 = arith.index_cast %mul3A_130 : i32 to index
        %get3A_132 = tpu.vector_load %arg13[%get3A_131] {strides = array<i32>} : memref<400xi32, #tpu.memory_space<vmem>>, vector<16xi32>,
        %gather3A = tpu.vector_load_idx %arg24[%get3A_128] : memref<10000xf32, #tpu.memory_space<vmem>>[vector<16xi32>], vector<16xf32>,
        %gather3A_133 = tpu.vector_load_idx %arg24[%get3A_132] : memref<10000xf32, #tpu.memory_space<vmem>>[vector<16xi32>], vector<16xf32>,
        %sub3A = arith.subf %gather3A, %gather3A_133 : vector<16xf32>
        %gather3A_134 = tpu.vector_load_idx %arg25[%get3A_128] : memref<10000xf32, #tpu.memory_space<vmem>>[vector<16xi32>], vector<16xf32>,
        %gather3A_135 = tpu.vector_load_idx %arg25[%get3A_132] : memref<10000xf32, #tpu.memory_space<vmem>>[vector<16xi32>], vector<16xf32>,
        %sub3A_136 = arith.subf %gather3A_134, %gather3A_135 : vector<16xf32>
        %gather3A_137 = tpu.vector_load_idx %arg26[%get3A_128] : memref<10000xf32, #tpu.memory_space<vmem>>[vector<16xi32>], vector<16xf32>,
        %gather3A_138 = tpu.vector_load_idx %arg26[%get3A_132] : memref<10000xf32, #tpu.memory_space<vmem>>[vector<16xi32>], vector<16xf32>,
        %sub3A_139 = arith.subf %gather3A_137, %gather3A_138 : vector<16xf32>
        %mul3A_140 = arith.mulf %sub3A, %sub3A : vector<16xf32>
        %mul3A_141 = arith.mulf %sub3A_136, %sub3A_136 : vector<16xf32>
        %add3A_142 = arith.addf %mul3A_140, %mul3A_141 : vector<16xf32>
        %mul3A_143 = arith.mulf %sub3A_139, %sub3A_139 : vector<16xf32>
        %add3A_144 = arith.addf %add3A_142, %mul3A_143 : vector<16xf32>
        %iota3A = tpu.iota {dimensions = array<i32: 0>} : vector<16xi32>
        %mul3A_145 = arith.constant 1024 : i32
        %mul3A_146 = arith.muli %scan3A_125, %mul3A_145 : i32
        %mul3A_147 = arith.constant 64 : i32
        %mul3A_148 = vector.broadcast %mul3A_147 : i32 to vector<16xi32>
        %mul3A_149 = arith.muli %iota3A, %mul3A_148 : vector<16xi32>
        %add3A_150 = vector.broadcast %mul3A_146 : i32 to vector<16xi32>
        %add3A_151 = arith.addi %add3A_150, %mul3A_149 : vector<16xi32>
        tpu.vector_store_idx %arg27[%add3A_151], %add3A_144 : memref<25600xf32, #tpu.memory_space<vmem>>[vector<16xi32>], vector<16xf32>,
        %add3A_152 = arith.constant 1 : i32
        %add3A_153 = vector.broadcast %add3A_152 : i32 to vector<16xi32>
        %add3A_154 = arith.addi %add3A_151, %add3A_153 : vector<16xi32>
        tpu.vector_store_idx %arg27[%add3A_154], %sub3A : memref<25600xf32, #tpu.memory_space<vmem>>[vector<16xi32>], vector<16xf32>,
        %add3A_155 = arith.constant 2 : i32
        %add3A_156 = vector.broadcast %add3A_155 : i32 to vector<16xi32>
        %add3A_157 = arith.addi %add3A_151, %add3A_156 : vector<16xi32>
        tpu.vector_store_idx %arg27[%add3A_157], %sub3A_136 : memref<25600xf32, #tpu.memory_space<vmem>>[vector<16xi32>], vector<16xf32>,
        %add3A_158 = arith.constant 3 : i32
        %add3A_159 = vector.broadcast %add3A_158 : i32 to vector<16xi32>
        %add3A_160 = arith.addi %add3A_151, %add3A_159 : vector<16xi32>
        tpu.vector_store_idx %arg27[%add3A_160], %sub3A_139 : memref<25600xf32, #tpu.memory_space<vmem>>[vector<16xi32>], vector<16xf32>,
      }
      %scan3A_80 = arith.constant 25 : i32
      %scan3A_81 = arith.constant 0 : i32
      %scan3A_82 = arith.constant 0 : i32
      %scan3A_83 = arith.constant 400 : i32
      %scan3A_84 = arith.addi %scan3A_82, %scan3A_83 : i32
      %scan3A_85 = arith.constant 1 : i32
      scf.for %scan3A_125 = %scan3A_82 to %scan3A_84 step %scan3A_85  : i32 {
        %get3A = arith.index_cast %scan3A_125 : i32 to index
        %get3A_126 = arith.constant 0 : index
        %get3A_127 = tpu.vector_load %arg28[%get3A, %get3A_126] {strides = array<i32>} : memref<400x16xf32, #tpu.memory_space<vmem>>, vector<16xf32>,
        %mul3A_128 = arith.constant 64 : i32
        %mul3A_129 = arith.muli %scan3A_125, %mul3A_128 : i32
        %add3A_130 = arith.constant 4 : i32
        %add3A_131 = arith.addi %mul3A_129, %add3A_130 : i32
        %swap3A = arith.index_cast %add3A_131 : i32 to index
        %swap3A_132 = tpu.vector_load %arg27[%swap3A] {strides = array<i32>} : memref<25600xf32, #tpu.memory_space<vmem>>, vector<16xf32>,
        tpu.vector_store %arg27[%swap3A], %get3A_127 {strides = array<i32>} : memref<25600xf32, #tpu.memory_space<vmem>>, vector<16xf32>,
      }
      %scan3A_86 = arith.constant 400 : i32
      %dma_wait3A_87 = arith.constant 0 : i32
      %dma_wait3A_88 = arith.constant 0 : i32
      %dma_wait3A_89 = tpu.memref_slice %arg3[%dma_wait3A_87, %dma_wait3A_88] : memref<10000x64xf32, #tpu.memory_space<hbm>> -> memref<10000x64xf32, #tpu.memory_space<hbm>>
      tpu.wait_indirect_dma semaphore(%arg20 : memref<!tpu.dma_semaphore, #tpu.memory_space<semaphore_mem>>) src(%dma_wait3A_89 : memref<10000x64xf32, #tpu.memory_space<hbm>>) dst(%arg16 : memref<400x64xf32, #tpu.memory_space<vmem>>)
      %dma_start3A_90 = arith.constant 0 : i32
      %dma_start3A_91 = tpu.memref_slice %arg10[%add3A_54, %dma_start3A_90] : memref<320000x64xf32, #tpu.memory_space<hbm>> -> memref<400x64xf32, #tpu.memory_space<hbm>>
      %dma_start3A_92 = arith.constant 0 : i32
      %dma_start3A_93 = tpu.memref_slice %arg10[%add3A_54, %dma_start3A_92] : memref<320000x64xf32, #tpu.memory_space<hbm>> -> memref<400x64xf32, #tpu.memory_space<hbm>>
      tpu.enqueue_dma source(%arg16 : memref<400x64xf32, #tpu.memory_space<vmem>>) target(%dma_start3A_93 : memref<400x64xf32, #tpu.memory_space<hbm>>) target_semaphore(%arg22 : memref<!tpu.dma_semaphore, #tpu.memory_space<semaphore_mem>>)
      %mul3A_94 = arith.constant 64 : i32
      %mul3A_95 = arith.muli %add3A_54, %mul3A_94 : i32
      "tpu.region"() ({
        %run_scoped3A = tpu.sem_alloc : memref<!tpu.dma_semaphore, #tpu.memory_space<semaphore_mem>>
        %dma_start3A_125 = tpu.memref_slice %arg11[%mul3A_95] : memref<20480000xf32, #tpu.memory_space<hbm>> -> memref<25600xf32, #tpu.memory_space<hbm>>
        %dma_start3A_126 = tpu.memref_slice %arg11[%mul3A_95] : memref<20480000xf32, #tpu.memory_space<hbm>> -> memref<25600xf32, #tpu.memory_space<hbm>>
        tpu.enqueue_dma source(%arg27 : memref<25600xf32, #tpu.memory_space<vmem>>) target(%dma_start3A_126 : memref<25600xf32, #tpu.memory_space<hbm>>) target_semaphore(%run_scoped3A : memref<!tpu.dma_semaphore, #tpu.memory_space<semaphore_mem>>)
        %dma_wait3A_127 = tpu.memref_slice %arg11[%mul3A_95] : memref<20480000xf32, #tpu.memory_space<hbm>> -> memref<25600xf32, #tpu.memory_space<hbm>>
        %dma_wait3A_128 = tpu.memref_slice %arg11[%mul3A_95] : memref<20480000xf32, #tpu.memory_space<hbm>> -> memref<25600xf32, #tpu.memory_space<hbm>>
        tpu.wait_dma2 semaphore(%run_scoped3A : memref<!tpu.dma_semaphore, #tpu.memory_space<semaphore_mem>>) src(%arg27 : memref<25600xf32, #tpu.memory_space<vmem>>) dst(%dma_wait3A_128 : memref<25600xf32, #tpu.memory_space<hbm>>)
        tpu.yield
      }) : () -> ()
      "tpu.region"() ({
        %run_scoped3A = tpu.sem_alloc : memref<!tpu.dma_semaphore, #tpu.memory_space<semaphore_mem>>
        %dma_start3A_125 = arith.constant 0 : i32
        %dma_start3A_126 = tpu.memref_slice %arg9[%add3A_56, %dma_start3A_125] : memref<320000x16xf32, #tpu.memory_space<hbm>> -> memref<400x16xf32, #tpu.memory_space<hbm>>
        %dma_start3A_127 = arith.constant 0 : i32
        %dma_start3A_128 = tpu.memref_slice %arg9[%add3A_56, %dma_start3A_127] : memref<320000x16xf32, #tpu.memory_space<hbm>> -> memref<400x16xf32, #tpu.memory_space<hbm>>
        tpu.enqueue_dma source(%dma_start3A_128 : memref<400x16xf32, #tpu.memory_space<hbm>>) target(%arg28 : memref<400x16xf32, #tpu.memory_space<vmem>>) target_semaphore(%run_scoped3A : memref<!tpu.dma_semaphore, #tpu.memory_space<semaphore_mem>>)
        %dma_wait3A_129 = arith.constant 0 : i32
        %dma_wait3A_130 = tpu.memref_slice %arg9[%add3A_56, %dma_wait3A_129] : memref<320000x16xf32, #tpu.memory_space<hbm>> -> memref<400x16xf32, #tpu.memory_space<hbm>>
        %dma_wait3A_131 = arith.constant 0 : i32
        %dma_wait3A_132 = tpu.memref_slice %arg9[%add3A_56, %dma_wait3A_131] : memref<320000x16xf32, #tpu.memory_space<hbm>> -> memref<400x16xf32, #tpu.memory_space<hbm>>
        tpu.wait_dma2 semaphore(%run_scoped3A : memref<!tpu.dma_semaphore, #tpu.memory_space<semaphore_mem>>) src(%dma_wait3A_132 : memref<400x16xf32, #tpu.memory_space<hbm>>) dst(%arg28 : memref<400x16xf32, #tpu.memory_space<vmem>>)
        tpu.yield
      }) : () -> ()
      %scan3A_96 = arith.constant 0 : i32
      %scan3A_97 = arith.constant 0 : i32
      %scan3A_98 = arith.constant 25 : i32
      %scan3A_99 = arith.addi %scan3A_97, %scan3A_98 : i32
      %scan3A_100 = arith.constant 1 : i32
      scf.for %scan3A_125 = %scan3A_97 to %scan3A_99 step %scan3A_100  : i32 {
        %mul3A_126 = arith.constant 16 : i32
        %mul3A_127 = arith.muli %scan3A_125, %mul3A_126 : i32
        %get3A = arith.index_cast %mul3A_127 : i32 to index
        %get3A_128 = tpu.vector_load %arg14[%get3A] {strides = array<i32>} : memref<400xi32, #tpu.memory_space<vmem>>, vector<16xi32>,
        %mul3A_129 = arith.constant 16 : i32
        %mul3A_130 = arith.muli %scan3A_125, %mul3A_129 : i32
        %get3A_131 = arith.index_cast %mul3A_130 : i32 to index
        %get3A_132 = tpu.vector_load %arg15[%get3A_131] {strides = array<i32>} : memref<400xi32, #tpu.memory_space<vmem>>, vector<16xi32>,
        %gather3A = tpu.vector_load_idx %arg24[%get3A_128] : memref<10000xf32, #tpu.memory_space<vmem>>[vector<16xi32>], vector<16xf32>,
        %gather3A_133 = tpu.vector_load_idx %arg24[%get3A_132] : memref<10000xf32, #tpu.memory_space<vmem>>[vector<16xi32>], vector<16xf32>,
        %sub3A = arith.subf %gather3A, %gather3A_133 : vector<16xf32>
        %gather3A_134 = tpu.vector_load_idx %arg25[%get3A_128] : memref<10000xf32, #tpu.memory_space<vmem>>[vector<16xi32>], vector<16xf32>,
        %gather3A_135 = tpu.vector_load_idx %arg25[%get3A_132] : memref<10000xf32, #tpu.memory_space<vmem>>[vector<16xi32>], vector<16xf32>,
        %sub3A_136 = arith.subf %gather3A_134, %gather3A_135 : vector<16xf32>
        %gather3A_137 = tpu.vector_load_idx %arg26[%get3A_128] : memref<10000xf32, #tpu.memory_space<vmem>>[vector<16xi32>], vector<16xf32>,
        %gather3A_138 = tpu.vector_load_idx %arg26[%get3A_132] : memref<10000xf32, #tpu.memory_space<vmem>>[vector<16xi32>], vector<16xf32>,
        %sub3A_139 = arith.subf %gather3A_137, %gather3A_138 : vector<16xf32>
        %mul3A_140 = arith.mulf %sub3A, %sub3A : vector<16xf32>
        %mul3A_141 = arith.mulf %sub3A_136, %sub3A_136 : vector<16xf32>
        %add3A_142 = arith.addf %mul3A_140, %mul3A_141 : vector<16xf32>
        %mul3A_143 = arith.mulf %sub3A_139, %sub3A_139 : vector<16xf32>
        %add3A_144 = arith.addf %add3A_142, %mul3A_143 : vector<16xf32>
        %iota3A = tpu.iota {dimensions = array<i32: 0>} : vector<16xi32>
        %mul3A_145 = arith.constant 1024 : i32
        %mul3A_146 = arith.muli %scan3A_125, %mul3A_145 : i32
        %mul3A_147 = arith.constant 64 : i32
        %mul3A_148 = vector.broadcast %mul3A_147 : i32 to vector<16xi32>
        %mul3A_149 = arith.muli %iota3A, %mul3A_148 : vector<16xi32>
        %add3A_150 = vector.broadcast %mul3A_146 : i32 to vector<16xi32>
        %add3A_151 = arith.addi %add3A_150, %mul3A_149 : vector<16xi32>
        tpu.vector_store_idx %arg27[%add3A_151], %add3A_144 : memref<25600xf32, #tpu.memory_space<vmem>>[vector<16xi32>], vector<16xf32>,
        %add3A_152 = arith.constant 1 : i32
        %add3A_153 = vector.broadcast %add3A_152 : i32 to vector<16xi32>
        %add3A_154 = arith.addi %add3A_151, %add3A_153 : vector<16xi32>
        tpu.vector_store_idx %arg27[%add3A_154], %sub3A : memref<25600xf32, #tpu.memory_space<vmem>>[vector<16xi32>], vector<16xf32>,
        %add3A_155 = arith.constant 2 : i32
        %add3A_156 = vector.broadcast %add3A_155 : i32 to vector<16xi32>
        %add3A_157 = arith.addi %add3A_151, %add3A_156 : vector<16xi32>
        tpu.vector_store_idx %arg27[%add3A_157], %sub3A_136 : memref<25600xf32, #tpu.memory_space<vmem>>[vector<16xi32>], vector<16xf32>,
        %add3A_158 = arith.constant 3 : i32
        %add3A_159 = vector.broadcast %add3A_158 : i32 to vector<16xi32>
        %add3A_160 = arith.addi %add3A_151, %add3A_159 : vector<16xi32>
        tpu.vector_store_idx %arg27[%add3A_160], %sub3A_139 : memref<25600xf32, #tpu.memory_space<vmem>>[vector<16xi32>], vector<16xf32>,
      }
      %scan3A_101 = arith.constant 25 : i32
      %scan3A_102 = arith.constant 0 : i32
      %scan3A_103 = arith.constant 0 : i32
      %scan3A_104 = arith.constant 400 : i32
      %scan3A_105 = arith.addi %scan3A_103, %scan3A_104 : i32
      %scan3A_106 = arith.constant 1 : i32
      scf.for %scan3A_125 = %scan3A_103 to %scan3A_105 step %scan3A_106  : i32 {
        %get3A = arith.index_cast %scan3A_125 : i32 to index
        %get3A_126 = arith.constant 0 : index
        %get3A_127 = tpu.vector_load %arg28[%get3A, %get3A_126] {strides = array<i32>} : memref<400x16xf32, #tpu.memory_space<vmem>>, vector<16xf32>,
        %mul3A_128 = arith.constant 64 : i32
        %mul3A_129 = arith.muli %scan3A_125, %mul3A_128 : i32
        %add3A_130 = arith.constant 4 : i32
        %add3A_131 = arith.addi %mul3A_129, %add3A_130 : i32
        %swap3A = arith.index_cast %add3A_131 : i32 to index
        %swap3A_132 = tpu.vector_load %arg27[%swap3A] {strides = array<i32>} : memref<25600xf32, #tpu.memory_space<vmem>>, vector<16xf32>,
        tpu.vector_store %arg27[%swap3A], %get3A_127 {strides = array<i32>} : memref<25600xf32, #tpu.memory_space<vmem>>, vector<16xf32>,
      }
      %scan3A_107 = arith.constant 400 : i32
      %dma_wait3A_108 = arith.constant 0 : i32
      %dma_wait3A_109 = arith.constant 0 : i32
      %dma_wait3A_110 = tpu.memref_slice %arg3[%dma_wait3A_108, %dma_wait3A_109] : memref<10000x64xf32, #tpu.memory_space<hbm>> -> memref<10000x64xf32, #tpu.memory_space<hbm>>
      tpu.wait_indirect_dma semaphore(%arg21 : memref<!tpu.dma_semaphore, #tpu.memory_space<semaphore_mem>>) src(%dma_wait3A_110 : memref<10000x64xf32, #tpu.memory_space<hbm>>) dst(%arg17 : memref<400x64xf32, #tpu.memory_space<vmem>>)
      %dma_start3A_111 = arith.constant 0 : i32
      %dma_start3A_112 = tpu.memref_slice %arg10[%add3A_56, %dma_start3A_111] : memref<320000x64xf32, #tpu.memory_space<hbm>> -> memref<400x64xf32, #tpu.memory_space<hbm>>
      %dma_start3A_113 = arith.constant 0 : i32
      %dma_start3A_114 = tpu.memref_slice %arg10[%add3A_56, %dma_start3A_113] : memref<320000x64xf32, #tpu.memory_space<hbm>> -> memref<400x64xf32, #tpu.memory_space<hbm>>
      tpu.enqueue_dma source(%arg17 : memref<400x64xf32, #tpu.memory_space<vmem>>) target(%dma_start3A_114 : memref<400x64xf32, #tpu.memory_space<hbm>>) target_semaphore(%arg23 : memref<!tpu.dma_semaphore, #tpu.memory_space<semaphore_mem>>)
      %mul3A_115 = arith.constant 64 : i32
      %mul3A_116 = arith.muli %add3A_56, %mul3A_115 : i32
      "tpu.region"() ({
        %run_scoped3A = tpu.sem_alloc : memref<!tpu.dma_semaphore, #tpu.memory_space<semaphore_mem>>
        %dma_start3A_125 = tpu.memref_slice %arg11[%mul3A_116] : memref<20480000xf32, #tpu.memory_space<hbm>> -> memref<25600xf32, #tpu.memory_space<hbm>>
        %dma_start3A_126 = tpu.memref_slice %arg11[%mul3A_116] : memref<20480000xf32, #tpu.memory_space<hbm>> -> memref<25600xf32, #tpu.memory_space<hbm>>
        tpu.enqueue_dma source(%arg27 : memref<25600xf32, #tpu.memory_space<vmem>>) target(%dma_start3A_126 : memref<25600xf32, #tpu.memory_space<hbm>>) target_semaphore(%run_scoped3A : memref<!tpu.dma_semaphore, #tpu.memory_space<semaphore_mem>>)
        %dma_wait3A_127 = tpu.memref_slice %arg11[%mul3A_116] : memref<20480000xf32, #tpu.memory_space<hbm>> -> memref<25600xf32, #tpu.memory_space<hbm>>
        %dma_wait3A_128 = tpu.memref_slice %arg11[%mul3A_116] : memref<20480000xf32, #tpu.memory_space<hbm>> -> memref<25600xf32, #tpu.memory_space<hbm>>
        tpu.wait_dma2 semaphore(%run_scoped3A : memref<!tpu.dma_semaphore, #tpu.memory_space<semaphore_mem>>) src(%arg27 : memref<25600xf32, #tpu.memory_space<vmem>>) dst(%dma_wait3A_128 : memref<25600xf32, #tpu.memory_space<hbm>>)
        tpu.yield
      }) : () -> ()
      %dma_wait3A_117 = arith.constant 0 : i32
      %dma_wait3A_118 = tpu.memref_slice %arg10[%add3A_54, %dma_wait3A_117] : memref<320000x64xf32, #tpu.memory_space<hbm>> -> memref<400x64xf32, #tpu.memory_space<hbm>>
      %dma_wait3A_119 = arith.constant 0 : i32
      %dma_wait3A_120 = tpu.memref_slice %arg10[%add3A_54, %dma_wait3A_119] : memref<320000x64xf32, #tpu.memory_space<hbm>> -> memref<400x64xf32, #tpu.memory_space<hbm>>
      tpu.wait_dma2 semaphore(%arg22 : memref<!tpu.dma_semaphore, #tpu.memory_space<semaphore_mem>>) src(%arg16 : memref<400x64xf32, #tpu.memory_space<vmem>>) dst(%dma_wait3A_120 : memref<400x64xf32, #tpu.memory_space<hbm>>)
      %dma_wait3A_121 = arith.constant 0 : i32
      %dma_wait3A_122 = tpu.memref_slice %arg10[%add3A_56, %dma_wait3A_121] : memref<320000x64xf32, #tpu.memory_space<hbm>> -> memref<400x64xf32, #tpu.memory_space<hbm>>
      %dma_wait3A_123 = arith.constant 0 : i32
      %dma_wait3A_124 = tpu.memref_slice %arg10[%add3A_56, %dma_wait3A_123] : memref<320000x64xf32, #tpu.memory_space<hbm>> -> memref<400x64xf32, #tpu.memory_space<hbm>>
      tpu.wait_dma2 semaphore(%arg23 : memref<!tpu.dma_semaphore, #tpu.memory_space<semaphore_mem>>) src(%arg17 : memref<400x64xf32, #tpu.memory_space<vmem>>) dst(%dma_wait3A_124 : memref<400x64xf32, #tpu.memory_space<hbm>>)
    }
    %scan3A_14 = arith.constant 12 : i32
    %add3A_15 = arith.constant 9600 : i32
    %add3A_16 = arith.addi %mul3A_2, %add3A_15 : i32
    "tpu.region"() ({
      %run_scoped3A = tpu.sem_alloc : memref<!tpu.dma_semaphore, #tpu.memory_space<semaphore_mem>>
      %dma_start3A_49 = tpu.memref_slice %arg4[%add3A_16] : memref<320000xi32, #tpu.memory_space<hbm>> -> memref<400xi32, #tpu.memory_space<hbm>>
      %dma_start3A_50 = tpu.memref_slice %arg4[%add3A_16] : memref<320000xi32, #tpu.memory_space<hbm>> -> memref<400xi32, #tpu.memory_space<hbm>>
      tpu.enqueue_dma source(%dma_start3A_50 : memref<400xi32, #tpu.memory_space<hbm>>) target(%arg12 : memref<400xi32, #tpu.memory_space<vmem>>) target_semaphore(%run_scoped3A : memref<!tpu.dma_semaphore, #tpu.memory_space<semaphore_mem>>)
      %dma_wait3A_51 = tpu.memref_slice %arg4[%add3A_16] : memref<320000xi32, #tpu.memory_space<hbm>> -> memref<400xi32, #tpu.memory_space<hbm>>
      %dma_wait3A_52 = tpu.memref_slice %arg4[%add3A_16] : memref<320000xi32, #tpu.memory_space<hbm>> -> memref<400xi32, #tpu.memory_space<hbm>>
      tpu.wait_dma2 semaphore(%run_scoped3A : memref<!tpu.dma_semaphore, #tpu.memory_space<semaphore_mem>>) src(%dma_wait3A_52 : memref<400xi32, #tpu.memory_space<hbm>>) dst(%arg12 : memref<400xi32, #tpu.memory_space<vmem>>)
      tpu.yield
    }) : () -> ()
    "tpu.region"() ({
      %run_scoped3A = tpu.sem_alloc : memref<!tpu.dma_semaphore, #tpu.memory_space<semaphore_mem>>
      %dma_start3A_49 = tpu.memref_slice %arg5[%add3A_16] : memref<320000xi32, #tpu.memory_space<hbm>> -> memref<400xi32, #tpu.memory_space<hbm>>
      %dma_start3A_50 = tpu.memref_slice %arg5[%add3A_16] : memref<320000xi32, #tpu.memory_space<hbm>> -> memref<400xi32, #tpu.memory_space<hbm>>
      tpu.enqueue_dma source(%dma_start3A_50 : memref<400xi32, #tpu.memory_space<hbm>>) target(%arg13 : memref<400xi32, #tpu.memory_space<vmem>>) target_semaphore(%run_scoped3A : memref<!tpu.dma_semaphore, #tpu.memory_space<semaphore_mem>>)
      %dma_wait3A_51 = tpu.memref_slice %arg5[%add3A_16] : memref<320000xi32, #tpu.memory_space<hbm>> -> memref<400xi32, #tpu.memory_space<hbm>>
      %dma_wait3A_52 = tpu.memref_slice %arg5[%add3A_16] : memref<320000xi32, #tpu.memory_space<hbm>> -> memref<400xi32, #tpu.memory_space<hbm>>
      tpu.wait_dma2 semaphore(%run_scoped3A : memref<!tpu.dma_semaphore, #tpu.memory_space<semaphore_mem>>) src(%dma_wait3A_52 : memref<400xi32, #tpu.memory_space<hbm>>) dst(%arg13 : memref<400xi32, #tpu.memory_space<vmem>>)
      tpu.yield
    }) : () -> ()
    %dma_start3A = arith.constant 0 : i32
    %dma_start3A_17 = arith.constant 0 : i32
    %dma_start3A_18 = tpu.memref_slice %arg2[%dma_start3A, %dma_start3A_17] : memref<10000x64xf32, #tpu.memory_space<hbm>> -> memref<10000x64xf32, #tpu.memory_space<hbm>>
    tpu.enqueue_indirect_dma source(%dma_start3A_18 : memref<10000x64xf32, #tpu.memory_space<hbm>>) target(%arg16 : memref<400x64xf32, #tpu.memory_space<vmem>>) offsets(%arg12 : memref<400xi32, #tpu.memory_space<vmem>>) semaphore(%arg18 : memref<!tpu.dma_semaphore, #tpu.memory_space<semaphore_mem>>)
    %dma_wait3A = arith.constant 0 : i32
    %dma_wait3A_19 = arith.constant 0 : i32
    %dma_wait3A_20 = tpu.memref_slice %arg2[%dma_wait3A, %dma_wait3A_19] : memref<10000x64xf32, #tpu.memory_space<hbm>> -> memref<10000x64xf32, #tpu.memory_space<hbm>>
    tpu.wait_indirect_dma semaphore(%arg18 : memref<!tpu.dma_semaphore, #tpu.memory_space<semaphore_mem>>) src(%dma_wait3A_20 : memref<10000x64xf32, #tpu.memory_space<hbm>>) dst(%arg16 : memref<400x64xf32, #tpu.memory_space<vmem>>)
    %dma_start3A_21 = arith.constant 0 : i32
    %dma_start3A_22 = arith.constant 0 : i32
    %dma_start3A_23 = tpu.memref_slice %arg3[%dma_start3A_21, %dma_start3A_22] : memref<10000x64xf32, #tpu.memory_space<hbm>> -> memref<10000x64xf32, #tpu.memory_space<hbm>>
    tpu.enqueue_indirect_dma source(%dma_start3A_23 : memref<10000x64xf32, #tpu.memory_space<hbm>>) target(%arg16 : memref<400x64xf32, #tpu.memory_space<vmem>>) offsets(%arg13 : memref<400xi32, #tpu.memory_space<vmem>>) semaphore(%arg20 : memref<!tpu.dma_semaphore, #tpu.memory_space<semaphore_mem>>) {add = true}
    "tpu.region"() ({
      %run_scoped3A = tpu.sem_alloc : memref<!tpu.dma_semaphore, #tpu.memory_space<semaphore_mem>>
      %dma_start3A_49 = arith.constant 0 : i32
      %dma_start3A_50 = tpu.memref_slice %arg9[%add3A_16, %dma_start3A_49] : memref<320000x16xf32, #tpu.memory_space<hbm>> -> memref<400x16xf32, #tpu.memory_space<hbm>>
      %dma_start3A_51 = arith.constant 0 : i32
      %dma_start3A_52 = tpu.memref_slice %arg9[%add3A_16, %dma_start3A_51] : memref<320000x16xf32, #tpu.memory_space<hbm>> -> memref<400x16xf32, #tpu.memory_space<hbm>>
      tpu.enqueue_dma source(%dma_start3A_52 : memref<400x16xf32, #tpu.memory_space<hbm>>) target(%arg28 : memref<400x16xf32, #tpu.memory_space<vmem>>) target_semaphore(%run_scoped3A : memref<!tpu.dma_semaphore, #tpu.memory_space<semaphore_mem>>)
      %dma_wait3A_53 = arith.constant 0 : i32
      %dma_wait3A_54 = tpu.memref_slice %arg9[%add3A_16, %dma_wait3A_53] : memref<320000x16xf32, #tpu.memory_space<hbm>> -> memref<400x16xf32, #tpu.memory_space<hbm>>
      %dma_wait3A_55 = arith.constant 0 : i32
      %dma_wait3A_56 = tpu.memref_slice %arg9[%add3A_16, %dma_wait3A_55] : memref<320000x16xf32, #tpu.memory_space<hbm>> -> memref<400x16xf32, #tpu.memory_space<hbm>>
      tpu.wait_dma2 semaphore(%run_scoped3A : memref<!tpu.dma_semaphore, #tpu.memory_space<semaphore_mem>>) src(%dma_wait3A_56 : memref<400x16xf32, #tpu.memory_space<hbm>>) dst(%arg28 : memref<400x16xf32, #tpu.memory_space<vmem>>)
      tpu.yield
    }) : () -> ()
    %scan3A_24 = arith.constant 0 : i32
    %scan3A_25 = arith.constant 0 : i32
    %scan3A_26 = arith.constant 25 : i32
    %scan3A_27 = arith.addi %scan3A_25, %scan3A_26 : i32
    %scan3A_28 = arith.constant 1 : i32
    scf.for %scan3A_49 = %scan3A_25 to %scan3A_27 step %scan3A_28  : i32 {
      %mul3A_50 = arith.constant 16 : i32
      %mul3A_51 = arith.muli %scan3A_49, %mul3A_50 : i32
      %get3A = arith.index_cast %mul3A_51 : i32 to index
      %get3A_52 = tpu.vector_load %arg12[%get3A] {strides = array<i32>} : memref<400xi32, #tpu.memory_space<vmem>>, vector<16xi32>,
      %mul3A_53 = arith.constant 16 : i32
      %mul3A_54 = arith.muli %scan3A_49, %mul3A_53 : i32
      %get3A_55 = arith.index_cast %mul3A_54 : i32 to index
      %get3A_56 = tpu.vector_load %arg13[%get3A_55] {strides = array<i32>} : memref<400xi32, #tpu.memory_space<vmem>>, vector<16xi32>,
      %gather3A = tpu.vector_load_idx %arg24[%get3A_52] : memref<10000xf32, #tpu.memory_space<vmem>>[vector<16xi32>], vector<16xf32>,
      %gather3A_57 = tpu.vector_load_idx %arg24[%get3A_56] : memref<10000xf32, #tpu.memory_space<vmem>>[vector<16xi32>], vector<16xf32>,
      %sub3A = arith.subf %gather3A, %gather3A_57 : vector<16xf32>
      %gather3A_58 = tpu.vector_load_idx %arg25[%get3A_52] : memref<10000xf32, #tpu.memory_space<vmem>>[vector<16xi32>], vector<16xf32>,
      %gather3A_59 = tpu.vector_load_idx %arg25[%get3A_56] : memref<10000xf32, #tpu.memory_space<vmem>>[vector<16xi32>], vector<16xf32>,
      %sub3A_60 = arith.subf %gather3A_58, %gather3A_59 : vector<16xf32>
      %gather3A_61 = tpu.vector_load_idx %arg26[%get3A_52] : memref<10000xf32, #tpu.memory_space<vmem>>[vector<16xi32>], vector<16xf32>,
      %gather3A_62 = tpu.vector_load_idx %arg26[%get3A_56] : memref<10000xf32, #tpu.memory_space<vmem>>[vector<16xi32>], vector<16xf32>,
      %sub3A_63 = arith.subf %gather3A_61, %gather3A_62 : vector<16xf32>
      %mul3A_64 = arith.mulf %sub3A, %sub3A : vector<16xf32>
      %mul3A_65 = arith.mulf %sub3A_60, %sub3A_60 : vector<16xf32>
      %add3A_66 = arith.addf %mul3A_64, %mul3A_65 : vector<16xf32>
      %mul3A_67 = arith.mulf %sub3A_63, %sub3A_63 : vector<16xf32>
      %add3A_68 = arith.addf %add3A_66, %mul3A_67 : vector<16xf32>
      %iota3A = tpu.iota {dimensions = array<i32: 0>} : vector<16xi32>
      %mul3A_69 = arith.constant 1024 : i32
      %mul3A_70 = arith.muli %scan3A_49, %mul3A_69 : i32
      %mul3A_71 = arith.constant 64 : i32
      %mul3A_72 = vector.broadcast %mul3A_71 : i32 to vector<16xi32>
      %mul3A_73 = arith.muli %iota3A, %mul3A_72 : vector<16xi32>
      %add3A_74 = vector.broadcast %mul3A_70 : i32 to vector<16xi32>
      %add3A_75 = arith.addi %add3A_74, %mul3A_73 : vector<16xi32>
      tpu.vector_store_idx %arg27[%add3A_75], %add3A_68 : memref<25600xf32, #tpu.memory_space<vmem>>[vector<16xi32>], vector<16xf32>,
      %add3A_76 = arith.constant 1 : i32
      %add3A_77 = vector.broadcast %add3A_76 : i32 to vector<16xi32>
      %add3A_78 = arith.addi %add3A_75, %add3A_77 : vector<16xi32>
      tpu.vector_store_idx %arg27[%add3A_78], %sub3A : memref<25600xf32, #tpu.memory_space<vmem>>[vector<16xi32>], vector<16xf32>,
      %add3A_79 = arith.constant 2 : i32
      %add3A_80 = vector.broadcast %add3A_79 : i32 to vector<16xi32>
      %add3A_81 = arith.addi %add3A_75, %add3A_80 : vector<16xi32>
      tpu.vector_store_idx %arg27[%add3A_81], %sub3A_60 : memref<25600xf32, #tpu.memory_space<vmem>>[vector<16xi32>], vector<16xf32>,
      %add3A_82 = arith.constant 3 : i32
      %add3A_83 = vector.broadcast %add3A_82 : i32 to vector<16xi32>
      %add3A_84 = arith.addi %add3A_75, %add3A_83 : vector<16xi32>
      tpu.vector_store_idx %arg27[%add3A_84], %sub3A_63 : memref<25600xf32, #tpu.memory_space<vmem>>[vector<16xi32>], vector<16xf32>,
    }
    %scan3A_29 = arith.constant 25 : i32
    %scan3A_30 = arith.constant 0 : i32
    %scan3A_31 = arith.constant 0 : i32
    %scan3A_32 = arith.constant 400 : i32
    %scan3A_33 = arith.addi %scan3A_31, %scan3A_32 : i32
    %scan3A_34 = arith.constant 1 : i32
    scf.for %scan3A_49 = %scan3A_31 to %scan3A_33 step %scan3A_34  : i32 {
      %get3A = arith.index_cast %scan3A_49 : i32 to index
      %get3A_50 = arith.constant 0 : index
      %get3A_51 = tpu.vector_load %arg28[%get3A, %get3A_50] {strides = array<i32>} : memref<400x16xf32, #tpu.memory_space<vmem>>, vector<16xf32>,
      %mul3A_52 = arith.constant 64 : i32
      %mul3A_53 = arith.muli %scan3A_49, %mul3A_52 : i32
      %add3A_54 = arith.constant 4 : i32
      %add3A_55 = arith.addi %mul3A_53, %add3A_54 : i32
      %swap3A = arith.index_cast %add3A_55 : i32 to index
      %swap3A_56 = tpu.vector_load %arg27[%swap3A] {strides = array<i32>} : memref<25600xf32, #tpu.memory_space<vmem>>, vector<16xf32>,
      tpu.vector_store %arg27[%swap3A], %get3A_51 {strides = array<i32>} : memref<25600xf32, #tpu.memory_space<vmem>>, vector<16xf32>,
    }
    %scan3A_35 = arith.constant 400 : i32
    %dma_wait3A_36 = arith.constant 0 : i32
    %dma_wait3A_37 = arith.constant 0 : i32
    %dma_wait3A_38 = tpu.memref_slice %arg3[%dma_wait3A_36, %dma_wait3A_37] : memref<10000x64xf32, #tpu.memory_space<hbm>> -> memref<10000x64xf32, #tpu.memory_space<hbm>>
    tpu.wait_indirect_dma semaphore(%arg20 : memref<!tpu.dma_semaphore, #tpu.memory_space<semaphore_mem>>) src(%dma_wait3A_38 : memref<10000x64xf32, #tpu.memory_space<hbm>>) dst(%arg16 : memref<400x64xf32, #tpu.memory_space<vmem>>)
    %dma_start3A_39 = arith.constant 0 : i32
    %dma_start3A_40 = tpu.memref_slice %arg10[%add3A_16, %dma_start3A_39] : memref<320000x64xf32, #tpu.memory_space<hbm>> -> memref<400x64xf32, #tpu.memory_space<hbm>>
    %dma_start3A_41 = arith.constant 0 : i32
    %dma_start3A_42 = tpu.memref_slice %arg10[%add3A_16, %dma_start3A_41] : memref<320000x64xf32, #tpu.memory_space<hbm>> -> memref<400x64xf32, #tpu.memory_space<hbm>>
    tpu.enqueue_dma source(%arg16 : memref<400x64xf32, #tpu.memory_space<vmem>>) target(%dma_start3A_42 : memref<400x64xf32, #tpu.memory_space<hbm>>) target_semaphore(%arg22 : memref<!tpu.dma_semaphore, #tpu.memory_space<semaphore_mem>>)
    %mul3A_43 = arith.constant 64 : i32
    %mul3A_44 = arith.muli %add3A_16, %mul3A_43 : i32
    "tpu.region"() ({
      %run_scoped3A = tpu.sem_alloc : memref<!tpu.dma_semaphore, #tpu.memory_space<semaphore_mem>>
      %dma_start3A_49 = tpu.memref_slice %arg11[%mul3A_44] : memref<20480000xf32, #tpu.memory_space<hbm>> -> memref<25600xf32, #tpu.memory_space<hbm>>
      %dma_start3A_50 = tpu.memref_slice %arg11[%mul3A_44] : memref<20480000xf32, #tpu.memory_space<hbm>> -> memref<25600xf32, #tpu.memory_space<hbm>>
      tpu.enqueue_dma source(%arg27 : memref<25600xf32, #tpu.memory_space<vmem>>) target(%dma_start3A_50 : memref<25600xf32, #tpu.memory_space<hbm>>) target_semaphore(%run_scoped3A : memref<!tpu.dma_semaphore, #tpu.memory_space<semaphore_mem>>)
      %dma_wait3A_51 = tpu.memref_slice %arg11[%mul3A_44] : memref<20480000xf32, #tpu.memory_space<hbm>> -> memref<25600xf32, #tpu.memory_space<hbm>>
      %dma_wait3A_52 = tpu.memref_slice %arg11[%mul3A_44] : memref<20480000xf32, #tpu.memory_space<hbm>> -> memref<25600xf32, #tpu.memory_space<hbm>>
      tpu.wait_dma2 semaphore(%run_scoped3A : memref<!tpu.dma_semaphore, #tpu.memory_space<semaphore_mem>>) src(%arg27 : memref<25600xf32, #tpu.memory_space<vmem>>) dst(%dma_wait3A_52 : memref<25600xf32, #tpu.memory_space<hbm>>)
      tpu.yield
    }) : () -> ()
    %dma_wait3A_45 = arith.constant 0 : i32
    %dma_wait3A_46 = tpu.memref_slice %arg10[%add3A_16, %dma_wait3A_45] : memref<320000x64xf32, #tpu.memory_space<hbm>> -> memref<400x64xf32, #tpu.memory_space<hbm>>
    %dma_wait3A_47 = arith.constant 0 : i32
    %dma_wait3A_48 = tpu.memref_slice %arg10[%add3A_16, %dma_wait3A_47] : memref<320000x64xf32, #tpu.memory_space<hbm>> -> memref<400x64xf32, #tpu.memory_space<hbm>>
    tpu.wait_dma2 semaphore(%arg22 : memref<!tpu.dma_semaphore, #tpu.memory_space<semaphore_mem>>) src(%arg16 : memref<400x64xf32, #tpu.memory_space<vmem>>) dst(%dma_wait3A_48 : memref<400x64xf32, #tpu.memory_space<hbm>>)
    return
  }
}

#map = affine_map<(d0, d1) -> (0, 0)>
#map1 = affine_map<(d0, d1) -> (0)>
module attributes {stable_mosaic.version = 14 : i64} {
  func.func @k(%arg0: i32, %arg1: i32, %arg2: memref<320000x64xf32, #tpu.memory_space<hbm>>, %arg3: memref<320000xi32, #tpu.memory_space<hbm>>, %arg4: memref<10000x64xf32, #tpu.memory_space<hbm>>, %arg5: memref<20000x64xf32, #tpu.memory_space<hbm>>, %arg6: memref<400xi32, #tpu.memory_space<vmem>>, %arg7: memref<400xi32, #tpu.memory_space<vmem>>, %arg8: memref<400x64xf32, #tpu.memory_space<vmem>>, %arg9: memref<400x64xf32, #tpu.memory_space<vmem>>, %arg10: memref<10000x64xf32, #tpu.memory_space<vmem_shared>>, %arg11: memref<!tpu.dma_semaphore, #tpu.memory_space<semaphore_mem>>, %arg12: memref<!tpu.dma_semaphore, #tpu.memory_space<semaphore_mem>>, %arg13: memref<!tpu.dma_semaphore, #tpu.memory_space<semaphore_mem>>, %arg14: memref<!tpu.dma_semaphore, #tpu.memory_space<semaphore_mem>>) attributes {dimension_semantics = [#tpu.dimension_semantics<core_parallel>, #tpu.dimension_semantics<subcore_parallel>], iteration_bounds = array<i64: 2, 16>, scalar_prefetch = 0 : i64, scratch_operands = 9 : i64, tpu.core_type = #tpu.core_type<sc_vector_subcore>, window_params = [{transform_indices = #map}, {transform_indices = #map1}, {transform_indices = #map}, {transform_indices = #map}]} {
    %mul3A = arith.constant 2 : i32
    %mul3A_0 = arith.muli %arg1, %mul3A : i32
    %add3A = arith.addi %mul3A_0, %arg0 : i32
    %mul3A_1 = arith.constant 625 : i32
    %mul3A_2 = arith.muli %arg1, %mul3A_1 : i32
    %mul3A_3 = arith.constant 625 : i32
    %mul3A_4 = arith.muli %arg1, %mul3A_3 : i32
    "tpu.region"() ({
      %run_scoped3A = tpu.sem_alloc : memref<!tpu.dma_semaphore, #tpu.memory_space<semaphore_mem>>
      %dma_start3A = arith.constant 0 : i32
      %dma_start3A_22 = tpu.memref_slice %arg10[%mul3A_4, %dma_start3A] : memref<10000x64xf32, #tpu.memory_space<vmem_shared>> -> memref<625x64xf32, #tpu.memory_space<vmem_shared>>
      %dma_start3A_23 = arith.constant 0 : i32
      %dma_start3A_24 = tpu.memref_slice %arg4[%mul3A_2, %dma_start3A_23] : memref<10000x64xf32, #tpu.memory_space<hbm>> -> memref<625x64xf32, #tpu.memory_space<hbm>>
      tpu.enqueue_dma source(%dma_start3A_24 : memref<625x64xf32, #tpu.memory_space<hbm>>) target(%dma_start3A_22 : memref<625x64xf32, #tpu.memory_space<vmem_shared>>) target_semaphore(%run_scoped3A : memref<!tpu.dma_semaphore, #tpu.memory_space<semaphore_mem>>)
      %dma_wait3A = arith.constant 0 : i32
      %dma_wait3A_25 = tpu.memref_slice %arg10[%mul3A_4, %dma_wait3A] : memref<10000x64xf32, #tpu.memory_space<vmem_shared>> -> memref<625x64xf32, #tpu.memory_space<vmem_shared>>
      %dma_wait3A_26 = arith.constant 0 : i32
      %dma_wait3A_27 = tpu.memref_slice %arg4[%mul3A_2, %dma_wait3A_26] : memref<10000x64xf32, #tpu.memory_space<hbm>> -> memref<625x64xf32, #tpu.memory_space<hbm>>
      tpu.wait_dma2 semaphore(%run_scoped3A : memref<!tpu.dma_semaphore, #tpu.memory_space<semaphore_mem>>) src(%dma_wait3A_27 : memref<625x64xf32, #tpu.memory_space<hbm>>) dst(%dma_wait3A_25 : memref<625x64xf32, #tpu.memory_space<vmem_shared>>)
      tpu.yield
    }) : () -> ()
    %barrier3A = arith.constant 0 : index
    tpu.barrier barrier_id(%barrier3A)
    %mul3A_5 = arith.constant 10000 : i32
    %mul3A_6 = arith.muli %add3A, %mul3A_5 : i32
    %scan3A = arith.constant 0 : i32
    %scan3A_7 = arith.constant 0 : i32
    %scan3A_8 = arith.constant 12 : i32
    %scan3A_9 = arith.addi %scan3A_7, %scan3A_8 : i32
    %scan3A_10 = arith.constant 1 : i32
    scf.for %scan3A_22 = %scan3A_7 to %scan3A_9 step %scan3A_10  : i32 {
      %mul3A_23 = arith.constant 2 : i32
      %mul3A_24 = arith.muli %scan3A_22, %mul3A_23 : i32
      %mul3A_25 = arith.constant 400 : i32
      %mul3A_26 = arith.muli %mul3A_24, %mul3A_25 : i32
      %add3A_27 = arith.addi %mul3A_6, %mul3A_26 : i32
      %add3A_28 = arith.constant 400 : i32
      %add3A_29 = arith.addi %add3A_27, %add3A_28 : i32
      "tpu.region"() ({
        %run_scoped3A = tpu.sem_alloc : memref<!tpu.dma_semaphore, #tpu.memory_space<semaphore_mem>>
        %dma_start3A_56 = tpu.memref_slice %arg3[%add3A_27] : memref<320000xi32, #tpu.memory_space<hbm>> -> memref<400xi32, #tpu.memory_space<hbm>>
        %dma_start3A_57 = tpu.memref_slice %arg3[%add3A_27] : memref<320000xi32, #tpu.memory_space<hbm>> -> memref<400xi32, #tpu.memory_space<hbm>>
        tpu.enqueue_dma source(%dma_start3A_57 : memref<400xi32, #tpu.memory_space<hbm>>) target(%arg6 : memref<400xi32, #tpu.memory_space<vmem>>) target_semaphore(%run_scoped3A : memref<!tpu.dma_semaphore, #tpu.memory_space<semaphore_mem>>)
        %dma_wait3A_58 = tpu.memref_slice %arg3[%add3A_27] : memref<320000xi32, #tpu.memory_space<hbm>> -> memref<400xi32, #tpu.memory_space<hbm>>
        %dma_wait3A_59 = tpu.memref_slice %arg3[%add3A_27] : memref<320000xi32, #tpu.memory_space<hbm>> -> memref<400xi32, #tpu.memory_space<hbm>>
        tpu.wait_dma2 semaphore(%run_scoped3A : memref<!tpu.dma_semaphore, #tpu.memory_space<semaphore_mem>>) src(%dma_wait3A_59 : memref<400xi32, #tpu.memory_space<hbm>>) dst(%arg6 : memref<400xi32, #tpu.memory_space<vmem>>)
        tpu.yield
      }) : () -> ()
      "tpu.region"() ({
        %run_scoped3A = tpu.sem_alloc : memref<!tpu.dma_semaphore, #tpu.memory_space<semaphore_mem>>
        %dma_start3A_56 = tpu.memref_slice %arg3[%add3A_29] : memref<320000xi32, #tpu.memory_space<hbm>> -> memref<400xi32, #tpu.memory_space<hbm>>
        %dma_start3A_57 = tpu.memref_slice %arg3[%add3A_29] : memref<320000xi32, #tpu.memory_space<hbm>> -> memref<400xi32, #tpu.memory_space<hbm>>
        tpu.enqueue_dma source(%dma_start3A_57 : memref<400xi32, #tpu.memory_space<hbm>>) target(%arg7 : memref<400xi32, #tpu.memory_space<vmem>>) target_semaphore(%run_scoped3A : memref<!tpu.dma_semaphore, #tpu.memory_space<semaphore_mem>>)
        %dma_wait3A_58 = tpu.memref_slice %arg3[%add3A_29] : memref<320000xi32, #tpu.memory_space<hbm>> -> memref<400xi32, #tpu.memory_space<hbm>>
        %dma_wait3A_59 = tpu.memref_slice %arg3[%add3A_29] : memref<320000xi32, #tpu.memory_space<hbm>> -> memref<400xi32, #tpu.memory_space<hbm>>
        tpu.wait_dma2 semaphore(%run_scoped3A : memref<!tpu.dma_semaphore, #tpu.memory_space<semaphore_mem>>) src(%dma_wait3A_59 : memref<400xi32, #tpu.memory_space<hbm>>) dst(%arg7 : memref<400xi32, #tpu.memory_space<vmem>>)
        tpu.yield
      }) : () -> ()
      %dma_start3A = arith.constant 0 : i32
      %dma_start3A_30 = tpu.memref_slice %arg2[%add3A_27, %dma_start3A] : memref<320000x64xf32, #tpu.memory_space<hbm>> -> memref<400x64xf32, #tpu.memory_space<hbm>>
      %dma_start3A_31 = arith.constant 0 : i32
      %dma_start3A_32 = tpu.memref_slice %arg2[%add3A_27, %dma_start3A_31] : memref<320000x64xf32, #tpu.memory_space<hbm>> -> memref<400x64xf32, #tpu.memory_space<hbm>>
      tpu.enqueue_dma source(%dma_start3A_32 : memref<400x64xf32, #tpu.memory_space<hbm>>) target(%arg8 : memref<400x64xf32, #tpu.memory_space<vmem>>) target_semaphore(%arg11 : memref<!tpu.dma_semaphore, #tpu.memory_space<semaphore_mem>>)
      %dma_start3A_33 = arith.constant 0 : i32
      %dma_start3A_34 = tpu.memref_slice %arg2[%add3A_29, %dma_start3A_33] : memref<320000x64xf32, #tpu.memory_space<hbm>> -> memref<400x64xf32, #tpu.memory_space<hbm>>
      %dma_start3A_35 = arith.constant 0 : i32
      %dma_start3A_36 = tpu.memref_slice %arg2[%add3A_29, %dma_start3A_35] : memref<320000x64xf32, #tpu.memory_space<hbm>> -> memref<400x64xf32, #tpu.memory_space<hbm>>
      tpu.enqueue_dma source(%dma_start3A_36 : memref<400x64xf32, #tpu.memory_space<hbm>>) target(%arg9 : memref<400x64xf32, #tpu.memory_space<vmem>>) target_semaphore(%arg12 : memref<!tpu.dma_semaphore, #tpu.memory_space<semaphore_mem>>)
      %dma_wait3A = arith.constant 0 : i32
      %dma_wait3A_37 = tpu.memref_slice %arg2[%add3A_27, %dma_wait3A] : memref<320000x64xf32, #tpu.memory_space<hbm>> -> memref<400x64xf32, #tpu.memory_space<hbm>>
      %dma_wait3A_38 = arith.constant 0 : i32
      %dma_wait3A_39 = tpu.memref_slice %arg2[%add3A_27, %dma_wait3A_38] : memref<320000x64xf32, #tpu.memory_space<hbm>> -> memref<400x64xf32, #tpu.memory_space<hbm>>
      tpu.wait_dma2 semaphore(%arg11 : memref<!tpu.dma_semaphore, #tpu.memory_space<semaphore_mem>>) src(%dma_wait3A_39 : memref<400x64xf32, #tpu.memory_space<hbm>>) dst(%arg8 : memref<400x64xf32, #tpu.memory_space<vmem>>)
      %dma_start3A_40 = arith.constant 0 : i32
      %dma_start3A_41 = arith.constant 0 : i32
      %dma_start3A_42 = tpu.memref_slice %arg10[%dma_start3A_40, %dma_start3A_41] : memref<10000x64xf32, #tpu.memory_space<vmem_shared>> -> memref<10000x64xf32, #tpu.memory_space<vmem_shared>>
      tpu.enqueue_indirect_dma source(%arg8 : memref<400x64xf32, #tpu.memory_space<vmem>>) target(%dma_start3A_42 : memref<10000x64xf32, #tpu.memory_space<vmem_shared>>) offsets(%arg6 : memref<400xi32, #tpu.memory_space<vmem>>) semaphore(%arg13 : memref<!tpu.dma_semaphore, #tpu.memory_space<semaphore_mem>>) {add = true}
      %dma_wait3A_43 = arith.constant 0 : i32
      %dma_wait3A_44 = tpu.memref_slice %arg2[%add3A_29, %dma_wait3A_43] : memref<320000x64xf32, #tpu.memory_space<hbm>> -> memref<400x64xf32, #tpu.memory_space<hbm>>
      %dma_wait3A_45 = arith.constant 0 : i32
      %dma_wait3A_46 = tpu.memref_slice %arg2[%add3A_29, %dma_wait3A_45] : memref<320000x64xf32, #tpu.memory_space<hbm>> -> memref<400x64xf32, #tpu.memory_space<hbm>>
      tpu.wait_dma2 semaphore(%arg12 : memref<!tpu.dma_semaphore, #tpu.memory_space<semaphore_mem>>) src(%dma_wait3A_46 : memref<400x64xf32, #tpu.memory_space<hbm>>) dst(%arg9 : memref<400x64xf32, #tpu.memory_space<vmem>>)
      %dma_start3A_47 = arith.constant 0 : i32
      %dma_start3A_48 = arith.constant 0 : i32
      %dma_start3A_49 = tpu.memref_slice %arg10[%dma_start3A_47, %dma_start3A_48] : memref<10000x64xf32, #tpu.memory_space<vmem_shared>> -> memref<10000x64xf32, #tpu.memory_space<vmem_shared>>
      tpu.enqueue_indirect_dma source(%arg9 : memref<400x64xf32, #tpu.memory_space<vmem>>) target(%dma_start3A_49 : memref<10000x64xf32, #tpu.memory_space<vmem_shared>>) offsets(%arg7 : memref<400xi32, #tpu.memory_space<vmem>>) semaphore(%arg14 : memref<!tpu.dma_semaphore, #tpu.memory_space<semaphore_mem>>) {add = true}
      %dma_wait3A_50 = arith.constant 0 : i32
      %dma_wait3A_51 = arith.constant 0 : i32
      %dma_wait3A_52 = tpu.memref_slice %arg10[%dma_wait3A_50, %dma_wait3A_51] : memref<10000x64xf32, #tpu.memory_space<vmem_shared>> -> memref<10000x64xf32, #tpu.memory_space<vmem_shared>>
      tpu.wait_indirect_dma semaphore(%arg13 : memref<!tpu.dma_semaphore, #tpu.memory_space<semaphore_mem>>) src(%arg8 : memref<400x64xf32, #tpu.memory_space<vmem>>) dst(%dma_wait3A_52 : memref<10000x64xf32, #tpu.memory_space<vmem_shared>>)
      %dma_wait3A_53 = arith.constant 0 : i32
      %dma_wait3A_54 = arith.constant 0 : i32
      %dma_wait3A_55 = tpu.memref_slice %arg10[%dma_wait3A_53, %dma_wait3A_54] : memref<10000x64xf32, #tpu.memory_space<vmem_shared>> -> memref<10000x64xf32, #tpu.memory_space<vmem_shared>>
      tpu.wait_indirect_dma semaphore(%arg14 : memref<!tpu.dma_semaphore, #tpu.memory_space<semaphore_mem>>) src(%arg9 : memref<400x64xf32, #tpu.memory_space<vmem>>) dst(%dma_wait3A_55 : memref<10000x64xf32, #tpu.memory_space<vmem_shared>>)
    }
    %scan3A_11 = arith.constant 12 : i32
    %add3A_12 = arith.constant 9600 : i32
    %add3A_13 = arith.addi %mul3A_6, %add3A_12 : i32
    "tpu.region"() ({
      %run_scoped3A = tpu.sem_alloc : memref<!tpu.dma_semaphore, #tpu.memory_space<semaphore_mem>>
      %dma_start3A = tpu.memref_slice %arg3[%add3A_13] : memref<320000xi32, #tpu.memory_space<hbm>> -> memref<400xi32, #tpu.memory_space<hbm>>
      %dma_start3A_22 = tpu.memref_slice %arg3[%add3A_13] : memref<320000xi32, #tpu.memory_space<hbm>> -> memref<400xi32, #tpu.memory_space<hbm>>
      tpu.enqueue_dma source(%dma_start3A_22 : memref<400xi32, #tpu.memory_space<hbm>>) target(%arg6 : memref<400xi32, #tpu.memory_space<vmem>>) target_semaphore(%run_scoped3A : memref<!tpu.dma_semaphore, #tpu.memory_space<semaphore_mem>>)
      %dma_wait3A = tpu.memref_slice %arg3[%add3A_13] : memref<320000xi32, #tpu.memory_space<hbm>> -> memref<400xi32, #tpu.memory_space<hbm>>
      %dma_wait3A_23 = tpu.memref_slice %arg3[%add3A_13] : memref<320000xi32, #tpu.memory_space<hbm>> -> memref<400xi32, #tpu.memory_space<hbm>>
      tpu.wait_dma2 semaphore(%run_scoped3A : memref<!tpu.dma_semaphore, #tpu.memory_space<semaphore_mem>>) src(%dma_wait3A_23 : memref<400xi32, #tpu.memory_space<hbm>>) dst(%arg6 : memref<400xi32, #tpu.memory_space<vmem>>)
      tpu.yield
    }) : () -> ()
    "tpu.region"() ({
      %run_scoped3A = tpu.sem_alloc : memref<!tpu.dma_semaphore, #tpu.memory_space<semaphore_mem>>
      %dma_start3A = arith.constant 0 : i32
      %dma_start3A_22 = tpu.memref_slice %arg2[%add3A_13, %dma_start3A] : memref<320000x64xf32, #tpu.memory_space<hbm>> -> memref<400x64xf32, #tpu.memory_space<hbm>>
      %dma_start3A_23 = arith.constant 0 : i32
      %dma_start3A_24 = tpu.memref_slice %arg2[%add3A_13, %dma_start3A_23] : memref<320000x64xf32, #tpu.memory_space<hbm>> -> memref<400x64xf32, #tpu.memory_space<hbm>>
      tpu.enqueue_dma source(%dma_start3A_24 : memref<400x64xf32, #tpu.memory_space<hbm>>) target(%arg8 : memref<400x64xf32, #tpu.memory_space<vmem>>) target_semaphore(%run_scoped3A : memref<!tpu.dma_semaphore, #tpu.memory_space<semaphore_mem>>)
      %dma_wait3A = arith.constant 0 : i32
      %dma_wait3A_25 = tpu.memref_slice %arg2[%add3A_13, %dma_wait3A] : memref<320000x64xf32, #tpu.memory_space<hbm>> -> memref<400x64xf32, #tpu.memory_space<hbm>>
      %dma_wait3A_26 = arith.constant 0 : i32
      %dma_wait3A_27 = tpu.memref_slice %arg2[%add3A_13, %dma_wait3A_26] : memref<320000x64xf32, #tpu.memory_space<hbm>> -> memref<400x64xf32, #tpu.memory_space<hbm>>
      tpu.wait_dma2 semaphore(%run_scoped3A : memref<!tpu.dma_semaphore, #tpu.memory_space<semaphore_mem>>) src(%dma_wait3A_27 : memref<400x64xf32, #tpu.memory_space<hbm>>) dst(%arg8 : memref<400x64xf32, #tpu.memory_space<vmem>>)
      tpu.yield
    }) : () -> ()
    "tpu.region"() ({
      %run_scoped3A = tpu.sem_alloc : memref<!tpu.dma_semaphore, #tpu.memory_space<semaphore_mem>>
      %dma_start3A = arith.constant 0 : i32
      %dma_start3A_22 = arith.constant 0 : i32
      %dma_start3A_23 = tpu.memref_slice %arg10[%dma_start3A, %dma_start3A_22] : memref<10000x64xf32, #tpu.memory_space<vmem_shared>> -> memref<10000x64xf32, #tpu.memory_space<vmem_shared>>
      tpu.enqueue_indirect_dma source(%arg8 : memref<400x64xf32, #tpu.memory_space<vmem>>) target(%dma_start3A_23 : memref<10000x64xf32, #tpu.memory_space<vmem_shared>>) offsets(%arg6 : memref<400xi32, #tpu.memory_space<vmem>>) semaphore(%run_scoped3A : memref<!tpu.dma_semaphore, #tpu.memory_space<semaphore_mem>>) {add = true}
      %dma_wait3A = arith.constant 0 : i32
      %dma_wait3A_24 = arith.constant 0 : i32
      %dma_wait3A_25 = tpu.memref_slice %arg10[%dma_wait3A, %dma_wait3A_24] : memref<10000x64xf32, #tpu.memory_space<vmem_shared>> -> memref<10000x64xf32, #tpu.memory_space<vmem_shared>>
      tpu.wait_indirect_dma semaphore(%run_scoped3A : memref<!tpu.dma_semaphore, #tpu.memory_space<semaphore_mem>>) src(%arg8 : memref<400x64xf32, #tpu.memory_space<vmem>>) dst(%dma_wait3A_25 : memref<10000x64xf32, #tpu.memory_space<vmem_shared>>)
      tpu.yield
    }) : () -> ()
    %barrier3A_14 = arith.constant 0 : index
    tpu.barrier barrier_id(%barrier3A_14)
    %mul3A_15 = arith.constant 625 : i32
    %mul3A_16 = arith.muli %arg1, %mul3A_15 : i32
    %mul3A_17 = arith.constant 10000 : i32
    %mul3A_18 = arith.muli %arg0, %mul3A_17 : i32
    %mul3A_19 = arith.constant 625 : i32
    %mul3A_20 = arith.muli %arg1, %mul3A_19 : i32
    %add3A_21 = arith.addi %mul3A_18, %mul3A_20 : i32
    "tpu.region"() ({
      %run_scoped3A = tpu.sem_alloc : memref<!tpu.dma_semaphore, #tpu.memory_space<semaphore_mem>>
      %dma_start3A = arith.constant 0 : i32
      %dma_start3A_22 = tpu.memref_slice %arg5[%add3A_21, %dma_start3A] : memref<20000x64xf32, #tpu.memory_space<hbm>> -> memref<625x64xf32, #tpu.memory_space<hbm>>
      %dma_start3A_23 = arith.constant 0 : i32
      %dma_start3A_24 = tpu.memref_slice %arg10[%mul3A_16, %dma_start3A_23] : memref<10000x64xf32, #tpu.memory_space<vmem_shared>> -> memref<625x64xf32, #tpu.memory_space<vmem_shared>>
      tpu.enqueue_dma source(%dma_start3A_24 : memref<625x64xf32, #tpu.memory_space<vmem_shared>>) target(%dma_start3A_22 : memref<625x64xf32, #tpu.memory_space<hbm>>) target_semaphore(%run_scoped3A : memref<!tpu.dma_semaphore, #tpu.memory_space<semaphore_mem>>)
      %dma_wait3A = arith.constant 0 : i32
      %dma_wait3A_25 = tpu.memref_slice %arg5[%add3A_21, %dma_wait3A] : memref<20000x64xf32, #tpu.memory_space<hbm>> -> memref<625x64xf32, #tpu.memory_space<hbm>>
      %dma_wait3A_26 = arith.constant 0 : i32
      %dma_wait3A_27 = tpu.memref_slice %arg10[%mul3A_16, %dma_wait3A_26] : memref<10000x64xf32, #tpu.memory_space<vmem_shared>> -> memref<625x64xf32, #tpu.memory_space<vmem_shared>>
      tpu.wait_dma2 semaphore(%run_scoped3A : memref<!tpu.dma_semaphore, #tpu.memory_space<semaphore_mem>>) src(%dma_wait3A_27 : memref<625x64xf32, #tpu.memory_space<vmem_shared>>) dst(%dma_wait3A_25 : memref<625x64xf32, #tpu.memory_space<hbm>>)
      tpu.yield
    }) : () -> ()
    return
  }
}

#map = affine_map<(d0, d1) -> (0, 0)>
#map1 = affine_map<(d0, d1) -> (0)>
module attributes {stable_mosaic.version = 14 : i64} {
  func.func @k(%arg0: i32, %arg1: i32, %arg2: memref<10000x64xf32, #tpu.memory_space<hbm>>, %arg3: memref<10000x64xf32, #tpu.memory_space<hbm>>, %arg4: memref<320000xi32, #tpu.memory_space<hbm>>, %arg5: memref<320000xi32, #tpu.memory_space<hbm>>, %arg6: memref<10000xf32, #tpu.memory_space<hbm>>, %arg7: memref<10000xf32, #tpu.memory_space<hbm>>, %arg8: memref<10000xf32, #tpu.memory_space<hbm>>, %arg9: memref<320000x64xf32, #tpu.memory_space<hbm>>, %arg10: memref<20480000xf32, #tpu.memory_space<hbm>>, %arg11: memref<400xi32, #tpu.memory_space<vmem>>, %arg12: memref<400xi32, #tpu.memory_space<vmem>>, %arg13: memref<400xi32, #tpu.memory_space<vmem>>, %arg14: memref<400xi32, #tpu.memory_space<vmem>>, %arg15: memref<400x64xf32, #tpu.memory_space<vmem>>, %arg16: memref<400x64xf32, #tpu.memory_space<vmem>>, %arg17: memref<!tpu.dma_semaphore, #tpu.memory_space<semaphore_mem>>, %arg18: memref<!tpu.dma_semaphore, #tpu.memory_space<semaphore_mem>>, %arg19: memref<!tpu.dma_semaphore, #tpu.memory_space<semaphore_mem>>, %arg20: memref<!tpu.dma_semaphore, #tpu.memory_space<semaphore_mem>>, %arg21: memref<!tpu.dma_semaphore, #tpu.memory_space<semaphore_mem>>, %arg22: memref<!tpu.dma_semaphore, #tpu.memory_space<semaphore_mem>>, %arg23: memref<10000xf32, #tpu.memory_space<vmem>>, %arg24: memref<10000xf32, #tpu.memory_space<vmem>>, %arg25: memref<10000xf32, #tpu.memory_space<vmem>>, %arg26: memref<25600xf32, #tpu.memory_space<vmem>>) attributes {dimension_semantics = [#tpu.dimension_semantics<core_parallel>, #tpu.dimension_semantics<subcore_parallel>], iteration_bounds = array<i64: 2, 16>, scalar_prefetch = 0 : i64, scratch_operands = 16 : i64, tpu.core_type = #tpu.core_type<sc_vector_subcore>, window_params = [{transform_indices = #map}, {transform_indices = #map}, {transform_indices = #map1}, {transform_indices = #map1}, {transform_indices = #map1}, {transform_indices = #map1}, {transform_indices = #map1}, {transform_indices = #map}, {transform_indices = #map1}]} {
    %mul3A = arith.constant 2 : i32
    %mul3A_0 = arith.muli %arg1, %mul3A : i32
    %add3A = arith.addi %mul3A_0, %arg0 : i32
    %mul3A_1 = arith.constant 10000 : i32
    %mul3A_2 = arith.muli %add3A, %mul3A_1 : i32
    "tpu.region"() ({
      %run_scoped3A = tpu.sem_alloc : memref<!tpu.dma_semaphore, #tpu.memory_space<semaphore_mem>>
      tpu.enqueue_dma source(%arg6 : memref<10000xf32, #tpu.memory_space<hbm>>) target(%arg23 : memref<10000xf32, #tpu.memory_space<vmem>>) target_semaphore(%run_scoped3A : memref<!tpu.dma_semaphore, #tpu.memory_space<semaphore_mem>>)
      tpu.wait_dma2 semaphore(%run_scoped3A : memref<!tpu.dma_semaphore, #tpu.memory_space<semaphore_mem>>) src(%arg6 : memref<10000xf32, #tpu.memory_space<hbm>>) dst(%arg23 : memref<10000xf32, #tpu.memory_space<vmem>>)
      tpu.yield
    }) : () -> ()
    "tpu.region"() ({
      %run_scoped3A = tpu.sem_alloc : memref<!tpu.dma_semaphore, #tpu.memory_space<semaphore_mem>>
      tpu.enqueue_dma source(%arg7 : memref<10000xf32, #tpu.memory_space<hbm>>) target(%arg24 : memref<10000xf32, #tpu.memory_space<vmem>>) target_semaphore(%run_scoped3A : memref<!tpu.dma_semaphore, #tpu.memory_space<semaphore_mem>>)
      tpu.wait_dma2 semaphore(%run_scoped3A : memref<!tpu.dma_semaphore, #tpu.memory_space<semaphore_mem>>) src(%arg7 : memref<10000xf32, #tpu.memory_space<hbm>>) dst(%arg24 : memref<10000xf32, #tpu.memory_space<vmem>>)
      tpu.yield
    }) : () -> ()
    "tpu.region"() ({
      %run_scoped3A = tpu.sem_alloc : memref<!tpu.dma_semaphore, #tpu.memory_space<semaphore_mem>>
      tpu.enqueue_dma source(%arg8 : memref<10000xf32, #tpu.memory_space<hbm>>) target(%arg25 : memref<10000xf32, #tpu.memory_space<vmem>>) target_semaphore(%run_scoped3A : memref<!tpu.dma_semaphore, #tpu.memory_space<semaphore_mem>>)
      tpu.wait_dma2 semaphore(%run_scoped3A : memref<!tpu.dma_semaphore, #tpu.memory_space<semaphore_mem>>) src(%arg8 : memref<10000xf32, #tpu.memory_space<hbm>>) dst(%arg25 : memref<10000xf32, #tpu.memory_space<vmem>>)
      tpu.yield
    }) : () -> ()
    %broadcast_in_dim3A = arith.constant 0.000000e+00 : f32
    %broadcast_in_dim3A_3 = vector.broadcast %broadcast_in_dim3A : f32 to vector<16xf32>
    %scan3A = arith.constant 0 : i32
    %scan3A_4 = arith.constant 0 : i32
    %scan3A_5 = arith.constant 1600 : i32
    %scan3A_6 = arith.addi %scan3A_4, %scan3A_5 : i32
    %scan3A_7 = arith.constant 1 : i32
    scf.for %scan3A_43 = %scan3A_4 to %scan3A_6 step %scan3A_7  : i32 {
      %mul3A_44 = arith.constant 16 : i32
      %mul3A_45 = arith.muli %scan3A_43, %mul3A_44 : i32
      %swap3A = arith.index_cast %mul3A_45 : i32 to index
      %swap3A_46 = tpu.vector_load %arg26[%swap3A] {strides = array<i32>} : memref<25600xf32, #tpu.memory_space<vmem>>, vector<16xf32>,
      tpu.vector_store %arg26[%swap3A], %broadcast_in_dim3A_3 {strides = array<i32>} : memref<25600xf32, #tpu.memory_space<vmem>>, vector<16xf32>,
    }
    %scan3A_8 = arith.constant 1600 : i32
    %scan3A_9 = arith.constant 0 : i32
    %scan3A_10 = arith.constant 0 : i32
    %scan3A_11 = arith.constant 12 : i32
    %scan3A_12 = arith.addi %scan3A_10, %scan3A_11 : i32
    %scan3A_13 = arith.constant 1 : i32
    scf.for %scan3A_43 = %scan3A_10 to %scan3A_12 step %scan3A_13  : i32 {
      %mul3A_44 = arith.constant 2 : i32
      %mul3A_45 = arith.muli %scan3A_43, %mul3A_44 : i32
      %mul3A_46 = arith.constant 400 : i32
      %mul3A_47 = arith.muli %mul3A_45, %mul3A_46 : i32
      %add3A_48 = arith.addi %mul3A_2, %mul3A_47 : i32
      %add3A_49 = arith.constant 400 : i32
      %add3A_50 = arith.addi %add3A_48, %add3A_49 : i32
      "tpu.region"() ({
        %run_scoped3A = tpu.sem_alloc : memref<!tpu.dma_semaphore, #tpu.memory_space<semaphore_mem>>
        %dma_start3A_107 = tpu.memref_slice %arg4[%add3A_48] : memref<320000xi32, #tpu.memory_space<hbm>> -> memref<400xi32, #tpu.memory_space<hbm>>
        %dma_start3A_108 = tpu.memref_slice %arg4[%add3A_48] : memref<320000xi32, #tpu.memory_space<hbm>> -> memref<400xi32, #tpu.memory_space<hbm>>
        tpu.enqueue_dma source(%dma_start3A_108 : memref<400xi32, #tpu.memory_space<hbm>>) target(%arg11 : memref<400xi32, #tpu.memory_space<vmem>>) target_semaphore(%run_scoped3A : memref<!tpu.dma_semaphore, #tpu.memory_space<semaphore_mem>>)
        %dma_wait3A_109 = tpu.memref_slice %arg4[%add3A_48] : memref<320000xi32, #tpu.memory_space<hbm>> -> memref<400xi32, #tpu.memory_space<hbm>>
        %dma_wait3A_110 = tpu.memref_slice %arg4[%add3A_48] : memref<320000xi32, #tpu.memory_space<hbm>> -> memref<400xi32, #tpu.memory_space<hbm>>
        tpu.wait_dma2 semaphore(%run_scoped3A : memref<!tpu.dma_semaphore, #tpu.memory_space<semaphore_mem>>) src(%dma_wait3A_110 : memref<400xi32, #tpu.memory_space<hbm>>) dst(%arg11 : memref<400xi32, #tpu.memory_space<vmem>>)
        tpu.yield
      }) : () -> ()
      "tpu.region"() ({
        %run_scoped3A = tpu.sem_alloc : memref<!tpu.dma_semaphore, #tpu.memory_space<semaphore_mem>>
        %dma_start3A_107 = tpu.memref_slice %arg5[%add3A_48] : memref<320000xi32, #tpu.memory_space<hbm>> -> memref<400xi32, #tpu.memory_space<hbm>>
        %dma_start3A_108 = tpu.memref_slice %arg5[%add3A_48] : memref<320000xi32, #tpu.memory_space<hbm>> -> memref<400xi32, #tpu.memory_space<hbm>>
        tpu.enqueue_dma source(%dma_start3A_108 : memref<400xi32, #tpu.memory_space<hbm>>) target(%arg12 : memref<400xi32, #tpu.memory_space<vmem>>) target_semaphore(%run_scoped3A : memref<!tpu.dma_semaphore, #tpu.memory_space<semaphore_mem>>)
        %dma_wait3A_109 = tpu.memref_slice %arg5[%add3A_48] : memref<320000xi32, #tpu.memory_space<hbm>> -> memref<400xi32, #tpu.memory_space<hbm>>
        %dma_wait3A_110 = tpu.memref_slice %arg5[%add3A_48] : memref<320000xi32, #tpu.memory_space<hbm>> -> memref<400xi32, #tpu.memory_space<hbm>>
        tpu.wait_dma2 semaphore(%run_scoped3A : memref<!tpu.dma_semaphore, #tpu.memory_space<semaphore_mem>>) src(%dma_wait3A_110 : memref<400xi32, #tpu.memory_space<hbm>>) dst(%arg12 : memref<400xi32, #tpu.memory_space<vmem>>)
        tpu.yield
      }) : () -> ()
      "tpu.region"() ({
        %run_scoped3A = tpu.sem_alloc : memref<!tpu.dma_semaphore, #tpu.memory_space<semaphore_mem>>
        %dma_start3A_107 = tpu.memref_slice %arg4[%add3A_50] : memref<320000xi32, #tpu.memory_space<hbm>> -> memref<400xi32, #tpu.memory_space<hbm>>
        %dma_start3A_108 = tpu.memref_slice %arg4[%add3A_50] : memref<320000xi32, #tpu.memory_space<hbm>> -> memref<400xi32, #tpu.memory_space<hbm>>
        tpu.enqueue_dma source(%dma_start3A_108 : memref<400xi32, #tpu.memory_space<hbm>>) target(%arg13 : memref<400xi32, #tpu.memory_space<vmem>>) target_semaphore(%run_scoped3A : memref<!tpu.dma_semaphore, #tpu.memory_space<semaphore_mem>>)
        %dma_wait3A_109 = tpu.memref_slice %arg4[%add3A_50] : memref<320000xi32, #tpu.memory_space<hbm>> -> memref<400xi32, #tpu.memory_space<hbm>>
        %dma_wait3A_110 = tpu.memref_slice %arg4[%add3A_50] : memref<320000xi32, #tpu.memory_space<hbm>> -> memref<400xi32, #tpu.memory_space<hbm>>
        tpu.wait_dma2 semaphore(%run_scoped3A : memref<!tpu.dma_semaphore, #tpu.memory_space<semaphore_mem>>) src(%dma_wait3A_110 : memref<400xi32, #tpu.memory_space<hbm>>) dst(%arg13 : memref<400xi32, #tpu.memory_space<vmem>>)
        tpu.yield
      }) : () -> ()
      "tpu.region"() ({
        %run_scoped3A = tpu.sem_alloc : memref<!tpu.dma_semaphore, #tpu.memory_space<semaphore_mem>>
        %dma_start3A_107 = tpu.memref_slice %arg5[%add3A_50] : memref<320000xi32, #tpu.memory_space<hbm>> -> memref<400xi32, #tpu.memory_space<hbm>>
        %dma_start3A_108 = tpu.memref_slice %arg5[%add3A_50] : memref<320000xi32, #tpu.memory_space<hbm>> -> memref<400xi32, #tpu.memory_space<hbm>>
        tpu.enqueue_dma source(%dma_start3A_108 : memref<400xi32, #tpu.memory_space<hbm>>) target(%arg14 : memref<400xi32, #tpu.memory_space<vmem>>) target_semaphore(%run_scoped3A : memref<!tpu.dma_semaphore, #tpu.memory_space<semaphore_mem>>)
        %dma_wait3A_109 = tpu.memref_slice %arg5[%add3A_50] : memref<320000xi32, #tpu.memory_space<hbm>> -> memref<400xi32, #tpu.memory_space<hbm>>
        %dma_wait3A_110 = tpu.memref_slice %arg5[%add3A_50] : memref<320000xi32, #tpu.memory_space<hbm>> -> memref<400xi32, #tpu.memory_space<hbm>>
        tpu.wait_dma2 semaphore(%run_scoped3A : memref<!tpu.dma_semaphore, #tpu.memory_space<semaphore_mem>>) src(%dma_wait3A_110 : memref<400xi32, #tpu.memory_space<hbm>>) dst(%arg14 : memref<400xi32, #tpu.memory_space<vmem>>)
        tpu.yield
      }) : () -> ()
      %dma_start3A_51 = arith.constant 0 : i32
      %dma_start3A_52 = arith.constant 0 : i32
      %dma_start3A_53 = tpu.memref_slice %arg2[%dma_start3A_51, %dma_start3A_52] : memref<10000x64xf32, #tpu.memory_space<hbm>> -> memref<10000x64xf32, #tpu.memory_space<hbm>>
      tpu.enqueue_indirect_dma source(%dma_start3A_53 : memref<10000x64xf32, #tpu.memory_space<hbm>>) target(%arg15 : memref<400x64xf32, #tpu.memory_space<vmem>>) offsets(%arg11 : memref<400xi32, #tpu.memory_space<vmem>>) semaphore(%arg17 : memref<!tpu.dma_semaphore, #tpu.memory_space<semaphore_mem>>)
      %dma_start3A_54 = arith.constant 0 : i32
      %dma_start3A_55 = arith.constant 0 : i32
      %dma_start3A_56 = tpu.memref_slice %arg2[%dma_start3A_54, %dma_start3A_55] : memref<10000x64xf32, #tpu.memory_space<hbm>> -> memref<10000x64xf32, #tpu.memory_space<hbm>>
      tpu.enqueue_indirect_dma source(%dma_start3A_56 : memref<10000x64xf32, #tpu.memory_space<hbm>>) target(%arg16 : memref<400x64xf32, #tpu.memory_space<vmem>>) offsets(%arg13 : memref<400xi32, #tpu.memory_space<vmem>>) semaphore(%arg18 : memref<!tpu.dma_semaphore, #tpu.memory_space<semaphore_mem>>)
      %dma_wait3A_57 = arith.constant 0 : i32
      %dma_wait3A_58 = arith.constant 0 : i32
      %dma_wait3A_59 = tpu.memref_slice %arg2[%dma_wait3A_57, %dma_wait3A_58] : memref<10000x64xf32, #tpu.memory_space<hbm>> -> memref<10000x64xf32, #tpu.memory_space<hbm>>
      tpu.wait_indirect_dma semaphore(%arg17 : memref<!tpu.dma_semaphore, #tpu.memory_space<semaphore_mem>>) src(%dma_wait3A_59 : memref<10000x64xf32, #tpu.memory_space<hbm>>) dst(%arg15 : memref<400x64xf32, #tpu.memory_space<vmem>>)
      %dma_start3A_60 = arith.constant 0 : i32
      %dma_start3A_61 = arith.constant 0 : i32
      %dma_start3A_62 = tpu.memref_slice %arg3[%dma_start3A_60, %dma_start3A_61] : memref<10000x64xf32, #tpu.memory_space<hbm>> -> memref<10000x64xf32, #tpu.memory_space<hbm>>
      tpu.enqueue_indirect_dma source(%dma_start3A_62 : memref<10000x64xf32, #tpu.memory_space<hbm>>) target(%arg15 : memref<400x64xf32, #tpu.memory_space<vmem>>) offsets(%arg12 : memref<400xi32, #tpu.memory_space<vmem>>) semaphore(%arg19 : memref<!tpu.dma_semaphore, #tpu.memory_space<semaphore_mem>>) {add = true}
      %dma_wait3A_63 = arith.constant 0 : i32
      %dma_wait3A_64 = arith.constant 0 : i32
      %dma_wait3A_65 = tpu.memref_slice %arg2[%dma_wait3A_63, %dma_wait3A_64] : memref<10000x64xf32, #tpu.memory_space<hbm>> -> memref<10000x64xf32, #tpu.memory_space<hbm>>
      tpu.wait_indirect_dma semaphore(%arg18 : memref<!tpu.dma_semaphore, #tpu.memory_space<semaphore_mem>>) src(%dma_wait3A_65 : memref<10000x64xf32, #tpu.memory_space<hbm>>) dst(%arg16 : memref<400x64xf32, #tpu.memory_space<vmem>>)
      %dma_start3A_66 = arith.constant 0 : i32
      %dma_start3A_67 = arith.constant 0 : i32
      %dma_start3A_68 = tpu.memref_slice %arg3[%dma_start3A_66, %dma_start3A_67] : memref<10000x64xf32, #tpu.memory_space<hbm>> -> memref<10000x64xf32, #tpu.memory_space<hbm>>
      tpu.enqueue_indirect_dma source(%dma_start3A_68 : memref<10000x64xf32, #tpu.memory_space<hbm>>) target(%arg16 : memref<400x64xf32, #tpu.memory_space<vmem>>) offsets(%arg14 : memref<400xi32, #tpu.memory_space<vmem>>) semaphore(%arg20 : memref<!tpu.dma_semaphore, #tpu.memory_space<semaphore_mem>>) {add = true}
      %scan3A_69 = arith.constant 0 : i32
      %scan3A_70 = arith.constant 0 : i32
      %scan3A_71 = arith.constant 25 : i32
      %scan3A_72 = arith.addi %scan3A_70, %scan3A_71 : i32
      %scan3A_73 = arith.constant 1 : i32
      scf.for %scan3A_107 = %scan3A_70 to %scan3A_72 step %scan3A_73  : i32 {
        %mul3A_108 = arith.constant 16 : i32
        %mul3A_109 = arith.muli %scan3A_107, %mul3A_108 : i32
        %get3A = arith.index_cast %mul3A_109 : i32 to index
        %get3A_110 = tpu.vector_load %arg11[%get3A] {strides = array<i32>} : memref<400xi32, #tpu.memory_space<vmem>>, vector<16xi32>,
        %mul3A_111 = arith.constant 16 : i32
        %mul3A_112 = arith.muli %scan3A_107, %mul3A_111 : i32
        %get3A_113 = arith.index_cast %mul3A_112 : i32 to index
        %get3A_114 = tpu.vector_load %arg12[%get3A_113] {strides = array<i32>} : memref<400xi32, #tpu.memory_space<vmem>>, vector<16xi32>,
        %gather3A = tpu.vector_load_idx %arg23[%get3A_110] : memref<10000xf32, #tpu.memory_space<vmem>>[vector<16xi32>], vector<16xf32>,
        %gather3A_115 = tpu.vector_load_idx %arg23[%get3A_114] : memref<10000xf32, #tpu.memory_space<vmem>>[vector<16xi32>], vector<16xf32>,
        %sub3A = arith.subf %gather3A, %gather3A_115 : vector<16xf32>
        %gather3A_116 = tpu.vector_load_idx %arg24[%get3A_110] : memref<10000xf32, #tpu.memory_space<vmem>>[vector<16xi32>], vector<16xf32>,
        %gather3A_117 = tpu.vector_load_idx %arg24[%get3A_114] : memref<10000xf32, #tpu.memory_space<vmem>>[vector<16xi32>], vector<16xf32>,
        %sub3A_118 = arith.subf %gather3A_116, %gather3A_117 : vector<16xf32>
        %gather3A_119 = tpu.vector_load_idx %arg25[%get3A_110] : memref<10000xf32, #tpu.memory_space<vmem>>[vector<16xi32>], vector<16xf32>,
        %gather3A_120 = tpu.vector_load_idx %arg25[%get3A_114] : memref<10000xf32, #tpu.memory_space<vmem>>[vector<16xi32>], vector<16xf32>,
        %sub3A_121 = arith.subf %gather3A_119, %gather3A_120 : vector<16xf32>
        %mul3A_122 = arith.mulf %sub3A, %sub3A : vector<16xf32>
        %mul3A_123 = arith.mulf %sub3A_118, %sub3A_118 : vector<16xf32>
        %add3A_124 = arith.addf %mul3A_122, %mul3A_123 : vector<16xf32>
        %mul3A_125 = arith.mulf %sub3A_121, %sub3A_121 : vector<16xf32>
        %add3A_126 = arith.addf %add3A_124, %mul3A_125 : vector<16xf32>
        %iota3A = tpu.iota {dimensions = array<i32: 0>} : vector<16xi32>
        %mul3A_127 = arith.constant 1024 : i32
        %mul3A_128 = arith.muli %scan3A_107, %mul3A_127 : i32
        %mul3A_129 = arith.constant 64 : i32
        %mul3A_130 = vector.broadcast %mul3A_129 : i32 to vector<16xi32>
        %mul3A_131 = arith.muli %iota3A, %mul3A_130 : vector<16xi32>
        %add3A_132 = vector.broadcast %mul3A_128 : i32 to vector<16xi32>
        %add3A_133 = arith.addi %add3A_132, %mul3A_131 : vector<16xi32>
        tpu.vector_store_idx %arg26[%add3A_133], %add3A_126 : memref<25600xf32, #tpu.memory_space<vmem>>[vector<16xi32>], vector<16xf32>,
        %add3A_134 = arith.constant 1 : i32
        %add3A_135 = vector.broadcast %add3A_134 : i32 to vector<16xi32>
        %add3A_136 = arith.addi %add3A_133, %add3A_135 : vector<16xi32>
        tpu.vector_store_idx %arg26[%add3A_136], %sub3A : memref<25600xf32, #tpu.memory_space<vmem>>[vector<16xi32>], vector<16xf32>,
        %add3A_137 = arith.constant 2 : i32
        %add3A_138 = vector.broadcast %add3A_137 : i32 to vector<16xi32>
        %add3A_139 = arith.addi %add3A_133, %add3A_138 : vector<16xi32>
        tpu.vector_store_idx %arg26[%add3A_139], %sub3A_118 : memref<25600xf32, #tpu.memory_space<vmem>>[vector<16xi32>], vector<16xf32>,
        %add3A_140 = arith.constant 3 : i32
        %add3A_141 = vector.broadcast %add3A_140 : i32 to vector<16xi32>
        %add3A_142 = arith.addi %add3A_133, %add3A_141 : vector<16xi32>
        tpu.vector_store_idx %arg26[%add3A_142], %sub3A_121 : memref<25600xf32, #tpu.memory_space<vmem>>[vector<16xi32>], vector<16xf32>,
      }
      %scan3A_74 = arith.constant 25 : i32
      %dma_wait3A_75 = arith.constant 0 : i32
      %dma_wait3A_76 = arith.constant 0 : i32
      %dma_wait3A_77 = tpu.memref_slice %arg3[%dma_wait3A_75, %dma_wait3A_76] : memref<10000x64xf32, #tpu.memory_space<hbm>> -> memref<10000x64xf32, #tpu.memory_space<hbm>>
      tpu.wait_indirect_dma semaphore(%arg19 : memref<!tpu.dma_semaphore, #tpu.memory_space<semaphore_mem>>) src(%dma_wait3A_77 : memref<10000x64xf32, #tpu.memory_space<hbm>>) dst(%arg15 : memref<400x64xf32, #tpu.memory_space<vmem>>)
      %dma_start3A_78 = arith.constant 0 : i32
      %dma_start3A_79 = tpu.memref_slice %arg9[%add3A_48, %dma_start3A_78] : memref<320000x64xf32, #tpu.memory_space<hbm>> -> memref<400x64xf32, #tpu.memory_space<hbm>>
      %dma_start3A_80 = arith.constant 0 : i32
      %dma_start3A_81 = tpu.memref_slice %arg9[%add3A_48, %dma_start3A_80] : memref<320000x64xf32, #tpu.memory_space<hbm>> -> memref<400x64xf32, #tpu.memory_space<hbm>>
      tpu.enqueue_dma source(%arg15 : memref<400x64xf32, #tpu.memory_space<vmem>>) target(%dma_start3A_81 : memref<400x64xf32, #tpu.memory_space<hbm>>) target_semaphore(%arg21 : memref<!tpu.dma_semaphore, #tpu.memory_space<semaphore_mem>>)
      %mul3A_82 = arith.constant 64 : i32
      %mul3A_83 = arith.muli %add3A_48, %mul3A_82 : i32
      "tpu.region"() ({
        %run_scoped3A = tpu.sem_alloc : memref<!tpu.dma_semaphore, #tpu.memory_space<semaphore_mem>>
        %dma_start3A_107 = tpu.memref_slice %arg10[%mul3A_83] : memref<20480000xf32, #tpu.memory_space<hbm>> -> memref<25600xf32, #tpu.memory_space<hbm>>
        %dma_start3A_108 = tpu.memref_slice %arg10[%mul3A_83] : memref<20480000xf32, #tpu.memory_space<hbm>> -> memref<25600xf32, #tpu.memory_space<hbm>>
        tpu.enqueue_dma source(%arg26 : memref<25600xf32, #tpu.memory_space<vmem>>) target(%dma_start3A_108 : memref<25600xf32, #tpu.memory_space<hbm>>) target_semaphore(%run_scoped3A : memref<!tpu.dma_semaphore, #tpu.memory_space<semaphore_mem>>)
        %dma_wait3A_109 = tpu.memref_slice %arg10[%mul3A_83] : memref<20480000xf32, #tpu.memory_space<hbm>> -> memref<25600xf32, #tpu.memory_space<hbm>>
        %dma_wait3A_110 = tpu.memref_slice %arg10[%mul3A_83] : memref<20480000xf32, #tpu.memory_space<hbm>> -> memref<25600xf32, #tpu.memory_space<hbm>>
        tpu.wait_dma2 semaphore(%run_scoped3A : memref<!tpu.dma_semaphore, #tpu.memory_space<semaphore_mem>>) src(%arg26 : memref<25600xf32, #tpu.memory_space<vmem>>) dst(%dma_wait3A_110 : memref<25600xf32, #tpu.memory_space<hbm>>)
        tpu.yield
      }) : () -> ()
      %scan3A_84 = arith.constant 0 : i32
      %scan3A_85 = arith.constant 0 : i32
      %scan3A_86 = arith.constant 25 : i32
      %scan3A_87 = arith.addi %scan3A_85, %scan3A_86 : i32
      %scan3A_88 = arith.constant 1 : i32
      scf.for %scan3A_107 = %scan3A_85 to %scan3A_87 step %scan3A_88  : i32 {
        %mul3A_108 = arith.constant 16 : i32
        %mul3A_109 = arith.muli %scan3A_107, %mul3A_108 : i32
        %get3A = arith.index_cast %mul3A_109 : i32 to index
        %get3A_110 = tpu.vector_load %arg13[%get3A] {strides = array<i32>} : memref<400xi32, #tpu.memory_space<vmem>>, vector<16xi32>,
        %mul3A_111 = arith.constant 16 : i32
        %mul3A_112 = arith.muli %scan3A_107, %mul3A_111 : i32
        %get3A_113 = arith.index_cast %mul3A_112 : i32 to index
        %get3A_114 = tpu.vector_load %arg14[%get3A_113] {strides = array<i32>} : memref<400xi32, #tpu.memory_space<vmem>>, vector<16xi32>,
        %gather3A = tpu.vector_load_idx %arg23[%get3A_110] : memref<10000xf32, #tpu.memory_space<vmem>>[vector<16xi32>], vector<16xf32>,
        %gather3A_115 = tpu.vector_load_idx %arg23[%get3A_114] : memref<10000xf32, #tpu.memory_space<vmem>>[vector<16xi32>], vector<16xf32>,
        %sub3A = arith.subf %gather3A, %gather3A_115 : vector<16xf32>
        %gather3A_116 = tpu.vector_load_idx %arg24[%get3A_110] : memref<10000xf32, #tpu.memory_space<vmem>>[vector<16xi32>], vector<16xf32>,
        %gather3A_117 = tpu.vector_load_idx %arg24[%get3A_114] : memref<10000xf32, #tpu.memory_space<vmem>>[vector<16xi32>], vector<16xf32>,
        %sub3A_118 = arith.subf %gather3A_116, %gather3A_117 : vector<16xf32>
        %gather3A_119 = tpu.vector_load_idx %arg25[%get3A_110] : memref<10000xf32, #tpu.memory_space<vmem>>[vector<16xi32>], vector<16xf32>,
        %gather3A_120 = tpu.vector_load_idx %arg25[%get3A_114] : memref<10000xf32, #tpu.memory_space<vmem>>[vector<16xi32>], vector<16xf32>,
        %sub3A_121 = arith.subf %gather3A_119, %gather3A_120 : vector<16xf32>
        %mul3A_122 = arith.mulf %sub3A, %sub3A : vector<16xf32>
        %mul3A_123 = arith.mulf %sub3A_118, %sub3A_118 : vector<16xf32>
        %add3A_124 = arith.addf %mul3A_122, %mul3A_123 : vector<16xf32>
        %mul3A_125 = arith.mulf %sub3A_121, %sub3A_121 : vector<16xf32>
        %add3A_126 = arith.addf %add3A_124, %mul3A_125 : vector<16xf32>
        %iota3A = tpu.iota {dimensions = array<i32: 0>} : vector<16xi32>
        %mul3A_127 = arith.constant 1024 : i32
        %mul3A_128 = arith.muli %scan3A_107, %mul3A_127 : i32
        %mul3A_129 = arith.constant 64 : i32
        %mul3A_130 = vector.broadcast %mul3A_129 : i32 to vector<16xi32>
        %mul3A_131 = arith.muli %iota3A, %mul3A_130 : vector<16xi32>
        %add3A_132 = vector.broadcast %mul3A_128 : i32 to vector<16xi32>
        %add3A_133 = arith.addi %add3A_132, %mul3A_131 : vector<16xi32>
        tpu.vector_store_idx %arg26[%add3A_133], %add3A_126 : memref<25600xf32, #tpu.memory_space<vmem>>[vector<16xi32>], vector<16xf32>,
        %add3A_134 = arith.constant 1 : i32
        %add3A_135 = vector.broadcast %add3A_134 : i32 to vector<16xi32>
        %add3A_136 = arith.addi %add3A_133, %add3A_135 : vector<16xi32>
        tpu.vector_store_idx %arg26[%add3A_136], %sub3A : memref<25600xf32, #tpu.memory_space<vmem>>[vector<16xi32>], vector<16xf32>,
        %add3A_137 = arith.constant 2 : i32
        %add3A_138 = vector.broadcast %add3A_137 : i32 to vector<16xi32>
        %add3A_139 = arith.addi %add3A_133, %add3A_138 : vector<16xi32>
        tpu.vector_store_idx %arg26[%add3A_139], %sub3A_118 : memref<25600xf32, #tpu.memory_space<vmem>>[vector<16xi32>], vector<16xf32>,
        %add3A_140 = arith.constant 3 : i32
        %add3A_141 = vector.broadcast %add3A_140 : i32 to vector<16xi32>
        %add3A_142 = arith.addi %add3A_133, %add3A_141 : vector<16xi32>
        tpu.vector_store_idx %arg26[%add3A_142], %sub3A_121 : memref<25600xf32, #tpu.memory_space<vmem>>[vector<16xi32>], vector<16xf32>,
      }
      %scan3A_89 = arith.constant 25 : i32
      %dma_wait3A_90 = arith.constant 0 : i32
      %dma_wait3A_91 = arith.constant 0 : i32
      %dma_wait3A_92 = tpu.memref_slice %arg3[%dma_wait3A_90, %dma_wait3A_91] : memref<10000x64xf32, #tpu.memory_space<hbm>> -> memref<10000x64xf32, #tpu.memory_space<hbm>>
      tpu.wait_indirect_dma semaphore(%arg20 : memref<!tpu.dma_semaphore, #tpu.memory_space<semaphore_mem>>) src(%dma_wait3A_92 : memref<10000x64xf32, #tpu.memory_space<hbm>>) dst(%arg16 : memref<400x64xf32, #tpu.memory_space<vmem>>)
      %dma_start3A_93 = arith.constant 0 : i32
      %dma_start3A_94 = tpu.memref_slice %arg9[%add3A_50, %dma_start3A_93] : memref<320000x64xf32, #tpu.memory_space<hbm>> -> memref<400x64xf32, #tpu.memory_space<hbm>>
      %dma_start3A_95 = arith.constant 0 : i32
      %dma_start3A_96 = tpu.memref_slice %arg9[%add3A_50, %dma_start3A_95] : memref<320000x64xf32, #tpu.memory_space<hbm>> -> memref<400x64xf32, #tpu.memory_space<hbm>>
      tpu.enqueue_dma source(%arg16 : memref<400x64xf32, #tpu.memory_space<vmem>>) target(%dma_start3A_96 : memref<400x64xf32, #tpu.memory_space<hbm>>) target_semaphore(%arg22 : memref<!tpu.dma_semaphore, #tpu.memory_space<semaphore_mem>>)
      %mul3A_97 = arith.constant 64 : i32
      %mul3A_98 = arith.muli %add3A_50, %mul3A_97 : i32
      "tpu.region"() ({
        %run_scoped3A = tpu.sem_alloc : memref<!tpu.dma_semaphore, #tpu.memory_space<semaphore_mem>>
        %dma_start3A_107 = tpu.memref_slice %arg10[%mul3A_98] : memref<20480000xf32, #tpu.memory_space<hbm>> -> memref<25600xf32, #tpu.memory_space<hbm>>
        %dma_start3A_108 = tpu.memref_slice %arg10[%mul3A_98] : memref<20480000xf32, #tpu.memory_space<hbm>> -> memref<25600xf32, #tpu.memory_space<hbm>>
        tpu.enqueue_dma source(%arg26 : memref<25600xf32, #tpu.memory_space<vmem>>) target(%dma_start3A_108 : memref<25600xf32, #tpu.memory_space<hbm>>) target_semaphore(%run_scoped3A : memref<!tpu.dma_semaphore, #tpu.memory_space<semaphore_mem>>)
        %dma_wait3A_109 = tpu.memref_slice %arg10[%mul3A_98] : memref<20480000xf32, #tpu.memory_space<hbm>> -> memref<25600xf32, #tpu.memory_space<hbm>>
        %dma_wait3A_110 = tpu.memref_slice %arg10[%mul3A_98] : memref<20480000xf32, #tpu.memory_space<hbm>> -> memref<25600xf32, #tpu.memory_space<hbm>>
        tpu.wait_dma2 semaphore(%run_scoped3A : memref<!tpu.dma_semaphore, #tpu.memory_space<semaphore_mem>>) src(%arg26 : memref<25600xf32, #tpu.memory_space<vmem>>) dst(%dma_wait3A_110 : memref<25600xf32, #tpu.memory_space<hbm>>)
        tpu.yield
      }) : () -> ()
      %dma_wait3A_99 = arith.constant 0 : i32
      %dma_wait3A_100 = tpu.memref_slice %arg9[%add3A_48, %dma_wait3A_99] : memref<320000x64xf32, #tpu.memory_space<hbm>> -> memref<400x64xf32, #tpu.memory_space<hbm>>
      %dma_wait3A_101 = arith.constant 0 : i32
      %dma_wait3A_102 = tpu.memref_slice %arg9[%add3A_48, %dma_wait3A_101] : memref<320000x64xf32, #tpu.memory_space<hbm>> -> memref<400x64xf32, #tpu.memory_space<hbm>>
      tpu.wait_dma2 semaphore(%arg21 : memref<!tpu.dma_semaphore, #tpu.memory_space<semaphore_mem>>) src(%arg15 : memref<400x64xf32, #tpu.memory_space<vmem>>) dst(%dma_wait3A_102 : memref<400x64xf32, #tpu.memory_space<hbm>>)
      %dma_wait3A_103 = arith.constant 0 : i32
      %dma_wait3A_104 = tpu.memref_slice %arg9[%add3A_50, %dma_wait3A_103] : memref<320000x64xf32, #tpu.memory_space<hbm>> -> memref<400x64xf32, #tpu.memory_space<hbm>>
      %dma_wait3A_105 = arith.constant 0 : i32
      %dma_wait3A_106 = tpu.memref_slice %arg9[%add3A_50, %dma_wait3A_105] : memref<320000x64xf32, #tpu.memory_space<hbm>> -> memref<400x64xf32, #tpu.memory_space<hbm>>
      tpu.wait_dma2 semaphore(%arg22 : memref<!tpu.dma_semaphore, #tpu.memory_space<semaphore_mem>>) src(%arg16 : memref<400x64xf32, #tpu.memory_space<vmem>>) dst(%dma_wait3A_106 : memref<400x64xf32, #tpu.memory_space<hbm>>)
    }
    %scan3A_14 = arith.constant 12 : i32
    %add3A_15 = arith.constant 9600 : i32
    %add3A_16 = arith.addi %mul3A_2, %add3A_15 : i32
    "tpu.region"() ({
      %run_scoped3A = tpu.sem_alloc : memref<!tpu.dma_semaphore, #tpu.memory_space<semaphore_mem>>
      %dma_start3A_43 = tpu.memref_slice %arg4[%add3A_16] : memref<320000xi32, #tpu.memory_space<hbm>> -> memref<400xi32, #tpu.memory_space<hbm>>
      %dma_start3A_44 = tpu.memref_slice %arg4[%add3A_16] : memref<320000xi32, #tpu.memory_space<hbm>> -> memref<400xi32, #tpu.memory_space<hbm>>
      tpu.enqueue_dma source(%dma_start3A_44 : memref<400xi32, #tpu.memory_space<hbm>>) target(%arg11 : memref<400xi32, #tpu.memory_space<vmem>>) target_semaphore(%run_scoped3A : memref<!tpu.dma_semaphore, #tpu.memory_space<semaphore_mem>>)
      %dma_wait3A_45 = tpu.memref_slice %arg4[%add3A_16] : memref<320000xi32, #tpu.memory_space<hbm>> -> memref<400xi32, #tpu.memory_space<hbm>>
      %dma_wait3A_46 = tpu.memref_slice %arg4[%add3A_16] : memref<320000xi32, #tpu.memory_space<hbm>> -> memref<400xi32, #tpu.memory_space<hbm>>
      tpu.wait_dma2 semaphore(%run_scoped3A : memref<!tpu.dma_semaphore, #tpu.memory_space<semaphore_mem>>) src(%dma_wait3A_46 : memref<400xi32, #tpu.memory_space<hbm>>) dst(%arg11 : memref<400xi32, #tpu.memory_space<vmem>>)
      tpu.yield
    }) : () -> ()
    "tpu.region"() ({
      %run_scoped3A = tpu.sem_alloc : memref<!tpu.dma_semaphore, #tpu.memory_space<semaphore_mem>>
      %dma_start3A_43 = tpu.memref_slice %arg5[%add3A_16] : memref<320000xi32, #tpu.memory_space<hbm>> -> memref<400xi32, #tpu.memory_space<hbm>>
      %dma_start3A_44 = tpu.memref_slice %arg5[%add3A_16] : memref<320000xi32, #tpu.memory_space<hbm>> -> memref<400xi32, #tpu.memory_space<hbm>>
      tpu.enqueue_dma source(%dma_start3A_44 : memref<400xi32, #tpu.memory_space<hbm>>) target(%arg12 : memref<400xi32, #tpu.memory_space<vmem>>) target_semaphore(%run_scoped3A : memref<!tpu.dma_semaphore, #tpu.memory_space<semaphore_mem>>)
      %dma_wait3A_45 = tpu.memref_slice %arg5[%add3A_16] : memref<320000xi32, #tpu.memory_space<hbm>> -> memref<400xi32, #tpu.memory_space<hbm>>
      %dma_wait3A_46 = tpu.memref_slice %arg5[%add3A_16] : memref<320000xi32, #tpu.memory_space<hbm>> -> memref<400xi32, #tpu.memory_space<hbm>>
      tpu.wait_dma2 semaphore(%run_scoped3A : memref<!tpu.dma_semaphore, #tpu.memory_space<semaphore_mem>>) src(%dma_wait3A_46 : memref<400xi32, #tpu.memory_space<hbm>>) dst(%arg12 : memref<400xi32, #tpu.memory_space<vmem>>)
      tpu.yield
    }) : () -> ()
    %dma_start3A = arith.constant 0 : i32
    %dma_start3A_17 = arith.constant 0 : i32
    %dma_start3A_18 = tpu.memref_slice %arg2[%dma_start3A, %dma_start3A_17] : memref<10000x64xf32, #tpu.memory_space<hbm>> -> memref<10000x64xf32, #tpu.memory_space<hbm>>
    tpu.enqueue_indirect_dma source(%dma_start3A_18 : memref<10000x64xf32, #tpu.memory_space<hbm>>) target(%arg15 : memref<400x64xf32, #tpu.memory_space<vmem>>) offsets(%arg11 : memref<400xi32, #tpu.memory_space<vmem>>) semaphore(%arg17 : memref<!tpu.dma_semaphore, #tpu.memory_space<semaphore_mem>>)
    %dma_wait3A = arith.constant 0 : i32
    %dma_wait3A_19 = arith.constant 0 : i32
    %dma_wait3A_20 = tpu.memref_slice %arg2[%dma_wait3A, %dma_wait3A_19] : memref<10000x64xf32, #tpu.memory_space<hbm>> -> memref<10000x64xf32, #tpu.memory_space<hbm>>
    tpu.wait_indirect_dma semaphore(%arg17 : memref<!tpu.dma_semaphore, #tpu.memory_space<semaphore_mem>>) src(%dma_wait3A_20 : memref<10000x64xf32, #tpu.memory_space<hbm>>) dst(%arg15 : memref<400x64xf32, #tpu.memory_space<vmem>>)
    %dma_start3A_21 = arith.constant 0 : i32
    %dma_start3A_22 = arith.constant 0 : i32
    %dma_start3A_23 = tpu.memref_slice %arg3[%dma_start3A_21, %dma_start3A_22] : memref<10000x64xf32, #tpu.memory_space<hbm>> -> memref<10000x64xf32, #tpu.memory_space<hbm>>
    tpu.enqueue_indirect_dma source(%dma_start3A_23 : memref<10000x64xf32, #tpu.memory_space<hbm>>) target(%arg15 : memref<400x64xf32, #tpu.memory_space<vmem>>) offsets(%arg12 : memref<400xi32, #tpu.memory_space<vmem>>) semaphore(%arg19 : memref<!tpu.dma_semaphore, #tpu.memory_space<semaphore_mem>>) {add = true}
    %scan3A_24 = arith.constant 0 : i32
    %scan3A_25 = arith.constant 0 : i32
    %scan3A_26 = arith.constant 25 : i32
    %scan3A_27 = arith.addi %scan3A_25, %scan3A_26 : i32
    %scan3A_28 = arith.constant 1 : i32
    scf.for %scan3A_43 = %scan3A_25 to %scan3A_27 step %scan3A_28  : i32 {
      %mul3A_44 = arith.constant 16 : i32
      %mul3A_45 = arith.muli %scan3A_43, %mul3A_44 : i32
      %get3A = arith.index_cast %mul3A_45 : i32 to index
      %get3A_46 = tpu.vector_load %arg11[%get3A] {strides = array<i32>} : memref<400xi32, #tpu.memory_space<vmem>>, vector<16xi32>,
      %mul3A_47 = arith.constant 16 : i32
      %mul3A_48 = arith.muli %scan3A_43, %mul3A_47 : i32
      %get3A_49 = arith.index_cast %mul3A_48 : i32 to index
      %get3A_50 = tpu.vector_load %arg12[%get3A_49] {strides = array<i32>} : memref<400xi32, #tpu.memory_space<vmem>>, vector<16xi32>,
      %gather3A = tpu.vector_load_idx %arg23[%get3A_46] : memref<10000xf32, #tpu.memory_space<vmem>>[vector<16xi32>], vector<16xf32>,
      %gather3A_51 = tpu.vector_load_idx %arg23[%get3A_50] : memref<10000xf32, #tpu.memory_space<vmem>>[vector<16xi32>], vector<16xf32>,
      %sub3A = arith.subf %gather3A, %gather3A_51 : vector<16xf32>
      %gather3A_52 = tpu.vector_load_idx %arg24[%get3A_46] : memref<10000xf32, #tpu.memory_space<vmem>>[vector<16xi32>], vector<16xf32>,
      %gather3A_53 = tpu.vector_load_idx %arg24[%get3A_50] : memref<10000xf32, #tpu.memory_space<vmem>>[vector<16xi32>], vector<16xf32>,
      %sub3A_54 = arith.subf %gather3A_52, %gather3A_53 : vector<16xf32>
      %gather3A_55 = tpu.vector_load_idx %arg25[%get3A_46] : memref<10000xf32, #tpu.memory_space<vmem>>[vector<16xi32>], vector<16xf32>,
      %gather3A_56 = tpu.vector_load_idx %arg25[%get3A_50] : memref<10000xf32, #tpu.memory_space<vmem>>[vector<16xi32>], vector<16xf32>,
      %sub3A_57 = arith.subf %gather3A_55, %gather3A_56 : vector<16xf32>
      %mul3A_58 = arith.mulf %sub3A, %sub3A : vector<16xf32>
      %mul3A_59 = arith.mulf %sub3A_54, %sub3A_54 : vector<16xf32>
      %add3A_60 = arith.addf %mul3A_58, %mul3A_59 : vector<16xf32>
      %mul3A_61 = arith.mulf %sub3A_57, %sub3A_57 : vector<16xf32>
      %add3A_62 = arith.addf %add3A_60, %mul3A_61 : vector<16xf32>
      %iota3A = tpu.iota {dimensions = array<i32: 0>} : vector<16xi32>
      %mul3A_63 = arith.constant 1024 : i32
      %mul3A_64 = arith.muli %scan3A_43, %mul3A_63 : i32
      %mul3A_65 = arith.constant 64 : i32
      %mul3A_66 = vector.broadcast %mul3A_65 : i32 to vector<16xi32>
      %mul3A_67 = arith.muli %iota3A, %mul3A_66 : vector<16xi32>
      %add3A_68 = vector.broadcast %mul3A_64 : i32 to vector<16xi32>
      %add3A_69 = arith.addi %add3A_68, %mul3A_67 : vector<16xi32>
      tpu.vector_store_idx %arg26[%add3A_69], %add3A_62 : memref<25600xf32, #tpu.memory_space<vmem>>[vector<16xi32>], vector<16xf32>,
      %add3A_70 = arith.constant 1 : i32
      %add3A_71 = vector.broadcast %add3A_70 : i32 to vector<16xi32>
      %add3A_72 = arith.addi %add3A_69, %add3A_71 : vector<16xi32>
      tpu.vector_store_idx %arg26[%add3A_72], %sub3A : memref<25600xf32, #tpu.memory_space<vmem>>[vector<16xi32>], vector<16xf32>,
      %add3A_73 = arith.constant 2 : i32
      %add3A_74 = vector.broadcast %add3A_73 : i32 to vector<16xi32>
      %add3A_75 = arith.addi %add3A_69, %add3A_74 : vector<16xi32>
      tpu.vector_store_idx %arg26[%add3A_75], %sub3A_54 : memref<25600xf32, #tpu.memory_space<vmem>>[vector<16xi32>], vector<16xf32>,
      %add3A_76 = arith.constant 3 : i32
      %add3A_77 = vector.broadcast %add3A_76 : i32 to vector<16xi32>
      %add3A_78 = arith.addi %add3A_69, %add3A_77 : vector<16xi32>
      tpu.vector_store_idx %arg26[%add3A_78], %sub3A_57 : memref<25600xf32, #tpu.memory_space<vmem>>[vector<16xi32>], vector<16xf32>,
    }
    %scan3A_29 = arith.constant 25 : i32
    %dma_wait3A_30 = arith.constant 0 : i32
    %dma_wait3A_31 = arith.constant 0 : i32
    %dma_wait3A_32 = tpu.memref_slice %arg3[%dma_wait3A_30, %dma_wait3A_31] : memref<10000x64xf32, #tpu.memory_space<hbm>> -> memref<10000x64xf32, #tpu.memory_space<hbm>>
    tpu.wait_indirect_dma semaphore(%arg19 : memref<!tpu.dma_semaphore, #tpu.memory_space<semaphore_mem>>) src(%dma_wait3A_32 : memref<10000x64xf32, #tpu.memory_space<hbm>>) dst(%arg15 : memref<400x64xf32, #tpu.memory_space<vmem>>)
    %dma_start3A_33 = arith.constant 0 : i32
    %dma_start3A_34 = tpu.memref_slice %arg9[%add3A_16, %dma_start3A_33] : memref<320000x64xf32, #tpu.memory_space<hbm>> -> memref<400x64xf32, #tpu.memory_space<hbm>>
    %dma_start3A_35 = arith.constant 0 : i32
    %dma_start3A_36 = tpu.memref_slice %arg9[%add3A_16, %dma_start3A_35] : memref<320000x64xf32, #tpu.memory_space<hbm>> -> memref<400x64xf32, #tpu.memory_space<hbm>>
    tpu.enqueue_dma source(%arg15 : memref<400x64xf32, #tpu.memory_space<vmem>>) target(%dma_start3A_36 : memref<400x64xf32, #tpu.memory_space<hbm>>) target_semaphore(%arg21 : memref<!tpu.dma_semaphore, #tpu.memory_space<semaphore_mem>>)
    %mul3A_37 = arith.constant 64 : i32
    %mul3A_38 = arith.muli %add3A_16, %mul3A_37 : i32
    "tpu.region"() ({
      %run_scoped3A = tpu.sem_alloc : memref<!tpu.dma_semaphore, #tpu.memory_space<semaphore_mem>>
      %dma_start3A_43 = tpu.memref_slice %arg10[%mul3A_38] : memref<20480000xf32, #tpu.memory_space<hbm>> -> memref<25600xf32, #tpu.memory_space<hbm>>
      %dma_start3A_44 = tpu.memref_slice %arg10[%mul3A_38] : memref<20480000xf32, #tpu.memory_space<hbm>> -> memref<25600xf32, #tpu.memory_space<hbm>>
      tpu.enqueue_dma source(%arg26 : memref<25600xf32, #tpu.memory_space<vmem>>) target(%dma_start3A_44 : memref<25600xf32, #tpu.memory_space<hbm>>) target_semaphore(%run_scoped3A : memref<!tpu.dma_semaphore, #tpu.memory_space<semaphore_mem>>)
      %dma_wait3A_45 = tpu.memref_slice %arg10[%mul3A_38] : memref<20480000xf32, #tpu.memory_space<hbm>> -> memref<25600xf32, #tpu.memory_space<hbm>>
      %dma_wait3A_46 = tpu.memref_slice %arg10[%mul3A_38] : memref<20480000xf32, #tpu.memory_space<hbm>> -> memref<25600xf32, #tpu.memory_space<hbm>>
      tpu.wait_dma2 semaphore(%run_scoped3A : memref<!tpu.dma_semaphore, #tpu.memory_space<semaphore_mem>>) src(%arg26 : memref<25600xf32, #tpu.memory_space<vmem>>) dst(%dma_wait3A_46 : memref<25600xf32, #tpu.memory_space<hbm>>)
      tpu.yield
    }) : () -> ()
    %dma_wait3A_39 = arith.constant 0 : i32
    %dma_wait3A_40 = tpu.memref_slice %arg9[%add3A_16, %dma_wait3A_39] : memref<320000x64xf32, #tpu.memory_space<hbm>> -> memref<400x64xf32, #tpu.memory_space<hbm>>
    %dma_wait3A_41 = arith.constant 0 : i32
    %dma_wait3A_42 = tpu.memref_slice %arg9[%add3A_16, %dma_wait3A_41] : memref<320000x64xf32, #tpu.memory_space<hbm>> -> memref<400x64xf32, #tpu.memory_space<hbm>>
    tpu.wait_dma2 semaphore(%arg21 : memref<!tpu.dma_semaphore, #tpu.memory_space<semaphore_mem>>) src(%arg15 : memref<400x64xf32, #tpu.memory_space<vmem>>) dst(%dma_wait3A_42 : memref<400x64xf32, #tpu.memory_space<hbm>>)
    return
  }
}

#map = affine_map<(d0, d1) -> (0, 0)>
#map1 = affine_map<(d0, d1) -> (0)>
module attributes {stable_mosaic.version = 14 : i64} {
  func.func @k(%arg0: i32, %arg1: i32, %arg2: memref<320000x64xf32, #tpu.memory_space<hbm>>, %arg3: memref<320000xi32, #tpu.memory_space<hbm>>, %arg4: memref<10000x64xf32, #tpu.memory_space<hbm>>, %arg5: memref<20000x64xf32, #tpu.memory_space<hbm>>, %arg6: memref<400xi32, #tpu.memory_space<vmem>>, %arg7: memref<400xi32, #tpu.memory_space<vmem>>, %arg8: memref<400x64xf32, #tpu.memory_space<vmem>>, %arg9: memref<400x64xf32, #tpu.memory_space<vmem>>, %arg10: memref<10000x64xf32, #tpu.memory_space<vmem_shared>>, %arg11: memref<!tpu.dma_semaphore, #tpu.memory_space<semaphore_mem>>, %arg12: memref<!tpu.dma_semaphore, #tpu.memory_space<semaphore_mem>>, %arg13: memref<!tpu.dma_semaphore, #tpu.memory_space<semaphore_mem>>, %arg14: memref<!tpu.dma_semaphore, #tpu.memory_space<semaphore_mem>>) attributes {dimension_semantics = [#tpu.dimension_semantics<core_parallel>, #tpu.dimension_semantics<subcore_parallel>], iteration_bounds = array<i64: 2, 16>, scalar_prefetch = 0 : i64, scratch_operands = 9 : i64, tpu.core_type = #tpu.core_type<sc_vector_subcore>, window_params = [{transform_indices = #map}, {transform_indices = #map1}, {transform_indices = #map}, {transform_indices = #map}]} {
    %mul3A = arith.constant 2 : i32
    %mul3A_0 = arith.muli %arg1, %mul3A : i32
    %add3A = arith.addi %mul3A_0, %arg0 : i32
    %mul3A_1 = arith.constant 625 : i32
    %mul3A_2 = arith.muli %arg1, %mul3A_1 : i32
    %mul3A_3 = arith.constant 625 : i32
    %mul3A_4 = arith.muli %arg1, %mul3A_3 : i32
    "tpu.region"() ({
      %run_scoped3A = tpu.sem_alloc : memref<!tpu.dma_semaphore, #tpu.memory_space<semaphore_mem>>
      %dma_start3A = arith.constant 0 : i32
      %dma_start3A_22 = tpu.memref_slice %arg10[%mul3A_4, %dma_start3A] : memref<10000x64xf32, #tpu.memory_space<vmem_shared>> -> memref<625x64xf32, #tpu.memory_space<vmem_shared>>
      %dma_start3A_23 = arith.constant 0 : i32
      %dma_start3A_24 = tpu.memref_slice %arg4[%mul3A_2, %dma_start3A_23] : memref<10000x64xf32, #tpu.memory_space<hbm>> -> memref<625x64xf32, #tpu.memory_space<hbm>>
      tpu.enqueue_dma source(%dma_start3A_24 : memref<625x64xf32, #tpu.memory_space<hbm>>) target(%dma_start3A_22 : memref<625x64xf32, #tpu.memory_space<vmem_shared>>) target_semaphore(%run_scoped3A : memref<!tpu.dma_semaphore, #tpu.memory_space<semaphore_mem>>)
      %dma_wait3A = arith.constant 0 : i32
      %dma_wait3A_25 = tpu.memref_slice %arg10[%mul3A_4, %dma_wait3A] : memref<10000x64xf32, #tpu.memory_space<vmem_shared>> -> memref<625x64xf32, #tpu.memory_space<vmem_shared>>
      %dma_wait3A_26 = arith.constant 0 : i32
      %dma_wait3A_27 = tpu.memref_slice %arg4[%mul3A_2, %dma_wait3A_26] : memref<10000x64xf32, #tpu.memory_space<hbm>> -> memref<625x64xf32, #tpu.memory_space<hbm>>
      tpu.wait_dma2 semaphore(%run_scoped3A : memref<!tpu.dma_semaphore, #tpu.memory_space<semaphore_mem>>) src(%dma_wait3A_27 : memref<625x64xf32, #tpu.memory_space<hbm>>) dst(%dma_wait3A_25 : memref<625x64xf32, #tpu.memory_space<vmem_shared>>)
      tpu.yield
    }) : () -> ()
    %barrier3A = arith.constant 0 : index
    tpu.barrier barrier_id(%barrier3A)
    %mul3A_5 = arith.constant 10000 : i32
    %mul3A_6 = arith.muli %add3A, %mul3A_5 : i32
    %scan3A = arith.constant 0 : i32
    %scan3A_7 = arith.constant 0 : i32
    %scan3A_8 = arith.constant 12 : i32
    %scan3A_9 = arith.addi %scan3A_7, %scan3A_8 : i32
    %scan3A_10 = arith.constant 1 : i32
    scf.for %scan3A_22 = %scan3A_7 to %scan3A_9 step %scan3A_10  : i32 {
      %mul3A_23 = arith.constant 2 : i32
      %mul3A_24 = arith.muli %scan3A_22, %mul3A_23 : i32
      %mul3A_25 = arith.constant 400 : i32
      %mul3A_26 = arith.muli %mul3A_24, %mul3A_25 : i32
      %add3A_27 = arith.addi %mul3A_6, %mul3A_26 : i32
      %add3A_28 = arith.constant 400 : i32
      %add3A_29 = arith.addi %add3A_27, %add3A_28 : i32
      "tpu.region"() ({
        %run_scoped3A = tpu.sem_alloc : memref<!tpu.dma_semaphore, #tpu.memory_space<semaphore_mem>>
        %dma_start3A_56 = tpu.memref_slice %arg3[%add3A_27] : memref<320000xi32, #tpu.memory_space<hbm>> -> memref<400xi32, #tpu.memory_space<hbm>>
        %dma_start3A_57 = tpu.memref_slice %arg3[%add3A_27] : memref<320000xi32, #tpu.memory_space<hbm>> -> memref<400xi32, #tpu.memory_space<hbm>>
        tpu.enqueue_dma source(%dma_start3A_57 : memref<400xi32, #tpu.memory_space<hbm>>) target(%arg6 : memref<400xi32, #tpu.memory_space<vmem>>) target_semaphore(%run_scoped3A : memref<!tpu.dma_semaphore, #tpu.memory_space<semaphore_mem>>)
        %dma_wait3A_58 = tpu.memref_slice %arg3[%add3A_27] : memref<320000xi32, #tpu.memory_space<hbm>> -> memref<400xi32, #tpu.memory_space<hbm>>
        %dma_wait3A_59 = tpu.memref_slice %arg3[%add3A_27] : memref<320000xi32, #tpu.memory_space<hbm>> -> memref<400xi32, #tpu.memory_space<hbm>>
        tpu.wait_dma2 semaphore(%run_scoped3A : memref<!tpu.dma_semaphore, #tpu.memory_space<semaphore_mem>>) src(%dma_wait3A_59 : memref<400xi32, #tpu.memory_space<hbm>>) dst(%arg6 : memref<400xi32, #tpu.memory_space<vmem>>)
        tpu.yield
      }) : () -> ()
      "tpu.region"() ({
        %run_scoped3A = tpu.sem_alloc : memref<!tpu.dma_semaphore, #tpu.memory_space<semaphore_mem>>
        %dma_start3A_56 = tpu.memref_slice %arg3[%add3A_29] : memref<320000xi32, #tpu.memory_space<hbm>> -> memref<400xi32, #tpu.memory_space<hbm>>
        %dma_start3A_57 = tpu.memref_slice %arg3[%add3A_29] : memref<320000xi32, #tpu.memory_space<hbm>> -> memref<400xi32, #tpu.memory_space<hbm>>
        tpu.enqueue_dma source(%dma_start3A_57 : memref<400xi32, #tpu.memory_space<hbm>>) target(%arg7 : memref<400xi32, #tpu.memory_space<vmem>>) target_semaphore(%run_scoped3A : memref<!tpu.dma_semaphore, #tpu.memory_space<semaphore_mem>>)
        %dma_wait3A_58 = tpu.memref_slice %arg3[%add3A_29] : memref<320000xi32, #tpu.memory_space<hbm>> -> memref<400xi32, #tpu.memory_space<hbm>>
        %dma_wait3A_59 = tpu.memref_slice %arg3[%add3A_29] : memref<320000xi32, #tpu.memory_space<hbm>> -> memref<400xi32, #tpu.memory_space<hbm>>
        tpu.wait_dma2 semaphore(%run_scoped3A : memref<!tpu.dma_semaphore, #tpu.memory_space<semaphore_mem>>) src(%dma_wait3A_59 : memref<400xi32, #tpu.memory_space<hbm>>) dst(%arg7 : memref<400xi32, #tpu.memory_space<vmem>>)
        tpu.yield
      }) : () -> ()
      %dma_start3A = arith.constant 0 : i32
      %dma_start3A_30 = tpu.memref_slice %arg2[%add3A_27, %dma_start3A] : memref<320000x64xf32, #tpu.memory_space<hbm>> -> memref<400x64xf32, #tpu.memory_space<hbm>>
      %dma_start3A_31 = arith.constant 0 : i32
      %dma_start3A_32 = tpu.memref_slice %arg2[%add3A_27, %dma_start3A_31] : memref<320000x64xf32, #tpu.memory_space<hbm>> -> memref<400x64xf32, #tpu.memory_space<hbm>>
      tpu.enqueue_dma source(%dma_start3A_32 : memref<400x64xf32, #tpu.memory_space<hbm>>) target(%arg8 : memref<400x64xf32, #tpu.memory_space<vmem>>) target_semaphore(%arg11 : memref<!tpu.dma_semaphore, #tpu.memory_space<semaphore_mem>>)
      %dma_start3A_33 = arith.constant 0 : i32
      %dma_start3A_34 = tpu.memref_slice %arg2[%add3A_29, %dma_start3A_33] : memref<320000x64xf32, #tpu.memory_space<hbm>> -> memref<400x64xf32, #tpu.memory_space<hbm>>
      %dma_start3A_35 = arith.constant 0 : i32
      %dma_start3A_36 = tpu.memref_slice %arg2[%add3A_29, %dma_start3A_35] : memref<320000x64xf32, #tpu.memory_space<hbm>> -> memref<400x64xf32, #tpu.memory_space<hbm>>
      tpu.enqueue_dma source(%dma_start3A_36 : memref<400x64xf32, #tpu.memory_space<hbm>>) target(%arg9 : memref<400x64xf32, #tpu.memory_space<vmem>>) target_semaphore(%arg12 : memref<!tpu.dma_semaphore, #tpu.memory_space<semaphore_mem>>)
      %dma_wait3A = arith.constant 0 : i32
      %dma_wait3A_37 = tpu.memref_slice %arg2[%add3A_27, %dma_wait3A] : memref<320000x64xf32, #tpu.memory_space<hbm>> -> memref<400x64xf32, #tpu.memory_space<hbm>>
      %dma_wait3A_38 = arith.constant 0 : i32
      %dma_wait3A_39 = tpu.memref_slice %arg2[%add3A_27, %dma_wait3A_38] : memref<320000x64xf32, #tpu.memory_space<hbm>> -> memref<400x64xf32, #tpu.memory_space<hbm>>
      tpu.wait_dma2 semaphore(%arg11 : memref<!tpu.dma_semaphore, #tpu.memory_space<semaphore_mem>>) src(%dma_wait3A_39 : memref<400x64xf32, #tpu.memory_space<hbm>>) dst(%arg8 : memref<400x64xf32, #tpu.memory_space<vmem>>)
      %dma_start3A_40 = arith.constant 0 : i32
      %dma_start3A_41 = arith.constant 0 : i32
      %dma_start3A_42 = tpu.memref_slice %arg10[%dma_start3A_40, %dma_start3A_41] : memref<10000x64xf32, #tpu.memory_space<vmem_shared>> -> memref<10000x64xf32, #tpu.memory_space<vmem_shared>>
      tpu.enqueue_indirect_dma source(%arg8 : memref<400x64xf32, #tpu.memory_space<vmem>>) target(%dma_start3A_42 : memref<10000x64xf32, #tpu.memory_space<vmem_shared>>) offsets(%arg6 : memref<400xi32, #tpu.memory_space<vmem>>) semaphore(%arg13 : memref<!tpu.dma_semaphore, #tpu.memory_space<semaphore_mem>>) {add = true}
      %dma_wait3A_43 = arith.constant 0 : i32
      %dma_wait3A_44 = tpu.memref_slice %arg2[%add3A_29, %dma_wait3A_43] : memref<320000x64xf32, #tpu.memory_space<hbm>> -> memref<400x64xf32, #tpu.memory_space<hbm>>
      %dma_wait3A_45 = arith.constant 0 : i32
      %dma_wait3A_46 = tpu.memref_slice %arg2[%add3A_29, %dma_wait3A_45] : memref<320000x64xf32, #tpu.memory_space<hbm>> -> memref<400x64xf32, #tpu.memory_space<hbm>>
      tpu.wait_dma2 semaphore(%arg12 : memref<!tpu.dma_semaphore, #tpu.memory_space<semaphore_mem>>) src(%dma_wait3A_46 : memref<400x64xf32, #tpu.memory_space<hbm>>) dst(%arg9 : memref<400x64xf32, #tpu.memory_space<vmem>>)
      %dma_start3A_47 = arith.constant 0 : i32
      %dma_start3A_48 = arith.constant 0 : i32
      %dma_start3A_49 = tpu.memref_slice %arg10[%dma_start3A_47, %dma_start3A_48] : memref<10000x64xf32, #tpu.memory_space<vmem_shared>> -> memref<10000x64xf32, #tpu.memory_space<vmem_shared>>
      tpu.enqueue_indirect_dma source(%arg9 : memref<400x64xf32, #tpu.memory_space<vmem>>) target(%dma_start3A_49 : memref<10000x64xf32, #tpu.memory_space<vmem_shared>>) offsets(%arg7 : memref<400xi32, #tpu.memory_space<vmem>>) semaphore(%arg14 : memref<!tpu.dma_semaphore, #tpu.memory_space<semaphore_mem>>) {add = true}
      %dma_wait3A_50 = arith.constant 0 : i32
      %dma_wait3A_51 = arith.constant 0 : i32
      %dma_wait3A_52 = tpu.memref_slice %arg10[%dma_wait3A_50, %dma_wait3A_51] : memref<10000x64xf32, #tpu.memory_space<vmem_shared>> -> memref<10000x64xf32, #tpu.memory_space<vmem_shared>>
      tpu.wait_indirect_dma semaphore(%arg13 : memref<!tpu.dma_semaphore, #tpu.memory_space<semaphore_mem>>) src(%arg8 : memref<400x64xf32, #tpu.memory_space<vmem>>) dst(%dma_wait3A_52 : memref<10000x64xf32, #tpu.memory_space<vmem_shared>>)
      %dma_wait3A_53 = arith.constant 0 : i32
      %dma_wait3A_54 = arith.constant 0 : i32
      %dma_wait3A_55 = tpu.memref_slice %arg10[%dma_wait3A_53, %dma_wait3A_54] : memref<10000x64xf32, #tpu.memory_space<vmem_shared>> -> memref<10000x64xf32, #tpu.memory_space<vmem_shared>>
      tpu.wait_indirect_dma semaphore(%arg14 : memref<!tpu.dma_semaphore, #tpu.memory_space<semaphore_mem>>) src(%arg9 : memref<400x64xf32, #tpu.memory_space<vmem>>) dst(%dma_wait3A_55 : memref<10000x64xf32, #tpu.memory_space<vmem_shared>>)
    }
    %scan3A_11 = arith.constant 12 : i32
    %add3A_12 = arith.constant 9600 : i32
    %add3A_13 = arith.addi %mul3A_6, %add3A_12 : i32
    "tpu.region"() ({
      %run_scoped3A = tpu.sem_alloc : memref<!tpu.dma_semaphore, #tpu.memory_space<semaphore_mem>>
      %dma_start3A = tpu.memref_slice %arg3[%add3A_13] : memref<320000xi32, #tpu.memory_space<hbm>> -> memref<400xi32, #tpu.memory_space<hbm>>
      %dma_start3A_22 = tpu.memref_slice %arg3[%add3A_13] : memref<320000xi32, #tpu.memory_space<hbm>> -> memref<400xi32, #tpu.memory_space<hbm>>
      tpu.enqueue_dma source(%dma_start3A_22 : memref<400xi32, #tpu.memory_space<hbm>>) target(%arg6 : memref<400xi32, #tpu.memory_space<vmem>>) target_semaphore(%run_scoped3A : memref<!tpu.dma_semaphore, #tpu.memory_space<semaphore_mem>>)
      %dma_wait3A = tpu.memref_slice %arg3[%add3A_13] : memref<320000xi32, #tpu.memory_space<hbm>> -> memref<400xi32, #tpu.memory_space<hbm>>
      %dma_wait3A_23 = tpu.memref_slice %arg3[%add3A_13] : memref<320000xi32, #tpu.memory_space<hbm>> -> memref<400xi32, #tpu.memory_space<hbm>>
      tpu.wait_dma2 semaphore(%run_scoped3A : memref<!tpu.dma_semaphore, #tpu.memory_space<semaphore_mem>>) src(%dma_wait3A_23 : memref<400xi32, #tpu.memory_space<hbm>>) dst(%arg6 : memref<400xi32, #tpu.memory_space<vmem>>)
      tpu.yield
    }) : () -> ()
    "tpu.region"() ({
      %run_scoped3A = tpu.sem_alloc : memref<!tpu.dma_semaphore, #tpu.memory_space<semaphore_mem>>
      %dma_start3A = arith.constant 0 : i32
      %dma_start3A_22 = tpu.memref_slice %arg2[%add3A_13, %dma_start3A] : memref<320000x64xf32, #tpu.memory_space<hbm>> -> memref<400x64xf32, #tpu.memory_space<hbm>>
      %dma_start3A_23 = arith.constant 0 : i32
      %dma_start3A_24 = tpu.memref_slice %arg2[%add3A_13, %dma_start3A_23] : memref<320000x64xf32, #tpu.memory_space<hbm>> -> memref<400x64xf32, #tpu.memory_space<hbm>>
      tpu.enqueue_dma source(%dma_start3A_24 : memref<400x64xf32, #tpu.memory_space<hbm>>) target(%arg8 : memref<400x64xf32, #tpu.memory_space<vmem>>) target_semaphore(%run_scoped3A : memref<!tpu.dma_semaphore, #tpu.memory_space<semaphore_mem>>)
      %dma_wait3A = arith.constant 0 : i32
      %dma_wait3A_25 = tpu.memref_slice %arg2[%add3A_13, %dma_wait3A] : memref<320000x64xf32, #tpu.memory_space<hbm>> -> memref<400x64xf32, #tpu.memory_space<hbm>>
      %dma_wait3A_26 = arith.constant 0 : i32
      %dma_wait3A_27 = tpu.memref_slice %arg2[%add3A_13, %dma_wait3A_26] : memref<320000x64xf32, #tpu.memory_space<hbm>> -> memref<400x64xf32, #tpu.memory_space<hbm>>
      tpu.wait_dma2 semaphore(%run_scoped3A : memref<!tpu.dma_semaphore, #tpu.memory_space<semaphore_mem>>) src(%dma_wait3A_27 : memref<400x64xf32, #tpu.memory_space<hbm>>) dst(%arg8 : memref<400x64xf32, #tpu.memory_space<vmem>>)
      tpu.yield
    }) : () -> ()
    "tpu.region"() ({
      %run_scoped3A = tpu.sem_alloc : memref<!tpu.dma_semaphore, #tpu.memory_space<semaphore_mem>>
      %dma_start3A = arith.constant 0 : i32
      %dma_start3A_22 = arith.constant 0 : i32
      %dma_start3A_23 = tpu.memref_slice %arg10[%dma_start3A, %dma_start3A_22] : memref<10000x64xf32, #tpu.memory_space<vmem_shared>> -> memref<10000x64xf32, #tpu.memory_space<vmem_shared>>
      tpu.enqueue_indirect_dma source(%arg8 : memref<400x64xf32, #tpu.memory_space<vmem>>) target(%dma_start3A_23 : memref<10000x64xf32, #tpu.memory_space<vmem_shared>>) offsets(%arg6 : memref<400xi32, #tpu.memory_space<vmem>>) semaphore(%run_scoped3A : memref<!tpu.dma_semaphore, #tpu.memory_space<semaphore_mem>>) {add = true}
      %dma_wait3A = arith.constant 0 : i32
      %dma_wait3A_24 = arith.constant 0 : i32
      %dma_wait3A_25 = tpu.memref_slice %arg10[%dma_wait3A, %dma_wait3A_24] : memref<10000x64xf32, #tpu.memory_space<vmem_shared>> -> memref<10000x64xf32, #tpu.memory_space<vmem_shared>>
      tpu.wait_indirect_dma semaphore(%run_scoped3A : memref<!tpu.dma_semaphore, #tpu.memory_space<semaphore_mem>>) src(%arg8 : memref<400x64xf32, #tpu.memory_space<vmem>>) dst(%dma_wait3A_25 : memref<10000x64xf32, #tpu.memory_space<vmem_shared>>)
      tpu.yield
    }) : () -> ()
    %barrier3A_14 = arith.constant 0 : index
    tpu.barrier barrier_id(%barrier3A_14)
    %mul3A_15 = arith.constant 625 : i32
    %mul3A_16 = arith.muli %arg1, %mul3A_15 : i32
    %mul3A_17 = arith.constant 10000 : i32
    %mul3A_18 = arith.muli %arg0, %mul3A_17 : i32
    %mul3A_19 = arith.constant 625 : i32
    %mul3A_20 = arith.muli %arg1, %mul3A_19 : i32
    %add3A_21 = arith.addi %mul3A_18, %mul3A_20 : i32
    "tpu.region"() ({
      %run_scoped3A = tpu.sem_alloc : memref<!tpu.dma_semaphore, #tpu.memory_space<semaphore_mem>>
      %dma_start3A = arith.constant 0 : i32
      %dma_start3A_22 = tpu.memref_slice %arg5[%add3A_21, %dma_start3A] : memref<20000x64xf32, #tpu.memory_space<hbm>> -> memref<625x64xf32, #tpu.memory_space<hbm>>
      %dma_start3A_23 = arith.constant 0 : i32
      %dma_start3A_24 = tpu.memref_slice %arg10[%mul3A_16, %dma_start3A_23] : memref<10000x64xf32, #tpu.memory_space<vmem_shared>> -> memref<625x64xf32, #tpu.memory_space<vmem_shared>>
      tpu.enqueue_dma source(%dma_start3A_24 : memref<625x64xf32, #tpu.memory_space<vmem_shared>>) target(%dma_start3A_22 : memref<625x64xf32, #tpu.memory_space<hbm>>) target_semaphore(%run_scoped3A : memref<!tpu.dma_semaphore, #tpu.memory_space<semaphore_mem>>)
      %dma_wait3A = arith.constant 0 : i32
      %dma_wait3A_25 = tpu.memref_slice %arg5[%add3A_21, %dma_wait3A] : memref<20000x64xf32, #tpu.memory_space<hbm>> -> memref<625x64xf32, #tpu.memory_space<hbm>>
      %dma_wait3A_26 = arith.constant 0 : i32
      %dma_wait3A_27 = tpu.memref_slice %arg10[%mul3A_16, %dma_wait3A_26] : memref<10000x64xf32, #tpu.memory_space<vmem_shared>> -> memref<625x64xf32, #tpu.memory_space<vmem_shared>>
      tpu.wait_dma2 semaphore(%run_scoped3A : memref<!tpu.dma_semaphore, #tpu.memory_space<semaphore_mem>>) src(%dma_wait3A_27 : memref<625x64xf32, #tpu.memory_space<vmem_shared>>) dst(%dma_wait3A_25 : memref<625x64xf32, #tpu.memory_space<hbm>>)
      tpu.yield
    }) : () -> ()
    return
  }
}

#map = affine_map<(d0, d1) -> (0, 0)>
#map1 = affine_map<(d0, d1) -> (0)>
module attributes {stable_mosaic.version = 14 : i64} {
  func.func @k(%arg0: i32, %arg1: i32, %arg2: memref<10000x64xf32, #tpu.memory_space<hbm>>, %arg3: memref<10000x64xf32, #tpu.memory_space<hbm>>, %arg4: memref<320000xi32, #tpu.memory_space<hbm>>, %arg5: memref<320000xi32, #tpu.memory_space<hbm>>, %arg6: memref<320000x64xf32, #tpu.memory_space<hbm>>, %arg7: memref<400xi32, #tpu.memory_space<vmem>>, %arg8: memref<400xi32, #tpu.memory_space<vmem>>, %arg9: memref<400xi32, #tpu.memory_space<vmem>>, %arg10: memref<400xi32, #tpu.memory_space<vmem>>, %arg11: memref<400x64xf32, #tpu.memory_space<vmem>>, %arg12: memref<400x64xf32, #tpu.memory_space<vmem>>, %arg13: memref<!tpu.dma_semaphore, #tpu.memory_space<semaphore_mem>>, %arg14: memref<!tpu.dma_semaphore, #tpu.memory_space<semaphore_mem>>, %arg15: memref<!tpu.dma_semaphore, #tpu.memory_space<semaphore_mem>>, %arg16: memref<!tpu.dma_semaphore, #tpu.memory_space<semaphore_mem>>, %arg17: memref<!tpu.dma_semaphore, #tpu.memory_space<semaphore_mem>>, %arg18: memref<!tpu.dma_semaphore, #tpu.memory_space<semaphore_mem>>) attributes {dimension_semantics = [#tpu.dimension_semantics<core_parallel>, #tpu.dimension_semantics<subcore_parallel>], iteration_bounds = array<i64: 2, 16>, scalar_prefetch = 0 : i64, scratch_operands = 12 : i64, tpu.core_type = #tpu.core_type<sc_vector_subcore>, window_params = [{transform_indices = #map}, {transform_indices = #map}, {transform_indices = #map1}, {transform_indices = #map1}, {transform_indices = #map}]} {
    %mul3A = arith.constant 2 : i32
    %mul3A_0 = arith.muli %arg1, %mul3A : i32
    %add3A = arith.addi %mul3A_0, %arg0 : i32
    %mul3A_1 = arith.constant 10000 : i32
    %mul3A_2 = arith.muli %add3A, %mul3A_1 : i32
    %scan3A = arith.constant 0 : i32
    %scan3A_3 = arith.constant 0 : i32
    %scan3A_4 = arith.constant 12 : i32
    %scan3A_5 = arith.addi %scan3A_3, %scan3A_4 : i32
    %scan3A_6 = arith.constant 1 : i32
    scf.for %scan3A_28 = %scan3A_3 to %scan3A_5 step %scan3A_6  : i32 {
      %mul3A_29 = arith.constant 2 : i32
      %mul3A_30 = arith.muli %scan3A_28, %mul3A_29 : i32
      %mul3A_31 = arith.constant 400 : i32
      %mul3A_32 = arith.muli %mul3A_30, %mul3A_31 : i32
      %add3A_33 = arith.addi %mul3A_2, %mul3A_32 : i32
      %add3A_34 = arith.constant 400 : i32
      %add3A_35 = arith.addi %add3A_33, %add3A_34 : i32
      "tpu.region"() ({
        %run_scoped3A = tpu.sem_alloc : memref<!tpu.dma_semaphore, #tpu.memory_space<semaphore_mem>>
        %dma_start3A_76 = tpu.memref_slice %arg4[%add3A_33] : memref<320000xi32, #tpu.memory_space<hbm>> -> memref<400xi32, #tpu.memory_space<hbm>>
        %dma_start3A_77 = tpu.memref_slice %arg4[%add3A_33] : memref<320000xi32, #tpu.memory_space<hbm>> -> memref<400xi32, #tpu.memory_space<hbm>>
        tpu.enqueue_dma source(%dma_start3A_77 : memref<400xi32, #tpu.memory_space<hbm>>) target(%arg7 : memref<400xi32, #tpu.memory_space<vmem>>) target_semaphore(%run_scoped3A : memref<!tpu.dma_semaphore, #tpu.memory_space<semaphore_mem>>)
        %dma_wait3A_78 = tpu.memref_slice %arg4[%add3A_33] : memref<320000xi32, #tpu.memory_space<hbm>> -> memref<400xi32, #tpu.memory_space<hbm>>
        %dma_wait3A_79 = tpu.memref_slice %arg4[%add3A_33] : memref<320000xi32, #tpu.memory_space<hbm>> -> memref<400xi32, #tpu.memory_space<hbm>>
        tpu.wait_dma2 semaphore(%run_scoped3A : memref<!tpu.dma_semaphore, #tpu.memory_space<semaphore_mem>>) src(%dma_wait3A_79 : memref<400xi32, #tpu.memory_space<hbm>>) dst(%arg7 : memref<400xi32, #tpu.memory_space<vmem>>)
        tpu.yield
      }) : () -> ()
      "tpu.region"() ({
        %run_scoped3A = tpu.sem_alloc : memref<!tpu.dma_semaphore, #tpu.memory_space<semaphore_mem>>
        %dma_start3A_76 = tpu.memref_slice %arg5[%add3A_33] : memref<320000xi32, #tpu.memory_space<hbm>> -> memref<400xi32, #tpu.memory_space<hbm>>
        %dma_start3A_77 = tpu.memref_slice %arg5[%add3A_33] : memref<320000xi32, #tpu.memory_space<hbm>> -> memref<400xi32, #tpu.memory_space<hbm>>
        tpu.enqueue_dma source(%dma_start3A_77 : memref<400xi32, #tpu.memory_space<hbm>>) target(%arg8 : memref<400xi32, #tpu.memory_space<vmem>>) target_semaphore(%run_scoped3A : memref<!tpu.dma_semaphore, #tpu.memory_space<semaphore_mem>>)
        %dma_wait3A_78 = tpu.memref_slice %arg5[%add3A_33] : memref<320000xi32, #tpu.memory_space<hbm>> -> memref<400xi32, #tpu.memory_space<hbm>>
        %dma_wait3A_79 = tpu.memref_slice %arg5[%add3A_33] : memref<320000xi32, #tpu.memory_space<hbm>> -> memref<400xi32, #tpu.memory_space<hbm>>
        tpu.wait_dma2 semaphore(%run_scoped3A : memref<!tpu.dma_semaphore, #tpu.memory_space<semaphore_mem>>) src(%dma_wait3A_79 : memref<400xi32, #tpu.memory_space<hbm>>) dst(%arg8 : memref<400xi32, #tpu.memory_space<vmem>>)
        tpu.yield
      }) : () -> ()
      "tpu.region"() ({
        %run_scoped3A = tpu.sem_alloc : memref<!tpu.dma_semaphore, #tpu.memory_space<semaphore_mem>>
        %dma_start3A_76 = tpu.memref_slice %arg4[%add3A_35] : memref<320000xi32, #tpu.memory_space<hbm>> -> memref<400xi32, #tpu.memory_space<hbm>>
        %dma_start3A_77 = tpu.memref_slice %arg4[%add3A_35] : memref<320000xi32, #tpu.memory_space<hbm>> -> memref<400xi32, #tpu.memory_space<hbm>>
        tpu.enqueue_dma source(%dma_start3A_77 : memref<400xi32, #tpu.memory_space<hbm>>) target(%arg9 : memref<400xi32, #tpu.memory_space<vmem>>) target_semaphore(%run_scoped3A : memref<!tpu.dma_semaphore, #tpu.memory_space<semaphore_mem>>)
        %dma_wait3A_78 = tpu.memref_slice %arg4[%add3A_35] : memref<320000xi32, #tpu.memory_space<hbm>> -> memref<400xi32, #tpu.memory_space<hbm>>
        %dma_wait3A_79 = tpu.memref_slice %arg4[%add3A_35] : memref<320000xi32, #tpu.memory_space<hbm>> -> memref<400xi32, #tpu.memory_space<hbm>>
        tpu.wait_dma2 semaphore(%run_scoped3A : memref<!tpu.dma_semaphore, #tpu.memory_space<semaphore_mem>>) src(%dma_wait3A_79 : memref<400xi32, #tpu.memory_space<hbm>>) dst(%arg9 : memref<400xi32, #tpu.memory_space<vmem>>)
        tpu.yield
      }) : () -> ()
      "tpu.region"() ({
        %run_scoped3A = tpu.sem_alloc : memref<!tpu.dma_semaphore, #tpu.memory_space<semaphore_mem>>
        %dma_start3A_76 = tpu.memref_slice %arg5[%add3A_35] : memref<320000xi32, #tpu.memory_space<hbm>> -> memref<400xi32, #tpu.memory_space<hbm>>
        %dma_start3A_77 = tpu.memref_slice %arg5[%add3A_35] : memref<320000xi32, #tpu.memory_space<hbm>> -> memref<400xi32, #tpu.memory_space<hbm>>
        tpu.enqueue_dma source(%dma_start3A_77 : memref<400xi32, #tpu.memory_space<hbm>>) target(%arg10 : memref<400xi32, #tpu.memory_space<vmem>>) target_semaphore(%run_scoped3A : memref<!tpu.dma_semaphore, #tpu.memory_space<semaphore_mem>>)
        %dma_wait3A_78 = tpu.memref_slice %arg5[%add3A_35] : memref<320000xi32, #tpu.memory_space<hbm>> -> memref<400xi32, #tpu.memory_space<hbm>>
        %dma_wait3A_79 = tpu.memref_slice %arg5[%add3A_35] : memref<320000xi32, #tpu.memory_space<hbm>> -> memref<400xi32, #tpu.memory_space<hbm>>
        tpu.wait_dma2 semaphore(%run_scoped3A : memref<!tpu.dma_semaphore, #tpu.memory_space<semaphore_mem>>) src(%dma_wait3A_79 : memref<400xi32, #tpu.memory_space<hbm>>) dst(%arg10 : memref<400xi32, #tpu.memory_space<vmem>>)
        tpu.yield
      }) : () -> ()
      %dma_start3A_36 = arith.constant 0 : i32
      %dma_start3A_37 = arith.constant 0 : i32
      %dma_start3A_38 = tpu.memref_slice %arg2[%dma_start3A_36, %dma_start3A_37] : memref<10000x64xf32, #tpu.memory_space<hbm>> -> memref<10000x64xf32, #tpu.memory_space<hbm>>
      tpu.enqueue_indirect_dma source(%dma_start3A_38 : memref<10000x64xf32, #tpu.memory_space<hbm>>) target(%arg11 : memref<400x64xf32, #tpu.memory_space<vmem>>) offsets(%arg7 : memref<400xi32, #tpu.memory_space<vmem>>) semaphore(%arg13 : memref<!tpu.dma_semaphore, #tpu.memory_space<semaphore_mem>>)
      %dma_start3A_39 = arith.constant 0 : i32
      %dma_start3A_40 = arith.constant 0 : i32
      %dma_start3A_41 = tpu.memref_slice %arg2[%dma_start3A_39, %dma_start3A_40] : memref<10000x64xf32, #tpu.memory_space<hbm>> -> memref<10000x64xf32, #tpu.memory_space<hbm>>
      tpu.enqueue_indirect_dma source(%dma_start3A_41 : memref<10000x64xf32, #tpu.memory_space<hbm>>) target(%arg12 : memref<400x64xf32, #tpu.memory_space<vmem>>) offsets(%arg9 : memref<400xi32, #tpu.memory_space<vmem>>) semaphore(%arg14 : memref<!tpu.dma_semaphore, #tpu.memory_space<semaphore_mem>>)
      %dma_wait3A_42 = arith.constant 0 : i32
      %dma_wait3A_43 = arith.constant 0 : i32
      %dma_wait3A_44 = tpu.memref_slice %arg2[%dma_wait3A_42, %dma_wait3A_43] : memref<10000x64xf32, #tpu.memory_space<hbm>> -> memref<10000x64xf32, #tpu.memory_space<hbm>>
      tpu.wait_indirect_dma semaphore(%arg13 : memref<!tpu.dma_semaphore, #tpu.memory_space<semaphore_mem>>) src(%dma_wait3A_44 : memref<10000x64xf32, #tpu.memory_space<hbm>>) dst(%arg11 : memref<400x64xf32, #tpu.memory_space<vmem>>)
      %dma_start3A_45 = arith.constant 0 : i32
      %dma_start3A_46 = arith.constant 0 : i32
      %dma_start3A_47 = tpu.memref_slice %arg3[%dma_start3A_45, %dma_start3A_46] : memref<10000x64xf32, #tpu.memory_space<hbm>> -> memref<10000x64xf32, #tpu.memory_space<hbm>>
      tpu.enqueue_indirect_dma source(%dma_start3A_47 : memref<10000x64xf32, #tpu.memory_space<hbm>>) target(%arg11 : memref<400x64xf32, #tpu.memory_space<vmem>>) offsets(%arg8 : memref<400xi32, #tpu.memory_space<vmem>>) semaphore(%arg15 : memref<!tpu.dma_semaphore, #tpu.memory_space<semaphore_mem>>) {add = true}
      %dma_wait3A_48 = arith.constant 0 : i32
      %dma_wait3A_49 = arith.constant 0 : i32
      %dma_wait3A_50 = tpu.memref_slice %arg2[%dma_wait3A_48, %dma_wait3A_49] : memref<10000x64xf32, #tpu.memory_space<hbm>> -> memref<10000x64xf32, #tpu.memory_space<hbm>>
      tpu.wait_indirect_dma semaphore(%arg14 : memref<!tpu.dma_semaphore, #tpu.memory_space<semaphore_mem>>) src(%dma_wait3A_50 : memref<10000x64xf32, #tpu.memory_space<hbm>>) dst(%arg12 : memref<400x64xf32, #tpu.memory_space<vmem>>)
      %dma_start3A_51 = arith.constant 0 : i32
      %dma_start3A_52 = arith.constant 0 : i32
      %dma_start3A_53 = tpu.memref_slice %arg3[%dma_start3A_51, %dma_start3A_52] : memref<10000x64xf32, #tpu.memory_space<hbm>> -> memref<10000x64xf32, #tpu.memory_space<hbm>>
      tpu.enqueue_indirect_dma source(%dma_start3A_53 : memref<10000x64xf32, #tpu.memory_space<hbm>>) target(%arg12 : memref<400x64xf32, #tpu.memory_space<vmem>>) offsets(%arg10 : memref<400xi32, #tpu.memory_space<vmem>>) semaphore(%arg16 : memref<!tpu.dma_semaphore, #tpu.memory_space<semaphore_mem>>) {add = true}
      %dma_wait3A_54 = arith.constant 0 : i32
      %dma_wait3A_55 = arith.constant 0 : i32
      %dma_wait3A_56 = tpu.memref_slice %arg3[%dma_wait3A_54, %dma_wait3A_55] : memref<10000x64xf32, #tpu.memory_space<hbm>> -> memref<10000x64xf32, #tpu.memory_space<hbm>>
      tpu.wait_indirect_dma semaphore(%arg15 : memref<!tpu.dma_semaphore, #tpu.memory_space<semaphore_mem>>) src(%dma_wait3A_56 : memref<10000x64xf32, #tpu.memory_space<hbm>>) dst(%arg11 : memref<400x64xf32, #tpu.memory_space<vmem>>)
      %dma_start3A_57 = arith.constant 0 : i32
      %dma_start3A_58 = tpu.memref_slice %arg6[%add3A_33, %dma_start3A_57] : memref<320000x64xf32, #tpu.memory_space<hbm>> -> memref<400x64xf32, #tpu.memory_space<hbm>>
      %dma_start3A_59 = arith.constant 0 : i32
      %dma_start3A_60 = tpu.memref_slice %arg6[%add3A_33, %dma_start3A_59] : memref<320000x64xf32, #tpu.memory_space<hbm>> -> memref<400x64xf32, #tpu.memory_space<hbm>>
      tpu.enqueue_dma source(%arg11 : memref<400x64xf32, #tpu.memory_space<vmem>>) target(%dma_start3A_60 : memref<400x64xf32, #tpu.memory_space<hbm>>) target_semaphore(%arg17 : memref<!tpu.dma_semaphore, #tpu.memory_space<semaphore_mem>>)
      %dma_wait3A_61 = arith.constant 0 : i32
      %dma_wait3A_62 = arith.constant 0 : i32
      %dma_wait3A_63 = tpu.memref_slice %arg3[%dma_wait3A_61, %dma_wait3A_62] : memref<10000x64xf32, #tpu.memory_space<hbm>> -> memref<10000x64xf32, #tpu.memory_space<hbm>>
      tpu.wait_indirect_dma semaphore(%arg16 : memref<!tpu.dma_semaphore, #tpu.memory_space<semaphore_mem>>) src(%dma_wait3A_63 : memref<10000x64xf32, #tpu.memory_space<hbm>>) dst(%arg12 : memref<400x64xf32, #tpu.memory_space<vmem>>)
      %dma_start3A_64 = arith.constant 0 : i32
      %dma_start3A_65 = tpu.memref_slice %arg6[%add3A_35, %dma_start3A_64] : memref<320000x64xf32, #tpu.memory_space<hbm>> -> memref<400x64xf32, #tpu.memory_space<hbm>>
      %dma_start3A_66 = arith.constant 0 : i32
      %dma_start3A_67 = tpu.memref_slice %arg6[%add3A_35, %dma_start3A_66] : memref<320000x64xf32, #tpu.memory_space<hbm>> -> memref<400x64xf32, #tpu.memory_space<hbm>>
      tpu.enqueue_dma source(%arg12 : memref<400x64xf32, #tpu.memory_space<vmem>>) target(%dma_start3A_67 : memref<400x64xf32, #tpu.memory_space<hbm>>) target_semaphore(%arg18 : memref<!tpu.dma_semaphore, #tpu.memory_space<semaphore_mem>>)
      %dma_wait3A_68 = arith.constant 0 : i32
      %dma_wait3A_69 = tpu.memref_slice %arg6[%add3A_33, %dma_wait3A_68] : memref<320000x64xf32, #tpu.memory_space<hbm>> -> memref<400x64xf32, #tpu.memory_space<hbm>>
      %dma_wait3A_70 = arith.constant 0 : i32
      %dma_wait3A_71 = tpu.memref_slice %arg6[%add3A_33, %dma_wait3A_70] : memref<320000x64xf32, #tpu.memory_space<hbm>> -> memref<400x64xf32, #tpu.memory_space<hbm>>
      tpu.wait_dma2 semaphore(%arg17 : memref<!tpu.dma_semaphore, #tpu.memory_space<semaphore_mem>>) src(%arg11 : memref<400x64xf32, #tpu.memory_space<vmem>>) dst(%dma_wait3A_71 : memref<400x64xf32, #tpu.memory_space<hbm>>)
      %dma_wait3A_72 = arith.constant 0 : i32
      %dma_wait3A_73 = tpu.memref_slice %arg6[%add3A_35, %dma_wait3A_72] : memref<320000x64xf32, #tpu.memory_space<hbm>> -> memref<400x64xf32, #tpu.memory_space<hbm>>
      %dma_wait3A_74 = arith.constant 0 : i32
      %dma_wait3A_75 = tpu.memref_slice %arg6[%add3A_35, %dma_wait3A_74] : memref<320000x64xf32, #tpu.memory_space<hbm>> -> memref<400x64xf32, #tpu.memory_space<hbm>>
      tpu.wait_dma2 semaphore(%arg18 : memref<!tpu.dma_semaphore, #tpu.memory_space<semaphore_mem>>) src(%arg12 : memref<400x64xf32, #tpu.memory_space<vmem>>) dst(%dma_wait3A_75 : memref<400x64xf32, #tpu.memory_space<hbm>>)
    }
    %scan3A_7 = arith.constant 12 : i32
    %add3A_8 = arith.constant 9600 : i32
    %add3A_9 = arith.addi %mul3A_2, %add3A_8 : i32
    "tpu.region"() ({
      %run_scoped3A = tpu.sem_alloc : memref<!tpu.dma_semaphore, #tpu.memory_space<semaphore_mem>>
      %dma_start3A_28 = tpu.memref_slice %arg4[%add3A_9] : memref<320000xi32, #tpu.memory_space<hbm>> -> memref<400xi32, #tpu.memory_space<hbm>>
      %dma_start3A_29 = tpu.memref_slice %arg4[%add3A_9] : memref<320000xi32, #tpu.memory_space<hbm>> -> memref<400xi32, #tpu.memory_space<hbm>>
      tpu.enqueue_dma source(%dma_start3A_29 : memref<400xi32, #tpu.memory_space<hbm>>) target(%arg7 : memref<400xi32, #tpu.memory_space<vmem>>) target_semaphore(%run_scoped3A : memref<!tpu.dma_semaphore, #tpu.memory_space<semaphore_mem>>)
      %dma_wait3A_30 = tpu.memref_slice %arg4[%add3A_9] : memref<320000xi32, #tpu.memory_space<hbm>> -> memref<400xi32, #tpu.memory_space<hbm>>
      %dma_wait3A_31 = tpu.memref_slice %arg4[%add3A_9] : memref<320000xi32, #tpu.memory_space<hbm>> -> memref<400xi32, #tpu.memory_space<hbm>>
      tpu.wait_dma2 semaphore(%run_scoped3A : memref<!tpu.dma_semaphore, #tpu.memory_space<semaphore_mem>>) src(%dma_wait3A_31 : memref<400xi32, #tpu.memory_space<hbm>>) dst(%arg7 : memref<400xi32, #tpu.memory_space<vmem>>)
      tpu.yield
    }) : () -> ()
    "tpu.region"() ({
      %run_scoped3A = tpu.sem_alloc : memref<!tpu.dma_semaphore, #tpu.memory_space<semaphore_mem>>
      %dma_start3A_28 = tpu.memref_slice %arg5[%add3A_9] : memref<320000xi32, #tpu.memory_space<hbm>> -> memref<400xi32, #tpu.memory_space<hbm>>
      %dma_start3A_29 = tpu.memref_slice %arg5[%add3A_9] : memref<320000xi32, #tpu.memory_space<hbm>> -> memref<400xi32, #tpu.memory_space<hbm>>
      tpu.enqueue_dma source(%dma_start3A_29 : memref<400xi32, #tpu.memory_space<hbm>>) target(%arg8 : memref<400xi32, #tpu.memory_space<vmem>>) target_semaphore(%run_scoped3A : memref<!tpu.dma_semaphore, #tpu.memory_space<semaphore_mem>>)
      %dma_wait3A_30 = tpu.memref_slice %arg5[%add3A_9] : memref<320000xi32, #tpu.memory_space<hbm>> -> memref<400xi32, #tpu.memory_space<hbm>>
      %dma_wait3A_31 = tpu.memref_slice %arg5[%add3A_9] : memref<320000xi32, #tpu.memory_space<hbm>> -> memref<400xi32, #tpu.memory_space<hbm>>
      tpu.wait_dma2 semaphore(%run_scoped3A : memref<!tpu.dma_semaphore, #tpu.memory_space<semaphore_mem>>) src(%dma_wait3A_31 : memref<400xi32, #tpu.memory_space<hbm>>) dst(%arg8 : memref<400xi32, #tpu.memory_space<vmem>>)
      tpu.yield
    }) : () -> ()
    %dma_start3A = arith.constant 0 : i32
    %dma_start3A_10 = arith.constant 0 : i32
    %dma_start3A_11 = tpu.memref_slice %arg2[%dma_start3A, %dma_start3A_10] : memref<10000x64xf32, #tpu.memory_space<hbm>> -> memref<10000x64xf32, #tpu.memory_space<hbm>>
    tpu.enqueue_indirect_dma source(%dma_start3A_11 : memref<10000x64xf32, #tpu.memory_space<hbm>>) target(%arg11 : memref<400x64xf32, #tpu.memory_space<vmem>>) offsets(%arg7 : memref<400xi32, #tpu.memory_space<vmem>>) semaphore(%arg13 : memref<!tpu.dma_semaphore, #tpu.memory_space<semaphore_mem>>)
    %dma_wait3A = arith.constant 0 : i32
    %dma_wait3A_12 = arith.constant 0 : i32
    %dma_wait3A_13 = tpu.memref_slice %arg2[%dma_wait3A, %dma_wait3A_12] : memref<10000x64xf32, #tpu.memory_space<hbm>> -> memref<10000x64xf32, #tpu.memory_space<hbm>>
    tpu.wait_indirect_dma semaphore(%arg13 : memref<!tpu.dma_semaphore, #tpu.memory_space<semaphore_mem>>) src(%dma_wait3A_13 : memref<10000x64xf32, #tpu.memory_space<hbm>>) dst(%arg11 : memref<400x64xf32, #tpu.memory_space<vmem>>)
    %dma_start3A_14 = arith.constant 0 : i32
    %dma_start3A_15 = arith.constant 0 : i32
    %dma_start3A_16 = tpu.memref_slice %arg3[%dma_start3A_14, %dma_start3A_15] : memref<10000x64xf32, #tpu.memory_space<hbm>> -> memref<10000x64xf32, #tpu.memory_space<hbm>>
    tpu.enqueue_indirect_dma source(%dma_start3A_16 : memref<10000x64xf32, #tpu.memory_space<hbm>>) target(%arg11 : memref<400x64xf32, #tpu.memory_space<vmem>>) offsets(%arg8 : memref<400xi32, #tpu.memory_space<vmem>>) semaphore(%arg15 : memref<!tpu.dma_semaphore, #tpu.memory_space<semaphore_mem>>) {add = true}
    %dma_wait3A_17 = arith.constant 0 : i32
    %dma_wait3A_18 = arith.constant 0 : i32
    %dma_wait3A_19 = tpu.memref_slice %arg3[%dma_wait3A_17, %dma_wait3A_18] : memref<10000x64xf32, #tpu.memory_space<hbm>> -> memref<10000x64xf32, #tpu.memory_space<hbm>>
    tpu.wait_indirect_dma semaphore(%arg15 : memref<!tpu.dma_semaphore, #tpu.memory_space<semaphore_mem>>) src(%dma_wait3A_19 : memref<10000x64xf32, #tpu.memory_space<hbm>>) dst(%arg11 : memref<400x64xf32, #tpu.memory_space<vmem>>)
    %dma_start3A_20 = arith.constant 0 : i32
    %dma_start3A_21 = tpu.memref_slice %arg6[%add3A_9, %dma_start3A_20] : memref<320000x64xf32, #tpu.memory_space<hbm>> -> memref<400x64xf32, #tpu.memory_space<hbm>>
    %dma_start3A_22 = arith.constant 0 : i32
    %dma_start3A_23 = tpu.memref_slice %arg6[%add3A_9, %dma_start3A_22] : memref<320000x64xf32, #tpu.memory_space<hbm>> -> memref<400x64xf32, #tpu.memory_space<hbm>>
    tpu.enqueue_dma source(%arg11 : memref<400x64xf32, #tpu.memory_space<vmem>>) target(%dma_start3A_23 : memref<400x64xf32, #tpu.memory_space<hbm>>) target_semaphore(%arg17 : memref<!tpu.dma_semaphore, #tpu.memory_space<semaphore_mem>>)
    %dma_wait3A_24 = arith.constant 0 : i32
    %dma_wait3A_25 = tpu.memref_slice %arg6[%add3A_9, %dma_wait3A_24] : memref<320000x64xf32, #tpu.memory_space<hbm>> -> memref<400x64xf32, #tpu.memory_space<hbm>>
    %dma_wait3A_26 = arith.constant 0 : i32
    %dma_wait3A_27 = tpu.memref_slice %arg6[%add3A_9, %dma_wait3A_26] : memref<320000x64xf32, #tpu.memory_space<hbm>> -> memref<400x64xf32, #tpu.memory_space<hbm>>
    tpu.wait_dma2 semaphore(%arg17 : memref<!tpu.dma_semaphore, #tpu.memory_space<semaphore_mem>>) src(%arg11 : memref<400x64xf32, #tpu.memory_space<vmem>>) dst(%dma_wait3A_27 : memref<400x64xf32, #tpu.memory_space<hbm>>)
    return
  }
}

#map = affine_map<(d0, d1) -> (0, 0)>
#map1 = affine_map<(d0, d1) -> (0)>
module attributes {stable_mosaic.version = 14 : i64} {
  func.func @k(%arg0: i32, %arg1: i32, %arg2: memref<320000x64xf32, #tpu.memory_space<hbm>>, %arg3: memref<320000xi32, #tpu.memory_space<hbm>>, %arg4: memref<10000x64xf32, #tpu.memory_space<hbm>>, %arg5: memref<20000x64xf32, #tpu.memory_space<hbm>>, %arg6: memref<400xi32, #tpu.memory_space<vmem>>, %arg7: memref<400xi32, #tpu.memory_space<vmem>>, %arg8: memref<400x64xf32, #tpu.memory_space<vmem>>, %arg9: memref<400x64xf32, #tpu.memory_space<vmem>>, %arg10: memref<10000x64xf32, #tpu.memory_space<vmem_shared>>, %arg11: memref<!tpu.dma_semaphore, #tpu.memory_space<semaphore_mem>>, %arg12: memref<!tpu.dma_semaphore, #tpu.memory_space<semaphore_mem>>, %arg13: memref<!tpu.dma_semaphore, #tpu.memory_space<semaphore_mem>>, %arg14: memref<!tpu.dma_semaphore, #tpu.memory_space<semaphore_mem>>) attributes {dimension_semantics = [#tpu.dimension_semantics<core_parallel>, #tpu.dimension_semantics<subcore_parallel>], iteration_bounds = array<i64: 2, 16>, scalar_prefetch = 0 : i64, scratch_operands = 9 : i64, tpu.core_type = #tpu.core_type<sc_vector_subcore>, window_params = [{transform_indices = #map}, {transform_indices = #map1}, {transform_indices = #map}, {transform_indices = #map}]} {
    %mul3A = arith.constant 2 : i32
    %mul3A_0 = arith.muli %arg1, %mul3A : i32
    %add3A = arith.addi %mul3A_0, %arg0 : i32
    %mul3A_1 = arith.constant 625 : i32
    %mul3A_2 = arith.muli %arg1, %mul3A_1 : i32
    %mul3A_3 = arith.constant 625 : i32
    %mul3A_4 = arith.muli %arg1, %mul3A_3 : i32
    "tpu.region"() ({
      %run_scoped3A = tpu.sem_alloc : memref<!tpu.dma_semaphore, #tpu.memory_space<semaphore_mem>>
      %dma_start3A = arith.constant 0 : i32
      %dma_start3A_22 = tpu.memref_slice %arg10[%mul3A_4, %dma_start3A] : memref<10000x64xf32, #tpu.memory_space<vmem_shared>> -> memref<625x64xf32, #tpu.memory_space<vmem_shared>>
      %dma_start3A_23 = arith.constant 0 : i32
      %dma_start3A_24 = tpu.memref_slice %arg4[%mul3A_2, %dma_start3A_23] : memref<10000x64xf32, #tpu.memory_space<hbm>> -> memref<625x64xf32, #tpu.memory_space<hbm>>
      tpu.enqueue_dma source(%dma_start3A_24 : memref<625x64xf32, #tpu.memory_space<hbm>>) target(%dma_start3A_22 : memref<625x64xf32, #tpu.memory_space<vmem_shared>>) target_semaphore(%run_scoped3A : memref<!tpu.dma_semaphore, #tpu.memory_space<semaphore_mem>>)
      %dma_wait3A = arith.constant 0 : i32
      %dma_wait3A_25 = tpu.memref_slice %arg10[%mul3A_4, %dma_wait3A] : memref<10000x64xf32, #tpu.memory_space<vmem_shared>> -> memref<625x64xf32, #tpu.memory_space<vmem_shared>>
      %dma_wait3A_26 = arith.constant 0 : i32
      %dma_wait3A_27 = tpu.memref_slice %arg4[%mul3A_2, %dma_wait3A_26] : memref<10000x64xf32, #tpu.memory_space<hbm>> -> memref<625x64xf32, #tpu.memory_space<hbm>>
      tpu.wait_dma2 semaphore(%run_scoped3A : memref<!tpu.dma_semaphore, #tpu.memory_space<semaphore_mem>>) src(%dma_wait3A_27 : memref<625x64xf32, #tpu.memory_space<hbm>>) dst(%dma_wait3A_25 : memref<625x64xf32, #tpu.memory_space<vmem_shared>>)
      tpu.yield
    }) : () -> ()
    %barrier3A = arith.constant 0 : index
    tpu.barrier barrier_id(%barrier3A)
    %mul3A_5 = arith.constant 10000 : i32
    %mul3A_6 = arith.muli %add3A, %mul3A_5 : i32
    %scan3A = arith.constant 0 : i32
    %scan3A_7 = arith.constant 0 : i32
    %scan3A_8 = arith.constant 12 : i32
    %scan3A_9 = arith.addi %scan3A_7, %scan3A_8 : i32
    %scan3A_10 = arith.constant 1 : i32
    scf.for %scan3A_22 = %scan3A_7 to %scan3A_9 step %scan3A_10  : i32 {
      %mul3A_23 = arith.constant 2 : i32
      %mul3A_24 = arith.muli %scan3A_22, %mul3A_23 : i32
      %mul3A_25 = arith.constant 400 : i32
      %mul3A_26 = arith.muli %mul3A_24, %mul3A_25 : i32
      %add3A_27 = arith.addi %mul3A_6, %mul3A_26 : i32
      %add3A_28 = arith.constant 400 : i32
      %add3A_29 = arith.addi %add3A_27, %add3A_28 : i32
      "tpu.region"() ({
        %run_scoped3A = tpu.sem_alloc : memref<!tpu.dma_semaphore, #tpu.memory_space<semaphore_mem>>
        %dma_start3A_56 = tpu.memref_slice %arg3[%add3A_27] : memref<320000xi32, #tpu.memory_space<hbm>> -> memref<400xi32, #tpu.memory_space<hbm>>
        %dma_start3A_57 = tpu.memref_slice %arg3[%add3A_27] : memref<320000xi32, #tpu.memory_space<hbm>> -> memref<400xi32, #tpu.memory_space<hbm>>
        tpu.enqueue_dma source(%dma_start3A_57 : memref<400xi32, #tpu.memory_space<hbm>>) target(%arg6 : memref<400xi32, #tpu.memory_space<vmem>>) target_semaphore(%run_scoped3A : memref<!tpu.dma_semaphore, #tpu.memory_space<semaphore_mem>>)
        %dma_wait3A_58 = tpu.memref_slice %arg3[%add3A_27] : memref<320000xi32, #tpu.memory_space<hbm>> -> memref<400xi32, #tpu.memory_space<hbm>>
        %dma_wait3A_59 = tpu.memref_slice %arg3[%add3A_27] : memref<320000xi32, #tpu.memory_space<hbm>> -> memref<400xi32, #tpu.memory_space<hbm>>
        tpu.wait_dma2 semaphore(%run_scoped3A : memref<!tpu.dma_semaphore, #tpu.memory_space<semaphore_mem>>) src(%dma_wait3A_59 : memref<400xi32, #tpu.memory_space<hbm>>) dst(%arg6 : memref<400xi32, #tpu.memory_space<vmem>>)
        tpu.yield
      }) : () -> ()
      "tpu.region"() ({
        %run_scoped3A = tpu.sem_alloc : memref<!tpu.dma_semaphore, #tpu.memory_space<semaphore_mem>>
        %dma_start3A_56 = tpu.memref_slice %arg3[%add3A_29] : memref<320000xi32, #tpu.memory_space<hbm>> -> memref<400xi32, #tpu.memory_space<hbm>>
        %dma_start3A_57 = tpu.memref_slice %arg3[%add3A_29] : memref<320000xi32, #tpu.memory_space<hbm>> -> memref<400xi32, #tpu.memory_space<hbm>>
        tpu.enqueue_dma source(%dma_start3A_57 : memref<400xi32, #tpu.memory_space<hbm>>) target(%arg7 : memref<400xi32, #tpu.memory_space<vmem>>) target_semaphore(%run_scoped3A : memref<!tpu.dma_semaphore, #tpu.memory_space<semaphore_mem>>)
        %dma_wait3A_58 = tpu.memref_slice %arg3[%add3A_29] : memref<320000xi32, #tpu.memory_space<hbm>> -> memref<400xi32, #tpu.memory_space<hbm>>
        %dma_wait3A_59 = tpu.memref_slice %arg3[%add3A_29] : memref<320000xi32, #tpu.memory_space<hbm>> -> memref<400xi32, #tpu.memory_space<hbm>>
        tpu.wait_dma2 semaphore(%run_scoped3A : memref<!tpu.dma_semaphore, #tpu.memory_space<semaphore_mem>>) src(%dma_wait3A_59 : memref<400xi32, #tpu.memory_space<hbm>>) dst(%arg7 : memref<400xi32, #tpu.memory_space<vmem>>)
        tpu.yield
      }) : () -> ()
      %dma_start3A = arith.constant 0 : i32
      %dma_start3A_30 = tpu.memref_slice %arg2[%add3A_27, %dma_start3A] : memref<320000x64xf32, #tpu.memory_space<hbm>> -> memref<400x64xf32, #tpu.memory_space<hbm>>
      %dma_start3A_31 = arith.constant 0 : i32
      %dma_start3A_32 = tpu.memref_slice %arg2[%add3A_27, %dma_start3A_31] : memref<320000x64xf32, #tpu.memory_space<hbm>> -> memref<400x64xf32, #tpu.memory_space<hbm>>
      tpu.enqueue_dma source(%dma_start3A_32 : memref<400x64xf32, #tpu.memory_space<hbm>>) target(%arg8 : memref<400x64xf32, #tpu.memory_space<vmem>>) target_semaphore(%arg11 : memref<!tpu.dma_semaphore, #tpu.memory_space<semaphore_mem>>)
      %dma_start3A_33 = arith.constant 0 : i32
      %dma_start3A_34 = tpu.memref_slice %arg2[%add3A_29, %dma_start3A_33] : memref<320000x64xf32, #tpu.memory_space<hbm>> -> memref<400x64xf32, #tpu.memory_space<hbm>>
      %dma_start3A_35 = arith.constant 0 : i32
      %dma_start3A_36 = tpu.memref_slice %arg2[%add3A_29, %dma_start3A_35] : memref<320000x64xf32, #tpu.memory_space<hbm>> -> memref<400x64xf32, #tpu.memory_space<hbm>>
      tpu.enqueue_dma source(%dma_start3A_36 : memref<400x64xf32, #tpu.memory_space<hbm>>) target(%arg9 : memref<400x64xf32, #tpu.memory_space<vmem>>) target_semaphore(%arg12 : memref<!tpu.dma_semaphore, #tpu.memory_space<semaphore_mem>>)
      %dma_wait3A = arith.constant 0 : i32
      %dma_wait3A_37 = tpu.memref_slice %arg2[%add3A_27, %dma_wait3A] : memref<320000x64xf32, #tpu.memory_space<hbm>> -> memref<400x64xf32, #tpu.memory_space<hbm>>
      %dma_wait3A_38 = arith.constant 0 : i32
      %dma_wait3A_39 = tpu.memref_slice %arg2[%add3A_27, %dma_wait3A_38] : memref<320000x64xf32, #tpu.memory_space<hbm>> -> memref<400x64xf32, #tpu.memory_space<hbm>>
      tpu.wait_dma2 semaphore(%arg11 : memref<!tpu.dma_semaphore, #tpu.memory_space<semaphore_mem>>) src(%dma_wait3A_39 : memref<400x64xf32, #tpu.memory_space<hbm>>) dst(%arg8 : memref<400x64xf32, #tpu.memory_space<vmem>>)
      %dma_start3A_40 = arith.constant 0 : i32
      %dma_start3A_41 = arith.constant 0 : i32
      %dma_start3A_42 = tpu.memref_slice %arg10[%dma_start3A_40, %dma_start3A_41] : memref<10000x64xf32, #tpu.memory_space<vmem_shared>> -> memref<10000x64xf32, #tpu.memory_space<vmem_shared>>
      tpu.enqueue_indirect_dma source(%arg8 : memref<400x64xf32, #tpu.memory_space<vmem>>) target(%dma_start3A_42 : memref<10000x64xf32, #tpu.memory_space<vmem_shared>>) offsets(%arg6 : memref<400xi32, #tpu.memory_space<vmem>>) semaphore(%arg13 : memref<!tpu.dma_semaphore, #tpu.memory_space<semaphore_mem>>) {add = true}
      %dma_wait3A_43 = arith.constant 0 : i32
      %dma_wait3A_44 = tpu.memref_slice %arg2[%add3A_29, %dma_wait3A_43] : memref<320000x64xf32, #tpu.memory_space<hbm>> -> memref<400x64xf32, #tpu.memory_space<hbm>>
      %dma_wait3A_45 = arith.constant 0 : i32
      %dma_wait3A_46 = tpu.memref_slice %arg2[%add3A_29, %dma_wait3A_45] : memref<320000x64xf32, #tpu.memory_space<hbm>> -> memref<400x64xf32, #tpu.memory_space<hbm>>
      tpu.wait_dma2 semaphore(%arg12 : memref<!tpu.dma_semaphore, #tpu.memory_space<semaphore_mem>>) src(%dma_wait3A_46 : memref<400x64xf32, #tpu.memory_space<hbm>>) dst(%arg9 : memref<400x64xf32, #tpu.memory_space<vmem>>)
      %dma_start3A_47 = arith.constant 0 : i32
      %dma_start3A_48 = arith.constant 0 : i32
      %dma_start3A_49 = tpu.memref_slice %arg10[%dma_start3A_47, %dma_start3A_48] : memref<10000x64xf32, #tpu.memory_space<vmem_shared>> -> memref<10000x64xf32, #tpu.memory_space<vmem_shared>>
      tpu.enqueue_indirect_dma source(%arg9 : memref<400x64xf32, #tpu.memory_space<vmem>>) target(%dma_start3A_49 : memref<10000x64xf32, #tpu.memory_space<vmem_shared>>) offsets(%arg7 : memref<400xi32, #tpu.memory_space<vmem>>) semaphore(%arg14 : memref<!tpu.dma_semaphore, #tpu.memory_space<semaphore_mem>>) {add = true}
      %dma_wait3A_50 = arith.constant 0 : i32
      %dma_wait3A_51 = arith.constant 0 : i32
      %dma_wait3A_52 = tpu.memref_slice %arg10[%dma_wait3A_50, %dma_wait3A_51] : memref<10000x64xf32, #tpu.memory_space<vmem_shared>> -> memref<10000x64xf32, #tpu.memory_space<vmem_shared>>
      tpu.wait_indirect_dma semaphore(%arg13 : memref<!tpu.dma_semaphore, #tpu.memory_space<semaphore_mem>>) src(%arg8 : memref<400x64xf32, #tpu.memory_space<vmem>>) dst(%dma_wait3A_52 : memref<10000x64xf32, #tpu.memory_space<vmem_shared>>)
      %dma_wait3A_53 = arith.constant 0 : i32
      %dma_wait3A_54 = arith.constant 0 : i32
      %dma_wait3A_55 = tpu.memref_slice %arg10[%dma_wait3A_53, %dma_wait3A_54] : memref<10000x64xf32, #tpu.memory_space<vmem_shared>> -> memref<10000x64xf32, #tpu.memory_space<vmem_shared>>
      tpu.wait_indirect_dma semaphore(%arg14 : memref<!tpu.dma_semaphore, #tpu.memory_space<semaphore_mem>>) src(%arg9 : memref<400x64xf32, #tpu.memory_space<vmem>>) dst(%dma_wait3A_55 : memref<10000x64xf32, #tpu.memory_space<vmem_shared>>)
    }
    %scan3A_11 = arith.constant 12 : i32
    %add3A_12 = arith.constant 9600 : i32
    %add3A_13 = arith.addi %mul3A_6, %add3A_12 : i32
    "tpu.region"() ({
      %run_scoped3A = tpu.sem_alloc : memref<!tpu.dma_semaphore, #tpu.memory_space<semaphore_mem>>
      %dma_start3A = tpu.memref_slice %arg3[%add3A_13] : memref<320000xi32, #tpu.memory_space<hbm>> -> memref<400xi32, #tpu.memory_space<hbm>>
      %dma_start3A_22 = tpu.memref_slice %arg3[%add3A_13] : memref<320000xi32, #tpu.memory_space<hbm>> -> memref<400xi32, #tpu.memory_space<hbm>>
      tpu.enqueue_dma source(%dma_start3A_22 : memref<400xi32, #tpu.memory_space<hbm>>) target(%arg6 : memref<400xi32, #tpu.memory_space<vmem>>) target_semaphore(%run_scoped3A : memref<!tpu.dma_semaphore, #tpu.memory_space<semaphore_mem>>)
      %dma_wait3A = tpu.memref_slice %arg3[%add3A_13] : memref<320000xi32, #tpu.memory_space<hbm>> -> memref<400xi32, #tpu.memory_space<hbm>>
      %dma_wait3A_23 = tpu.memref_slice %arg3[%add3A_13] : memref<320000xi32, #tpu.memory_space<hbm>> -> memref<400xi32, #tpu.memory_space<hbm>>
      tpu.wait_dma2 semaphore(%run_scoped3A : memref<!tpu.dma_semaphore, #tpu.memory_space<semaphore_mem>>) src(%dma_wait3A_23 : memref<400xi32, #tpu.memory_space<hbm>>) dst(%arg6 : memref<400xi32, #tpu.memory_space<vmem>>)
      tpu.yield
    }) : () -> ()
    "tpu.region"() ({
      %run_scoped3A = tpu.sem_alloc : memref<!tpu.dma_semaphore, #tpu.memory_space<semaphore_mem>>
      %dma_start3A = arith.constant 0 : i32
      %dma_start3A_22 = tpu.memref_slice %arg2[%add3A_13, %dma_start3A] : memref<320000x64xf32, #tpu.memory_space<hbm>> -> memref<400x64xf32, #tpu.memory_space<hbm>>
      %dma_start3A_23 = arith.constant 0 : i32
      %dma_start3A_24 = tpu.memref_slice %arg2[%add3A_13, %dma_start3A_23] : memref<320000x64xf32, #tpu.memory_space<hbm>> -> memref<400x64xf32, #tpu.memory_space<hbm>>
      tpu.enqueue_dma source(%dma_start3A_24 : memref<400x64xf32, #tpu.memory_space<hbm>>) target(%arg8 : memref<400x64xf32, #tpu.memory_space<vmem>>) target_semaphore(%run_scoped3A : memref<!tpu.dma_semaphore, #tpu.memory_space<semaphore_mem>>)
      %dma_wait3A = arith.constant 0 : i32
      %dma_wait3A_25 = tpu.memref_slice %arg2[%add3A_13, %dma_wait3A] : memref<320000x64xf32, #tpu.memory_space<hbm>> -> memref<400x64xf32, #tpu.memory_space<hbm>>
      %dma_wait3A_26 = arith.constant 0 : i32
      %dma_wait3A_27 = tpu.memref_slice %arg2[%add3A_13, %dma_wait3A_26] : memref<320000x64xf32, #tpu.memory_space<hbm>> -> memref<400x64xf32, #tpu.memory_space<hbm>>
      tpu.wait_dma2 semaphore(%run_scoped3A : memref<!tpu.dma_semaphore, #tpu.memory_space<semaphore_mem>>) src(%dma_wait3A_27 : memref<400x64xf32, #tpu.memory_space<hbm>>) dst(%arg8 : memref<400x64xf32, #tpu.memory_space<vmem>>)
      tpu.yield
    }) : () -> ()
    "tpu.region"() ({
      %run_scoped3A = tpu.sem_alloc : memref<!tpu.dma_semaphore, #tpu.memory_space<semaphore_mem>>
      %dma_start3A = arith.constant 0 : i32
      %dma_start3A_22 = arith.constant 0 : i32
      %dma_start3A_23 = tpu.memref_slice %arg10[%dma_start3A, %dma_start3A_22] : memref<10000x64xf32, #tpu.memory_space<vmem_shared>> -> memref<10000x64xf32, #tpu.memory_space<vmem_shared>>
      tpu.enqueue_indirect_dma source(%arg8 : memref<400x64xf32, #tpu.memory_space<vmem>>) target(%dma_start3A_23 : memref<10000x64xf32, #tpu.memory_space<vmem_shared>>) offsets(%arg6 : memref<400xi32, #tpu.memory_space<vmem>>) semaphore(%run_scoped3A : memref<!tpu.dma_semaphore, #tpu.memory_space<semaphore_mem>>) {add = true}
      %dma_wait3A = arith.constant 0 : i32
      %dma_wait3A_24 = arith.constant 0 : i32
      %dma_wait3A_25 = tpu.memref_slice %arg10[%dma_wait3A, %dma_wait3A_24] : memref<10000x64xf32, #tpu.memory_space<vmem_shared>> -> memref<10000x64xf32, #tpu.memory_space<vmem_shared>>
      tpu.wait_indirect_dma semaphore(%run_scoped3A : memref<!tpu.dma_semaphore, #tpu.memory_space<semaphore_mem>>) src(%arg8 : memref<400x64xf32, #tpu.memory_space<vmem>>) dst(%dma_wait3A_25 : memref<10000x64xf32, #tpu.memory_space<vmem_shared>>)
      tpu.yield
    }) : () -> ()
    %barrier3A_14 = arith.constant 0 : index
    tpu.barrier barrier_id(%barrier3A_14)
    %mul3A_15 = arith.constant 625 : i32
    %mul3A_16 = arith.muli %arg1, %mul3A_15 : i32
    %mul3A_17 = arith.constant 10000 : i32
    %mul3A_18 = arith.muli %arg0, %mul3A_17 : i32
    %mul3A_19 = arith.constant 625 : i32
    %mul3A_20 = arith.muli %arg1, %mul3A_19 : i32
    %add3A_21 = arith.addi %mul3A_18, %mul3A_20 : i32
    "tpu.region"() ({
      %run_scoped3A = tpu.sem_alloc : memref<!tpu.dma_semaphore, #tpu.memory_space<semaphore_mem>>
      %dma_start3A = arith.constant 0 : i32
      %dma_start3A_22 = tpu.memref_slice %arg5[%add3A_21, %dma_start3A] : memref<20000x64xf32, #tpu.memory_space<hbm>> -> memref<625x64xf32, #tpu.memory_space<hbm>>
      %dma_start3A_23 = arith.constant 0 : i32
      %dma_start3A_24 = tpu.memref_slice %arg10[%mul3A_16, %dma_start3A_23] : memref<10000x64xf32, #tpu.memory_space<vmem_shared>> -> memref<625x64xf32, #tpu.memory_space<vmem_shared>>
      tpu.enqueue_dma source(%dma_start3A_24 : memref<625x64xf32, #tpu.memory_space<vmem_shared>>) target(%dma_start3A_22 : memref<625x64xf32, #tpu.memory_space<hbm>>) target_semaphore(%run_scoped3A : memref<!tpu.dma_semaphore, #tpu.memory_space<semaphore_mem>>)
      %dma_wait3A = arith.constant 0 : i32
      %dma_wait3A_25 = tpu.memref_slice %arg5[%add3A_21, %dma_wait3A] : memref<20000x64xf32, #tpu.memory_space<hbm>> -> memref<625x64xf32, #tpu.memory_space<hbm>>
      %dma_wait3A_26 = arith.constant 0 : i32
      %dma_wait3A_27 = tpu.memref_slice %arg10[%mul3A_16, %dma_wait3A_26] : memref<10000x64xf32, #tpu.memory_space<vmem_shared>> -> memref<625x64xf32, #tpu.memory_space<vmem_shared>>
      tpu.wait_dma2 semaphore(%run_scoped3A : memref<!tpu.dma_semaphore, #tpu.memory_space<semaphore_mem>>) src(%dma_wait3A_27 : memref<625x64xf32, #tpu.memory_space<vmem_shared>>) dst(%dma_wait3A_25 : memref<625x64xf32, #tpu.memory_space<hbm>>)
      tpu.yield
    }) : () -> ()
    return
  }
}

module attributes {stable_mosaic.version = 14 : i64} {
  func.func @_emb_in_body(%arg0: i32, %arg1: memref<1000x128xf32, #tpu.memory_space<vmem>>, %arg2: memref<128x64xf32, #tpu.memory_space<vmem>>, %arg3: memref<64xf32, #tpu.memory_space<vmem>>, %arg4: memref<64x64xf32, #tpu.memory_space<vmem>>, %arg5: memref<64x64xf32, #tpu.memory_space<vmem>>, %arg6: memref<1000x64xf32, #tpu.memory_space<vmem>>, %arg7: memref<1000x64xf32, #tpu.memory_space<vmem>>, %arg8: memref<1000x64xf32, #tpu.memory_space<vmem>>) attributes {dimension_semantics = [#tpu.dimension_semantics<arbitrary>], iteration_bounds = array<i64: 10>, scalar_prefetch = 0 : i64, scratch_operands = 0 : i64, tpu.core_type = #tpu.core_type<tc>, window_params = [{transform_indices = @transform_0, window_bounds = array<i64: 1000, 128>}, {pipeline_mode = #tpu.pipeline_mode<synchronous>, transform_indices = @transform_1, window_bounds = array<i64: 128, 64>}, {pipeline_mode = #tpu.pipeline_mode<synchronous>, transform_indices = @transform_2, window_bounds = array<i64: 64>}, {pipeline_mode = #tpu.pipeline_mode<synchronous>, transform_indices = @transform_3, window_bounds = array<i64: 64, 64>}, {pipeline_mode = #tpu.pipeline_mode<synchronous>, transform_indices = @transform_4, window_bounds = array<i64: 64, 64>}, {transform_indices = @transform_5, window_bounds = array<i64: 1000, 64>}, {transform_indices = @transform_6, window_bounds = array<i64: 1000, 64>}, {transform_indices = @transform_7, window_bounds = array<i64: 1000, 64>}]} {
    %get3A = arith.constant 0 : index
    %get3A_0 = arith.constant 0 : index
    %get3A_1 = vector.load %arg1[%get3A, %get3A_0] : memref<1000x128xf32, #tpu.memory_space<vmem>>, vector<1000x128xf32>
    %get3A_2 = arith.constant 0 : index
    %get3A_3 = arith.constant 0 : index
    %get3A_4 = vector.load %arg2[%get3A_2, %get3A_3] : memref<128x64xf32, #tpu.memory_space<vmem>>, vector<128x64xf32>
    %dot_general3A = arith.constant dense<0.000000e+00> : vector<1000x64xf32>
    %dot_general3A_5 = tpu.matmul %get3A_1, %get3A_4, %dot_general3A {dimension_numbers = #tpu.dot_dimension_numbers<[1], [0], [0], [1], [0, 0, 1, 1], [], []>, transpose_lhs_hint = false} : vector<1000x128xf32>, vector<128x64xf32>, vector<1000x64xf32> -> vector<1000x64xf32>
    %get3A_6 = arith.constant 0 : index
    %get3A_7 = vector.load %arg3[%get3A_6] : memref<64xf32, #tpu.memory_space<vmem>>, vector<64xf32>
    %broadcast_in_dim3A = vector.shape_cast %get3A_7 : vector<64xf32> to vector<1x64xf32>
    %add3A = vector.broadcast %broadcast_in_dim3A : vector<1x64xf32> to vector<1000x64xf32>
    %add3A_8 = arith.addf %dot_general3A_5, %add3A : vector<1000x64xf32>
    %swap3A = arith.constant 0 : index
    %swap3A_9 = arith.constant 0 : index
    %swap3A_10 = vector.load %arg6[%swap3A, %swap3A_9] : memref<1000x64xf32, #tpu.memory_space<vmem>>, vector<1000x64xf32>
    tpu.vector_store %arg6[%swap3A, %swap3A_9], %add3A_8 {strides = array<i32>} : memref<1000x64xf32, #tpu.memory_space<vmem>>, vector<1000x64xf32>,
    %get3A_11 = arith.constant 0 : index
    %get3A_12 = arith.constant 0 : index
    %get3A_13 = vector.load %arg4[%get3A_11, %get3A_12] : memref<64x64xf32, #tpu.memory_space<vmem>>, vector<64x64xf32>
    %dot_general3A_14 = arith.constant dense<0.000000e+00> : vector<1000x64xf32>
    %dot_general3A_15 = tpu.matmul %add3A_8, %get3A_13, %dot_general3A_14 {dimension_numbers = #tpu.dot_dimension_numbers<[1], [0], [0], [1], [0, 0, 1, 1], [], []>, transpose_lhs_hint = false} : vector<1000x64xf32>, vector<64x64xf32>, vector<1000x64xf32> -> vector<1000x64xf32>
    %swap3A_16 = arith.constant 0 : index
    %swap3A_17 = arith.constant 0 : index
    %swap3A_18 = vector.load %arg7[%swap3A_16, %swap3A_17] : memref<1000x64xf32, #tpu.memory_space<vmem>>, vector<1000x64xf32>
    tpu.vector_store %arg7[%swap3A_16, %swap3A_17], %dot_general3A_15 {strides = array<i32>} : memref<1000x64xf32, #tpu.memory_space<vmem>>, vector<1000x64xf32>,
    %get3A_19 = arith.constant 0 : index
    %get3A_20 = arith.constant 0 : index
    %get3A_21 = vector.load %arg5[%get3A_19, %get3A_20] : memref<64x64xf32, #tpu.memory_space<vmem>>, vector<64x64xf32>
    %dot_general3A_22 = arith.constant dense<0.000000e+00> : vector<1000x64xf32>
    %dot_general3A_23 = tpu.matmul %add3A_8, %get3A_21, %dot_general3A_22 {dimension_numbers = #tpu.dot_dimension_numbers<[1], [0], [0], [1], [0, 0, 1, 1], [], []>, transpose_lhs_hint = false} : vector<1000x64xf32>, vector<64x64xf32>, vector<1000x64xf32> -> vector<1000x64xf32>
    %swap3A_24 = arith.constant 0 : index
    %swap3A_25 = arith.constant 0 : index
    %swap3A_26 = vector.load %arg8[%swap3A_24, %swap3A_25] : memref<1000x64xf32, #tpu.memory_space<vmem>>, vector<1000x64xf32>
    tpu.vector_store %arg8[%swap3A_24, %swap3A_25], %dot_general3A_23 {strides = array<i32>} : memref<1000x64xf32, #tpu.memory_space<vmem>>, vector<1000x64xf32>,
    return
  }
  func.func @transform_0(%arg0: i32) -> (i32, i32) {
    %c0_i32 = arith.constant 0 : i32
    %c0_i32_0 = arith.constant 0 : i32
    return %arg0, %c0_i32 : i32, i32
  }
  func.func @transform_1(%arg0: i32) -> (i32, i32) {
    %c0_i32 = arith.constant 0 : i32
    %c0_i32_0 = arith.constant 0 : i32
    %c0_i32_1 = arith.constant 0 : i32
    return %c0_i32, %c0_i32_0 : i32, i32
  }
  func.func @transform_2(%arg0: i32) -> i32 {
    %c0_i32 = arith.constant 0 : i32
    %c0_i32_0 = arith.constant 0 : i32
    return %c0_i32 : i32
  }
  func.func @transform_3(%arg0: i32) -> (i32, i32) {
    %c0_i32 = arith.constant 0 : i32
    %c0_i32_0 = arith.constant 0 : i32
    %c0_i32_1 = arith.constant 0 : i32
    return %c0_i32, %c0_i32_0 : i32, i32
  }
  func.func @transform_4(%arg0: i32) -> (i32, i32) {
    %c0_i32 = arith.constant 0 : i32
    %c0_i32_0 = arith.constant 0 : i32
    %c0_i32_1 = arith.constant 0 : i32
    return %c0_i32, %c0_i32_0 : i32, i32
  }
  func.func @transform_5(%arg0: i32) -> (i32, i32) {
    %c0_i32 = arith.constant 0 : i32
    %c0_i32_0 = arith.constant 0 : i32
    return %arg0, %c0_i32 : i32, i32
  }
  func.func @transform_6(%arg0: i32) -> (i32, i32) {
    %c0_i32 = arith.constant 0 : i32
    %c0_i32_0 = arith.constant 0 : i32
    return %arg0, %c0_i32 : i32, i32
  }
  func.func @transform_7(%arg0: i32) -> (i32, i32) {
    %c0_i32 = arith.constant 0 : i32
    %c0_i32_0 = arith.constant 0 : i32
    return %arg0, %c0_i32 : i32, i32
  }
}

module attributes {stable_mosaic.version = 14 : i64} {
  func.func @_edge_mlp_body(%arg0: i32, %arg1: memref<1280x128xf32, #tpu.memory_space<vmem>>, %arg2: memref<1280x128xf32, #tpu.memory_space<vmem>>, %arg3: memref<128x128xf32, #tpu.memory_space<vmem>>, %arg4: memref<128xf32, #tpu.memory_space<vmem>>, %arg5: memref<128x128xf32, #tpu.memory_space<vmem>>, %arg6: memref<128xf32, #tpu.memory_space<vmem>>, %arg7: memref<1280x128xf32, #tpu.memory_space<vmem>>) attributes {dimension_semantics = [#tpu.dimension_semantics<arbitrary>], iteration_bounds = array<i64: 125>, scalar_prefetch = 0 : i64, scratch_operands = 0 : i64, tpu.core_type = #tpu.core_type<tc>, window_params = [{transform_indices = @transform_0, window_bounds = array<i64: 1280, 128>}, {transform_indices = @transform_1, window_bounds = array<i64: 1280, 128>}, {pipeline_mode = #tpu.pipeline_mode<synchronous>, transform_indices = @transform_2, window_bounds = array<i64: 128, 128>}, {pipeline_mode = #tpu.pipeline_mode<synchronous>, transform_indices = @transform_3, window_bounds = array<i64: 128>}, {pipeline_mode = #tpu.pipeline_mode<synchronous>, transform_indices = @transform_4, window_bounds = array<i64: 128, 128>}, {pipeline_mode = #tpu.pipeline_mode<synchronous>, transform_indices = @transform_5, window_bounds = array<i64: 128>}, {transform_indices = @transform_6, window_bounds = array<i64: 1280, 128>}]} {
    %get3A = arith.constant 0 : index
    %get3A_0 = arith.constant 0 : index
    %get3A_1 = vector.load %arg1[%get3A, %get3A_0] : memref<1280x128xf32, #tpu.memory_space<vmem>>, vector<1280x128xf32>
    %get3A_2 = arith.constant 0 : index
    %get3A_3 = arith.constant 0 : index
    %get3A_4 = vector.load %arg2[%get3A_2, %get3A_3] : memref<1280x128xf32, #tpu.memory_space<vmem>>, vector<1280x128xf32>
    %get3A_5 = arith.constant 0 : index
    %get3A_6 = arith.constant 0 : index
    %get3A_7 = vector.load %arg3[%get3A_5, %get3A_6] : memref<128x128xf32, #tpu.memory_space<vmem>>, vector<128x128xf32>
    %dot_general3A = arith.constant dense<0.000000e+00> : vector<1280x128xf32>
    %dot_general3A_8 = tpu.matmul %get3A_4, %get3A_7, %dot_general3A {dimension_numbers = #tpu.dot_dimension_numbers<[1], [0], [0], [1], [0, 0, 1, 1], [], []>, transpose_lhs_hint = false} : vector<1280x128xf32>, vector<128x128xf32>, vector<1280x128xf32> -> vector<1280x128xf32>
    %add3A = arith.addf %get3A_1, %dot_general3A_8 : vector<1280x128xf32>
    %get3A_9 = arith.constant 0 : index
    %get3A_10 = vector.load %arg4[%get3A_9] : memref<128xf32, #tpu.memory_space<vmem>>, vector<128xf32>
    %broadcast_in_dim3A = vector.shape_cast %get3A_10 : vector<128xf32> to vector<1x128xf32>
    %add3A_11 = vector.broadcast %broadcast_in_dim3A : vector<1x128xf32> to vector<1280x128xf32>
    %add3A_12 = arith.addf %add3A, %add3A_11 : vector<1280x128xf32>
    %logistic3A = arith.negf %add3A_12 : vector<1280x128xf32>
    %logistic3A_13 = math.exp %logistic3A : vector<1280x128xf32>
    %logistic3A_14 = arith.constant 1.000000e+00 : f32
    %logistic3A_15 = vector.broadcast %logistic3A_14 : f32 to vector<1280x128xf32>
    %logistic3A_16 = arith.addf %logistic3A_15, %logistic3A_13 : vector<1280x128xf32>
    %logistic3A_17 = arith.divf %logistic3A_15, %logistic3A_16 : vector<1280x128xf32>
    %mul3A = arith.mulf %add3A_12, %logistic3A_17 : vector<1280x128xf32>
    %get3A_18 = arith.constant 0 : index
    %get3A_19 = arith.constant 0 : index
    %get3A_20 = vector.load %arg5[%get3A_18, %get3A_19] : memref<128x128xf32, #tpu.memory_space<vmem>>, vector<128x128xf32>
    %dot_general3A_21 = arith.constant dense<0.000000e+00> : vector<1280x128xf32>
    %dot_general3A_22 = tpu.matmul %mul3A, %get3A_20, %dot_general3A_21 {dimension_numbers = #tpu.dot_dimension_numbers<[1], [0], [0], [1], [0, 0, 1, 1], [], []>, transpose_lhs_hint = false} : vector<1280x128xf32>, vector<128x128xf32>, vector<1280x128xf32> -> vector<1280x128xf32>
    %get3A_23 = arith.constant 0 : index
    %get3A_24 = vector.load %arg6[%get3A_23] : memref<128xf32, #tpu.memory_space<vmem>>, vector<128xf32>
    %broadcast_in_dim3A_25 = vector.shape_cast %get3A_24 : vector<128xf32> to vector<1x128xf32>
    %add3A_26 = vector.broadcast %broadcast_in_dim3A_25 : vector<1x128xf32> to vector<1280x128xf32>
    %add3A_27 = arith.addf %dot_general3A_22, %add3A_26 : vector<1280x128xf32>
    %logistic3A_28 = arith.negf %add3A_27 : vector<1280x128xf32>
    %logistic3A_29 = math.exp %logistic3A_28 : vector<1280x128xf32>
    %logistic3A_30 = arith.constant 1.000000e+00 : f32
    %logistic3A_31 = vector.broadcast %logistic3A_30 : f32 to vector<1280x128xf32>
    %logistic3A_32 = arith.addf %logistic3A_31, %logistic3A_29 : vector<1280x128xf32>
    %logistic3A_33 = arith.divf %logistic3A_31, %logistic3A_32 : vector<1280x128xf32>
    %mul3A_34 = arith.mulf %add3A_27, %logistic3A_33 : vector<1280x128xf32>
    %swap3A = arith.constant 0 : index
    %swap3A_35 = arith.constant 0 : index
    %swap3A_36 = vector.load %arg7[%swap3A, %swap3A_35] : memref<1280x128xf32, #tpu.memory_space<vmem>>, vector<1280x128xf32>
    tpu.vector_store %arg7[%swap3A, %swap3A_35], %mul3A_34 {strides = array<i32>} : memref<1280x128xf32, #tpu.memory_space<vmem>>, vector<1280x128xf32>,
    return
  }
  func.func @transform_0(%arg0: i32) -> (i32, i32) {
    %c0_i32 = arith.constant 0 : i32
    %c0_i32_0 = arith.constant 0 : i32
    return %arg0, %c0_i32 : i32, i32
  }
  func.func @transform_1(%arg0: i32) -> (i32, i32) {
    %c0_i32 = arith.constant 0 : i32
    %c0_i32_0 = arith.constant 0 : i32
    return %arg0, %c0_i32 : i32, i32
  }
  func.func @transform_2(%arg0: i32) -> (i32, i32) {
    %c0_i32 = arith.constant 0 : i32
    %c0_i32_0 = arith.constant 0 : i32
    %c0_i32_1 = arith.constant 0 : i32
    return %c0_i32, %c0_i32_0 : i32, i32
  }
  func.func @transform_3(%arg0: i32) -> i32 {
    %c0_i32 = arith.constant 0 : i32
    %c0_i32_0 = arith.constant 0 : i32
    return %c0_i32 : i32
  }
  func.func @transform_4(%arg0: i32) -> (i32, i32) {
    %c0_i32 = arith.constant 0 : i32
    %c0_i32_0 = arith.constant 0 : i32
    %c0_i32_1 = arith.constant 0 : i32
    return %c0_i32, %c0_i32_0 : i32, i32
  }
  func.func @transform_5(%arg0: i32) -> i32 {
    %c0_i32 = arith.constant 0 : i32
    %c0_i32_0 = arith.constant 0 : i32
    return %c0_i32 : i32
  }
  func.func @transform_6(%arg0: i32) -> (i32, i32) {
    %c0_i32 = arith.constant 0 : i32
    %c0_i32_0 = arith.constant 0 : i32
    return %arg0, %c0_i32 : i32, i32
  }
}

module attributes {stable_mosaic.version = 14 : i64} {
  func.func @_node_update_body(%arg0: i32, %arg1: memref<1000x64xf32, #tpu.memory_space<vmem>>, %arg2: memref<1000x64xf32, #tpu.memory_space<vmem>>, %arg3: memref<1000x64xf32, #tpu.memory_space<vmem>>, %arg4: memref<1000x1xf32, #tpu.memory_space<vmem>>, %arg5: memref<64x64xf32, #tpu.memory_space<vmem>>, %arg6: memref<64x64xf32, #tpu.memory_space<vmem>>, %arg7: memref<64xf32, #tpu.memory_space<vmem>>, %arg8: memref<64x64xf32, #tpu.memory_space<vmem>>, %arg9: memref<64xf32, #tpu.memory_space<vmem>>, %arg10: memref<64x64xf32, #tpu.memory_space<vmem>>, %arg11: memref<64x64xf32, #tpu.memory_space<vmem>>, %arg12: memref<64x64xf32, #tpu.memory_space<vmem>>, %arg13: memref<64x64xf32, #tpu.memory_space<vmem>>, %arg14: memref<1000x64xf32, #tpu.memory_space<vmem>>, %arg15: memref<1000x64xf32, #tpu.memory_space<vmem>>, %arg16: memref<1000x64xf32, #tpu.memory_space<vmem>>, %arg17: memref<1000x64xf32, #tpu.memory_space<vmem>>, %arg18: memref<1000x64xf32, #tpu.memory_space<vmem>>) attributes {dimension_semantics = [#tpu.dimension_semantics<arbitrary>], iteration_bounds = array<i64: 10>, scalar_prefetch = 0 : i64, scratch_operands = 0 : i64, tpu.core_type = #tpu.core_type<tc>, window_params = [{transform_indices = @transform_0, window_bounds = array<i64: 1000, 64>}, {transform_indices = @transform_1, window_bounds = array<i64: 1000, 64>}, {transform_indices = @transform_2, window_bounds = array<i64: 1000, 64>}, {transform_indices = @transform_3, window_bounds = array<i64: 1000, 1>}, {pipeline_mode = #tpu.pipeline_mode<synchronous>, transform_indices = @transform_4, window_bounds = array<i64: 64, 64>}, {pipeline_mode = #tpu.pipeline_mode<synchronous>, transform_indices = @transform_5, window_bounds = array<i64: 64, 64>}, {pipeline_mode = #tpu.pipeline_mode<synchronous>, transform_indices = @transform_6, window_bounds = array<i64: 64>}, {pipeline_mode = #tpu.pipeline_mode<synchronous>, transform_indices = @transform_7, window_bounds = array<i64: 64, 64>}, {pipeline_mode = #tpu.pipeline_mode<synchronous>, transform_indices = @transform_8, window_bounds = array<i64: 64>}, {pipeline_mode = #tpu.pipeline_mode<synchronous>, transform_indices = @transform_9, window_bounds = array<i64: 64, 64>}, {pipeline_mode = #tpu.pipeline_mode<synchronous>, transform_indices = @transform_10, window_bounds = array<i64: 64, 64>}, {pipeline_mode = #tpu.pipeline_mode<synchronous>, transform_indices = @transform_11, window_bounds = array<i64: 64, 64>}, {pipeline_mode = #tpu.pipeline_mode<synchronous>, transform_indices = @transform_12, window_bounds = array<i64: 64, 64>}, {transform_indices = @transform_13, window_bounds = array<i64: 1000, 64>}, {transform_indices = @transform_14, window_bounds = array<i64: 1000, 64>}, {transform_indices = @transform_15, window_bounds = array<i64: 1000, 64>}, {transform_indices = @transform_16, window_bounds = array<i64: 1000, 64>}, {transform_indices = @transform_17, window_bounds = array<i64: 1000, 64>}]} {
    %get3A = arith.constant 0 : index
    %get3A_0 = arith.constant 0 : index
    %get3A_1 = vector.load %arg1[%get3A, %get3A_0] : memref<1000x64xf32, #tpu.memory_space<vmem>>, vector<1000x64xf32>
    %get3A_2 = arith.constant 0 : index
    %get3A_3 = arith.constant 0 : index
    %get3A_4 = vector.load %arg2[%get3A_2, %get3A_3] : memref<1000x64xf32, #tpu.memory_space<vmem>>, vector<1000x64xf32>
    %get3A_5 = arith.constant 0 : index
    %get3A_6 = arith.constant 0 : index
    %get3A_7 = vector.load %arg3[%get3A_5, %get3A_6] : memref<1000x64xf32, #tpu.memory_space<vmem>>, vector<1000x64xf32>
    %add3A = arith.addf %get3A_4, %get3A_7 : vector<1000x64xf32>
    %mul3A = arith.constant 0.00999999977 : f32
    %mul3A_8 = vector.broadcast %mul3A : f32 to vector<1000x64xf32>
    %mul3A_9 = arith.mulf %add3A, %mul3A_8 : vector<1000x64xf32>
    %get3A_10 = arith.constant 0 : index
    %get3A_11 = arith.constant 0 : index
    %get3A_12 = vector.load %arg5[%get3A_10, %get3A_11] : memref<64x64xf32, #tpu.memory_space<vmem>>, vector<64x64xf32>
    %dot_general3A = arith.constant dense<0.000000e+00> : vector<1000x64xf32>
    %dot_general3A_13 = tpu.matmul %get3A_1, %get3A_12, %dot_general3A {dimension_numbers = #tpu.dot_dimension_numbers<[1], [0], [0], [1], [0, 0, 1, 1], [], []>, transpose_lhs_hint = false} : vector<1000x64xf32>, vector<64x64xf32>, vector<1000x64xf32> -> vector<1000x64xf32>
    %get3A_14 = arith.constant 0 : index
    %get3A_15 = arith.constant 0 : index
    %get3A_16 = vector.load %arg6[%get3A_14, %get3A_15] : memref<64x64xf32, #tpu.memory_space<vmem>>, vector<64x64xf32>
    %dot_general3A_17 = arith.constant dense<0.000000e+00> : vector<1000x64xf32>
    %dot_general3A_18 = tpu.matmul %mul3A_9, %get3A_16, %dot_general3A_17 {dimension_numbers = #tpu.dot_dimension_numbers<[1], [0], [0], [1], [0, 0, 1, 1], [], []>, transpose_lhs_hint = false} : vector<1000x64xf32>, vector<64x64xf32>, vector<1000x64xf32> -> vector<1000x64xf32>
    %add3A_19 = arith.addf %dot_general3A_13, %dot_general3A_18 : vector<1000x64xf32>
    %get3A_20 = arith.constant 0 : index
    %get3A_21 = vector.load %arg7[%get3A_20] : memref<64xf32, #tpu.memory_space<vmem>>, vector<64xf32>
    %broadcast_in_dim3A = vector.shape_cast %get3A_21 : vector<64xf32> to vector<1x64xf32>
    %add3A_22 = vector.broadcast %broadcast_in_dim3A : vector<1x64xf32> to vector<1000x64xf32>
    %add3A_23 = arith.addf %add3A_19, %add3A_22 : vector<1000x64xf32>
    %logistic3A = arith.negf %add3A_23 : vector<1000x64xf32>
    %logistic3A_24 = math.exp %logistic3A : vector<1000x64xf32>
    %logistic3A_25 = arith.constant 1.000000e+00 : f32
    %logistic3A_26 = vector.broadcast %logistic3A_25 : f32 to vector<1000x64xf32>
    %logistic3A_27 = arith.addf %logistic3A_26, %logistic3A_24 : vector<1000x64xf32>
    %logistic3A_28 = arith.divf %logistic3A_26, %logistic3A_27 : vector<1000x64xf32>
    %mul3A_29 = arith.mulf %add3A_23, %logistic3A_28 : vector<1000x64xf32>
    %get3A_30 = arith.constant 0 : index
    %get3A_31 = arith.constant 0 : index
    %get3A_32 = vector.load %arg8[%get3A_30, %get3A_31] : memref<64x64xf32, #tpu.memory_space<vmem>>, vector<64x64xf32>
    %dot_general3A_33 = arith.constant dense<0.000000e+00> : vector<1000x64xf32>
    %dot_general3A_34 = tpu.matmul %mul3A_29, %get3A_32, %dot_general3A_33 {dimension_numbers = #tpu.dot_dimension_numbers<[1], [0], [0], [1], [0, 0, 1, 1], [], []>, transpose_lhs_hint = false} : vector<1000x64xf32>, vector<64x64xf32>, vector<1000x64xf32> -> vector<1000x64xf32>
    %add3A_35 = arith.addf %get3A_1, %dot_general3A_34 : vector<1000x64xf32>
    %get3A_36 = arith.constant 0 : index
    %get3A_37 = vector.load %arg9[%get3A_36] : memref<64xf32, #tpu.memory_space<vmem>>, vector<64xf32>
    %broadcast_in_dim3A_38 = vector.shape_cast %get3A_37 : vector<64xf32> to vector<1x64xf32>
    %add3A_39 = vector.broadcast %broadcast_in_dim3A_38 : vector<1x64xf32> to vector<1000x64xf32>
    %add3A_40 = arith.addf %add3A_35, %add3A_39 : vector<1000x64xf32>
    %get3A_41 = arith.constant 0 : index
    %get3A_42 = arith.constant 0 : index
    %get3A_43 = vector.load %arg4[%get3A_41, %get3A_42] : memref<1000x1xf32, #tpu.memory_space<vmem>>, vector<1000x1xf32>
    %mul3A_44 = vector.broadcast %get3A_43 : vector<1000x1xf32> to vector<1000x64xf32>
    %mul3A_45 = arith.mulf %add3A_40, %mul3A_44 : vector<1000x64xf32>
    %swap3A = arith.constant 0 : index
    %swap3A_46 = arith.constant 0 : index
    %swap3A_47 = vector.load %arg14[%swap3A, %swap3A_46] : memref<1000x64xf32, #tpu.memory_space<vmem>>, vector<1000x64xf32>
    tpu.vector_store %arg14[%swap3A, %swap3A_46], %mul3A_45 {strides = array<i32>} : memref<1000x64xf32, #tpu.memory_space<vmem>>, vector<1000x64xf32>,
    %get3A_48 = arith.constant 0 : index
    %get3A_49 = arith.constant 0 : index
    %get3A_50 = vector.load %arg10[%get3A_48, %get3A_49] : memref<64x64xf32, #tpu.memory_space<vmem>>, vector<64x64xf32>
    %dot_general3A_51 = arith.constant dense<0.000000e+00> : vector<1000x64xf32>
    %dot_general3A_52 = tpu.matmul %mul3A_45, %get3A_50, %dot_general3A_51 {dimension_numbers = #tpu.dot_dimension_numbers<[1], [0], [0], [1], [0, 0, 1, 1], [], []>, transpose_lhs_hint = false} : vector<1000x64xf32>, vector<64x64xf32>, vector<1000x64xf32> -> vector<1000x64xf32>
    %swap3A_53 = arith.constant 0 : index
    %swap3A_54 = arith.constant 0 : index
    %swap3A_55 = vector.load %arg15[%swap3A_53, %swap3A_54] : memref<1000x64xf32, #tpu.memory_space<vmem>>, vector<1000x64xf32>
    tpu.vector_store %arg15[%swap3A_53, %swap3A_54], %dot_general3A_52 {strides = array<i32>} : memref<1000x64xf32, #tpu.memory_space<vmem>>, vector<1000x64xf32>,
    %get3A_56 = arith.constant 0 : index
    %get3A_57 = arith.constant 0 : index
    %get3A_58 = vector.load %arg11[%get3A_56, %get3A_57] : memref<64x64xf32, #tpu.memory_space<vmem>>, vector<64x64xf32>
    %dot_general3A_59 = arith.constant dense<0.000000e+00> : vector<1000x64xf32>
    %dot_general3A_60 = tpu.matmul %mul3A_45, %get3A_58, %dot_general3A_59 {dimension_numbers = #tpu.dot_dimension_numbers<[1], [0], [0], [1], [0, 0, 1, 1], [], []>, transpose_lhs_hint = false} : vector<1000x64xf32>, vector<64x64xf32>, vector<1000x64xf32> -> vector<1000x64xf32>
    %swap3A_61 = arith.constant 0 : index
    %swap3A_62 = arith.constant 0 : index
    %swap3A_63 = vector.load %arg16[%swap3A_61, %swap3A_62] : memref<1000x64xf32, #tpu.memory_space<vmem>>, vector<1000x64xf32>
    tpu.vector_store %arg16[%swap3A_61, %swap3A_62], %dot_general3A_60 {strides = array<i32>} : memref<1000x64xf32, #tpu.memory_space<vmem>>, vector<1000x64xf32>,
    %get3A_64 = arith.constant 0 : index
    %get3A_65 = arith.constant 0 : index
    %get3A_66 = vector.load %arg12[%get3A_64, %get3A_65] : memref<64x64xf32, #tpu.memory_space<vmem>>, vector<64x64xf32>
    %dot_general3A_67 = arith.constant dense<0.000000e+00> : vector<1000x64xf32>
    %dot_general3A_68 = tpu.matmul %mul3A_45, %get3A_66, %dot_general3A_67 {dimension_numbers = #tpu.dot_dimension_numbers<[1], [0], [0], [1], [0, 0, 1, 1], [], []>, transpose_lhs_hint = false} : vector<1000x64xf32>, vector<64x64xf32>, vector<1000x64xf32> -> vector<1000x64xf32>
    %swap3A_69 = arith.constant 0 : index
    %swap3A_70 = arith.constant 0 : index
    %swap3A_71 = vector.load %arg17[%swap3A_69, %swap3A_70] : memref<1000x64xf32, #tpu.memory_space<vmem>>, vector<1000x64xf32>
    tpu.vector_store %arg17[%swap3A_69, %swap3A_70], %dot_general3A_68 {strides = array<i32>} : memref<1000x64xf32, #tpu.memory_space<vmem>>, vector<1000x64xf32>,
    %get3A_72 = arith.constant 0 : index
    %get3A_73 = arith.constant 0 : index
    %get3A_74 = vector.load %arg13[%get3A_72, %get3A_73] : memref<64x64xf32, #tpu.memory_space<vmem>>, vector<64x64xf32>
    %dot_general3A_75 = arith.constant dense<0.000000e+00> : vector<1000x64xf32>
    %dot_general3A_76 = tpu.matmul %mul3A_45, %get3A_74, %dot_general3A_75 {dimension_numbers = #tpu.dot_dimension_numbers<[1], [0], [0], [1], [0, 0, 1, 1], [], []>, transpose_lhs_hint = false} : vector<1000x64xf32>, vector<64x64xf32>, vector<1000x64xf32> -> vector<1000x64xf32>
    %swap3A_77 = arith.constant 0 : index
    %swap3A_78 = arith.constant 0 : index
    %swap3A_79 = vector.load %arg18[%swap3A_77, %swap3A_78] : memref<1000x64xf32, #tpu.memory_space<vmem>>, vector<1000x64xf32>
    tpu.vector_store %arg18[%swap3A_77, %swap3A_78], %dot_general3A_76 {strides = array<i32>} : memref<1000x64xf32, #tpu.memory_space<vmem>>, vector<1000x64xf32>,
    return
  }
  func.func @transform_0(%arg0: i32) -> (i32, i32) {
    %c0_i32 = arith.constant 0 : i32
    %c0_i32_0 = arith.constant 0 : i32
    return %arg0, %c0_i32 : i32, i32
  }
  func.func @transform_1(%arg0: i32) -> (i32, i32) {
    %c0_i32 = arith.constant 0 : i32
    %c0_i32_0 = arith.constant 0 : i32
    return %arg0, %c0_i32 : i32, i32
  }
  func.func @transform_2(%arg0: i32) -> (i32, i32) {
    %add3A = arith.constant 10 : i32
    %add3A_0 = arith.addi %arg0, %add3A : i32
    %c0_i32 = arith.constant 0 : i32
    %c0_i32_1 = arith.constant 0 : i32
    return %add3A_0, %c0_i32 : i32, i32
  }
  func.func @transform_3(%arg0: i32) -> (i32, i32) {
    %c0_i32 = arith.constant 0 : i32
    %c0_i32_0 = arith.constant 0 : i32
    return %arg0, %c0_i32 : i32, i32
  }
  func.func @transform_4(%arg0: i32) -> (i32, i32) {
    %c0_i32 = arith.constant 0 : i32
    %c0_i32_0 = arith.constant 0 : i32
    %c0_i32_1 = arith.constant 0 : i32
    return %c0_i32, %c0_i32_0 : i32, i32
  }
  func.func @transform_5(%arg0: i32) -> (i32, i32) {
    %c0_i32 = arith.constant 0 : i32
    %c0_i32_0 = arith.constant 0 : i32
    %c0_i32_1 = arith.constant 0 : i32
    return %c0_i32, %c0_i32_0 : i32, i32
  }
  func.func @transform_6(%arg0: i32) -> i32 {
    %c0_i32 = arith.constant 0 : i32
    %c0_i32_0 = arith.constant 0 : i32
    return %c0_i32 : i32
  }
  func.func @transform_7(%arg0: i32) -> (i32, i32) {
    %c0_i32 = arith.constant 0 : i32
    %c0_i32_0 = arith.constant 0 : i32
    %c0_i32_1 = arith.constant 0 : i32
    return %c0_i32, %c0_i32_0 : i32, i32
  }
  func.func @transform_8(%arg0: i32) -> i32 {
    %c0_i32 = arith.constant 0 : i32
    %c0_i32_0 = arith.constant 0 : i32
    return %c0_i32 : i32
  }
  func.func @transform_9(%arg0: i32) -> (i32, i32) {
    %c0_i32 = arith.constant 0 : i32
    %c0_i32_0 = arith.constant 0 : i32
    %c0_i32_1 = arith.constant 0 : i32
    return %c0_i32, %c0_i32_0 : i32, i32
  }
  func.func @transform_10(%arg0: i32) -> (i32, i32) {
    %c0_i32 = arith.constant 0 : i32
    %c0_i32_0 = arith.constant 0 : i32
    %c0_i32_1 = arith.constant 0 : i32
    return %c0_i32, %c0_i32_0 : i32, i32
  }
  func.func @transform_11(%arg0: i32) -> (i32, i32) {
    %c0_i32 = arith.constant 0 : i32
    %c0_i32_0 = arith.constant 0 : i32
    %c0_i32_1 = arith.constant 0 : i32
    return %c0_i32, %c0_i32_0 : i32, i32
  }
  func.func @transform_12(%arg0: i32) -> (i32, i32) {
    %c0_i32 = arith.constant 0 : i32
    %c0_i32_0 = arith.constant 0 : i32
    %c0_i32_1 = arith.constant 0 : i32
    return %c0_i32, %c0_i32_0 : i32, i32
  }
  func.func @transform_13(%arg0: i32) -> (i32, i32) {
    %c0_i32 = arith.constant 0 : i32
    %c0_i32_0 = arith.constant 0 : i32
    return %arg0, %c0_i32 : i32, i32
  }
  func.func @transform_14(%arg0: i32) -> (i32, i32) {
    %c0_i32 = arith.constant 0 : i32
    %c0_i32_0 = arith.constant 0 : i32
    return %arg0, %c0_i32 : i32, i32
  }
  func.func @transform_15(%arg0: i32) -> (i32, i32) {
    %c0_i32 = arith.constant 0 : i32
    %c0_i32_0 = arith.constant 0 : i32
    return %arg0, %c0_i32 : i32, i32
  }
  func.func @transform_16(%arg0: i32) -> (i32, i32) {
    %c0_i32 = arith.constant 0 : i32
    %c0_i32_0 = arith.constant 0 : i32
    return %arg0, %c0_i32 : i32, i32
  }
  func.func @transform_17(%arg0: i32) -> (i32, i32) {
    %c0_i32 = arith.constant 0 : i32
    %c0_i32_0 = arith.constant 0 : i32
    return %arg0, %c0_i32 : i32, i32
  }
}

module attributes {stable_mosaic.version = 14 : i64} {
  func.func @_coord_mlp_body(%arg0: i32, %arg1: memref<1280x128xf32, #tpu.memory_space<vmem>>, %arg2: memref<1280x128xf32, #tpu.memory_space<vmem>>, %arg3: memref<1280x128xf32, #tpu.memory_space<vmem>>, %arg4: memref<128x128xf32, #tpu.memory_space<vmem>>, %arg5: memref<128xf32, #tpu.memory_space<vmem>>, %arg6: memref<128x128xf32, #tpu.memory_space<vmem>>, %arg7: memref<128xf32, #tpu.memory_space<vmem>>, %arg8: memref<128x128xf32, #tpu.memory_space<vmem>>, %arg9: memref<128x128xf32, #tpu.memory_space<vmem>>, %arg10: memref<1280x128xf32, #tpu.memory_space<vmem>>) attributes {dimension_semantics = [#tpu.dimension_semantics<arbitrary>], iteration_bounds = array<i64: 125>, scalar_prefetch = 0 : i64, scratch_operands = 0 : i64, tpu.core_type = #tpu.core_type<tc>, window_params = [{transform_indices = @transform_0, window_bounds = array<i64: 1280, 128>}, {transform_indices = @transform_1, window_bounds = array<i64: 1280, 128>}, {transform_indices = @transform_2, window_bounds = array<i64: 1280, 128>}, {pipeline_mode = #tpu.pipeline_mode<synchronous>, transform_indices = @transform_3, window_bounds = array<i64: 128, 128>}, {pipeline_mode = #tpu.pipeline_mode<synchronous>, transform_indices = @transform_4, window_bounds = array<i64: 128>}, {pipeline_mode = #tpu.pipeline_mode<synchronous>, transform_indices = @transform_5, window_bounds = array<i64: 128, 128>}, {pipeline_mode = #tpu.pipeline_mode<synchronous>, transform_indices = @transform_6, window_bounds = array<i64: 128>}, {pipeline_mode = #tpu.pipeline_mode<synchronous>, transform_indices = @transform_7, window_bounds = array<i64: 128, 128>}, {pipeline_mode = #tpu.pipeline_mode<synchronous>, transform_indices = @transform_8, window_bounds = array<i64: 128, 128>}, {transform_indices = @transform_9, window_bounds = array<i64: 1280, 128>}]} {
    %get3A = arith.constant 0 : index
    %get3A_0 = arith.constant 0 : index
    %get3A_1 = vector.load %arg1[%get3A, %get3A_0] : memref<1280x128xf32, #tpu.memory_space<vmem>>, vector<1280x128xf32>
    %get3A_2 = arith.constant 0 : index
    %get3A_3 = arith.constant 0 : index
    %get3A_4 = vector.load %arg2[%get3A_2, %get3A_3] : memref<1280x128xf32, #tpu.memory_space<vmem>>, vector<1280x128xf32>
    %get3A_5 = arith.constant 0 : index
    %get3A_6 = arith.constant 0 : index
    %get3A_7 = vector.load %arg4[%get3A_5, %get3A_6] : memref<128x128xf32, #tpu.memory_space<vmem>>, vector<128x128xf32>
    %dot_general3A = arith.constant dense<0.000000e+00> : vector<1280x128xf32>
    %dot_general3A_8 = tpu.matmul %get3A_4, %get3A_7, %dot_general3A {dimension_numbers = #tpu.dot_dimension_numbers<[1], [0], [0], [1], [0, 0, 1, 1], [], []>, transpose_lhs_hint = false} : vector<1280x128xf32>, vector<128x128xf32>, vector<1280x128xf32> -> vector<1280x128xf32>
    %add3A = arith.addf %get3A_1, %dot_general3A_8 : vector<1280x128xf32>
    %get3A_9 = arith.constant 0 : index
    %get3A_10 = vector.load %arg5[%get3A_9] : memref<128xf32, #tpu.memory_space<vmem>>, vector<128xf32>
    %broadcast_in_dim3A = vector.shape_cast %get3A_10 : vector<128xf32> to vector<1x128xf32>
    %add3A_11 = vector.broadcast %broadcast_in_dim3A : vector<1x128xf32> to vector<1280x128xf32>
    %add3A_12 = arith.addf %add3A, %add3A_11 : vector<1280x128xf32>
    %logistic3A = arith.negf %add3A_12 : vector<1280x128xf32>
    %logistic3A_13 = math.exp %logistic3A : vector<1280x128xf32>
    %logistic3A_14 = arith.constant 1.000000e+00 : f32
    %logistic3A_15 = vector.broadcast %logistic3A_14 : f32 to vector<1280x128xf32>
    %logistic3A_16 = arith.addf %logistic3A_15, %logistic3A_13 : vector<1280x128xf32>
    %logistic3A_17 = arith.divf %logistic3A_15, %logistic3A_16 : vector<1280x128xf32>
    %mul3A = arith.mulf %add3A_12, %logistic3A_17 : vector<1280x128xf32>
    %get3A_18 = arith.constant 0 : index
    %get3A_19 = arith.constant 0 : index
    %get3A_20 = vector.load %arg6[%get3A_18, %get3A_19] : memref<128x128xf32, #tpu.memory_space<vmem>>, vector<128x128xf32>
    %dot_general3A_21 = arith.constant dense<0.000000e+00> : vector<1280x128xf32>
    %dot_general3A_22 = tpu.matmul %mul3A, %get3A_20, %dot_general3A_21 {dimension_numbers = #tpu.dot_dimension_numbers<[1], [0], [0], [1], [0, 0, 1, 1], [], []>, transpose_lhs_hint = false} : vector<1280x128xf32>, vector<128x128xf32>, vector<1280x128xf32> -> vector<1280x128xf32>
    %get3A_23 = arith.constant 0 : index
    %get3A_24 = vector.load %arg7[%get3A_23] : memref<128xf32, #tpu.memory_space<vmem>>, vector<128xf32>
    %broadcast_in_dim3A_25 = vector.shape_cast %get3A_24 : vector<128xf32> to vector<1x128xf32>
    %add3A_26 = vector.broadcast %broadcast_in_dim3A_25 : vector<1x128xf32> to vector<1280x128xf32>
    %add3A_27 = arith.addf %dot_general3A_22, %add3A_26 : vector<1280x128xf32>
    %logistic3A_28 = arith.negf %add3A_27 : vector<1280x128xf32>
    %logistic3A_29 = math.exp %logistic3A_28 : vector<1280x128xf32>
    %logistic3A_30 = arith.constant 1.000000e+00 : f32
    %logistic3A_31 = vector.broadcast %logistic3A_30 : f32 to vector<1280x128xf32>
    %logistic3A_32 = arith.addf %logistic3A_31, %logistic3A_29 : vector<1280x128xf32>
    %logistic3A_33 = arith.divf %logistic3A_31, %logistic3A_32 : vector<1280x128xf32>
    %mul3A_34 = arith.mulf %add3A_27, %logistic3A_33 : vector<1280x128xf32>
    %get3A_35 = arith.constant 0 : index
    %get3A_36 = arith.constant 0 : index
    %get3A_37 = vector.load %arg8[%get3A_35, %get3A_36] : memref<128x128xf32, #tpu.memory_space<vmem>>, vector<128x128xf32>
    %dot_general3A_38 = arith.constant dense<0.000000e+00> : vector<1280x128xf32>
    %dot_general3A_39 = tpu.matmul %mul3A_34, %get3A_37, %dot_general3A_38 {dimension_numbers = #tpu.dot_dimension_numbers<[1], [0], [0], [1], [0, 0, 1, 1], [], []>, transpose_lhs_hint = false} : vector<1280x128xf32>, vector<128x128xf32>, vector<1280x128xf32> -> vector<1280x128xf32>
    %tanh3A = math.tanh %dot_general3A_39 : vector<1280x128xf32>
    %mul3A_40 = arith.constant 1.500000e+01 : f32
    %mul3A_41 = vector.broadcast %mul3A_40 : f32 to vector<1280x128xf32>
    %mul3A_42 = arith.mulf %tanh3A, %mul3A_41 : vector<1280x128xf32>
    %get3A_43 = arith.constant 0 : index
    %get3A_44 = arith.constant 0 : index
    %get3A_45 = vector.load %arg3[%get3A_43, %get3A_44] : memref<1280x128xf32, #tpu.memory_space<vmem>>, vector<1280x128xf32>
    %get3A_46 = arith.constant 0 : index
    %get3A_47 = arith.constant 0 : index
    %get3A_48 = vector.load %arg9[%get3A_46, %get3A_47] : memref<128x128xf32, #tpu.memory_space<vmem>>, vector<128x128xf32>
    %dot_general3A_49 = arith.constant dense<0.000000e+00> : vector<1280x128xf32>
    %dot_general3A_50 = tpu.matmul %get3A_45, %get3A_48, %dot_general3A_49 {dimension_numbers = #tpu.dot_dimension_numbers<[1], [0], [0], [1], [0, 0, 1, 1], [], []>, transpose_lhs_hint = false} : vector<1280x128xf32>, vector<128x128xf32>, vector<1280x128xf32> -> vector<1280x128xf32>
    %add3A_51 = arith.constant 9.99999993E-9 : f32
    %add3A_52 = vector.broadcast %add3A_51 : f32 to vector<1280x128xf32>
    %add3A_53 = arith.addf %dot_general3A_50, %add3A_52 : vector<1280x128xf32>
    %sqrt3A = math.sqrt %add3A_53 : vector<1280x128xf32>
    %add3A_54 = arith.constant 1.000000e+00 : f32
    %add3A_55 = vector.broadcast %add3A_54 : f32 to vector<1280x128xf32>
    %add3A_56 = arith.addf %sqrt3A, %add3A_55 : vector<1280x128xf32>
    %div3A = arith.divf %mul3A_42, %add3A_56 : vector<1280x128xf32>
    %iota3A = tpu.iota {dimensions = array<i32: 1>} : vector<1280x128xi32>
    %jit3A = arith.constant 64 : i32
    %eq3A = arith.constant 0 : i32
    %eq3A_57 = arith.cmpi eq, %jit3A, %eq3A : i32
    %jit3A_58 = arith.constant 1 : i32
    %select_n3A = arith.select %eq3A_57, %jit3A_58, %jit3A : i32
    %rem3A = vector.broadcast %select_n3A : i32 to vector<1280x128xi32>
    %rem3A_59 = arith.remsi %iota3A, %rem3A : vector<1280x128xi32>
    %ne3A = arith.constant 0 : i32
    %ne3A_60 = vector.broadcast %ne3A : i32 to vector<1280x128xi32>
    %ne3A_61 = arith.cmpi ne, %rem3A_59, %ne3A_60 : vector<1280x128xi32>
    %lt3A = arith.constant 0 : i32
    %lt3A_62 = vector.broadcast %lt3A : i32 to vector<1280x128xi32>
    %lt3A_63 = arith.cmpi slt, %rem3A_59, %lt3A_62 : vector<1280x128xi32>
    %lt3A_64 = arith.constant 0 : i32
    %lt3A_65 = arith.cmpi slt, %select_n3A, %lt3A_64 : i32
    %ne3A_66 = vector.broadcast %lt3A_65 : i1 to vector<1280x128xi1>
    %ne3A_67 = vector.broadcast %ne3A_66 : vector<1280x128xi1> to vector<1280x128xi1>
    %ne3A_68 = arith.xori %lt3A_63, %ne3A_67 : vector<1280x128xi1>
    %and3A = arith.andi %ne3A_68, %ne3A_61 : vector<1280x128xi1>
    %add3A_69 = vector.broadcast %select_n3A : i32 to vector<1280x128xi32>
    %add3A_70 = arith.addi %rem3A_59, %add3A_69 : vector<1280x128xi32>
    %select_n3A_71 = arith.select %and3A, %add3A_70, %rem3A_59 : vector<1280x128xi1>, vector<1280x128xi32>
    %ge3A = arith.constant 1 : i32
    %ge3A_72 = vector.broadcast %ge3A : i32 to vector<1280x128xi32>
    %ge3A_73 = arith.cmpi sge, %select_n3A_71, %ge3A_72 : vector<1280x128xi32>
    %le3A = arith.constant 3 : i32
    %le3A_74 = vector.broadcast %le3A : i32 to vector<1280x128xi32>
    %le3A_75 = arith.cmpi sle, %select_n3A_71, %le3A_74 : vector<1280x128xi32>
    %and3A_76 = arith.andi %ge3A_73, %le3A_75 : vector<1280x128xi1>
    %convert_element_type3A = arith.extui %and3A_76 : vector<1280x128xi1> to vector<1280x128xi32>
    %convert_element_type3A_77 = arith.sitofp %convert_element_type3A : vector<1280x128xi32> to vector<1280x128xf32>
    %mul3A_78 = arith.mulf %get3A_45, %div3A : vector<1280x128xf32>
    %mul3A_79 = arith.mulf %mul3A_78, %convert_element_type3A_77 : vector<1280x128xf32>
    %swap3A = arith.constant 0 : index
    %swap3A_80 = arith.constant 0 : index
    %swap3A_81 = vector.load %arg10[%swap3A, %swap3A_80] : memref<1280x128xf32, #tpu.memory_space<vmem>>, vector<1280x128xf32>
    tpu.vector_store %arg10[%swap3A, %swap3A_80], %mul3A_79 {strides = array<i32>} : memref<1280x128xf32, #tpu.memory_space<vmem>>, vector<1280x128xf32>,
    return
  }
  func.func @transform_0(%arg0: i32) -> (i32, i32) {
    %c0_i32 = arith.constant 0 : i32
    %c0_i32_0 = arith.constant 0 : i32
    return %arg0, %c0_i32 : i32, i32
  }
  func.func @transform_1(%arg0: i32) -> (i32, i32) {
    %c0_i32 = arith.constant 0 : i32
    %c0_i32_0 = arith.constant 0 : i32
    return %arg0, %c0_i32 : i32, i32
  }
  func.func @transform_2(%arg0: i32) -> (i32, i32) {
    %c0_i32 = arith.constant 0 : i32
    %c0_i32_0 = arith.constant 0 : i32
    return %arg0, %c0_i32 : i32, i32
  }
  func.func @transform_3(%arg0: i32) -> (i32, i32) {
    %c0_i32 = arith.constant 0 : i32
    %c0_i32_0 = arith.constant 0 : i32
    %c0_i32_1 = arith.constant 0 : i32
    return %c0_i32, %c0_i32_0 : i32, i32
  }
  func.func @transform_4(%arg0: i32) -> i32 {
    %c0_i32 = arith.constant 0 : i32
    %c0_i32_0 = arith.constant 0 : i32
    return %c0_i32 : i32
  }
  func.func @transform_5(%arg0: i32) -> (i32, i32) {
    %c0_i32 = arith.constant 0 : i32
    %c0_i32_0 = arith.constant 0 : i32
    %c0_i32_1 = arith.constant 0 : i32
    return %c0_i32, %c0_i32_0 : i32, i32
  }
  func.func @transform_6(%arg0: i32) -> i32 {
    %c0_i32 = arith.constant 0 : i32
    %c0_i32_0 = arith.constant 0 : i32
    return %c0_i32 : i32
  }
  func.func @transform_7(%arg0: i32) -> (i32, i32) {
    %c0_i32 = arith.constant 0 : i32
    %c0_i32_0 = arith.constant 0 : i32
    %c0_i32_1 = arith.constant 0 : i32
    return %c0_i32, %c0_i32_0 : i32, i32
  }
  func.func @transform_8(%arg0: i32) -> (i32, i32) {
    %c0_i32 = arith.constant 0 : i32
    %c0_i32_0 = arith.constant 0 : i32
    %c0_i32_1 = arith.constant 0 : i32
    return %c0_i32, %c0_i32_0 : i32, i32
  }
  func.func @transform_9(%arg0: i32) -> (i32, i32) {
    %c0_i32 = arith.constant 0 : i32
    %c0_i32_0 = arith.constant 0 : i32
    return %arg0, %c0_i32 : i32, i32
  }
}

module attributes {stable_mosaic.version = 14 : i64} {
  func.func @_node_update_body(%arg0: i32, %arg1: memref<1000x64xf32, #tpu.memory_space<vmem>>, %arg2: memref<1000x64xf32, #tpu.memory_space<vmem>>, %arg3: memref<1000x64xf32, #tpu.memory_space<vmem>>, %arg4: memref<1000x1xf32, #tpu.memory_space<vmem>>, %arg5: memref<64x64xf32, #tpu.memory_space<vmem>>, %arg6: memref<64x64xf32, #tpu.memory_space<vmem>>, %arg7: memref<64xf32, #tpu.memory_space<vmem>>, %arg8: memref<64x64xf32, #tpu.memory_space<vmem>>, %arg9: memref<64xf32, #tpu.memory_space<vmem>>, %arg10: memref<64x64xf32, #tpu.memory_space<vmem>>, %arg11: memref<64x64xf32, #tpu.memory_space<vmem>>, %arg12: memref<1000x64xf32, #tpu.memory_space<vmem>>, %arg13: memref<1000x64xf32, #tpu.memory_space<vmem>>, %arg14: memref<1000x64xf32, #tpu.memory_space<vmem>>) attributes {dimension_semantics = [#tpu.dimension_semantics<arbitrary>], iteration_bounds = array<i64: 10>, scalar_prefetch = 0 : i64, scratch_operands = 0 : i64, tpu.core_type = #tpu.core_type<tc>, window_params = [{transform_indices = @transform_0, window_bounds = array<i64: 1000, 64>}, {transform_indices = @transform_1, window_bounds = array<i64: 1000, 64>}, {transform_indices = @transform_2, window_bounds = array<i64: 1000, 64>}, {transform_indices = @transform_3, window_bounds = array<i64: 1000, 1>}, {pipeline_mode = #tpu.pipeline_mode<synchronous>, transform_indices = @transform_4, window_bounds = array<i64: 64, 64>}, {pipeline_mode = #tpu.pipeline_mode<synchronous>, transform_indices = @transform_5, window_bounds = array<i64: 64, 64>}, {pipeline_mode = #tpu.pipeline_mode<synchronous>, transform_indices = @transform_6, window_bounds = array<i64: 64>}, {pipeline_mode = #tpu.pipeline_mode<synchronous>, transform_indices = @transform_7, window_bounds = array<i64: 64, 64>}, {pipeline_mode = #tpu.pipeline_mode<synchronous>, transform_indices = @transform_8, window_bounds = array<i64: 64>}, {pipeline_mode = #tpu.pipeline_mode<synchronous>, transform_indices = @transform_9, window_bounds = array<i64: 64, 64>}, {pipeline_mode = #tpu.pipeline_mode<synchronous>, transform_indices = @transform_10, window_bounds = array<i64: 64, 64>}, {transform_indices = @transform_11, window_bounds = array<i64: 1000, 64>}, {transform_indices = @transform_12, window_bounds = array<i64: 1000, 64>}, {transform_indices = @transform_13, window_bounds = array<i64: 1000, 64>}]} {
    %get3A = arith.constant 0 : index
    %get3A_0 = arith.constant 0 : index
    %get3A_1 = vector.load %arg1[%get3A, %get3A_0] : memref<1000x64xf32, #tpu.memory_space<vmem>>, vector<1000x64xf32>
    %get3A_2 = arith.constant 0 : index
    %get3A_3 = arith.constant 0 : index
    %get3A_4 = vector.load %arg2[%get3A_2, %get3A_3] : memref<1000x64xf32, #tpu.memory_space<vmem>>, vector<1000x64xf32>
    %get3A_5 = arith.constant 0 : index
    %get3A_6 = arith.constant 0 : index
    %get3A_7 = vector.load %arg3[%get3A_5, %get3A_6] : memref<1000x64xf32, #tpu.memory_space<vmem>>, vector<1000x64xf32>
    %add3A = arith.addf %get3A_4, %get3A_7 : vector<1000x64xf32>
    %mul3A = arith.constant 0.00999999977 : f32
    %mul3A_8 = vector.broadcast %mul3A : f32 to vector<1000x64xf32>
    %mul3A_9 = arith.mulf %add3A, %mul3A_8 : vector<1000x64xf32>
    %get3A_10 = arith.constant 0 : index
    %get3A_11 = arith.constant 0 : index
    %get3A_12 = vector.load %arg5[%get3A_10, %get3A_11] : memref<64x64xf32, #tpu.memory_space<vmem>>, vector<64x64xf32>
    %dot_general3A = arith.constant dense<0.000000e+00> : vector<1000x64xf32>
    %dot_general3A_13 = tpu.matmul %get3A_1, %get3A_12, %dot_general3A {dimension_numbers = #tpu.dot_dimension_numbers<[1], [0], [0], [1], [0, 0, 1, 1], [], []>, transpose_lhs_hint = false} : vector<1000x64xf32>, vector<64x64xf32>, vector<1000x64xf32> -> vector<1000x64xf32>
    %get3A_14 = arith.constant 0 : index
    %get3A_15 = arith.constant 0 : index
    %get3A_16 = vector.load %arg6[%get3A_14, %get3A_15] : memref<64x64xf32, #tpu.memory_space<vmem>>, vector<64x64xf32>
    %dot_general3A_17 = arith.constant dense<0.000000e+00> : vector<1000x64xf32>
    %dot_general3A_18 = tpu.matmul %mul3A_9, %get3A_16, %dot_general3A_17 {dimension_numbers = #tpu.dot_dimension_numbers<[1], [0], [0], [1], [0, 0, 1, 1], [], []>, transpose_lhs_hint = false} : vector<1000x64xf32>, vector<64x64xf32>, vector<1000x64xf32> -> vector<1000x64xf32>
    %add3A_19 = arith.addf %dot_general3A_13, %dot_general3A_18 : vector<1000x64xf32>
    %get3A_20 = arith.constant 0 : index
    %get3A_21 = vector.load %arg7[%get3A_20] : memref<64xf32, #tpu.memory_space<vmem>>, vector<64xf32>
    %broadcast_in_dim3A = vector.shape_cast %get3A_21 : vector<64xf32> to vector<1x64xf32>
    %add3A_22 = vector.broadcast %broadcast_in_dim3A : vector<1x64xf32> to vector<1000x64xf32>
    %add3A_23 = arith.addf %add3A_19, %add3A_22 : vector<1000x64xf32>
    %logistic3A = arith.negf %add3A_23 : vector<1000x64xf32>
    %logistic3A_24 = math.exp %logistic3A : vector<1000x64xf32>
    %logistic3A_25 = arith.constant 1.000000e+00 : f32
    %logistic3A_26 = vector.broadcast %logistic3A_25 : f32 to vector<1000x64xf32>
    %logistic3A_27 = arith.addf %logistic3A_26, %logistic3A_24 : vector<1000x64xf32>
    %logistic3A_28 = arith.divf %logistic3A_26, %logistic3A_27 : vector<1000x64xf32>
    %mul3A_29 = arith.mulf %add3A_23, %logistic3A_28 : vector<1000x64xf32>
    %get3A_30 = arith.constant 0 : index
    %get3A_31 = arith.constant 0 : index
    %get3A_32 = vector.load %arg8[%get3A_30, %get3A_31] : memref<64x64xf32, #tpu.memory_space<vmem>>, vector<64x64xf32>
    %dot_general3A_33 = arith.constant dense<0.000000e+00> : vector<1000x64xf32>
    %dot_general3A_34 = tpu.matmul %mul3A_29, %get3A_32, %dot_general3A_33 {dimension_numbers = #tpu.dot_dimension_numbers<[1], [0], [0], [1], [0, 0, 1, 1], [], []>, transpose_lhs_hint = false} : vector<1000x64xf32>, vector<64x64xf32>, vector<1000x64xf32> -> vector<1000x64xf32>
    %add3A_35 = arith.addf %get3A_1, %dot_general3A_34 : vector<1000x64xf32>
    %get3A_36 = arith.constant 0 : index
    %get3A_37 = vector.load %arg9[%get3A_36] : memref<64xf32, #tpu.memory_space<vmem>>, vector<64xf32>
    %broadcast_in_dim3A_38 = vector.shape_cast %get3A_37 : vector<64xf32> to vector<1x64xf32>
    %add3A_39 = vector.broadcast %broadcast_in_dim3A_38 : vector<1x64xf32> to vector<1000x64xf32>
    %add3A_40 = arith.addf %add3A_35, %add3A_39 : vector<1000x64xf32>
    %get3A_41 = arith.constant 0 : index
    %get3A_42 = arith.constant 0 : index
    %get3A_43 = vector.load %arg4[%get3A_41, %get3A_42] : memref<1000x1xf32, #tpu.memory_space<vmem>>, vector<1000x1xf32>
    %mul3A_44 = vector.broadcast %get3A_43 : vector<1000x1xf32> to vector<1000x64xf32>
    %mul3A_45 = arith.mulf %add3A_40, %mul3A_44 : vector<1000x64xf32>
    %swap3A = arith.constant 0 : index
    %swap3A_46 = arith.constant 0 : index
    %swap3A_47 = vector.load %arg12[%swap3A, %swap3A_46] : memref<1000x64xf32, #tpu.memory_space<vmem>>, vector<1000x64xf32>
    tpu.vector_store %arg12[%swap3A, %swap3A_46], %mul3A_45 {strides = array<i32>} : memref<1000x64xf32, #tpu.memory_space<vmem>>, vector<1000x64xf32>,
    %get3A_48 = arith.constant 0 : index
    %get3A_49 = arith.constant 0 : index
    %get3A_50 = vector.load %arg10[%get3A_48, %get3A_49] : memref<64x64xf32, #tpu.memory_space<vmem>>, vector<64x64xf32>
    %dot_general3A_51 = arith.constant dense<0.000000e+00> : vector<1000x64xf32>
    %dot_general3A_52 = tpu.matmul %mul3A_45, %get3A_50, %dot_general3A_51 {dimension_numbers = #tpu.dot_dimension_numbers<[1], [0], [0], [1], [0, 0, 1, 1], [], []>, transpose_lhs_hint = false} : vector<1000x64xf32>, vector<64x64xf32>, vector<1000x64xf32> -> vector<1000x64xf32>
    %swap3A_53 = arith.constant 0 : index
    %swap3A_54 = arith.constant 0 : index
    %swap3A_55 = vector.load %arg13[%swap3A_53, %swap3A_54] : memref<1000x64xf32, #tpu.memory_space<vmem>>, vector<1000x64xf32>
    tpu.vector_store %arg13[%swap3A_53, %swap3A_54], %dot_general3A_52 {strides = array<i32>} : memref<1000x64xf32, #tpu.memory_space<vmem>>, vector<1000x64xf32>,
    %get3A_56 = arith.constant 0 : index
    %get3A_57 = arith.constant 0 : index
    %get3A_58 = vector.load %arg11[%get3A_56, %get3A_57] : memref<64x64xf32, #tpu.memory_space<vmem>>, vector<64x64xf32>
    %dot_general3A_59 = arith.constant dense<0.000000e+00> : vector<1000x64xf32>
    %dot_general3A_60 = tpu.matmul %mul3A_45, %get3A_58, %dot_general3A_59 {dimension_numbers = #tpu.dot_dimension_numbers<[1], [0], [0], [1], [0, 0, 1, 1], [], []>, transpose_lhs_hint = false} : vector<1000x64xf32>, vector<64x64xf32>, vector<1000x64xf32> -> vector<1000x64xf32>
    %swap3A_61 = arith.constant 0 : index
    %swap3A_62 = arith.constant 0 : index
    %swap3A_63 = vector.load %arg14[%swap3A_61, %swap3A_62] : memref<1000x64xf32, #tpu.memory_space<vmem>>, vector<1000x64xf32>
    tpu.vector_store %arg14[%swap3A_61, %swap3A_62], %dot_general3A_60 {strides = array<i32>} : memref<1000x64xf32, #tpu.memory_space<vmem>>, vector<1000x64xf32>,
    return
  }
  func.func @transform_0(%arg0: i32) -> (i32, i32) {
    %c0_i32 = arith.constant 0 : i32
    %c0_i32_0 = arith.constant 0 : i32
    return %arg0, %c0_i32 : i32, i32
  }
  func.func @transform_1(%arg0: i32) -> (i32, i32) {
    %c0_i32 = arith.constant 0 : i32
    %c0_i32_0 = arith.constant 0 : i32
    return %arg0, %c0_i32 : i32, i32
  }
  func.func @transform_2(%arg0: i32) -> (i32, i32) {
    %add3A = arith.constant 10 : i32
    %add3A_0 = arith.addi %arg0, %add3A : i32
    %c0_i32 = arith.constant 0 : i32
    %c0_i32_1 = arith.constant 0 : i32
    return %add3A_0, %c0_i32 : i32, i32
  }
  func.func @transform_3(%arg0: i32) -> (i32, i32) {
    %c0_i32 = arith.constant 0 : i32
    %c0_i32_0 = arith.constant 0 : i32
    return %arg0, %c0_i32 : i32, i32
  }
  func.func @transform_4(%arg0: i32) -> (i32, i32) {
    %c0_i32 = arith.constant 0 : i32
    %c0_i32_0 = arith.constant 0 : i32
    %c0_i32_1 = arith.constant 0 : i32
    return %c0_i32, %c0_i32_0 : i32, i32
  }
  func.func @transform_5(%arg0: i32) -> (i32, i32) {
    %c0_i32 = arith.constant 0 : i32
    %c0_i32_0 = arith.constant 0 : i32
    %c0_i32_1 = arith.constant 0 : i32
    return %c0_i32, %c0_i32_0 : i32, i32
  }
  func.func @transform_6(%arg0: i32) -> i32 {
    %c0_i32 = arith.constant 0 : i32
    %c0_i32_0 = arith.constant 0 : i32
    return %c0_i32 : i32
  }
  func.func @transform_7(%arg0: i32) -> (i32, i32) {
    %c0_i32 = arith.constant 0 : i32
    %c0_i32_0 = arith.constant 0 : i32
    %c0_i32_1 = arith.constant 0 : i32
    return %c0_i32, %c0_i32_0 : i32, i32
  }
  func.func @transform_8(%arg0: i32) -> i32 {
    %c0_i32 = arith.constant 0 : i32
    %c0_i32_0 = arith.constant 0 : i32
    return %c0_i32 : i32
  }
  func.func @transform_9(%arg0: i32) -> (i32, i32) {
    %c0_i32 = arith.constant 0 : i32
    %c0_i32_0 = arith.constant 0 : i32
    %c0_i32_1 = arith.constant 0 : i32
    return %c0_i32, %c0_i32_0 : i32, i32
  }
  func.func @transform_10(%arg0: i32) -> (i32, i32) {
    %c0_i32 = arith.constant 0 : i32
    %c0_i32_0 = arith.constant 0 : i32
    %c0_i32_1 = arith.constant 0 : i32
    return %c0_i32, %c0_i32_0 : i32, i32
  }
  func.func @transform_11(%arg0: i32) -> (i32, i32) {
    %c0_i32 = arith.constant 0 : i32
    %c0_i32_0 = arith.constant 0 : i32
    return %arg0, %c0_i32 : i32, i32
  }
  func.func @transform_12(%arg0: i32) -> (i32, i32) {
    %c0_i32 = arith.constant 0 : i32
    %c0_i32_0 = arith.constant 0 : i32
    return %arg0, %c0_i32 : i32, i32
  }
  func.func @transform_13(%arg0: i32) -> (i32, i32) {
    %c0_i32 = arith.constant 0 : i32
    %c0_i32_0 = arith.constant 0 : i32
    return %arg0, %c0_i32 : i32, i32
  }
}

module attributes {stable_mosaic.version = 14 : i64} {
  func.func @_emb_out_body(%arg0: i32, %arg1: memref<1000x64xf32, #tpu.memory_space<vmem>>, %arg2: memref<64x128xf32, #tpu.memory_space<vmem>>, %arg3: memref<128xf32, #tpu.memory_space<vmem>>, %arg4: memref<1000x1xf32, #tpu.memory_space<vmem>>, %arg5: memref<1000x128xf32, #tpu.memory_space<vmem>>) attributes {dimension_semantics = [#tpu.dimension_semantics<arbitrary>], iteration_bounds = array<i64: 10>, scalar_prefetch = 0 : i64, scratch_operands = 0 : i64, tpu.core_type = #tpu.core_type<tc>, window_params = [{transform_indices = @transform_0, window_bounds = array<i64: 1000, 64>}, {pipeline_mode = #tpu.pipeline_mode<synchronous>, transform_indices = @transform_1, window_bounds = array<i64: 64, 128>}, {pipeline_mode = #tpu.pipeline_mode<synchronous>, transform_indices = @transform_2, window_bounds = array<i64: 128>}, {transform_indices = @transform_3, window_bounds = array<i64: 1000, 1>}, {transform_indices = @transform_4, window_bounds = array<i64: 1000, 128>}]} {
    %get3A = arith.constant 0 : index
    %get3A_0 = arith.constant 0 : index
    %get3A_1 = vector.load %arg1[%get3A, %get3A_0] : memref<1000x64xf32, #tpu.memory_space<vmem>>, vector<1000x64xf32>
    %get3A_2 = arith.constant 0 : index
    %get3A_3 = arith.constant 0 : index
    %get3A_4 = vector.load %arg2[%get3A_2, %get3A_3] : memref<64x128xf32, #tpu.memory_space<vmem>>, vector<64x128xf32>
    %dot_general3A = arith.constant dense<0.000000e+00> : vector<1000x128xf32>
    %dot_general3A_5 = tpu.matmul %get3A_1, %get3A_4, %dot_general3A {dimension_numbers = #tpu.dot_dimension_numbers<[1], [0], [0], [1], [0, 0, 1, 1], [], []>, transpose_lhs_hint = false} : vector<1000x64xf32>, vector<64x128xf32>, vector<1000x128xf32> -> vector<1000x128xf32>
    %get3A_6 = arith.constant 0 : index
    %get3A_7 = vector.load %arg3[%get3A_6] : memref<128xf32, #tpu.memory_space<vmem>>, vector<128xf32>
    %broadcast_in_dim3A = vector.shape_cast %get3A_7 : vector<128xf32> to vector<1x128xf32>
    %add3A = vector.broadcast %broadcast_in_dim3A : vector<1x128xf32> to vector<1000x128xf32>
    %add3A_8 = arith.addf %dot_general3A_5, %add3A : vector<1000x128xf32>
    %get3A_9 = arith.constant 0 : index
    %get3A_10 = arith.constant 0 : index
    %get3A_11 = vector.load %arg4[%get3A_9, %get3A_10] : memref<1000x1xf32, #tpu.memory_space<vmem>>, vector<1000x1xf32>
    %mul3A = vector.broadcast %get3A_11 : vector<1000x1xf32> to vector<1000x128xf32>
    %mul3A_12 = arith.mulf %add3A_8, %mul3A : vector<1000x128xf32>
    %swap3A = arith.constant 0 : index
    %swap3A_13 = arith.constant 0 : index
    %swap3A_14 = vector.load %arg5[%swap3A, %swap3A_13] : memref<1000x128xf32, #tpu.memory_space<vmem>>, vector<1000x128xf32>
    tpu.vector_store %arg5[%swap3A, %swap3A_13], %mul3A_12 {strides = array<i32>} : memref<1000x128xf32, #tpu.memory_space<vmem>>, vector<1000x128xf32>,
    return
  }
  func.func @transform_0(%arg0: i32) -> (i32, i32) {
    %c0_i32 = arith.constant 0 : i32
    %c0_i32_0 = arith.constant 0 : i32
    return %arg0, %c0_i32 : i32, i32
  }
  func.func @transform_1(%arg0: i32) -> (i32, i32) {
    %c0_i32 = arith.constant 0 : i32
    %c0_i32_0 = arith.constant 0 : i32
    %c0_i32_1 = arith.constant 0 : i32
    return %c0_i32, %c0_i32_0 : i32, i32
  }
  func.func @transform_2(%arg0: i32) -> i32 {
    %c0_i32 = arith.constant 0 : i32
    %c0_i32_0 = arith.constant 0 : i32
    return %c0_i32 : i32
  }
  func.func @transform_3(%arg0: i32) -> (i32, i32) {
    %c0_i32 = arith.constant 0 : i32
    %c0_i32_0 = arith.constant 0 : i32
    return %arg0, %c0_i32 : i32, i32
  }
  func.func @transform_4(%arg0: i32) -> (i32, i32) {
    %c0_i32 = arith.constant 0 : i32
    %c0_i32_0 = arith.constant 0 : i32
    return %arg0, %c0_i32 : i32, i32
  }
}

</mosaic_0001>

<sc_bundles>
// kernel: kernel.18.cloned.1.call-start
scs
__scs_entry_jumppad:
0x0: {  	(pc) =	sbr.rel $0x88, $3  }
0x1: {  	(tag) =	ssettag $0x0;
	lr =	simm.s32 $0x1  }
0x2: {  	[smem:$0x3F7E] =	sst lr;
	_ =	strace $0xD0000000  }
0x3: {  	_ = 	snop  }
0x4: {  	_ = 	snop  }
0x5: {  	_ = 	snop  }
0x6: {  	_ = 	snop  }
0x7: {  	_ = 	snop  }
__scs_overlays_trampoline_lowered:
0x8: {  	[smem:$0x3F8D] =	sst s0  }
0x9: {  	[smem:$0x3F8E] =	sst s1  }
0xa: {  	[smem:$0x3F8F] =	sst s2  }
0xb: {  	[smem:$0x3F90] =	sst s3  }
0xc: {  	[smem:$0x3F91] =	sst s4  }
0xd: {  	[smem:$0x3F92] =	sst s5  }
0xe: {  	[smem:$0x3F93] =	sst s6  }
0xf: {  	[smem:$0x3F94] =	sst s7  }
0x10: {  	[smem:$0x3F95] =	sst s8  }
0x11: {  	[smem:$0x3F96] =	sst s9;
	s0 =	simm.s32 @!p0 $0x0  }
0x12: {  	s1 =	sld [smem:$0x3F7C];
	s0 =	simm.s32 @p0 $0x1  }
0x13: {  	[smem:$0x3F97] =	sst s0;
	s0 =	simm.s32 @!p1 $0x0  }
0x14: {  	s2 =	sld [smem:$0x3F7B];
	s0 =	simm.s32 @p1 $0x1  }
0x15: {  	[smem:$0x3F98] =	sst s0;
	s0 =	simm.s32 @!p2 $0x0  }
0x16: {  	s3 =	sld [smem:$0x3FDB];
	s0 =	simm.s32 @p2 $0x1  }
0x17: {  	s4 =	simm.s32 $0x1BF5;
	[smem:$0x3F9A] =	sst s0  }
0x18: {  	s0 =	sld [smem:$0x3F7D];
	_ =	swait.ge [sflag:s4], $0x0  }
0x19: {  	s7 =	sld [smem:$0x3F7E]  }
0x1a: {  	s8 =	sadd.s32 $0xFFFFE003, lr  }
0x1b: {  	s9 =	sadd.s32 $0xFFFFFEF7, lr;
	s5 =	simm.s32 $0xFFFFFFFF;
	p2 =	slt.u32 s8, $0xFFFFF086  }
0x1c: {  	p1 =	slt.u32 s9, $0xF7A;
	s5 =	simm.s32 @!p2 $0x0  }
0x1d: {  	s5 =	simm.s32 @p1 $0x1;
	p0 =	seq.s32 s7, s2  }
0x1e: {  	s7 =	smul.u32 @!p0 $0xF7A, s2;
	p2 =	seq.s32 @!p0 s5, $0x0  }
0x1f: {  	s9 =	smul.u32 $0xF7A, s1;
	s8 =	simm.s32 @!p0 $0x1BF5;
	p2 =	por !p2, p0  }
0x20: {  	[sflag:s8] =	ssyncset.s32 @!p0 $0xFFFFF086;
	s6 =	sadd.s32 @!p0 s3, s7;
	s7 =	simm.s32 @!p0 $0x108  }
0x21: {  	s3 =	sadd.s32 s3, s9;
	s6 =	sadd.s32 @!p0 $0x88, s6;
	s7 =	simm.s32 @p2 $0x1082  }
0x22: {  	[simem:s7], [sflag:s8] =	dma.local @!p0 [hbm:s6], $0xF7A  }
0x23: {  	s9 =	sor.u32 $0xD0000000, s2;
	s6 =	simm.s32 $0x108;
	_ =	swait.ge @!p0 [sflag:s8], $0x0  }
0x24: {  	s3 =	sadd.s32 $0x88, s3;
	s6 =	simm.s32 @!p1 $0x1082;
	[sflag:s4] =	ssyncset.s32 $0xFFFFF086  }
0x25: {  	[simem:s6], [sflag:s4] =	dma.local [hbm:s3], $0xF7A  }
0x26: {  	[smem:$0x3F7E] =	sst s1;
	(tag) =	ssettag s2;
	_ =	strace s9  }
0x27: {  	s1 =	sld [smem:$0x3F8E]  }
0x28: {  	s2 =	sld [smem:$0x3F8F]  }
0x29: {  	s4 =	sld [smem:$0x3F91]  }
0x2a: {  	p0 =	seq.s32 s5, $0x0;
	s5 =	sld [smem:$0x3F92]  }
0x2b: {  	s6 =	sld [smem:$0x3F93]  }
0x2c: {  	s7 =	sld [smem:$0x3F94]  }
0x2d: {  	s3 =	simm.s32 $0x108;
	s8 =	sld [smem:$0x3F95]  }
0x2e: {  	s3 =	simm.s32 @!p0 $0x1082;
	s9 =	sld [smem:$0x3F96]  }
0x2f: {  	lr =	sadd.s32 s0, s3;
	s0 =	sld [smem:$0x3F8D]  }
0x30: {  	s3 =	sld [smem:$0x3F90]  }
0x31: {  	[smem:$0x3F99] =	sst s10  }
0x32: {  	s10 =	sld [smem:$0x3F97];
	_ =	sdelay $0x3  }
0x33: {  	p0 =	seq.s32 s10, $0x1;
	s10 =	sld [smem:$0x3F99];
	_ =	sdelay $0x3  }
0x34: {  	[smem:$0x3F99] =	sst s10  }
0x35: {  	s10 =	sld [smem:$0x3F98];
	_ =	sdelay $0x3  }
0x36: {  	p1 =	seq.s32 s10, $0x1;
	s10 =	sld [smem:$0x3F99];
	_ =	sdelay $0x3  }
0x37: {  	[smem:$0x3F99] =	sst s10  }
0x38: {  	s10 =	sld [smem:$0x3F9A]  }
0x39: {  	_ = 	snop;
	(pc) =	sbr.ind lr, $3  }
0x3a: {  	_ = 	snop  }
0x3b: {  	_ = 	snop  }
0x3c: {  	p2 =	seq.s32 s10, $0x1;
	s10 =	sld [smem:$0x3F99]  }
0x3d: {  	_ =	shalt  }
0x3e: {  	_ =	shalt  }
0x3f: {  	_ =	shalt  }
0x40: {  	_ =	shalt  }
0x41: {  	_ =	shalt  }
0x42: {  	_ =	shalt  }
0x43: {  	_ =	shalt  }
0x44: {  	_ =	shalt  }
0x45: {  	_ =	shalt  }
0x46: {  	_ =	shalt  }
0x47: {  	_ =	shalt  }
0x48: {  	_ =	shalt  }
0x49: {  	_ =	shalt  }
0x4a: {  	_ =	shalt  }
0x4b: {  	_ =	shalt  }
0x4c: {  	_ =	shalt  }
0x4d: {  	_ =	shalt  }
0x4e: {  	_ =	shalt  }
0x4f: {  	_ =	shalt  }
0x50: {  	_ =	shalt  }
0x51: {  	_ =	shalt  }
0x52: {  	_ =	shalt  }
0x53: {  	_ =	shalt  }
0x54: {  	_ =	shalt  }
0x55: {  	_ =	shalt  }
0x56: {  	_ =	shalt  }
0x57: {  	_ =	shalt  }
0x58: {  	_ =	shalt  }
0x59: {  	_ =	shalt  }
0x5a: {  	_ =	shalt  }
0x5b: {  	_ =	shalt  }
0x5c: {  	_ =	shalt  }
0x5d: {  	_ =	shalt  }
0x5e: {  	_ =	shalt  }
0x5f: {  	_ =	shalt  }
0x60: {  	_ =	shalt  }
0x61: {  	_ =	shalt  }
0x62: {  	_ =	shalt  }
0x63: {  	_ =	shalt  }
0x64: {  	_ =	shalt  }
0x65: {  	_ =	shalt  }
0x66: {  	_ =	shalt  }
0x67: {  	_ =	shalt  }
0x68: {  	_ =	shalt  }
0x69: {  	_ =	shalt  }
0x6a: {  	_ =	shalt  }
0x6b: {  	_ =	shalt  }
0x6c: {  	_ =	shalt  }
0x6d: {  	_ =	shalt  }
0x6e: {  	_ =	shalt  }
0x6f: {  	_ =	shalt  }
0x70: {  	_ =	shalt  }
0x71: {  	_ =	shalt  }
0x72: {  	_ =	shalt  }
0x73: {  	_ =	shalt  }
0x74: {  	_ =	shalt  }
0x75: {  	_ =	shalt  }
0x76: {  	_ =	shalt  }
0x77: {  	_ =	shalt  }
0x78: {  	_ =	shalt  }
0x79: {  	_ =	shalt  }
0x7a: {  	_ =	shalt  }
0x7b: {  	_ =	shalt  }
0x7c: {  	_ =	shalt  }
0x7d: {  	_ =	shalt  }
0x7e: {  	_ =	shalt  }
0x7f: {  	_ =	shalt  }
0x80: {  	_ =	shalt  }
0x81: {  	_ =	shalt  }
0x82: {  	_ =	shalt  }
0x83: {  	_ =	shalt  }
0x84: {  	_ =	shalt  }
0x85: {  	_ =	shalt  }
0x86: {  	_ =	shalt  }
0x87: {  	_ =	shalt  }
.Lfunc_end0:
.L_simem_size_0:
called_computation_lowered:
.L_overlay_start_0:
0x88: {  	s2 =	sld [smem:$0x3FD9]  }
0x89: {  	s3 =	sld [smem:$0x3FFE];
	_ =	sdelay $0x1  }
0x8a: {  	s1 =	srdreg.scid  }
0x8b: {  	s0 =	sand.u32 $0x1, s1  }
0x8c: {  	s14 =	sshll.u32 s0, $0xA;
	s2 =	sadd.s32 s3, s2  }
0x8d: {  	s2 =	sadd.s32 s2, s14  }
0x8e: {  	[smem:$0x3FA5] =	sst s2  }
0x8f: {  	_ = 	snop  }
0x90: {  	s2 =	sld [smem:$0x3FD0];
	_ =	sdelay $0x2  }
0x91: {  	s15 =	simm.s32 $0xA;
	s4 =	simm.s32 $0x10  }
0x92: {  	[smem:s4], [sflag:s15] =	dma.local [hbm:s2], $0x1  }
0x93: {  	_ =	swait.eq [sflag:s15], $0x1  }
0x94: {  	[sflag:s15] =	ssyncset.done $0x0  }
0x95: {  	[sflag:s15] =	ssyncadd.s32 $0xFFFFFFFF  }
0x96: {  	s16 =	sld [smem:$0x11];
	(tm) =	ssettm $0x1  }
0x97: {  	s17 =	sld [smem:$0x3FFB];
	_ =	sdelay $0x3  }
0x98: {  	_ =	strace s17  }
0x99: {  	s3 =	sld [smem:$0x3FFC];
	_ =	sdelay $0x3  }
0x9a: {  	_ =	strace s3  }
0x9b: {  	s3 =	sld [smem:$0x3FFD];
	_ =	sdelay $0x3  }
0x9c: {  	_ =	strace s3  }
0x9d: {  	_ =	strace $0x8FFFFFFF  }
0x9e: {  	s18 =	sld [smem:$0x3FDB];
	_ =	sdelay $0x1  }
0x9f: {  	s19 =	simm.s32 $_scs_section_size  }
0xa0: {  	s5 =	simm.s32 $_size__tile_overlayer_lowered;
	s6 =	simm.s32 $_tile_overlayer_lowered  }
0xa1: {  	s22 =	simm.s32 $0x1BFF;
	s21 =	sshll.u32 s6, $0x1;
	s3 =	sadd.s32 s19, s18  }
0xa2: {  	s7 =	simm.s32 $0x0;
	s20 =	sshll.u32 s5, $0x1;
	s5 =	sadd.s32 s21, s3  }
0xa3: {  	[timem:s7], [sflag:s22] =	dma.local [hbm:s5], s20  }
0xa4: {  	_ =	swait.ge [sflag:s22], s20  }
0xa5: {  	s4 =	ssub.s32 $0x0, s20;
	[sflag:s22] =	ssyncset.done $0x0  }
0xa6: {  	[sflag:s22] =	ssyncadd.s32 s4;
	_ =	sdelay $0x1  }
0xa7: {  	s23 =	simm.s32 $0x1B8B  }
0xa8: {  	_ =	swait.ge [sflag:s23], $0x1  }
0xa9: {  	[sflag:s23] =	ssyncset.done $0x0  }
0xaa: {  	s25 =	simm.s32 $0x1B8E;
	s24 =	sld [smem:$0x3FFE];
	[sflag:s23] =	ssyncadd.s32 $0xFFFFFFFF  }
0xab: {  	s26 =	simm.s32 $execute0_lowered;
	[smem:$0x3FD2] =	sst s25  }
0xac: {  	s5 =	sshll.u32 s26, $0x1;
	_ =	strace $0x80000046;
	[dreg:$0x1] =	wrdreg $0xFFFFFFFF  }
0xad: {  	s28 =	simm.s32 $_size_execute0_lowered;
	s3 =	sadd.s32 s3, s5;
	[dreg:$0x0] =	wrdreg $0x0  }
0xae: {  	s5 =	sshll.u32 s28, $0x1;
	[dreg:$0x2] =	wrdreg s3  }
0xaf: {  	[dreg:$0x3] =	wrdreg s5  }
0xb0: {  	[dreg:$0x4] =	wrdreg $0xC0  }
0xb1: {  	_ =	task [dreg:s7], $0x5FFFF  }
0xb2: {  	[dreg:$0x1] =	wrdreg $0xFFFFFFFF  }
0xb3: {  	[dreg:$0x0] =	wrdreg $0x60  }
0xb4: {  	[dreg:$0x2] =	wrdreg s24  }
0xb5: {  	[dreg:$0x3] =	wrdreg s16  }
0xb6: {  	[dreg:$0x4] =	wrdreg $0x9  }
0xb7: {  	_ =	task.clear_ibuf [dreg:s7], $0x5FFFF;
	_ =	strace $0x90000046  }
0xb8: {  	s29 =	simm.s32 $0x9;
	_ =	strace $0x80000048  }
0xb9: {  	_ =	swait.ge [sflag:s29], $0x1  }
0xba: {  	[sflag:s29] =	ssyncadd.s32 $0xFFFFFFFF  }
0xbb: {  	_ =	strace $0x90000048  }
0xbc: {  	_ =	sfence  }
0xbd: {  	s30 =	sld [smem:$0x0];
	_ =	sdelay $0x2  }
0xbe: {  	s31 =	sshll.u32 s1, $0xD;
	s1 =	sshrl.u32 s1, $0x2  }
0xbf: {  	s3 =	sand.u32 $0x4000, s31;
	s1 =	sadd.s32 s1, s30  }
0xc0: {  	s0 =	sor.u32 s3, s0;
	s1 =	sshll.u32 s1, $0x11  }
0xc1: {  	s0 =	sor.u32 s1, s0  }
0xc2: {  	s0 =	sadd.s32 $0x8F2B, s0  }
0xc3: {  	[sflag:s0] =	ssyncadd.remote.s32 $0x1  }
0xc4: {  	_ =	sfence.sel $0xFFFF  }
0xc5: {  	[dreg:$0x0] =	wrdreg $0xFFFFFFFF;
	(pc) =	sbr.abs _section_cstart, $3  }
0xc6: {  	[dreg:$0x1] =	wrdreg $0xFFFFFFFF  }
0xc7: {  	_ =	task.clear_ibuf [dreg:s7], $0x2FFFF;
	_ =	strace $0x9FFFFFFF  }
0xc8: {  	(tm) =	ssettm $0x7FFFFFFF  }
0xc9: {  	_ =	shalt  }
tec
execute0_lowered:
.L_overlay_start_1:
0x0: {  	(tag) =	ssettag $0x1  }
0x1: {  	s0 =	rddreg [dreg:$0x0]  }
0x2: {  	s3 =	simm.s32 $0x0;
	s1 =	srdreg.scid;
	s2 =	stileid.u32  }
0x3: {  	s28 =	simm.s32 $0x6A40;
	s29 =	simm.s32 $0x1;
	s30 =	simm.s32 $0x2  }
0x4: {  	s31 =	simm.s32 $0x1A770;
	s10 =	simm.s32 $0x6;
	s14 =	simm.s32 $0x0  }
0x5: {  	[smem:$0x7FF] =	sst s3;
	s1 =	sand.u32 $0x1, s1;
	s2 =	sshll.u32 s2, $0x1  }
0x6: {  	s4 =	sadd.s32 $0xA400, s0;
	s5 =	sadd.s32 $0x1DE00, s0;
	s6 =	sadd.s32 $0x3B600, s0  }
0x7: {  	s8 =	sadd.s32 $0x31800, s0;
	s7 =	sadd.s32 $0x45A00, s0;
	s19 =	sadd.s32 $0x45400, s0  }
0x8: {  	s11 =	sadd.s32 $0x528000, s0;
	s12 =	sadd.s32 $0x46000, s0;
	s13 =	sadd.s32 $0x2B7000, s0  }
0x9: {  	_ =	strace $0x80000047;
	s2 =	sor.u32 s1, s2;
	s1 =	ssub.s32 $0x2, s1  }
0xa: {  	[dreg:$0x4] =	wrdreg s7;
	s2 =	smul.u32 $0x2710, s2;
	s20 =	sshrl.u32 s1, $0x1  }
0xb: {  	[dreg:$0x5] =	wrdreg s19;
	s21 =	ssub.s32 s1, s20;
	s20 =	simm.s32 $0xCE40  }
0xc: {  	[dreg:$0x3] =	wrdreg s2;
	s2 =	sadd.s32 $0x2580, s2;
	s0 =	smax.u32 s21, $0x1  }
0xd: {  	s21 =	simm.s32 $0x7;
	s9 =	sshrl.u32 s2, $0x3;
	s24 =	sshll.u32 s2, $0x1  }
0xe: {  	s2 =	sshll.u32 s2, $0x3;
	[dreg:$0xb] =	wrdreg s0;
	s22 =	sadd.s32 s6, s9  }
0xf: {  	s0 =	simm.s32 $0x14370;
	s23 =	sadd.s32 s8, s9;
	[dreg:$0x6] =	wrdreg s22  }
0x10: {  	s1 =	sadd.s32 s11, s24;
	s25 =	sadd.s32 s12, s2;
	[dreg:$0x7] =	wrdreg s23  }
0x11: {  	v0 =	vlaneseq.u32;
	s26 =	sadd.s32 s13, s2;
	s24 =	simm.s32 $0x320;
	[dreg:$0x8] =	wrdreg s1  }
0x12: {  	v0 =	vmul.u32 $0x40, v0;
	s2 =	simm.s32 $0x4;
	s9 =	simm.s32 $0x5;
	[dreg:$0x9] =	wrdreg s25  }
0x13: {  	v1 =	vimm.f32 $0.0e+00;
	[dreg:$0xa] =	wrdreg s26;
	s22 =	simm.s32 $0xF550;
	s23 =	simm.s32 $0x11C60  }
0x14: {  	v2 =	vor.u32 $0x1, v0;
	v3 =	vor.u32 $0x2, v0;
	v4 =	vor.u32 $0x3, v0;
	s25 =	simm.s32 $0x4B0;
	s26 =	simm.s32 $0x640;
	s1 =	simm.s32 $0x3  }
.LBB2_1:
0x15: {  	[dreg:$0xc] =	wrdreg s14  }
0x16: {  	s7 =	rddreg [dreg:$0x4]  }
0x17: {  	[tilespmem:s20], [sflag:$0x7] =	stream.linear.gather [hbm4b:s7+s3], $0x2710, $0x38;
	[tilespmem:$0x1C070] =	vst v63  }
0x18: {  	_ =	swait.ge [sflag:s21], $0x2710  }
0x19: {  	[sflag:s21] =	ssyncset.done $0x0  }
0x1a: {  	s18 =	rddreg [dreg:$0x5];
	[sflag:s21] =	ssyncadd.s32 $0xFFFFD8F0  }
0x1b: {  	[tilespmem:s22], [sflag:$0x7] =	stream.linear.gather [hbm4b:s18+s3], $0x2710, $0x38;
	[tilespmem:$0x1C070] =	vst v63  }
0x1c: {  	_ =	swait.ge [sflag:s21], $0x2710  }
0x1d: {  	[sflag:s21] =	ssyncset.done $0x0  }
0x1e: {  	[sflag:s21] =	ssyncadd.s32 $0xFFFFD8F0  }
0x1f: {  	s19 =	rddreg [dreg:$0x1]  }
0x20: {  	[tilespmem:s23], [sflag:$0x7] =	stream.linear.gather [hbm4b:s19+s3], $0x2710, $0x38;
	[tilespmem:$0x1C070] =	vst v63  }
0x21: {  	_ =	swait.ge [sflag:s21], $0x2710  }
0x22: {  	[sflag:s21] =	ssyncset.done $0x0  }
0x23: {  	s14 =	simm.s32 $0x0;
	s7 =	simm.s32 $0x40;
	[sflag:s21] =	ssyncadd.s32 $0xFFFFD8F0  }
.LBB2_2:
0x24: {  	p0 =	sne.s32 s7, $0x18FC0;
	[tilespmem:s14+$0x14370] =	vst v1;
	s14 =	smov.u32 s7;
	s7 =	sadd.s32 $0x40, s7  }
.Ltmp0:
0x25: {  	(pc) =	sbr.rel @p0 .LBB2_2-.Ltmp0, $2  }
0x26: {  	_ =	sdelay $0x2  }
0x27: {  	s14 =	sshra.s32 s14, $0x2  }
0x28: {  	[tilespmem:s14+$0x14370] =	vst v1;
	s15 =	simm.s32 $0x0;
	s16 =	simm.s32 $0x0  }
.LBB2_4:
0x29: {  	s7 =	smul.u32 $0x320, s16  }
0x2a: {  	s14 =	rddreg [dreg:$0x3]  }
0x2b: {  	s18 =	sadd.s32 s14, s7  }
0x2c: {  	s7 =	sshrl.u32 s18, $0x3  }
0x2d: {  	s19 =	sadd.s32 s6, s7  }
0x2e: {  	[tilespmem:s15], [sflag:$0x7] =	stream.linear.gather [hbm4b:s19+s15], $0x190, $0x38;
	[tilespmem:$0x1C070] =	vst v63  }
0x2f: {  	_ =	swait.ge [sflag:s21], $0x190  }
0x30: {  	[sflag:s21] =	ssyncset.done $0x0  }
0x31: {  	s7 =	sadd.s32 s8, s7;
	s19 =	simm.s32 $0x190;
	[sflag:s21] =	ssyncadd.s32 $0xFFFFFE70  }
0x32: {  	[tilespmem:s19], [sflag:$0x7] =	stream.linear.gather [hbm4b:s7+s15], $0x190, $0x38;
	[tilespmem:$0x1C070] =	vst v63  }
0x33: {  	s17 =	sadd.s32 $0x190, s18;
	_ =	swait.ge [sflag:s21], $0x190  }
0x34: {  	s7 =	sshrl.u32 s17, $0x3;
	[sflag:s21] =	ssyncset.done $0x0  }
0x35: {  	s14 =	sadd.s32 s6, s7;
	[sflag:s21] =	ssyncadd.s32 $0xFFFFFE70  }
0x36: {  	[tilespmem:s24], [sflag:$0x7] =	stream.linear.gather [hbm4b:s14+s15], $0x190, $0x38;
	[tilespmem:$0x1C070] =	vst v63  }
0x37: {  	_ =	swait.ge [sflag:s21], $0x190  }
0x38: {  	[sflag:s21] =	ssyncset.done $0x0  }
0x39: {  	s7 =	sadd.s32 s8, s7;
	[sflag:s21] =	ssyncadd.s32 $0xFFFFFE70  }
0x3a: {  	[tilespmem:s25], [sflag:$0x7] =	stream.linear.gather [hbm4b:s7+s15], $0x190, $0x38;
	[tilespmem:$0x1C070] =	vst v63  }
0x3b: {  	_ =	swait.ge [sflag:s21], $0x190  }
0x3c: {  	[sflag:s21] =	ssyncset.done $0x0  }
0x3d: {  	[sflag:s21] =	ssyncadd.s32 $0xFFFFFE70  }
0x3e: {  	[tilespmem:s26], [sflag:$0x1] =	stream.indirect.gather [hbm4b:s4+s19], $0x40, s15, s19, $0xb8;
	[tilespmem:$0x1C070] =	vst v63  }
0x3f: {  	_ = 	snop  }
0x40: {  	[tilespmem:s28], [sflag:$0x2] =	stream.indirect.gather [hbm4b:s4+s19], $0x40, s24, s19, $0xb8;
	[tilespmem:$0x1C070] =	vst v63  }
0x41: {  	_ =	swait.ge [sflag:s29], $0x6400  }
0x42: {  	[sflag:s29] =	ssyncset.done $0x0  }
0x43: {  	[sflag:s29] =	ssyncadd.s32 $0xFFFF9C00  }
0x44: {  	[tilespmem:s26], [sflag:$0x3] =	stream.indirect.gather.add.f32 [hbm:s5], $0x40, s19, s19, $0xb8;
	[tilespmem:$0x1C070] =	vst v63  }
0x45: {  	_ =	swait.ge [sflag:s30], $0x6400  }
0x46: {  	[sflag:s30] =	ssyncset.done $0x0  }
0x47: {  	s14 =	sshll.u32 s18, $0x1;
	[sflag:s30] =	ssyncadd.s32 $0xFFFF9C00  }
0x48: {  	[tilespmem:s28], [sflag:$0x4] =	stream.indirect.gather.add.f32 [hbm:s5], $0x40, s25, s19, $0xb8;
	[tilespmem:$0x1C070] =	vst v63  }
0x49: {  	s7 =	sadd.s32 s11, s14  }
0x4a: {  	[tilespmem:s31], [sflag:$0x7] =	stream.linear.gather [hbm4b:s7+s15], $0x1900, $0x38;
	[tilespmem:$0x1C070] =	vst v63  }
0x4b: {  	_ =	swait.ge [sflag:s21], $0x1900  }
0x4c: {  	[sflag:s21] =	ssyncset.done $0x0  }
0x4d: {  	s14 =	simm.s32 $0x0;
	s7 =	simm.s32 $0x0;
	[sflag:s21] =	ssyncadd.s32 $0xFFFFE700  }
.LBB2_5:
0x4e: {  	v5 =	vld [tilespmem:s14+$0x0]  }
0x4f: {  	v6 =	vld [tilespmem:s19+$0x0];
	_ =	sdelay $0x6  }
0x50: {  	v7 =	vld.idx.msk [tilespmem:v5+s20+$0x0], $0xffff  }
0x51: {  	v8 =	vld.idx.msk [tilespmem:v6+s20+$0x0], $0xffff  }
0x52: {  	v9 =	vld.idx.msk [tilespmem:v5+s22+$0x0], $0xffff  }
0x53: {  	v10 =	vld.idx.msk [tilespmem:v6+s22+$0x0], $0xffff  }
0x54: {  	v5 =	vld.idx.msk [tilespmem:v5+s23+$0x0], $0xffff  }
0x55: {  	v6 =	vld.idx.msk [tilespmem:v6+s23+$0x0], $0xffff;
	_ =	sdelay $0x2  }
0x56: {  	v7 =	vsub.f32 v7, v8;
	v60 =	vsub.f32 v9, v10;
	_ =	sdelay $0x1  }
0x57: {  	v5 =	vsub.f32 v5, v6;
	v6 =	vmul.f32 v7, v7;
	v9 =	vmul.f32 v60, v60  }
0x58: {  	v61 =	vor.u32 s7, v0  }
0x59: {  	v11 =	vor.u32 s7, v2;
	v62 =	vmul.f32 v5, v5;
	v6 =	vadd.f32 v9, v6  }
0x5a: {  	v12 =	vor.u32 s7, v3  }
0x5b: {  	v63 =	vor.u32 s7, v4;
	p0 =	sne.s32 s7, $0x6000;
	v6 =	vadd.f32 v62, v6  }
.Ltmp1:
0x5c: {  	_ = 	snop;
	(pc) =	sbr.rel @p0 .LBB2_5-.Ltmp1, $4  }
0x5d: {  	[tilespmem:v61+s0+$0x0] =	vst.idx.msk $0xffff, v6  }
0x5e: {  	[tilespmem:v11+s0+$0x0] =	vst.idx.msk $0xffff, v7  }
0x5f: {  	[tilespmem:v12+s0+$0x0] =	vst.idx.msk $0xffff, v60  }
0x60: {  	s14 =	sadd.s32 $0x10, s14;
	s19 =	sadd.s32 $0x10, s19;
	s7 =	sadd.s32 $0x400, s7;
	[tilespmem:v63+s0+$0x0] =	vst.idx.msk $0xffff, v5  }
0x61: {  	s19 =	simm.s32 $0x0  }
0x62: {  	v5 =	vld [tilespmem:s19+$0x1A770];
	_ =	sdelay $0x3  }
0x63: {  	s7 =	simm.s32 $0x14374;
	s14 =	simm.s32 $0x40  }
.LBB2_7:
0x64: {  	s19 =	sshra.s32 s14, $0x2;
	p0 =	sne.s32 s14, $0x63C0;
	s14 =	sadd.s32 $0x40, s14;
	[tilespmem:s7+$0x0] =	vst v5  }
.Ltmp2:
0x65: {  	v5 =	vld [tilespmem:s19+$0x1A770];
	(pc) =	sbr.rel @p0 .LBB2_7-.Ltmp2, $2  }
0x66: {  	_ =	sdelay $0x2  }
0x67: {  	s7 =	sadd.s32 $0x40, s7  }
0x68: {  	[tilespmem:s7+$0x0] =	vst v5  }
0x69: {  	_ =	swait.ge [sflag:s1], $0x6400  }
0x6a: {  	s19 =	sshll.u32 s18, $0x3;
	[sflag:s1] =	ssyncset.done $0x0  }
0x6b: {  	s18 =	simm.s32 $0x0;
	s14 =	sadd.s32 s12, s19;
	[sflag:s1] =	ssyncadd.s32 $0xFFFF9C00  }
0x6c: {  	[hbm4b:s14+s18] =	stream.linear.scatter [tilespmem:s26], [sflag:$0x5], $0x6400, $0x38;
	[tilespmem:$0x1C070] =	vst v63  }
0x6d: {  	s7 =	sadd.s32 s13, s19  }
0x6e: {  	[hbm4b:s7+s18] =	stream.linear.scatter [tilespmem:s0], [sflag:$0x7], $0x6400, $0x38;
	[tilespmem:$0x1C070] =	vst v63  }
0x6f: {  	s19 =	sshll.u32 s17, $0x1;
	_ =	swait.ge [sflag:s21], $0x6400  }
0x70: {  	s7 =	sand.u32 $0x1FFFFFE0, s19;
	[sflag:s21] =	ssyncset.done $0x0  }
0x71: {  	s7 =	sadd.s32 s11, s7;
	[sflag:s21] =	ssyncadd.s32 $0xFFFF9C00  }
0x72: {  	[tilespmem:s31], [sflag:$0x7] =	stream.linear.gather [hbm4b:s7+s18], $0x1900, $0x38;
	[tilespmem:$0x1C070] =	vst v63  }
0x73: {  	_ =	swait.ge [sflag:s21], $0x1900  }
0x74: {  	[sflag:s21] =	ssyncset.done $0x0  }
0x75: {  	s14 =	simm.s32 $0x320;
	s7 =	simm.s32 $0x4B0;
	[sflag:s21] =	ssyncadd.s32 $0xFFFFE700  }
.LBB2_9:
0x76: {  	v5 =	vld [tilespmem:s14+$0x0]  }
0x77: {  	v6 =	vld [tilespmem:s7+$0x0];
	_ =	sdelay $0x6  }
0x78: {  	v7 =	vld.idx.msk [tilespmem:v5+s20+$0x0], $0xffff  }
0x79: {  	v8 =	vld.idx.msk [tilespmem:v6+s20+$0x0], $0xffff  }
0x7a: {  	v9 =	vld.idx.msk [tilespmem:v5+s22+$0x0], $0xffff  }
0x7b: {  	v10 =	vld.idx.msk [tilespmem:v6+s22+$0x0], $0xffff  }
0x7c: {  	v5 =	vld.idx.msk [tilespmem:v5+s23+$0x0], $0xffff  }
0x7d: {  	v6 =	vld.idx.msk [tilespmem:v6+s23+$0x0], $0xffff;
	_ =	sdelay $0x2  }
0x7e: {  	v7 =	vsub.f32 v7, v8;
	v60 =	vsub.f32 v9, v10;
	_ =	sdelay $0x1  }
0x7f: {  	v5 =	vsub.f32 v5, v6;
	v6 =	vmul.f32 v7, v7;
	v9 =	vmul.f32 v60, v60  }
0x80: {  	v61 =	vor.u32 s18, v0  }
0x81: {  	v11 =	vor.u32 s18, v2;
	v62 =	vmul.f32 v5, v5;
	v6 =	vadd.f32 v9, v6  }
0x82: {  	v12 =	vor.u32 s18, v3  }
0x83: {  	v63 =	vor.u32 s18, v4;
	p0 =	sne.s32 s18, $0x6000;
	v6 =	vadd.f32 v62, v6  }
.Ltmp3:
0x84: {  	_ = 	snop;
	(pc) =	sbr.rel @p0 .LBB2_9-.Ltmp3, $4  }
0x85: {  	[tilespmem:v61+s0+$0x0] =	vst.idx.msk $0xffff, v6  }
0x86: {  	[tilespmem:v11+s0+$0x0] =	vst.idx.msk $0xffff, v7  }
0x87: {  	[tilespmem:v12+s0+$0x0] =	vst.idx.msk $0xffff, v60  }
0x88: {  	s14 =	sadd.s32 $0x10, s14;
	s7 =	sadd.s32 $0x10, s7;
	s18 =	sadd.s32 $0x400, s18;
	[tilespmem:v63+s0+$0x0] =	vst.idx.msk $0xffff, v5  }
0x89: {  	s18 =	simm.s32 $0x0  }
0x8a: {  	v5 =	vld [tilespmem:s18+$0x1A770];
	_ =	sdelay $0x3  }
0x8b: {  	s7 =	simm.s32 $0x14374;
	s14 =	simm.s32 $0x40  }
.LBB2_11:
0x8c: {  	s18 =	sshra.s32 s14, $0x2;
	p0 =	sne.s32 s14, $0x63C0;
	s14 =	sadd.s32 $0x40, s14;
	[tilespmem:s7+$0x0] =	vst v5  }
.Ltmp4:
0x8d: {  	v5 =	vld [tilespmem:s18+$0x1A770];
	(pc) =	sbr.rel @p0 .LBB2_11-.Ltmp4, $2  }
0x8e: {  	_ =	sdelay $0x2  }
0x8f: {  	s7 =	sadd.s32 $0x40, s7  }
0x90: {  	[tilespmem:s7+$0x0] =	vst v5  }
0x91: {  	_ =	swait.ge [sflag:s2], $0x6400  }
0x92: {  	s19 =	sshll.u32 s17, $0x3;
	[sflag:s2] =	ssyncset.done $0x0  }
0x93: {  	s14 =	sadd.s32 s12, s19;
	[sflag:s2] =	ssyncadd.s32 $0xFFFF9C00  }
0x94: {  	[hbm4b:s14+s3] =	stream.linear.scatter [tilespmem:s28], [sflag:$0x6], $0x6400, $0x38;
	[tilespmem:$0x1C070] =	vst v63  }
0x95: {  	s7 =	sadd.s32 s13, s19  }
0x96: {  	[hbm4b:s7+s3] =	stream.linear.scatter [tilespmem:s0], [sflag:$0x7], $0x6400, $0x38;
	[tilespmem:$0x1C070] =	vst v63  }
0x97: {  	_ =	swait.ge [sflag:s21], $0x6400  }
0x98: {  	[sflag:s21] =	ssyncset.done $0x0  }
0x99: {  	s16 =	sadd.s32 $0x1, s16;
	[sflag:s21] =	ssyncadd.s32 $0xFFFF9C00  }
0x9a: {  	p0 =	sne.s32 s16, $0xC;
	_ =	swait.ge [sflag:s9], $0x6400  }
.Ltmp5:
0x9b: {  	[sflag:s9] =	ssyncset.done $0x0;
	(pc) =	sbr.rel @p0 .LBB2_4-.Ltmp5, $4  }
0x9c: {  	[sflag:s9] =	ssyncadd.s32 $0xFFFF9C00  }
0x9d: {  	_ =	swait.ge [sflag:s10], $0x6400  }
0x9e: {  	[sflag:s10] =	ssyncset.done $0x0  }
0x9f: {  	[sflag:s10] =	ssyncadd.s32 $0xFFFF9C00  }
0xa0: {  	s15 =	simm.s32 $0x0;
	s7 =	rddreg [dreg:$0x6]  }
0xa1: {  	[tilespmem:s15], [sflag:$0x7] =	stream.linear.gather [hbm4b:s7+s15], $0x190, $0x38;
	[tilespmem:$0x1C070] =	vst v63  }
0xa2: {  	_ =	swait.ge [sflag:s21], $0x190  }
0xa3: {  	[sflag:s21] =	ssyncset.done $0x0  }
0xa4: {  	s16 =	simm.s32 $0x190;
	s18 =	rddreg [dreg:$0x7];
	[sflag:s21] =	ssyncadd.s32 $0xFFFFFE70  }
0xa5: {  	[tilespmem:s16], [sflag:$0x7] =	stream.linear.gather [hbm4b:s18+s15], $0x190, $0x38;
	[tilespmem:$0x1C070] =	vst v63  }
0xa6: {  	_ =	swait.ge [sflag:s21], $0x190  }
0xa7: {  	[sflag:s21] =	ssyncset.done $0x0  }
0xa8: {  	[sflag:s21] =	ssyncadd.s32 $0xFFFFFE70  }
0xa9: {  	[tilespmem:s26], [sflag:$0x1] =	stream.indirect.gather [hbm4b:s4+s16], $0x40, s15, s16, $0xb8;
	[tilespmem:$0x1C070] =	vst v63  }
0xaa: {  	_ =	swait.ge [sflag:s29], $0x6400  }
0xab: {  	[sflag:s29] =	ssyncset.done $0x0  }
0xac: {  	[sflag:s29] =	ssyncadd.s32 $0xFFFF9C00  }
0xad: {  	[tilespmem:s26], [sflag:$0x3] =	stream.indirect.gather.add.f32 [hbm:s5], $0x40, s16, s16, $0xb8;
	[tilespmem:$0x1C070] =	vst v63  }
0xae: {  	s19 =	rddreg [dreg:$0x8]  }
0xaf: {  	[tilespmem:s31], [sflag:$0x7] =	stream.linear.gather [hbm4b:s19+s15], $0x1900, $0x38;
	[tilespmem:$0x1C070] =	vst v63  }
0xb0: {  	_ =	swait.ge [sflag:s21], $0x1900  }
0xb1: {  	[sflag:s21] =	ssyncset.done $0x0  }
0xb2: {  	s7 =	simm.s32 $0x0;
	[sflag:s21] =	ssyncadd.s32 $0xFFFFE700  }
.LBB2_14:
0xb3: {  	v5 =	vld [tilespmem:s15+$0x0]  }
0xb4: {  	v6 =	vld [tilespmem:s16+$0x0];
	_ =	sdelay $0x6  }
0xb5: {  	v7 =	vld.idx.msk [tilespmem:v5+s20+$0x0], $0xffff  }
0xb6: {  	v8 =	vld.idx.msk [tilespmem:v6+s20+$0x0], $0xffff  }
0xb7: {  	v9 =	vld.idx.msk [tilespmem:v5+s22+$0x0], $0xffff  }
0xb8: {  	v10 =	vld.idx.msk [tilespmem:v6+s22+$0x0], $0xffff  }
0xb9: {  	v5 =	vld.idx.msk [tilespmem:v5+s23+$0x0], $0xffff  }
0xba: {  	v6 =	vld.idx.msk [tilespmem:v6+s23+$0x0], $0xffff;
	_ =	sdelay $0x2  }
0xbb: {  	v7 =	vsub.f32 v7, v8;
	v60 =	vsub.f32 v9, v10;
	_ =	sdelay $0x1  }
0xbc: {  	v5 =	vsub.f32 v5, v6;
	v6 =	vmul.f32 v7, v7;
	v9 =	vmul.f32 v60, v60  }
0xbd: {  	v61 =	vor.u32 s7, v0  }
0xbe: {  	v11 =	vor.u32 s7, v2;
	v62 =	vmul.f32 v5, v5;
	v6 =	vadd.f32 v9, v6  }
0xbf: {  	v12 =	vor.u32 s7, v3  }
0xc0: {  	v63 =	vor.u32 s7, v4;
	p0 =	sne.s32 s7, $0x6000;
	v6 =	vadd.f32 v62, v6  }
.Ltmp6:
0xc1: {  	_ = 	snop;
	(pc) =	sbr.rel @p0 .LBB2_14-.Ltmp6, $4  }
0xc2: {  	[tilespmem:v61+s0+$0x0] =	vst.idx.msk $0xffff, v6  }
0xc3: {  	[tilespmem:v11+s0+$0x0] =	vst.idx.msk $0xffff, v7  }
0xc4: {  	[tilespmem:v12+s0+$0x0] =	vst.idx.msk $0xffff, v60  }
0xc5: {  	s15 =	sadd.s32 $0x10, s15;
	s16 =	sadd.s32 $0x10, s16;
	s7 =	sadd.s32 $0x400, s7;
	[tilespmem:v63+s0+$0x0] =	vst.idx.msk $0xffff, v5  }
0xc6: {  	s15 =	simm.s32 $0x0  }
0xc7: {  	v5 =	vld [tilespmem:s15+$0x1A770];
	_ =	sdelay $0x3  }
0xc8: {  	s7 =	simm.s32 $0x14374;
	s14 =	simm.s32 $0x40  }
.LBB2_16:
0xc9: {  	s15 =	sshra.s32 s14, $0x2;
	p0 =	sne.s32 s14, $0x63C0;
	s14 =	sadd.s32 $0x40, s14;
	[tilespmem:s7+$0x0] =	vst v5  }
.Ltmp7:
0xca: {  	v5 =	vld [tilespmem:s15+$0x1A770];
	(pc) =	sbr.rel @p0 .LBB2_16-.Ltmp7, $2  }
0xcb: {  	_ =	sdelay $0x2  }
0xcc: {  	s7 =	sadd.s32 $0x40, s7  }
0xcd: {  	[tilespmem:s7+$0x0] =	vst v5  }
0xce: {  	_ =	swait.ge [sflag:s1], $0x6400  }
0xcf: {  	[sflag:s1] =	ssyncset.done $0x0  }
0xd0: {  	s17 =	rddreg [dreg:$0x9];
	[sflag:s1] =	ssyncadd.s32 $0xFFFF9C00  }
0xd1: {  	[hbm4b:s17+s3] =	stream.linear.scatter [tilespmem:s26], [sflag:$0x5], $0x6400, $0x38;
	[tilespmem:$0x1C070] =	vst v63  }
0xd2: {  	s18 =	rddreg [dreg:$0xa]  }
0xd3: {  	[hbm4b:s18+s3] =	stream.linear.scatter [tilespmem:s0], [sflag:$0x7], $0x6400, $0x38;
	[tilespmem:$0x1C070] =	vst v63  }
0xd4: {  	_ =	swait.ge [sflag:s21], $0x6400  }
0xd5: {  	[sflag:s21] =	ssyncset.done $0x0  }
0xd6: {  	[sflag:s21] =	ssyncadd.s32 $0xFFFF9C00  }
0xd7: {  	_ =	swait.ge [sflag:s9], $0x6400  }
0xd8: {  	s14 =	rddreg [dreg:$0xc]  }
0xd9: {  	s19 =	rddreg [dreg:$0xb];
	s14 =	sadd.s32 $0x1, s14  }
0xda: {  	p0 =	sne.s32 s14, s19  }
.Ltmp8:
0xdb: {  	_ = 	snop;
	(pc) =	sbr.rel @p0 .LBB2_1-.Ltmp8, $3  }
0xdc: {  	_ =	sdelay $0x1  }
0xdd: {  	[sflag:s9] =	ssyncset.done $0x0  }
0xde: {  	[sflag:s9] =	ssyncadd.s32 $0xFFFF9C00  }
0xdf: {  	_ =	sfence.sel $0x180000  }
0xe0: {  	[bflag:$0x0] =	sbarrier.arrive $0xFFFF  }
0xe1: {  	_ =	strace $0x90000047  }
0xe2: {  	s0 =	stileid.u32;
	[bflag:$0x2] =	sbarrier.arrive $0xFFFF  }
0xe3: {  	p0 =	sne.s32 s0, $0x0;
	s0 =	rddreg [dreg:$0x2]  }
0xe4: {  	s0 =	sadd.s32 @!p0 $0x100000, s0  }
0xe5: {  	[sflag:s0] =	ssyncadd.tile.s32 @!p0 $0x1;
	_ =	shalt  }
.Lfunc_end2:
_tile_overlayer_lowered:
.L_overlay_start_2:
0xe6: {  	(tag) =	ssettag $0x2  }
0xe7: {  	s0 =	rddreg [dreg:$0x0];
	s2 =	stileid.u32  }
0xe8: {  	s1 =	rddreg [dreg:$0x1];
	p0 =	sne.s32 s2, $0x0  }
0xe9: {  	s3 =	rddreg [dreg:$0x2];
	[bflag:$0x3] =	sbarrier.arrive $0xFFFF;
	s2 =	simm.s32 @!p0 $0x1C07  }
0xea: {  	[timem:s3], [sflag:s2] =	dma.local @!p0 [hbm:s0], s1  }
0xeb: {  	s0 =	simm.s32 @!p0 $0x7  }
0xec: {  	_ =	swait.ge @!p0 [sflag:s0], s1  }
0xed: {  	s1 =	ssub.s32 @!p0 $0x0, s1;
	[sflag:s0] =	ssyncset.done @!p0 $0x0  }
0xee: {  	[sflag:s0] =	ssyncadd.s32 @!p0 s1  }
0xef: {  	[bflag:$0x3] =	sbarrier.arrive $0xFFFF  }
0xf0: {  	_ =	shalt  }

// kernel: kernel.21.cloned.1.call-start
scs
__scs_entry_jumppad:
0x0: {  	(pc) =	sbr.rel $0x88, $3  }
0x1: {  	(tag) =	ssettag $0x0;
	lr =	simm.s32 $0x1  }
0x2: {  	[smem:$0x3F7E] =	sst lr;
	_ =	strace $0xD0000000  }
0x3: {  	_ = 	snop  }
0x4: {  	_ = 	snop  }
0x5: {  	_ = 	snop  }
0x6: {  	_ = 	snop  }
0x7: {  	_ = 	snop  }
__scs_overlays_trampoline_lowered:
0x8: {  	[smem:$0x3F8D] =	sst s0  }
0x9: {  	[smem:$0x3F8E] =	sst s1  }
0xa: {  	[smem:$0x3F8F] =	sst s2  }
0xb: {  	[smem:$0x3F90] =	sst s3  }
0xc: {  	[smem:$0x3F91] =	sst s4  }
0xd: {  	[smem:$0x3F92] =	sst s5  }
0xe: {  	[smem:$0x3F93] =	sst s6  }
0xf: {  	[smem:$0x3F94] =	sst s7  }
0x10: {  	[smem:$0x3F95] =	sst s8  }
0x11: {  	[smem:$0x3F96] =	sst s9;
	s0 =	simm.s32 @!p0 $0x0  }
0x12: {  	s1 =	sld [smem:$0x3F7C];
	s0 =	simm.s32 @p0 $0x1  }
0x13: {  	[smem:$0x3F97] =	sst s0;
	s0 =	simm.s32 @!p1 $0x0  }
0x14: {  	s2 =	sld [smem:$0x3F7B];
	s0 =	simm.s32 @p1 $0x1  }
0x15: {  	[smem:$0x3F98] =	sst s0;
	s0 =	simm.s32 @!p2 $0x0  }
0x16: {  	s3 =	sld [smem:$0x3FDB];
	s0 =	simm.s32 @p2 $0x1  }
0x17: {  	s4 =	simm.s32 $0x1BF5;
	[smem:$0x3F9A] =	sst s0  }
0x18: {  	s0 =	sld [smem:$0x3F7D];
	_ =	swait.ge [sflag:s4], $0x0  }
0x19: {  	s7 =	sld [smem:$0x3F7E]  }
0x1a: {  	s8 =	sadd.s32 $0xFFFFE003, lr  }
0x1b: {  	s9 =	sadd.s32 $0xFFFFFEF7, lr;
	s5 =	simm.s32 $0xFFFFFFFF;
	p2 =	slt.u32 s8, $0xFFFFF086  }
0x1c: {  	p1 =	slt.u32 s9, $0xF7A;
	s5 =	simm.s32 @!p2 $0x0  }
0x1d: {  	s5 =	simm.s32 @p1 $0x1;
	p0 =	seq.s32 s7, s2  }
0x1e: {  	s7 =	smul.u32 @!p0 $0xF7A, s2;
	p2 =	seq.s32 @!p0 s5, $0x0  }
0x1f: {  	s9 =	smul.u32 $0xF7A, s1;
	s8 =	simm.s32 @!p0 $0x1BF5;
	p2 =	por !p2, p0  }
0x20: {  	[sflag:s8] =	ssyncset.s32 @!p0 $0xFFFFF086;
	s6 =	sadd.s32 @!p0 s3, s7;
	s7 =	simm.s32 @!p0 $0x108  }
0x21: {  	s3 =	sadd.s32 s3, s9;
	s6 =	sadd.s32 @!p0 $0x88, s6;
	s7 =	simm.s32 @p2 $0x1082  }
0x22: {  	[simem:s7], [sflag:s8] =	dma.local @!p0 [hbm:s6], $0xF7A  }
0x23: {  	s9 =	sor.u32 $0xD0000000, s2;
	s6 =	simm.s32 $0x108;
	_ =	swait.ge @!p0 [sflag:s8], $0x0  }
0x24: {  	s3 =	sadd.s32 $0x88, s3;
	s6 =	simm.s32 @!p1 $0x1082;
	[sflag:s4] =	ssyncset.s32 $0xFFFFF086  }
0x25: {  	[simem:s6], [sflag:s4] =	dma.local [hbm:s3], $0xF7A  }
0x26: {  	[smem:$0x3F7E] =	sst s1;
	(tag) =	ssettag s2;
	_ =	strace s9  }
0x27: {  	s1 =	sld [smem:$0x3F8E]  }
0x28: {  	s2 =	sld [smem:$0x3F8F]  }
0x29: {  	s4 =	sld [smem:$0x3F91]  }
0x2a: {  	p0 =	seq.s32 s5, $0x0;
	s5 =	sld [smem:$0x3F92]  }
0x2b: {  	s6 =	sld [smem:$0x3F93]  }
0x2c: {  	s7 =	sld [smem:$0x3F94]  }
0x2d: {  	s3 =	simm.s32 $0x108;
	s8 =	sld [smem:$0x3F95]  }
0x2e: {  	s3 =	simm.s32 @!p0 $0x1082;
	s9 =	sld [smem:$0x3F96]  }
0x2f: {  	lr =	sadd.s32 s0, s3;
	s0 =	sld [smem:$0x3F8D]  }
0x30: {  	s3 =	sld [smem:$0x3F90]  }
0x31: {  	[smem:$0x3F99] =	sst s10  }
0x32: {  	s10 =	sld [smem:$0x3F97];
	_ =	sdelay $0x3  }
0x33: {  	p0 =	seq.s32 s10, $0x1;
	s10 =	sld [smem:$0x3F99];
	_ =	sdelay $0x3  }
0x34: {  	[smem:$0x3F99] =	sst s10  }
0x35: {  	s10 =	sld [smem:$0x3F98];
	_ =	sdelay $0x3  }
0x36: {  	p1 =	seq.s32 s10, $0x1;
	s10 =	sld [smem:$0x3F99];
	_ =	sdelay $0x3  }
0x37: {  	[smem:$0x3F99] =	sst s10  }
0x38: {  	s10 =	sld [smem:$0x3F9A]  }
0x39: {  	_ = 	snop;
	(pc) =	sbr.ind lr, $3  }
0x3a: {  	_ = 	snop  }
0x3b: {  	_ = 	snop  }
0x3c: {  	p2 =	seq.s32 s10, $0x1;
	s10 =	sld [smem:$0x3F99]  }
0x3d: {  	_ =	shalt  }
0x3e: {  	_ =	shalt  }
0x3f: {  	_ =	shalt  }
0x40: {  	_ =	shalt  }
0x41: {  	_ =	shalt  }
0x42: {  	_ =	shalt  }
0x43: {  	_ =	shalt  }
0x44: {  	_ =	shalt  }
0x45: {  	_ =	shalt  }
0x46: {  	_ =	shalt  }
0x47: {  	_ =	shalt  }
0x48: {  	_ =	shalt  }
0x49: {  	_ =	shalt  }
0x4a: {  	_ =	shalt  }
0x4b: {  	_ =	shalt  }
0x4c: {  	_ =	shalt  }
0x4d: {  	_ =	shalt  }
0x4e: {  	_ =	shalt  }
0x4f: {  	_ =	shalt  }
0x50: {  	_ =	shalt  }
0x51: {  	_ =	shalt  }
0x52: {  	_ =	shalt  }
0x53: {  	_ =	shalt  }
0x54: {  	_ =	shalt  }
0x55: {  	_ =	shalt  }
0x56: {  	_ =	shalt  }
0x57: {  	_ =	shalt  }
0x58: {  	_ =	shalt  }
0x59: {  	_ =	shalt  }
0x5a: {  	_ =	shalt  }
0x5b: {  	_ =	shalt  }
0x5c: {  	_ =	shalt  }
0x5d: {  	_ =	shalt  }
0x5e: {  	_ =	shalt  }
0x5f: {  	_ =	shalt  }
0x60: {  	_ =	shalt  }
0x61: {  	_ =	shalt  }
0x62: {  	_ =	shalt  }
0x63: {  	_ =	shalt  }
0x64: {  	_ =	shalt  }
0x65: {  	_ =	shalt  }
0x66: {  	_ =	shalt  }
0x67: {  	_ =	shalt  }
0x68: {  	_ =	shalt  }
0x69: {  	_ =	shalt  }
0x6a: {  	_ =	shalt  }
0x6b: {  	_ =	shalt  }
0x6c: {  	_ =	shalt  }
0x6d: {  	_ =	shalt  }
0x6e: {  	_ =	shalt  }
0x6f: {  	_ =	shalt  }
0x70: {  	_ =	shalt  }
0x71: {  	_ =	shalt  }
0x72: {  	_ =	shalt  }
0x73: {  	_ =	shalt  }
0x74: {  	_ =	shalt  }
0x75: {  	_ =	shalt  }
0x76: {  	_ =	shalt  }
0x77: {  	_ =	shalt  }
0x78: {  	_ =	shalt  }
0x79: {  	_ =	shalt  }
0x7a: {  	_ =	shalt  }
0x7b: {  	_ =	shalt  }
0x7c: {  	_ =	shalt  }
0x7d: {  	_ =	shalt  }
0x7e: {  	_ =	shalt  }
0x7f: {  	_ =	shalt  }
0x80: {  	_ =	shalt  }
0x81: {  	_ =	shalt  }
0x82: {  	_ =	shalt  }
0x83: {  	_ =	shalt  }
0x84: {  	_ =	shalt  }
0x85: {  	_ =	shalt  }
0x86: {  	_ =	shalt  }
0x87: {  	_ =	shalt  }
.Lfunc_end0:
.L_simem_size_0:
called_computation.1_lowered:
.L_overlay_start_0:
0x88: {  	s2 =	sld [smem:$0x3FD9]  }
0x89: {  	s3 =	sld [smem:$0x3FFE];
	_ =	sdelay $0x1  }
0x8a: {  	s1 =	srdreg.scid  }
0x8b: {  	s0 =	sand.u32 $0x1, s1  }
0x8c: {  	s16 =	sshll.u32 s0, $0xA;
	s2 =	sadd.s32 s3, s2  }
0x8d: {  	s2 =	sadd.s32 s2, s16  }
0x8e: {  	[smem:$0x3FA5] =	sst s2  }
0x8f: {  	_ = 	snop  }
0x90: {  	(tm) =	ssettm $0x1  }
0x91: {  	s17 =	sld [smem:$0x3FFB];
	_ =	sdelay $0x3  }
0x92: {  	_ =	strace s17  }
0x93: {  	s2 =	sld [smem:$0x3FFC];
	_ =	sdelay $0x3  }
0x94: {  	_ =	strace s2  }
0x95: {  	s2 =	sld [smem:$0x3FFD];
	_ =	sdelay $0x3  }
0x96: {  	_ =	strace s2  }
0x97: {  	_ =	strace $0x8FFFFFFF  }
0x98: {  	s18 =	sld [smem:$0x3FDB];
	_ =	sdelay $0x1  }
0x99: {  	s19 =	simm.s32 $_scs_section_size  }
0x9a: {  	s4 =	simm.s32 $_size__tile_overlayer_lowered;
	s5 =	simm.s32 $_tile_overlayer_lowered  }
0x9b: {  	s22 =	simm.s32 $0x1BFF;
	s21 =	sshll.u32 s5, $0x1;
	s2 =	sadd.s32 s19, s18  }
0x9c: {  	s6 =	simm.s32 $0x0;
	s20 =	sshll.u32 s4, $0x1;
	s4 =	sadd.s32 s21, s2  }
0x9d: {  	[timem:s6], [sflag:s22] =	dma.local [hbm:s4], s20  }
0x9e: {  	_ =	swait.ge [sflag:s22], s20  }
0x9f: {  	s3 =	ssub.s32 $0x0, s20;
	[sflag:s22] =	ssyncset.done $0x0  }
0xa0: {  	[sflag:s22] =	ssyncadd.s32 s3;
	_ =	sdelay $0x1  }
0xa1: {  	s23 =	simm.s32 $0x1B8B  }
0xa2: {  	_ =	swait.ge [sflag:s23], $0x1  }
0xa3: {  	[sflag:s23] =	ssyncset.done $0x0  }
0xa4: {  	s25 =	simm.s32 $0x1B8E;
	s24 =	sld [smem:$0x3FFE];
	[sflag:s23] =	ssyncadd.s32 $0xFFFFFFFF  }
0xa5: {  	s26 =	simm.s32 $execute0_lowered;
	[smem:$0x3FD2] =	sst s25  }
0xa6: {  	s4 =	sshll.u32 s26, $0x1;
	_ =	strace $0x80000049;
	[dreg:$0x1] =	wrdreg $0xFFFFFFFF  }
0xa7: {  	s28 =	simm.s32 $_size_execute0_lowered;
	s2 =	sadd.s32 s2, s4;
	[dreg:$0x0] =	wrdreg $0x0  }
0xa8: {  	s4 =	sshll.u32 s28, $0x1;
	[dreg:$0x2] =	wrdreg s2  }
0xa9: {  	[dreg:$0x3] =	wrdreg s4  }
0xaa: {  	[dreg:$0x4] =	wrdreg $0xC0  }
0xab: {  	_ =	task [dreg:s6], $0x5FFFF  }
0xac: {  	[dreg:$0x1] =	wrdreg $0xFFFFFFFF  }
0xad: {  	[dreg:$0x0] =	wrdreg $0x60  }
0xae: {  	[dreg:$0x2] =	wrdreg s24  }
0xaf: {  	[dreg:$0x3] =	wrdreg $0xCB200  }
0xb0: {  	[dreg:$0x4] =	wrdreg $0x9  }
0xb1: {  	_ =	task.clear_ibuf [dreg:s6], $0x5FFFF;
	_ =	strace $0x90000049  }
0xb2: {  	s29 =	simm.s32 $0x9;
	_ =	strace $0x8000004B  }
0xb3: {  	_ =	swait.ge [sflag:s29], $0x1  }
0xb4: {  	[sflag:s29] =	ssyncadd.s32 $0xFFFFFFFF  }
0xb5: {  	_ =	strace $0x9000004B  }
0xb6: {  	_ =	sfence  }
0xb7: {  	s30 =	sld [smem:$0x0];
	_ =	sdelay $0x2  }
0xb8: {  	s31 =	sshll.u32 s1, $0xD;
	s1 =	sshrl.u32 s1, $0x2  }
0xb9: {  	s3 =	sand.u32 $0x4000, s31;
	s1 =	sadd.s32 s1, s30  }
0xba: {  	s0 =	sor.u32 s3, s0;
	s1 =	sshll.u32 s1, $0x11  }
0xbb: {  	s0 =	sor.u32 s1, s0  }
0xbc: {  	s0 =	sadd.s32 $0x8F2B, s0  }
0xbd: {  	[sflag:s0] =	ssyncadd.remote.s32 $0x1  }
0xbe: {  	_ =	sfence.sel $0xFFFF  }
0xbf: {  	[dreg:$0x0] =	wrdreg $0xFFFFFFFF;
	(pc) =	sbr.abs _section_cstart, $3  }
0xc0: {  	[dreg:$0x1] =	wrdreg $0xFFFFFFFF  }
0xc1: {  	_ =	task.clear_ibuf [dreg:s6], $0x2FFFF;
	_ =	strace $0x9FFFFFFF  }
0xc2: {  	(tm) =	ssettm $0x7FFFFFFF  }
0xc3: {  	_ =	shalt  }
tec
execute0_lowered:
.L_overlay_start_1:
0x0: {  	(tag) =	ssettag $0x1  }
0x1: {  	s4 =	rddreg [dreg:$0x0]  }
0x2: {  	s2 =	rddreg [dreg:$0x1]  }
0x3: {  	s0 =	rddreg [dreg:$0x2];
	s1 =	stileid.u32  }
0x4: {  	s3 =	simm.s32 $0x0;
	s6 =	srdreg.scid;
	s18 =	simm.s32 $0x6720  }
0x5: {  	s19 =	simm.s32 $0x1;
	s20 =	simm.s32 $0x2;
	s21 =	simm.s32 $0x3  }
0x6: {  	s22 =	simm.s32 $0x4;
	s5 =	smul.u32 $0x9C40, s1;
	[smem:$0x7FF] =	sst s3  }
0x7: {  	s6 =	sand.u32 $0x1, s6;
	s7 =	smul.u32 $0x1388, s1;
	s12 =	sadd.s32 $0x528000, s4  }
0x8: {  	s13 =	sadd.s32 $0x3B600, s4;
	s11 =	sshll.u32 s1, $0x1;
	s26 =	smul.u32 $0x27100, s1  }
0x9: {  	s25 =	sshll.u32 s1, $0x6;
	s16 =	smul.u32 $0x4E20, s1;
	_ =	strace $0x8000004A  }
0xa: {  	s10 =	smul.u32 $0x13880, s6;
	s9 =	ssub.s32 $0x2, s6;
	s24 =	sor.u32 s6, s11  }
0xb: {  	s17 =	smul.u32 $0x2710, s6;
	s8 =	sshrl.u32 s5, $0x3;
	s23 =	sshrl.u32 s9, $0x1  }
0xc: {  	s15 =	sadd.s32 s5, s2;
	s5 =	sor.u32 $0x1C05, s25;
	s11 =	sadd.s32 s26, s12  }
0xd: {  	s8 =	sadd.s32 s8, s4;
	s7 =	sadd.s32 s7, s10;
	s9 =	ssub.s32 s9, s23  }
0xe: {  	s29 =	sadd.s32 s17, s16;
	s10 =	sadd.s32 s10, s11;
	s16 =	simm.s32 $0x190  }
0xf: {  	s17 =	simm.s32 $0x320;
	s23 =	simm.s32 $0x0;
	s14 =	sadd.s32 s7, s4  }
0x10: {  	s7 =	smul.u32 $0x2710, s24;
	s4 =	sadd.s32 $0xA400, s8;
	s9 =	smax.u32 s9, $0x1  }
0x11: {  	s30 =	sshrl.u32 s29, $0x3;
	s8 =	sadd.s32 $0x45400, s14;
	s14 =	sadd.s32 $0x190, s29  }
0x12: {  	s11 =	sadd.s32 s30, s13;
	s7 =	sadd.s32 $0x2580, s7;
	s31 =	sshll.u32 s14, $0x3  }
0x13: {  	s14 =	sshrl.u32 s14, $0x3;
	s28 =	sshrl.u32 s7, $0x3;
	s7 =	sshll.u32 s7, $0x3  }
0x14: {  	s6 =	sadd.s32 s13, s28;
	s7 =	sadd.s32 s12, s7;
	s12 =	sadd.s32 s31, s12  }
0x15: {  	s13 =	sadd.s32 s14, s13;
	s14 =	sshrl.u32 s15, $0x3;
	s15 =	simm.s32 $0x5  }
.LBB2_1:
0x16: {  	[spmem:s14], [sflag:s5] =	dma.local [hbm:s4], $0x1388  }
0x17: {  	_ =	swait.ge [sflag:s15], $0x1388  }
0x18: {  	[sflag:s15] =	ssyncset.done $0x0  }
0x19: {  	[sflag:s15] =	ssyncadd.s32 $0xFFFFEC78  }
0x1a: {  	s24 =	sadd.s32 $0x0, s11;
	[bflag:$0x0] =	sbarrier.arrive $0xFFFF  }
0x1b: {  	[tilespmem:s3], [sflag:$0x5] =	stream.linear.gather [hbm4b:s24+s3], $0x190, $0x38;
	[tilespmem:$0x16760] =	vst v63  }
0x1c: {  	_ =	swait.ge [sflag:s15], $0x190  }
0x1d: {  	[sflag:s15] =	ssyncset.done $0x0  }
0x1e: {  	s31 =	sadd.s32 $0x0, s13;
	[sflag:s15] =	ssyncadd.s32 $0xFFFFFE70  }
0x1f: {  	[tilespmem:s16], [sflag:$0x5] =	stream.linear.gather [hbm4b:s31+s3], $0x190, $0x38;
	[tilespmem:$0x16760] =	vst v63  }
0x20: {  	_ =	swait.ge [sflag:s15], $0x190  }
0x21: {  	[sflag:s15] =	ssyncset.done $0x0  }
0x22: {  	[sflag:s15] =	ssyncadd.s32 $0xFFFFFE70  }
0x23: {  	[tilespmem:s17], [sflag:$0x1] =	stream.linear.gather [hbm4b:s10+s3], $0x6400, $0x38;
	[tilespmem:$0x16760] =	vst v63  }
0x24: {  	_ = 	snop  }
0x25: {  	[tilespmem:s18], [sflag:$0x2] =	stream.linear.gather [hbm4b:s12+s3], $0x6400, $0x38;
	[tilespmem:$0x16760] =	vst v63  }
0x26: {  	_ =	swait.ge [sflag:s19], $0x6400  }
0x27: {  	[sflag:s19] =	ssyncset.done $0x0  }
0x28: {  	[sflag:s19] =	ssyncadd.s32 $0xFFFF9C00  }
0x29: {  	[spmem:s2] =	stream.indirect.scatter.add.f32 [tilespmem:s17], [sflag:$0x3], $0x40, s3, s16, $0xb8;
	[tilespmem:$0x16760] =	vst v63  }
0x2a: {  	_ =	swait.ge [sflag:s20], $0x6400  }
0x2b: {  	[sflag:s20] =	ssyncset.done $0x0  }
0x2c: {  	[sflag:s20] =	ssyncadd.s32 $0xFFFF9C00  }
0x2d: {  	[spmem:s2] =	stream.indirect.scatter.add.f32 [tilespmem:s18], [sflag:$0x4], $0x40, s16, s16, $0xb8;
	[tilespmem:$0x16760] =	vst v63  }
0x2e: {  	_ =	swait.ge [sflag:s21], $0x6400  }
0x2f: {  	[sflag:s21] =	ssyncset.done $0x0  }
0x30: {  	[sflag:s21] =	ssyncadd.s32 $0xFFFF9C00  }
0x31: {  	s26 =	simm.s32 $0x64;
	s28 =	simm.s32 $0xC8;
	_ =	swait.ge [sflag:s22], $0x6400  }
0x32: {  	s25 =	sadd.s32 $0x1900, s12;
	s24 =	sadd.s32 $0x1900, s10;
	[sflag:s22] =	ssyncset.done $0x0  }
.LBB2_2:
0x33: {  	s29 =	sadd.s32 s26, s11  }
0x34: {  	[sflag:s22] =	ssyncadd.s32 $0xFFFF9C00;
	s30 =	smov.u32 s28;
	s31 =	sadd.s32 $0x64, s28  }
0x35: {  	[tilespmem:s3], [sflag:$0x5] =	stream.linear.gather [hbm4b:s29+s3], $0x190, $0x38;
	[tilespmem:$0x16760] =	vst v63  }
0x36: {  	p0 =	sne.s32 s28, $0x44C;
	_ =	swait.ge [sflag:s15], $0x190  }
0x37: {  	[sflag:s15] =	ssyncset.done $0x0  }
0x38: {  	s28 =	sadd.s32 s26, s13;
	s26 =	smov.u32 s30;
	[sflag:s15] =	ssyncadd.s32 $0xFFFFFE70  }
0x39: {  	[tilespmem:s16], [sflag:$0x5] =	stream.linear.gather [hbm4b:s28+s3], $0x190, $0x38;
	[tilespmem:$0x16760] =	vst v63  }
0x3a: {  	_ =	swait.ge [sflag:s15], $0x190  }
0x3b: {  	[sflag:s15] =	ssyncset.done $0x0  }
0x3c: {  	[sflag:s15] =	ssyncadd.s32 $0xFFFFFE70  }
0x3d: {  	[tilespmem:s17], [sflag:$0x1] =	stream.linear.gather [hbm4b:s24+s3], $0x6400, $0x38;
	[tilespmem:$0x16760] =	vst v63  }
0x3e: {  	_ = 	snop  }
0x3f: {  	[tilespmem:s18], [sflag:$0x2] =	stream.linear.gather [hbm4b:s25+s3], $0x6400, $0x38;
	[tilespmem:$0x16760] =	vst v63  }
0x40: {  	_ =	swait.ge [sflag:s19], $0x6400  }
0x41: {  	[sflag:s19] =	ssyncset.done $0x0  }
0x42: {  	[sflag:s19] =	ssyncadd.s32 $0xFFFF9C00  }
0x43: {  	[spmem:s2] =	stream.indirect.scatter.add.f32 [tilespmem:s17], [sflag:$0x3], $0x40, s3, s16, $0xb8;
	[tilespmem:$0x16760] =	vst v63  }
0x44: {  	_ =	swait.ge [sflag:s20], $0x6400  }
0x45: {  	[sflag:s20] =	ssyncset.done $0x0  }
0x46: {  	[sflag:s20] =	ssyncadd.s32 $0xFFFF9C00  }
0x47: {  	[spmem:s2] =	stream.indirect.scatter.add.f32 [tilespmem:s18], [sflag:$0x4], $0x40, s16, s16, $0xb8;
	[tilespmem:$0x16760] =	vst v63  }
.Ltmp0:
0x48: {  	_ =	swait.ge [sflag:s21], $0x6400;
	(pc) =	sbr.rel @p0 .LBB2_2-.Ltmp0, $4  }
0x49: {  	[sflag:s21] =	ssyncset.done $0x0  }
0x4a: {  	[sflag:s21] =	ssyncadd.s32 $0xFFFF9C00  }
0x4b: {  	s28 =	smov.u32 s31;
	_ =	swait.ge [sflag:s22], $0x6400  }
0x4c: {  	s24 =	sadd.s32 $0x1900, s24;
	s25 =	sadd.s32 $0x1900, s25;
	[sflag:s22] =	ssyncset.done $0x0  }
0x4d: {  	s28 =	sadd.s32 s26, s11;
	[sflag:s22] =	ssyncadd.s32 $0xFFFF9C00  }
0x4e: {  	[tilespmem:s3], [sflag:$0x5] =	stream.linear.gather [hbm4b:s28+s3], $0x190, $0x38;
	[tilespmem:$0x16760] =	vst v63  }
0x4f: {  	_ =	swait.ge [sflag:s15], $0x190  }
0x50: {  	[sflag:s15] =	ssyncset.done $0x0  }
0x51: {  	s31 =	sadd.s32 s26, s13;
	[sflag:s15] =	ssyncadd.s32 $0xFFFFFE70  }
0x52: {  	[tilespmem:s16], [sflag:$0x5] =	stream.linear.gather [hbm4b:s31+s3], $0x190, $0x38;
	[tilespmem:$0x16760] =	vst v63  }
0x53: {  	_ =	swait.ge [sflag:s15], $0x190  }
0x54: {  	[sflag:s15] =	ssyncset.done $0x0  }
0x55: {  	[sflag:s15] =	ssyncadd.s32 $0xFFFFFE70  }
0x56: {  	[tilespmem:s17], [sflag:$0x1] =	stream.linear.gather [hbm4b:s24+s3], $0x6400, $0x38;
	[tilespmem:$0x16760] =	vst v63  }
0x57: {  	_ = 	snop  }
0x58: {  	[tilespmem:s18], [sflag:$0x2] =	stream.linear.gather [hbm4b:s25+s3], $0x6400, $0x38;
	[tilespmem:$0x16760] =	vst v63  }
0x59: {  	_ =	swait.ge [sflag:s19], $0x6400  }
0x5a: {  	[sflag:s19] =	ssyncset.done $0x0  }
0x5b: {  	[sflag:s19] =	ssyncadd.s32 $0xFFFF9C00  }
0x5c: {  	[spmem:s2] =	stream.indirect.scatter.add.f32 [tilespmem:s17], [sflag:$0x3], $0x40, s3, s16, $0xb8;
	[tilespmem:$0x16760] =	vst v63  }
0x5d: {  	_ =	swait.ge [sflag:s20], $0x6400  }
0x5e: {  	[sflag:s20] =	ssyncset.done $0x0  }
0x5f: {  	[sflag:s20] =	ssyncadd.s32 $0xFFFF9C00  }
0x60: {  	[spmem:s2] =	stream.indirect.scatter.add.f32 [tilespmem:s18], [sflag:$0x4], $0x40, s16, s16, $0xb8;
	[tilespmem:$0x16760] =	vst v63  }
0x61: {  	_ =	swait.ge [sflag:s21], $0x6400  }
0x62: {  	[sflag:s21] =	ssyncset.done $0x0  }
0x63: {  	[sflag:s21] =	ssyncadd.s32 $0xFFFF9C00  }
0x64: {  	_ =	swait.ge [sflag:s22], $0x6400  }
0x65: {  	[sflag:s22] =	ssyncset.done $0x0  }
0x66: {  	[sflag:s22] =	ssyncadd.s32 $0xFFFF9C00  }
0x67: {  	[tilespmem:s3], [sflag:$0x5] =	stream.linear.gather [hbm4b:s6+s3], $0x190, $0x38;
	[tilespmem:$0x16760] =	vst v63  }
0x68: {  	_ =	swait.ge [sflag:s15], $0x190  }
0x69: {  	[sflag:s15] =	ssyncset.done $0x0  }
0x6a: {  	[sflag:s15] =	ssyncadd.s32 $0xFFFFFE70  }
0x6b: {  	[tilespmem:s17], [sflag:$0x5] =	stream.linear.gather [hbm4b:s7+s3], $0x6400, $0x38;
	[tilespmem:$0x16760] =	vst v63  }
0x6c: {  	_ =	swait.ge [sflag:s15], $0x6400  }
0x6d: {  	[sflag:s15] =	ssyncset.done $0x0  }
0x6e: {  	[sflag:s15] =	ssyncadd.s32 $0xFFFF9C00  }
0x6f: {  	[spmem:s2] =	stream.indirect.scatter.add.f32 [tilespmem:s17], [sflag:$0x5], $0x40, s3, s16, $0xb8;
	[tilespmem:$0x16760] =	vst v63  }
0x70: {  	_ =	swait.ge [sflag:s15], $0x6400  }
0x71: {  	s23 =	sadd.s32 $0x1, s23;
	[sflag:s15] =	ssyncset.done $0x0  }
0x72: {  	p0 =	sne.s32 s23, s9;
	[sflag:s15] =	ssyncadd.s32 $0xFFFF9C00  }
.Ltmp1:
0x73: {  	[bflag:$0x0] =	sbarrier.arrive $0xFFFF;
	(pc) =	sbr.rel @p0 .LBB2_1-.Ltmp1, $4  }
0x74: {  	[hbm:s8], [sflag:s5] =	dma.local [spmem:s14], $0x1388  }
0x75: {  	_ =	swait.ge [sflag:s15], $0x1388  }
0x76: {  	[sflag:s15] =	ssyncset.done $0x0  }
0x77: {  	[sflag:s15] =	ssyncadd.s32 $0xFFFFEC78  }
0x78: {  	_ =	sfence.sel $0x180000  }
0x79: {  	[bflag:$0x0] =	sbarrier.arrive $0xFFFF  }
0x7a: {  	p0 =	sne.s32 s1, $0x0;
	_ =	strace $0x9000004A  }
0x7b: {  	s0 =	sadd.s32 @!p0 $0x100000, s0;
	[bflag:$0x2] =	sbarrier.arrive $0xFFFF  }
0x7c: {  	[sflag:s0] =	ssyncadd.tile.s32 @!p0 $0x1;
	_ =	shalt  }
.Lfunc_end2:
_tile_overlayer_lowered:
.L_overlay_start_2:
0x7d: {  	(tag) =	ssettag $0x2  }
0x7e: {  	s0 =	rddreg [dreg:$0x0];
	s2 =	stileid.u32  }
0x7f: {  	s1 =	rddreg [dreg:$0x1];
	p0 =	sne.s32 s2, $0x0  }
0x80: {  	s3 =	rddreg [dreg:$0x2];
	[bflag:$0x3] =	sbarrier.arrive $0xFFFF;
	s2 =	simm.s32 @!p0 $0x1C05  }
0x81: {  	[timem:s3], [sflag:s2] =	dma.local @!p0 [hbm:s0], s1  }
0x82: {  	s0 =	simm.s32 @!p0 $0x5  }
0x83: {  	_ =	swait.ge @!p0 [sflag:s0], s1  }
0x84: {  	s1 =	ssub.s32 @!p0 $0x0, s1;
	[sflag:s0] =	ssyncset.done @!p0 $0x0  }
0x85: {  	[sflag:s0] =	ssyncadd.s32 @!p0 s1  }
0x86: {  	[bflag:$0x3] =	sbarrier.arrive $0xFFFF  }
0x87: {  	_ =	shalt  }

// kernel: kernel.24.cloned.1.call-start
scs
__scs_entry_jumppad:
0x0: {  	(pc) =	sbr.rel $0x88, $3  }
0x1: {  	(tag) =	ssettag $0x0;
	lr =	simm.s32 $0x1  }
0x2: {  	[smem:$0x3F7E] =	sst lr;
	_ =	strace $0xD0000000  }
0x3: {  	_ = 	snop  }
0x4: {  	_ = 	snop  }
0x5: {  	_ = 	snop  }
0x6: {  	_ = 	snop  }
0x7: {  	_ = 	snop  }
__scs_overlays_trampoline_lowered:
0x8: {  	[smem:$0x3F8D] =	sst s0  }
0x9: {  	[smem:$0x3F8E] =	sst s1  }
0xa: {  	[smem:$0x3F8F] =	sst s2  }
0xb: {  	[smem:$0x3F90] =	sst s3  }
0xc: {  	[smem:$0x3F91] =	sst s4  }
0xd: {  	[smem:$0x3F92] =	sst s5  }
0xe: {  	[smem:$0x3F93] =	sst s6  }
0xf: {  	[smem:$0x3F94] =	sst s7  }
0x10: {  	[smem:$0x3F95] =	sst s8  }
0x11: {  	[smem:$0x3F96] =	sst s9;
	s0 =	simm.s32 @!p0 $0x0  }
0x12: {  	s1 =	sld [smem:$0x3F7C];
	s0 =	simm.s32 @p0 $0x1  }
0x13: {  	[smem:$0x3F97] =	sst s0;
	s0 =	simm.s32 @!p1 $0x0  }
0x14: {  	s2 =	sld [smem:$0x3F7B];
	s0 =	simm.s32 @p1 $0x1  }
0x15: {  	[smem:$0x3F98] =	sst s0;
	s0 =	simm.s32 @!p2 $0x0  }
0x16: {  	s3 =	sld [smem:$0x3FDB];
	s0 =	simm.s32 @p2 $0x1  }
0x17: {  	s4 =	simm.s32 $0x1BF5;
	[smem:$0x3F9A] =	sst s0  }
0x18: {  	s0 =	sld [smem:$0x3F7D];
	_ =	swait.ge [sflag:s4], $0x0  }
0x19: {  	s7 =	sld [smem:$0x3F7E]  }
0x1a: {  	s8 =	sadd.s32 $0xFFFFE003, lr  }
0x1b: {  	s9 =	sadd.s32 $0xFFFFFEF7, lr;
	s5 =	simm.s32 $0xFFFFFFFF;
	p2 =	slt.u32 s8, $0xFFFFF086  }
0x1c: {  	p1 =	slt.u32 s9, $0xF7A;
	s5 =	simm.s32 @!p2 $0x0  }
0x1d: {  	s5 =	simm.s32 @p1 $0x1;
	p0 =	seq.s32 s7, s2  }
0x1e: {  	s7 =	smul.u32 @!p0 $0xF7A, s2;
	p2 =	seq.s32 @!p0 s5, $0x0  }
0x1f: {  	s9 =	smul.u32 $0xF7A, s1;
	s8 =	simm.s32 @!p0 $0x1BF5;
	p2 =	por !p2, p0  }
0x20: {  	[sflag:s8] =	ssyncset.s32 @!p0 $0xFFFFF086;
	s6 =	sadd.s32 @!p0 s3, s7;
	s7 =	simm.s32 @!p0 $0x108  }
0x21: {  	s3 =	sadd.s32 s3, s9;
	s6 =	sadd.s32 @!p0 $0x88, s6;
	s7 =	simm.s32 @p2 $0x1082  }
0x22: {  	[simem:s7], [sflag:s8] =	dma.local @!p0 [hbm:s6], $0xF7A  }
0x23: {  	s9 =	sor.u32 $0xD0000000, s2;
	s6 =	simm.s32 $0x108;
	_ =	swait.ge @!p0 [sflag:s8], $0x0  }
0x24: {  	s3 =	sadd.s32 $0x88, s3;
	s6 =	simm.s32 @!p1 $0x1082;
	[sflag:s4] =	ssyncset.s32 $0xFFFFF086  }
0x25: {  	[simem:s6], [sflag:s4] =	dma.local [hbm:s3], $0xF7A  }
0x26: {  	[smem:$0x3F7E] =	sst s1;
	(tag) =	ssettag s2;
	_ =	strace s9  }
0x27: {  	s1 =	sld [smem:$0x3F8E]  }
0x28: {  	s2 =	sld [smem:$0x3F8F]  }
0x29: {  	s4 =	sld [smem:$0x3F91]  }
0x2a: {  	p0 =	seq.s32 s5, $0x0;
	s5 =	sld [smem:$0x3F92]  }
0x2b: {  	s6 =	sld [smem:$0x3F93]  }
0x2c: {  	s7 =	sld [smem:$0x3F94]  }
0x2d: {  	s3 =	simm.s32 $0x108;
	s8 =	sld [smem:$0x3F95]  }
0x2e: {  	s3 =	simm.s32 @!p0 $0x1082;
	s9 =	sld [smem:$0x3F96]  }
0x2f: {  	lr =	sadd.s32 s0, s3;
	s0 =	sld [smem:$0x3F8D]  }
0x30: {  	s3 =	sld [smem:$0x3F90]  }
0x31: {  	[smem:$0x3F99] =	sst s10  }
0x32: {  	s10 =	sld [smem:$0x3F97];
	_ =	sdelay $0x3  }
0x33: {  	p0 =	seq.s32 s10, $0x1;
	s10 =	sld [smem:$0x3F99];
	_ =	sdelay $0x3  }
0x34: {  	[smem:$0x3F99] =	sst s10  }
0x35: {  	s10 =	sld [smem:$0x3F98];
	_ =	sdelay $0x3  }
0x36: {  	p1 =	seq.s32 s10, $0x1;
	s10 =	sld [smem:$0x3F99];
	_ =	sdelay $0x3  }
0x37: {  	[smem:$0x3F99] =	sst s10  }
0x38: {  	s10 =	sld [smem:$0x3F9A]  }
0x39: {  	_ = 	snop;
	(pc) =	sbr.ind lr, $3  }
0x3a: {  	_ = 	snop  }
0x3b: {  	_ = 	snop  }
0x3c: {  	p2 =	seq.s32 s10, $0x1;
	s10 =	sld [smem:$0x3F99]  }
0x3d: {  	_ =	shalt  }
0x3e: {  	_ =	shalt  }
0x3f: {  	_ =	shalt  }
0x40: {  	_ =	shalt  }
0x41: {  	_ =	shalt  }
0x42: {  	_ =	shalt  }
0x43: {  	_ =	shalt  }
0x44: {  	_ =	shalt  }
0x45: {  	_ =	shalt  }
0x46: {  	_ =	shalt  }
0x47: {  	_ =	shalt  }
0x48: {  	_ =	shalt  }
0x49: {  	_ =	shalt  }
0x4a: {  	_ =	shalt  }
0x4b: {  	_ =	shalt  }
0x4c: {  	_ =	shalt  }
0x4d: {  	_ =	shalt  }
0x4e: {  	_ =	shalt  }
0x4f: {  	_ =	shalt  }
0x50: {  	_ =	shalt  }
0x51: {  	_ =	shalt  }
0x52: {  	_ =	shalt  }
0x53: {  	_ =	shalt  }
0x54: {  	_ =	shalt  }
0x55: {  	_ =	shalt  }
0x56: {  	_ =	shalt  }
0x57: {  	_ =	shalt  }
0x58: {  	_ =	shalt  }
0x59: {  	_ =	shalt  }
0x5a: {  	_ =	shalt  }
0x5b: {  	_ =	shalt  }
0x5c: {  	_ =	shalt  }
0x5d: {  	_ =	shalt  }
0x5e: {  	_ =	shalt  }
0x5f: {  	_ =	shalt  }
0x60: {  	_ =	shalt  }
0x61: {  	_ =	shalt  }
0x62: {  	_ =	shalt  }
0x63: {  	_ =	shalt  }
0x64: {  	_ =	shalt  }
0x65: {  	_ =	shalt  }
0x66: {  	_ =	shalt  }
0x67: {  	_ =	shalt  }
0x68: {  	_ =	shalt  }
0x69: {  	_ =	shalt  }
0x6a: {  	_ =	shalt  }
0x6b: {  	_ =	shalt  }
0x6c: {  	_ =	shalt  }
0x6d: {  	_ =	shalt  }
0x6e: {  	_ =	shalt  }
0x6f: {  	_ =	shalt  }
0x70: {  	_ =	shalt  }
0x71: {  	_ =	shalt  }
0x72: {  	_ =	shalt  }
0x73: {  	_ =	shalt  }
0x74: {  	_ =	shalt  }
0x75: {  	_ =	shalt  }
0x76: {  	_ =	shalt  }
0x77: {  	_ =	shalt  }
0x78: {  	_ =	shalt  }
0x79: {  	_ =	shalt  }
0x7a: {  	_ =	shalt  }
0x7b: {  	_ =	shalt  }
0x7c: {  	_ =	shalt  }
0x7d: {  	_ =	shalt  }
0x7e: {  	_ =	shalt  }
0x7f: {  	_ =	shalt  }
0x80: {  	_ =	shalt  }
0x81: {  	_ =	shalt  }
0x82: {  	_ =	shalt  }
0x83: {  	_ =	shalt  }
0x84: {  	_ =	shalt  }
0x85: {  	_ =	shalt  }
0x86: {  	_ =	shalt  }
0x87: {  	_ =	shalt  }
.Lfunc_end0:
.L_simem_size_0:
called_computation.2_lowered:
.L_overlay_start_0:
0x88: {  	s2 =	sld [smem:$0x3FD9]  }
0x89: {  	s3 =	sld [smem:$0x3FFE];
	_ =	sdelay $0x1  }
0x8a: {  	s1 =	srdreg.scid  }
0x8b: {  	s0 =	sand.u32 $0x1, s1  }
0x8c: {  	s16 =	sshll.u32 s0, $0xA;
	s2 =	sadd.s32 s3, s2  }
0x8d: {  	s2 =	sadd.s32 s2, s16  }
0x8e: {  	[smem:$0x3FA5] =	sst s2  }
0x8f: {  	_ = 	snop  }
0x90: {  	(tm) =	ssettm $0x1  }
0x91: {  	s17 =	sld [smem:$0x3FFB];
	_ =	sdelay $0x3  }
0x92: {  	_ =	strace s17  }
0x93: {  	s2 =	sld [smem:$0x3FFC];
	_ =	sdelay $0x3  }
0x94: {  	_ =	strace s2  }
0x95: {  	s2 =	sld [smem:$0x3FFD];
	_ =	sdelay $0x3  }
0x96: {  	_ =	strace s2  }
0x97: {  	_ =	strace $0x8FFFFFFF  }
0x98: {  	s18 =	sld [smem:$0x3FDB];
	_ =	sdelay $0x1  }
0x99: {  	s19 =	simm.s32 $_scs_section_size  }
0x9a: {  	s4 =	simm.s32 $_size__tile_overlayer_lowered;
	s5 =	simm.s32 $_tile_overlayer_lowered  }
0x9b: {  	s22 =	simm.s32 $0x1BFF;
	s21 =	sshll.u32 s5, $0x1;
	s2 =	sadd.s32 s19, s18  }
0x9c: {  	s6 =	simm.s32 $0x0;
	s20 =	sshll.u32 s4, $0x1;
	s4 =	sadd.s32 s21, s2  }
0x9d: {  	[timem:s6], [sflag:s22] =	dma.local [hbm:s4], s20  }
0x9e: {  	_ =	swait.ge [sflag:s22], s20  }
0x9f: {  	s3 =	ssub.s32 $0x0, s20;
	[sflag:s22] =	ssyncset.done $0x0  }
0xa0: {  	[sflag:s22] =	ssyncadd.s32 s3;
	_ =	sdelay $0x1  }
0xa1: {  	s23 =	simm.s32 $0x1B8B  }
0xa2: {  	_ =	swait.ge [sflag:s23], $0x1  }
0xa3: {  	[sflag:s23] =	ssyncset.done $0x0  }
0xa4: {  	s25 =	simm.s32 $0x1B8E;
	s24 =	sld [smem:$0x3FFE];
	[sflag:s23] =	ssyncadd.s32 $0xFFFFFFFF  }
0xa5: {  	s26 =	simm.s32 $execute0_lowered;
	[smem:$0x3FD2] =	sst s25  }
0xa6: {  	s4 =	sshll.u32 s26, $0x1;
	_ =	strace $0x8000004C;
	[dreg:$0x1] =	wrdreg $0xFFFFFFFF  }
0xa7: {  	s28 =	simm.s32 $_size_execute0_lowered;
	s2 =	sadd.s32 s2, s4;
	[dreg:$0x0] =	wrdreg $0x0  }
0xa8: {  	s4 =	sshll.u32 s28, $0x1;
	[dreg:$0x2] =	wrdreg s2  }
0xa9: {  	[dreg:$0x3] =	wrdreg s4  }
0xaa: {  	[dreg:$0x4] =	wrdreg $0xC0  }
0xab: {  	_ =	task [dreg:s6], $0x5FFFF  }
0xac: {  	[dreg:$0x1] =	wrdreg $0xFFFFFFFF  }
0xad: {  	[dreg:$0x0] =	wrdreg $0x60  }
0xae: {  	[dreg:$0x2] =	wrdreg s24  }
0xaf: {  	[dreg:$0x3] =	wrdreg $0x9  }
0xb0: {  	_ =	task.clear_ibuf [dreg:s6], $0x4FFFF;
	_ =	strace $0x9000004C  }
0xb1: {  	s29 =	simm.s32 $0x9;
	_ =	strace $0x8000004E  }
0xb2: {  	_ =	swait.ge [sflag:s29], $0x1  }
0xb3: {  	[sflag:s29] =	ssyncadd.s32 $0xFFFFFFFF  }
0xb4: {  	_ =	strace $0x9000004E  }
0xb5: {  	_ =	sfence  }
0xb6: {  	s30 =	sld [smem:$0x0];
	_ =	sdelay $0x2  }
0xb7: {  	s31 =	sshll.u32 s1, $0xD;
	s1 =	sshrl.u32 s1, $0x2  }
0xb8: {  	s3 =	sand.u32 $0x4000, s31;
	s1 =	sadd.s32 s1, s30  }
0xb9: {  	s0 =	sor.u32 s3, s0;
	s1 =	sshll.u32 s1, $0x11  }
0xba: {  	s0 =	sor.u32 s1, s0  }
0xbb: {  	s0 =	sadd.s32 $0x8F2B, s0  }
0xbc: {  	[sflag:s0] =	ssyncadd.remote.s32 $0x1  }
0xbd: {  	_ =	sfence.sel $0xFFFF  }
0xbe: {  	[dreg:$0x0] =	wrdreg $0xFFFFFFFF;
	(pc) =	sbr.abs _section_cstart, $3  }
0xbf: {  	[dreg:$0x1] =	wrdreg $0xFFFFFFFF  }
0xc0: {  	_ =	task.clear_ibuf [dreg:s6], $0x2FFFF;
	_ =	strace $0x9FFFFFFF  }
0xc1: {  	(tm) =	ssettm $0x7FFFFFFF  }
tec
execute0_lowered:
.L_overlay_start_1:
0x0: {  	(tag) =	ssettag $0x1  }
0x1: {  	s0 =	rddreg [dreg:$0x0];
	s2 =	simm.s32 $0x0  }
0x2: {  	s1 =	srdreg.scid;
	s12 =	stileid.u32;
	s16 =	simm.s32 $0x190  }
0x3: {  	s17 =	simm.s32 $0x320;
	s18 =	simm.s32 $0x4B0;
	s19 =	simm.s32 $0x640  }
0x4: {  	s20 =	simm.s32 $0x6A40;
	s21 =	simm.s32 $0x1;
	s28 =	simm.s32 $0x0  }
0x5: {  	[smem:$0x7FF] =	sst s2;
	s1 =	sand.u32 $0x1, s1;
	s3 =	sshll.u32 s12, $0x1  }
0x6: {  	s4 =	sadd.s32 $0xBAA00, s0;
	s14 =	sadd.s32 $0x3B600, s0;
	s10 =	smul.u32 $0x4E20, s12  }
0x7: {  	s13 =	sadd.s32 $0x31800, s0;
	s12 =	smul.u32 $0x27100, s12;
	_ =	strace $0x8000004D  }
0x8: {  	s5 =	sor.u32 s1, s3;
	s3 =	sadd.s32 $0x1DE00, s0;
	s11 =	smul.u32 $0x2710, s1  }
0x9: {  	s6 =	ssub.s32 $0x2, s1;
	s0 =	sadd.s32 $0x528000, s0;
	s5 =	smul.u32 $0x2710, s5  }
0xa: {  	s1 =	smul.u32 $0x13880, s1;
	s7 =	sshrl.u32 s6, $0x1;
	s29 =	sadd.s32 s12, s0  }
0xb: {  	s9 =	ssub.s32 s6, s7;
	s26 =	sadd.s32 s11, s10;
	s8 =	sadd.s32 $0x2580, s5  }
0xc: {  	s11 =	sshrl.u32 s26, $0x3;
	s15 =	sadd.s32 $0x190, s26;
	s26 =	simm.s32 $0x6  }
0xd: {  	s22 =	sshrl.u32 s8, $0x3;
	s24 =	sshll.u32 s8, $0x3;
	s8 =	smax.u32 s9, $0x1  }
0xe: {  	s9 =	sadd.s32 s1, s29;
	s10 =	sadd.s32 s11, s13;
	s30 =	sshll.u32 s15, $0x3  }
0xf: {  	s11 =	sadd.s32 s11, s14;
	s31 =	sshrl.u32 s15, $0x3;
	s15 =	simm.s32 $0x7  }
0x10: {  	s23 =	sadd.s32 s14, s22;
	s25 =	sadd.s32 s13, s22;
	s7 =	sadd.s32 s0, s24  }
0x11: {  	s12 =	sadd.s32 s30, s0;
	s13 =	sadd.s32 s31, s13;
	s14 =	sadd.s32 s31, s14  }
0x12: {  	s22 =	simm.s32 $0x2;
	s24 =	simm.s32 $0x4;
	[dreg:$0x2] =	wrdreg s23  }
0x13: {  	[dreg:$0x3] =	wrdreg s25;
	s23 =	simm.s32 $0x3;
	s25 =	simm.s32 $0x5  }
.LBB2_1:
0x14: {  	s0 =	sadd.s32 $0x0, s11  }
0x15: {  	[tilespmem:s2], [sflag:$0x7] =	stream.linear.gather [hbm4b:s0+s2], $0x190, $0x38;
	[tilespmem:$0xCE40] =	vst v63  }
0x16: {  	_ =	swait.ge [sflag:s15], $0x190  }
0x17: {  	[sflag:s15] =	ssyncset.done $0x0  }
0x18: {  	s1 =	sadd.s32 $0x0, s10;
	[sflag:s15] =	ssyncadd.s32 $0xFFFFFE70  }
0x19: {  	[tilespmem:s16], [sflag:$0x7] =	stream.linear.gather [hbm4b:s1+s2], $0x190, $0x38;
	[tilespmem:$0xCE40] =	vst v63  }
0x1a: {  	_ =	swait.ge [sflag:s15], $0x190  }
0x1b: {  	[sflag:s15] =	ssyncset.done $0x0  }
0x1c: {  	s5 =	sadd.s32 $0x0, s14;
	[sflag:s15] =	ssyncadd.s32 $0xFFFFFE70  }
0x1d: {  	[tilespmem:s17], [sflag:$0x7] =	stream.linear.gather [hbm4b:s5+s2], $0x190, $0x38;
	[tilespmem:$0xCE40] =	vst v63  }
0x1e: {  	_ =	swait.ge [sflag:s15], $0x190  }
0x1f: {  	[sflag:s15] =	ssyncset.done $0x0  }
0x20: {  	s6 =	sadd.s32 $0x0, s13;
	[sflag:s15] =	ssyncadd.s32 $0xFFFFFE70  }
0x21: {  	[tilespmem:s18], [sflag:$0x7] =	stream.linear.gather [hbm4b:s6+s2], $0x190, $0x38;
	[tilespmem:$0xCE40] =	vst v63  }
0x22: {  	_ =	swait.ge [sflag:s15], $0x190  }
0x23: {  	[sflag:s15] =	ssyncset.done $0x0  }
0x24: {  	[sflag:s15] =	ssyncadd.s32 $0xFFFFFE70  }
0x25: {  	[tilespmem:s19], [sflag:$0x1] =	stream.indirect.gather [hbm4b:s3+s16], $0x40, s2, s16, $0xb8;
	[tilespmem:$0xCE40] =	vst v63  }
0x26: {  	_ = 	snop  }
0x27: {  	[tilespmem:s20], [sflag:$0x2] =	stream.indirect.gather [hbm4b:s3+s16], $0x40, s17, s16, $0xb8;
	[tilespmem:$0xCE40] =	vst v63  }
0x28: {  	_ =	swait.ge [sflag:s21], $0x6400  }
0x29: {  	[sflag:s21] =	ssyncset.done $0x0  }
0x2a: {  	[sflag:s21] =	ssyncadd.s32 $0xFFFF9C00  }
0x2b: {  	[tilespmem:s19], [sflag:$0x3] =	stream.indirect.gather.add.f32 [hbm:s4], $0x40, s16, s16, $0xb8;
	[tilespmem:$0xCE40] =	vst v63  }
0x2c: {  	_ =	swait.ge [sflag:s22], $0x6400  }
0x2d: {  	[sflag:s22] =	ssyncset.done $0x0  }
0x2e: {  	[sflag:s22] =	ssyncadd.s32 $0xFFFF9C00  }
0x2f: {  	[tilespmem:s20], [sflag:$0x4] =	stream.indirect.gather.add.f32 [hbm:s4], $0x40, s18, s16, $0xb8;
	[tilespmem:$0xCE40] =	vst v63  }
0x30: {  	_ =	swait.ge [sflag:s23], $0x6400  }
0x31: {  	[sflag:s23] =	ssyncset.done $0x0  }
0x32: {  	[sflag:s23] =	ssyncadd.s32 $0xFFFF9C00  }
0x33: {  	[hbm4b:s9+s2] =	stream.linear.scatter [tilespmem:s19], [sflag:$0x5], $0x6400, $0x38;
	[tilespmem:$0xCE40] =	vst v63  }
0x34: {  	_ =	swait.ge [sflag:s24], $0x6400  }
0x35: {  	[sflag:s24] =	ssyncset.done $0x0  }
0x36: {  	[sflag:s24] =	ssyncadd.s32 $0xFFFF9C00  }
0x37: {  	[hbm4b:s12+s2] =	stream.linear.scatter [tilespmem:s20], [sflag:$0x6], $0x6400, $0x38;
	[tilespmem:$0xCE40] =	vst v63  }
0x38: {  	_ =	swait.ge [sflag:s25], $0x6400  }
0x39: {  	[sflag:s25] =	ssyncset.done $0x0  }
0x3a: {  	[sflag:s25] =	ssyncadd.s32 $0xFFFF9C00  }
0x3b: {  	s31 =	simm.s32 $0x64;
	s30 =	sadd.s32 $0x1900, s9;
	_ =	swait.ge [sflag:s26], $0x6400  }
0x3c: {  	s29 =	sadd.s32 $0x1900, s12;
	s0 =	simm.s32 $0xC8;
	[sflag:s26] =	ssyncset.done $0x0  }
.LBB2_2:
0x3d: {  	s5 =	sadd.s32 s31, s11  }
0x3e: {  	[sflag:s26] =	ssyncadd.s32 $0xFFFF9C00;
	s6 =	smov.u32 s0;
	s1 =	sadd.s32 $0x64, s0  }
0x3f: {  	[tilespmem:s2], [sflag:$0x7] =	stream.linear.gather [hbm4b:s5+s2], $0x190, $0x38;
	[tilespmem:$0xCE40] =	vst v63  }
0x40: {  	p0 =	sne.s32 s0, $0x44C;
	_ =	swait.ge [sflag:s15], $0x190  }
0x41: {  	[sflag:s15] =	ssyncset.done $0x0  }
0x42: {  	s0 =	sadd.s32 s31, s10;
	[sflag:s15] =	ssyncadd.s32 $0xFFFFFE70  }
0x43: {  	[tilespmem:s16], [sflag:$0x7] =	stream.linear.gather [hbm4b:s0+s2], $0x190, $0x38;
	[tilespmem:$0xCE40] =	vst v63  }
0x44: {  	_ =	swait.ge [sflag:s15], $0x190  }
0x45: {  	[sflag:s15] =	ssyncset.done $0x0  }
0x46: {  	s0 =	sadd.s32 s31, s14;
	[sflag:s15] =	ssyncadd.s32 $0xFFFFFE70  }
0x47: {  	[tilespmem:s17], [sflag:$0x7] =	stream.linear.gather [hbm4b:s0+s2], $0x190, $0x38;
	[tilespmem:$0xCE40] =	vst v63  }
0x48: {  	_ =	swait.ge [sflag:s15], $0x190  }
0x49: {  	[sflag:s15] =	ssyncset.done $0x0  }
0x4a: {  	s0 =	sadd.s32 s31, s13;
	s31 =	smov.u32 s6;
	[sflag:s15] =	ssyncadd.s32 $0xFFFFFE70  }
0x4b: {  	[tilespmem:s18], [sflag:$0x7] =	stream.linear.gather [hbm4b:s0+s2], $0x190, $0x38;
	[tilespmem:$0xCE40] =	vst v63  }
0x4c: {  	_ =	swait.ge [sflag:s15], $0x190  }
0x4d: {  	[sflag:s15] =	ssyncset.done $0x0  }
0x4e: {  	[sflag:s15] =	ssyncadd.s32 $0xFFFFFE70  }
0x4f: {  	[tilespmem:s19], [sflag:$0x1] =	stream.indirect.gather [hbm4b:s3+s16], $0x40, s2, s16, $0xb8;
	[tilespmem:$0xCE40] =	vst v63  }
0x50: {  	_ = 	snop  }
0x51: {  	[tilespmem:s20], [sflag:$0x2] =	stream.indirect.gather [hbm4b:s3+s16], $0x40, s17, s16, $0xb8;
	[tilespmem:$0xCE40] =	vst v63  }
0x52: {  	_ =	swait.ge [sflag:s21], $0x6400  }
0x53: {  	[sflag:s21] =	ssyncset.done $0x0  }
0x54: {  	[sflag:s21] =	ssyncadd.s32 $0xFFFF9C00  }
0x55: {  	[tilespmem:s19], [sflag:$0x3] =	stream.indirect.gather.add.f32 [hbm:s4], $0x40, s16, s16, $0xb8;
	[tilespmem:$0xCE40] =	vst v63  }
0x56: {  	_ =	swait.ge [sflag:s22], $0x6400  }
0x57: {  	[sflag:s22] =	ssyncset.done $0x0  }
0x58: {  	[sflag:s22] =	ssyncadd.s32 $0xFFFF9C00  }
0x59: {  	[tilespmem:s20], [sflag:$0x4] =	stream.indirect.gather.add.f32 [hbm:s4], $0x40, s18, s16, $0xb8;
	[tilespmem:$0xCE40] =	vst v63  }
0x5a: {  	_ =	swait.ge [sflag:s23], $0x6400  }
0x5b: {  	[sflag:s23] =	ssyncset.done $0x0  }
0x5c: {  	[sflag:s23] =	ssyncadd.s32 $0xFFFF9C00  }
0x5d: {  	[hbm4b:s30+s2] =	stream.linear.scatter [tilespmem:s19], [sflag:$0x5], $0x6400, $0x38;
	[tilespmem:$0xCE40] =	vst v63  }
0x5e: {  	_ =	swait.ge [sflag:s24], $0x6400  }
0x5f: {  	[sflag:s24] =	ssyncset.done $0x0  }
0x60: {  	[sflag:s24] =	ssyncadd.s32 $0xFFFF9C00  }
0x61: {  	[hbm4b:s29+s2] =	stream.linear.scatter [tilespmem:s20], [sflag:$0x6], $0x6400, $0x38;
	[tilespmem:$0xCE40] =	vst v63  }
.Ltmp0:
0x62: {  	_ =	swait.ge [sflag:s25], $0x6400;
	(pc) =	sbr.rel @p0 .LBB2_2-.Ltmp0, $4  }
0x63: {  	[sflag:s25] =	ssyncset.done $0x0  }
0x64: {  	[sflag:s25] =	ssyncadd.s32 $0xFFFF9C00  }
0x65: {  	s0 =	smov.u32 s1;
	_ =	swait.ge [sflag:s26], $0x6400  }
0x66: {  	s30 =	sadd.s32 $0x1900, s30;
	s29 =	sadd.s32 $0x1900, s29;
	[sflag:s26] =	ssyncset.done $0x0  }
0x67: {  	s0 =	sadd.s32 s31, s11;
	[sflag:s26] =	ssyncadd.s32 $0xFFFF9C00  }
0x68: {  	[tilespmem:s2], [sflag:$0x7] =	stream.linear.gather [hbm4b:s0+s2], $0x190, $0x38;
	[tilespmem:$0xCE40] =	vst v63  }
0x69: {  	_ =	swait.ge [sflag:s15], $0x190  }
0x6a: {  	[sflag:s15] =	ssyncset.done $0x0  }
0x6b: {  	s1 =	sadd.s32 s31, s10;
	[sflag:s15] =	ssyncadd.s32 $0xFFFFFE70  }
0x6c: {  	[tilespmem:s16], [sflag:$0x7] =	stream.linear.gather [hbm4b:s1+s2], $0x190, $0x38;
	[tilespmem:$0xCE40] =	vst v63  }
0x6d: {  	_ =	swait.ge [sflag:s15], $0x190  }
0x6e: {  	[sflag:s15] =	ssyncset.done $0x0  }
0x6f: {  	s5 =	sadd.s32 s31, s14;
	[sflag:s15] =	ssyncadd.s32 $0xFFFFFE70  }
0x70: {  	[tilespmem:s17], [sflag:$0x7] =	stream.linear.gather [hbm4b:s5+s2], $0x190, $0x38;
	[tilespmem:$0xCE40] =	vst v63  }
0x71: {  	_ =	swait.ge [sflag:s15], $0x190  }
0x72: {  	[sflag:s15] =	ssyncset.done $0x0  }
0x73: {  	s6 =	sadd.s32 s31, s13;
	[sflag:s15] =	ssyncadd.s32 $0xFFFFFE70  }
0x74: {  	[tilespmem:s18], [sflag:$0x7] =	stream.linear.gather [hbm4b:s6+s2], $0x190, $0x38;
	[tilespmem:$0xCE40] =	vst v63  }
0x75: {  	_ =	swait.ge [sflag:s15], $0x190  }
0x76: {  	[sflag:s15] =	ssyncset.done $0x0  }
0x77: {  	[sflag:s15] =	ssyncadd.s32 $0xFFFFFE70  }
0x78: {  	[tilespmem:s19], [sflag:$0x1] =	stream.indirect.gather [hbm4b:s3+s16], $0x40, s2, s16, $0xb8;
	[tilespmem:$0xCE40] =	vst v63  }
0x79: {  	_ = 	snop  }
0x7a: {  	[tilespmem:s20], [sflag:$0x2] =	stream.indirect.gather [hbm4b:s3+s16], $0x40, s17, s16, $0xb8;
	[tilespmem:$0xCE40] =	vst v63  }
0x7b: {  	_ =	swait.ge [sflag:s21], $0x6400  }
0x7c: {  	[sflag:s21] =	ssyncset.done $0x0  }
0x7d: {  	[sflag:s21] =	ssyncadd.s32 $0xFFFF9C00  }
0x7e: {  	[tilespmem:s19], [sflag:$0x3] =	stream.indirect.gather.add.f32 [hbm:s4], $0x40, s16, s16, $0xb8;
	[tilespmem:$0xCE40] =	vst v63  }
0x7f: {  	_ =	swait.ge [sflag:s22], $0x6400  }
0x80: {  	[sflag:s22] =	ssyncset.done $0x0  }
0x81: {  	[sflag:s22] =	ssyncadd.s32 $0xFFFF9C00  }
0x82: {  	[tilespmem:s20], [sflag:$0x4] =	stream.indirect.gather.add.f32 [hbm:s4], $0x40, s18, s16, $0xb8;
	[tilespmem:$0xCE40] =	vst v63  }
0x83: {  	_ =	swait.ge [sflag:s23], $0x6400  }
0x84: {  	[sflag:s23] =	ssyncset.done $0x0  }
0x85: {  	[sflag:s23] =	ssyncadd.s32 $0xFFFF9C00  }
0x86: {  	[hbm4b:s30+s2] =	stream.linear.scatter [tilespmem:s19], [sflag:$0x5], $0x6400, $0x38;
	[tilespmem:$0xCE40] =	vst v63  }
0x87: {  	_ =	swait.ge [sflag:s24], $0x6400  }
0x88: {  	[sflag:s24] =	ssyncset.done $0x0  }
0x89: {  	[sflag:s24] =	ssyncadd.s32 $0xFFFF9C00  }
0x8a: {  	[hbm4b:s29+s2] =	stream.linear.scatter [tilespmem:s20], [sflag:$0x6], $0x6400, $0x38;
	[tilespmem:$0xCE40] =	vst v63  }
0x8b: {  	_ =	swait.ge [sflag:s25], $0x6400  }
0x8c: {  	[sflag:s25] =	ssyncset.done $0x0  }
0x8d: {  	[sflag:s25] =	ssyncadd.s32 $0xFFFF9C00  }
0x8e: {  	_ =	swait.ge [sflag:s26], $0x6400  }
0x8f: {  	[sflag:s26] =	ssyncset.done $0x0  }
0x90: {  	s30 =	rddreg [dreg:$0x2];
	[sflag:s26] =	ssyncadd.s32 $0xFFFF9C00  }
0x91: {  	[tilespmem:s2], [sflag:$0x7] =	stream.linear.gather [hbm4b:s30+s2], $0x190, $0x38;
	[tilespmem:$0xCE40] =	vst v63  }
0x92: {  	_ =	swait.ge [sflag:s15], $0x190  }
0x93: {  	[sflag:s15] =	ssyncset.done $0x0  }
0x94: {  	s31 =	rddreg [dreg:$0x3];
	[sflag:s15] =	ssyncadd.s32 $0xFFFFFE70  }
0x95: {  	[tilespmem:s16], [sflag:$0x7] =	stream.linear.gather [hbm4b:s31+s2], $0x190, $0x38;
	[tilespmem:$0xCE40] =	vst v63  }
0x96: {  	_ =	swait.ge [sflag:s15], $0x190  }
0x97: {  	[sflag:s15] =	ssyncset.done $0x0  }
0x98: {  	[sflag:s15] =	ssyncadd.s32 $0xFFFFFE70  }
0x99: {  	[tilespmem:s19], [sflag:$0x1] =	stream.indirect.gather [hbm4b:s3+s16], $0x40, s2, s16, $0xb8;
	[tilespmem:$0xCE40] =	vst v63  }
0x9a: {  	_ =	swait.ge [sflag:s21], $0x6400  }
0x9b: {  	[sflag:s21] =	ssyncset.done $0x0  }
0x9c: {  	[sflag:s21] =	ssyncadd.s32 $0xFFFF9C00  }
0x9d: {  	[tilespmem:s19], [sflag:$0x3] =	stream.indirect.gather.add.f32 [hbm:s4], $0x40, s16, s16, $0xb8;
	[tilespmem:$0xCE40] =	vst v63  }
0x9e: {  	s28 =	sadd.s32 $0x1, s28;
	_ =	swait.ge [sflag:s23], $0x6400  }
0x9f: {  	p0 =	sne.s32 s28, s8;
	[sflag:s23] =	ssyncset.done $0x0  }
.Ltmp1:
0xa0: {  	[sflag:s23] =	ssyncadd.s32 $0xFFFF9C00;
	(pc) =	sbr.rel @p0 .LBB2_1-.Ltmp1, $4  }
0xa1: {  	[hbm4b:s7+s2] =	stream.linear.scatter [tilespmem:s19], [sflag:$0x5], $0x6400, $0x38;
	[tilespmem:$0xCE40] =	vst v63  }
0xa2: {  	_ =	swait.ge [sflag:s25], $0x6400  }
0xa3: {  	[sflag:s25] =	ssyncset.done $0x0  }
0xa4: {  	[sflag:s25] =	ssyncadd.s32 $0xFFFF9C00  }
0xa5: {  	_ =	sfence.sel $0x180000  }
0xa6: {  	[bflag:$0x0] =	sbarrier.arrive $0xFFFF  }
0xa7: {  	_ =	strace $0x9000004D  }
0xa8: {  	s0 =	stileid.u32;
	[bflag:$0x2] =	sbarrier.arrive $0xFFFF  }
0xa9: {  	p0 =	sne.s32 s0, $0x0;
	s0 =	rddreg [dreg:$0x1]  }
0xaa: {  	s0 =	sadd.s32 @!p0 $0x100000, s0  }
0xab: {  	[sflag:s0] =	ssyncadd.tile.s32 @!p0 $0x1;
	_ =	shalt  }
.Lfunc_end2:
_tile_overlayer_lowered:
.L_overlay_start_2:
0xac: {  	(tag) =	ssettag $0x2  }
0xad: {  	s0 =	rddreg [dreg:$0x0];
	s2 =	stileid.u32  }
0xae: {  	s1 =	rddreg [dreg:$0x1];
	p0 =	sne.s32 s2, $0x0  }
0xaf: {  	s3 =	rddreg [dreg:$0x2];
	[bflag:$0x3] =	sbarrier.arrive $0xFFFF;
	s2 =	simm.s32 @!p0 $0x1C07  }
0xb0: {  	[timem:s3], [sflag:s2] =	dma.local @!p0 [hbm:s0], s1  }
0xb1: {  	s0 =	simm.s32 @!p0 $0x7  }
0xb2: {  	_ =	swait.ge @!p0 [sflag:s0], s1  }
0xb3: {  	s1 =	ssub.s32 @!p0 $0x0, s1;
	[sflag:s0] =	ssyncset.done @!p0 $0x0  }
0xb4: {  	[sflag:s0] =	ssyncadd.s32 @!p0 s1  }
0xb5: {  	[bflag:$0x3] =	sbarrier.arrive $0xFFFF  }
0xb6: {  	_ =	shalt  }

// kernel: kernel.27.cloned.1.call-start
scs
__scs_entry_jumppad:
0x0: {  	(pc) =	sbr.rel $0x88, $3  }
0x1: {  	(tag) =	ssettag $0x0;
	lr =	simm.s32 $0x1  }
0x2: {  	[smem:$0x3F7E] =	sst lr;
	_ =	strace $0xD0000000  }
0x3: {  	_ = 	snop  }
0x4: {  	_ = 	snop  }
0x5: {  	_ = 	snop  }
0x6: {  	_ = 	snop  }
0x7: {  	_ = 	snop  }
__scs_overlays_trampoline_lowered:
0x8: {  	[smem:$0x3F8D] =	sst s0  }
0x9: {  	[smem:$0x3F8E] =	sst s1  }
0xa: {  	[smem:$0x3F8F] =	sst s2  }
0xb: {  	[smem:$0x3F90] =	sst s3  }
0xc: {  	[smem:$0x3F91] =	sst s4  }
0xd: {  	[smem:$0x3F92] =	sst s5  }
0xe: {  	[smem:$0x3F93] =	sst s6  }
0xf: {  	[smem:$0x3F94] =	sst s7  }
0x10: {  	[smem:$0x3F95] =	sst s8  }
0x11: {  	[smem:$0x3F96] =	sst s9;
	s0 =	simm.s32 @!p0 $0x0  }
0x12: {  	s1 =	sld [smem:$0x3F7C];
	s0 =	simm.s32 @p0 $0x1  }
0x13: {  	[smem:$0x3F97] =	sst s0;
	s0 =	simm.s32 @!p1 $0x0  }
0x14: {  	s2 =	sld [smem:$0x3F7B];
	s0 =	simm.s32 @p1 $0x1  }
0x15: {  	[smem:$0x3F98] =	sst s0;
	s0 =	simm.s32 @!p2 $0x0  }
0x16: {  	s3 =	sld [smem:$0x3FDB];
	s0 =	simm.s32 @p2 $0x1  }
0x17: {  	s4 =	simm.s32 $0x1BF5;
	[smem:$0x3F9A] =	sst s0  }
0x18: {  	s0 =	sld [smem:$0x3F7D];
	_ =	swait.ge [sflag:s4], $0x0  }
0x19: {  	s7 =	sld [smem:$0x3F7E]  }
0x1a: {  	s8 =	sadd.s32 $0xFFFFE003, lr  }
0x1b: {  	s9 =	sadd.s32 $0xFFFFFEF7, lr;
	s5 =	simm.s32 $0xFFFFFFFF;
	p2 =	slt.u32 s8, $0xFFFFF086  }
0x1c: {  	p1 =	slt.u32 s9, $0xF7A;
	s5 =	simm.s32 @!p2 $0x0  }
0x1d: {  	s5 =	simm.s32 @p1 $0x1;
	p0 =	seq.s32 s7, s2  }
0x1e: {  	s7 =	smul.u32 @!p0 $0xF7A, s2;
	p2 =	seq.s32 @!p0 s5, $0x0  }
0x1f: {  	s9 =	smul.u32 $0xF7A, s1;
	s8 =	simm.s32 @!p0 $0x1BF5;
	p2 =	por !p2, p0  }
0x20: {  	[sflag:s8] =	ssyncset.s32 @!p0 $0xFFFFF086;
	s6 =	sadd.s32 @!p0 s3, s7;
	s7 =	simm.s32 @!p0 $0x108  }
0x21: {  	s3 =	sadd.s32 s3, s9;
	s6 =	sadd.s32 @!p0 $0x88, s6;
	s7 =	simm.s32 @p2 $0x1082  }
0x22: {  	[simem:s7], [sflag:s8] =	dma.local @!p0 [hbm:s6], $0xF7A  }
0x23: {  	s9 =	sor.u32 $0xD0000000, s2;
	s6 =	simm.s32 $0x108;
	_ =	swait.ge @!p0 [sflag:s8], $0x0  }
0x24: {  	s3 =	sadd.s32 $0x88, s3;
	s6 =	simm.s32 @!p1 $0x1082;
	[sflag:s4] =	ssyncset.s32 $0xFFFFF086  }
0x25: {  	[simem:s6], [sflag:s4] =	dma.local [hbm:s3], $0xF7A  }
0x26: {  	[smem:$0x3F7E] =	sst s1;
	(tag) =	ssettag s2;
	_ =	strace s9  }
0x27: {  	s1 =	sld [smem:$0x3F8E]  }
0x28: {  	s2 =	sld [smem:$0x3F8F]  }
0x29: {  	s4 =	sld [smem:$0x3F91]  }
0x2a: {  	p0 =	seq.s32 s5, $0x0;
	s5 =	sld [smem:$0x3F92]  }
0x2b: {  	s6 =	sld [smem:$0x3F93]  }
0x2c: {  	s7 =	sld [smem:$0x3F94]  }
0x2d: {  	s3 =	simm.s32 $0x108;
	s8 =	sld [smem:$0x3F95]  }
0x2e: {  	s3 =	simm.s32 @!p0 $0x1082;
	s9 =	sld [smem:$0x3F96]  }
0x2f: {  	lr =	sadd.s32 s0, s3;
	s0 =	sld [smem:$0x3F8D]  }
0x30: {  	s3 =	sld [smem:$0x3F90]  }
0x31: {  	[smem:$0x3F99] =	sst s10  }
0x32: {  	s10 =	sld [smem:$0x3F97];
	_ =	sdelay $0x3  }
0x33: {  	p0 =	seq.s32 s10, $0x1;
	s10 =	sld [smem:$0x3F99];
	_ =	sdelay $0x3  }
0x34: {  	[smem:$0x3F99] =	sst s10  }
0x35: {  	s10 =	sld [smem:$0x3F98];
	_ =	sdelay $0x3  }
0x36: {  	p1 =	seq.s32 s10, $0x1;
	s10 =	sld [smem:$0x3F99];
	_ =	sdelay $0x3  }
0x37: {  	[smem:$0x3F99] =	sst s10  }
0x38: {  	s10 =	sld [smem:$0x3F9A]  }
0x39: {  	_ = 	snop;
	(pc) =	sbr.ind lr, $3  }
0x3a: {  	_ = 	snop  }
0x3b: {  	_ = 	snop  }
0x3c: {  	p2 =	seq.s32 s10, $0x1;
	s10 =	sld [smem:$0x3F99]  }
0x3d: {  	_ =	shalt  }
0x3e: {  	_ =	shalt  }
0x3f: {  	_ =	shalt  }
0x40: {  	_ =	shalt  }
0x41: {  	_ =	shalt  }
0x42: {  	_ =	shalt  }
0x43: {  	_ =	shalt  }
0x44: {  	_ =	shalt  }
0x45: {  	_ =	shalt  }
0x46: {  	_ =	shalt  }
0x47: {  	_ =	shalt  }
0x48: {  	_ =	shalt  }
0x49: {  	_ =	shalt  }
0x4a: {  	_ =	shalt  }
0x4b: {  	_ =	shalt  }
0x4c: {  	_ =	shalt  }
0x4d: {  	_ =	shalt  }
0x4e: {  	_ =	shalt  }
0x4f: {  	_ =	shalt  }
0x50: {  	_ =	shalt  }
0x51: {  	_ =	shalt  }
0x52: {  	_ =	shalt  }
0x53: {  	_ =	shalt  }
0x54: {  	_ =	shalt  }
0x55: {  	_ =	shalt  }
0x56: {  	_ =	shalt  }
0x57: {  	_ =	shalt  }
0x58: {  	_ =	shalt  }
0x59: {  	_ =	shalt  }
0x5a: {  	_ =	shalt  }
0x5b: {  	_ =	shalt  }
0x5c: {  	_ =	shalt  }
0x5d: {  	_ =	shalt  }
0x5e: {  	_ =	shalt  }
0x5f: {  	_ =	shalt  }
0x60: {  	_ =	shalt  }
0x61: {  	_ =	shalt  }
0x62: {  	_ =	shalt  }
0x63: {  	_ =	shalt  }
0x64: {  	_ =	shalt  }
0x65: {  	_ =	shalt  }
0x66: {  	_ =	shalt  }
0x67: {  	_ =	shalt  }
0x68: {  	_ =	shalt  }
0x69: {  	_ =	shalt  }
0x6a: {  	_ =	shalt  }
0x6b: {  	_ =	shalt  }
0x6c: {  	_ =	shalt  }
0x6d: {  	_ =	shalt  }
0x6e: {  	_ =	shalt  }
0x6f: {  	_ =	shalt  }
0x70: {  	_ =	shalt  }
0x71: {  	_ =	shalt  }
0x72: {  	_ =	shalt  }
0x73: {  	_ =	shalt  }
0x74: {  	_ =	shalt  }
0x75: {  	_ =	shalt  }
0x76: {  	_ =	shalt  }
0x77: {  	_ =	shalt  }
0x78: {  	_ =	shalt  }
0x79: {  	_ =	shalt  }
0x7a: {  	_ =	shalt  }
0x7b: {  	_ =	shalt  }
0x7c: {  	_ =	shalt  }
0x7d: {  	_ =	shalt  }
0x7e: {  	_ =	shalt  }
0x7f: {  	_ =	shalt  }
0x80: {  	_ =	shalt  }
0x81: {  	_ =	shalt  }
0x82: {  	_ =	shalt  }
0x83: {  	_ =	shalt  }
0x84: {  	_ =	shalt  }
0x85: {  	_ =	shalt  }
0x86: {  	_ =	shalt  }
0x87: {  	_ =	shalt  }
.Lfunc_end0:
.L_simem_size_0:
called_computation.3_lowered:
.L_overlay_start_0:
0x88: {  	s2 =	sld [smem:$0x3FD9]  }
0x89: {  	s3 =	sld [smem:$0x3FFE];
	_ =	sdelay $0x1  }
0x8a: {  	s1 =	srdreg.scid  }
0x8b: {  	s0 =	sand.u32 $0x1, s1  }
0x8c: {  	s16 =	sshll.u32 s0, $0xA;
	s2 =	sadd.s32 s3, s2  }
0x8d: {  	s2 =	sadd.s32 s2, s16  }
0x8e: {  	[smem:$0x3FA5] =	sst s2  }
0x8f: {  	_ = 	snop  }
0x90: {  	(tm) =	ssettm $0x1  }
0x91: {  	s17 =	sld [smem:$0x3FFB];
	_ =	sdelay $0x3  }
0x92: {  	_ =	strace s17  }
0x93: {  	s2 =	sld [smem:$0x3FFC];
	_ =	sdelay $0x3  }
0x94: {  	_ =	strace s2  }
0x95: {  	s2 =	sld [smem:$0x3FFD];
	_ =	sdelay $0x3  }
0x96: {  	_ =	strace s2  }
0x97: {  	_ =	strace $0x8FFFFFFF  }
0x98: {  	s18 =	sld [smem:$0x3FDB];
	_ =	sdelay $0x1  }
0x99: {  	s19 =	simm.s32 $_scs_section_size  }
0x9a: {  	s4 =	simm.s32 $_size__tile_overlayer_lowered;
	s5 =	simm.s32 $_tile_overlayer_lowered  }
0x9b: {  	s22 =	simm.s32 $0x1BFF;
	s21 =	sshll.u32 s5, $0x1;
	s2 =	sadd.s32 s19, s18  }
0x9c: {  	s6 =	simm.s32 $0x0;
	s20 =	sshll.u32 s4, $0x1;
	s4 =	sadd.s32 s21, s2  }
0x9d: {  	[timem:s6], [sflag:s22] =	dma.local [hbm:s4], s20  }
0x9e: {  	_ =	swait.ge [sflag:s22], s20  }
0x9f: {  	s3 =	ssub.s32 $0x0, s20;
	[sflag:s22] =	ssyncset.done $0x0  }
0xa0: {  	[sflag:s22] =	ssyncadd.s32 s3;
	_ =	sdelay $0x1  }
0xa1: {  	s23 =	simm.s32 $0x1B8B  }
0xa2: {  	_ =	swait.ge [sflag:s23], $0x1  }
0xa3: {  	[sflag:s23] =	ssyncset.done $0x0  }
0xa4: {  	s25 =	simm.s32 $0x1B8E;
	s24 =	sld [smem:$0x3FFE];
	[sflag:s23] =	ssyncadd.s32 $0xFFFFFFFF  }
0xa5: {  	s26 =	simm.s32 $execute0_lowered;
	[smem:$0x3FD2] =	sst s25  }
0xa6: {  	s4 =	sshll.u32 s26, $0x1;
	_ =	strace $0x8000004F;
	[dreg:$0x1] =	wrdreg $0xFFFFFFFF  }
0xa7: {  	s28 =	simm.s32 $_size_execute0_lowered;
	s2 =	sadd.s32 s2, s4;
	[dreg:$0x0] =	wrdreg $0x0  }
0xa8: {  	s4 =	sshll.u32 s28, $0x1;
	[dreg:$0x2] =	wrdreg s2  }
0xa9: {  	[dreg:$0x3] =	wrdreg s4  }
0xaa: {  	[dreg:$0x4] =	wrdreg $0xC0  }
0xab: {  	_ =	task [dreg:s6], $0x5FFFF  }
0xac: {  	[dreg:$0x1] =	wrdreg $0xFFFFFFFF  }
0xad: {  	[dreg:$0x0] =	wrdreg $0x60  }
0xae: {  	[dreg:$0x2] =	wrdreg s24  }
0xaf: {  	[dreg:$0x3] =	wrdreg $0xCB200  }
0xb0: {  	[dreg:$0x4] =	wrdreg $0x9  }
0xb1: {  	_ =	task.clear_ibuf [dreg:s6], $0x5FFFF;
	_ =	strace $0x9000004F  }
0xb2: {  	s29 =	simm.s32 $0x9;
	_ =	strace $0x80000051  }
0xb3: {  	_ =	swait.ge [sflag:s29], $0x1  }
0xb4: {  	[sflag:s29] =	ssyncadd.s32 $0xFFFFFFFF  }
0xb5: {  	_ =	strace $0x90000051  }
0xb6: {  	_ =	sfence  }
0xb7: {  	s30 =	sld [smem:$0x0];
	_ =	sdelay $0x2  }
0xb8: {  	s31 =	sshll.u32 s1, $0xD;
	s1 =	sshrl.u32 s1, $0x2  }
0xb9: {  	s3 =	sand.u32 $0x4000, s31;
	s1 =	sadd.s32 s1, s30  }
0xba: {  	s0 =	sor.u32 s3, s0;
	s1 =	sshll.u32 s1, $0x11  }
0xbb: {  	s0 =	sor.u32 s1, s0  }
0xbc: {  	s0 =	sadd.s32 $0x8F2B, s0  }
0xbd: {  	[sflag:s0] =	ssyncadd.remote.s32 $0x1  }
0xbe: {  	_ =	sfence.sel $0xFFFF  }
0xbf: {  	[dreg:$0x0] =	wrdreg $0xFFFFFFFF;
	(pc) =	sbr.abs _section_cstart, $3  }
0xc0: {  	[dreg:$0x1] =	wrdreg $0xFFFFFFFF  }
0xc1: {  	_ =	task.clear_ibuf [dreg:s6], $0x2FFFF;
	_ =	strace $0x9FFFFFFF  }
0xc2: {  	(tm) =	ssettm $0x7FFFFFFF  }
0xc3: {  	_ =	shalt  }
tec
execute0_lowered:
.L_overlay_start_1:
0x0: {  	(tag) =	ssettag $0x1  }
0x1: {  	s4 =	rddreg [dreg:$0x0]  }
0x2: {  	s2 =	rddreg [dreg:$0x1]  }
0x3: {  	s0 =	rddreg [dreg:$0x2];
	s1 =	stileid.u32  }
0x4: {  	s3 =	simm.s32 $0x0;
	s6 =	srdreg.scid;
	s18 =	simm.s32 $0x6720  }
0x5: {  	s19 =	simm.s32 $0x1;
	s20 =	simm.s32 $0x2;
	s21 =	simm.s32 $0x3  }
0x6: {  	s22 =	simm.s32 $0x4;
	s5 =	smul.u32 $0x9C40, s1;
	[smem:$0x7FF] =	sst s3  }
0x7: {  	s6 =	sand.u32 $0x1, s6;
	s7 =	smul.u32 $0x1388, s1;
	s12 =	sadd.s32 $0x799000, s4  }
0x8: {  	s13 =	sadd.s32 $0x3B600, s4;
	s11 =	sshll.u32 s1, $0x1;
	s26 =	smul.u32 $0x27100, s1  }
0x9: {  	s25 =	sshll.u32 s1, $0x6;
	s16 =	smul.u32 $0x4E20, s1;
	_ =	strace $0x80000050  }
0xa: {  	s10 =	smul.u32 $0x13880, s6;
	s9 =	ssub.s32 $0x2, s6;
	s24 =	sor.u32 s6, s11  }
0xb: {  	s17 =	smul.u32 $0x2710, s6;
	s8 =	sshrl.u32 s5, $0x3;
	s23 =	sshrl.u32 s9, $0x1  }
0xc: {  	s15 =	sadd.s32 s5, s2;
	s5 =	sor.u32 $0x1C05, s25;
	s11 =	sadd.s32 s26, s12  }
0xd: {  	s8 =	sadd.s32 s8, s4;
	s7 =	sadd.s32 s7, s10;
	s9 =	ssub.s32 s9, s23  }
0xe: {  	s29 =	sadd.s32 s17, s16;
	s10 =	sadd.s32 s10, s11;
	s16 =	simm.s32 $0x190  }
0xf: {  	s17 =	simm.s32 $0x320;
	s23 =	simm.s32 $0x0;
	s14 =	sadd.s32 s7, s4  }
0x10: {  	s7 =	smul.u32 $0x2710, s24;
	s4 =	sadd.s32 $0xA400, s8;
	s9 =	smax.u32 s9, $0x1  }
0x11: {  	s30 =	sshrl.u32 s29, $0x3;
	s8 =	sadd.s32 $0xBAA00, s14;
	s14 =	sadd.s32 $0x190, s29  }
0x12: {  	s11 =	sadd.s32 s30, s13;
	s7 =	sadd.s32 $0x2580, s7;
	s31 =	sshll.u32 s14, $0x3  }
0x13: {  	s14 =	sshrl.u32 s14, $0x3;
	s28 =	sshrl.u32 s7, $0x3;
	s7 =	sshll.u32 s7, $0x3  }
0x14: {  	s6 =	sadd.s32 s13, s28;
	s7 =	sadd.s32 s12, s7;
	s12 =	sadd.s32 s31, s12  }
0x15: {  	s13 =	sadd.s32 s14, s13;
	s14 =	sshrl.u32 s15, $0x3;
	s15 =	simm.s32 $0x5  }
.LBB2_1:
0x16: {  	[spmem:s14], [sflag:s5] =	dma.local [hbm:s4], $0x1388  }
0x17: {  	_ =	swait.ge [sflag:s15], $0x1388  }
0x18: {  	[sflag:s15] =	ssyncset.done $0x0  }
0x19: {  	[sflag:s15] =	ssyncadd.s32 $0xFFFFEC78  }
0x1a: {  	s24 =	sadd.s32 $0x0, s11;
	[bflag:$0x0] =	sbarrier.arrive $0xFFFF  }
0x1b: {  	[tilespmem:s3], [sflag:$0x5] =	stream.linear.gather [hbm4b:s24+s3], $0x190, $0x38;
	[tilespmem:$0x16760] =	vst v63  }
0x1c: {  	_ =	swait.ge [sflag:s15], $0x190  }
0x1d: {  	[sflag:s15] =	ssyncset.done $0x0  }
0x1e: {  	s31 =	sadd.s32 $0x0, s13;
	[sflag:s15] =	ssyncadd.s32 $0xFFFFFE70  }
0x1f: {  	[tilespmem:s16], [sflag:$0x5] =	stream.linear.gather [hbm4b:s31+s3], $0x190, $0x38;
	[tilespmem:$0x16760] =	vst v63  }
0x20: {  	_ =	swait.ge [sflag:s15], $0x190  }
0x21: {  	[sflag:s15] =	ssyncset.done $0x0  }
0x22: {  	[sflag:s15] =	ssyncadd.s32 $0xFFFFFE70  }
0x23: {  	[tilespmem:s17], [sflag:$0x1] =	stream.linear.gather [hbm4b:s10+s3], $0x6400, $0x38;
	[tilespmem:$0x16760] =	vst v63  }
0x24: {  	_ = 	snop  }
0x25: {  	[tilespmem:s18], [sflag:$0x2] =	stream.linear.gather [hbm4b:s12+s3], $0x6400, $0x38;
	[tilespmem:$0x16760] =	vst v63  }
0x26: {  	_ =	swait.ge [sflag:s19], $0x6400  }
0x27: {  	[sflag:s19] =	ssyncset.done $0x0  }
0x28: {  	[sflag:s19] =	ssyncadd.s32 $0xFFFF9C00  }
0x29: {  	[spmem:s2] =	stream.indirect.scatter.add.f32 [tilespmem:s17], [sflag:$0x3], $0x40, s3, s16, $0xb8;
	[tilespmem:$0x16760] =	vst v63  }
0x2a: {  	_ =	swait.ge [sflag:s20], $0x6400  }
0x2b: {  	[sflag:s20] =	ssyncset.done $0x0  }
0x2c: {  	[sflag:s20] =	ssyncadd.s32 $0xFFFF9C00  }
0x2d: {  	[spmem:s2] =	stream.indirect.scatter.add.f32 [tilespmem:s18], [sflag:$0x4], $0x40, s16, s16, $0xb8;
	[tilespmem:$0x16760] =	vst v63  }
0x2e: {  	_ =	swait.ge [sflag:s21], $0x6400  }
0x2f: {  	[sflag:s21] =	ssyncset.done $0x0  }
0x30: {  	[sflag:s21] =	ssyncadd.s32 $0xFFFF9C00  }
0x31: {  	s26 =	simm.s32 $0x64;
	s28 =	simm.s32 $0xC8;
	_ =	swait.ge [sflag:s22], $0x6400  }
0x32: {  	s25 =	sadd.s32 $0x1900, s12;
	s24 =	sadd.s32 $0x1900, s10;
	[sflag:s22] =	ssyncset.done $0x0  }
.LBB2_2:
0x33: {  	s29 =	sadd.s32 s26, s11  }
0x34: {  	[sflag:s22] =	ssyncadd.s32 $0xFFFF9C00;
	s30 =	smov.u32 s28;
	s31 =	sadd.s32 $0x64, s28  }
0x35: {  	[tilespmem:s3], [sflag:$0x5] =	stream.linear.gather [hbm4b:s29+s3], $0x190, $0x38;
	[tilespmem:$0x16760] =	vst v63  }
0x36: {  	p0 =	sne.s32 s28, $0x44C;
	_ =	swait.ge [sflag:s15], $0x190  }
0x37: {  	[sflag:s15] =	ssyncset.done $0x0  }
0x38: {  	s28 =	sadd.s32 s26, s13;
	s26 =	smov.u32 s30;
	[sflag:s15] =	ssyncadd.s32 $0xFFFFFE70  }
0x39: {  	[tilespmem:s16], [sflag:$0x5] =	stream.linear.gather [hbm4b:s28+s3], $0x190, $0x38;
	[tilespmem:$0x16760] =	vst v63  }
0x3a: {  	_ =	swait.ge [sflag:s15], $0x190  }
0x3b: {  	[sflag:s15] =	ssyncset.done $0x0  }
0x3c: {  	[sflag:s15] =	ssyncadd.s32 $0xFFFFFE70  }
0x3d: {  	[tilespmem:s17], [sflag:$0x1] =	stream.linear.gather [hbm4b:s24+s3], $0x6400, $0x38;
	[tilespmem:$0x16760] =	vst v63  }
0x3e: {  	_ = 	snop  }
0x3f: {  	[tilespmem:s18], [sflag:$0x2] =	stream.linear.gather [hbm4b:s25+s3], $0x6400, $0x38;
	[tilespmem:$0x16760] =	vst v63  }
0x40: {  	_ =	swait.ge [sflag:s19], $0x6400  }
0x41: {  	[sflag:s19] =	ssyncset.done $0x0  }
0x42: {  	[sflag:s19] =	ssyncadd.s32 $0xFFFF9C00  }
0x43: {  	[spmem:s2] =	stream.indirect.scatter.add.f32 [tilespmem:s17], [sflag:$0x3], $0x40, s3, s16, $0xb8;
	[tilespmem:$0x16760] =	vst v63  }
0x44: {  	_ =	swait.ge [sflag:s20], $0x6400  }
0x45: {  	[sflag:s20] =	ssyncset.done $0x0  }
0x46: {  	[sflag:s20] =	ssyncadd.s32 $0xFFFF9C00  }
0x47: {  	[spmem:s2] =	stream.indirect.scatter.add.f32 [tilespmem:s18], [sflag:$0x4], $0x40, s16, s16, $0xb8;
	[tilespmem:$0x16760] =	vst v63  }
.Ltmp0:
0x48: {  	_ =	swait.ge [sflag:s21], $0x6400;
	(pc) =	sbr.rel @p0 .LBB2_2-.Ltmp0, $4  }
0x49: {  	[sflag:s21] =	ssyncset.done $0x0  }
0x4a: {  	[sflag:s21] =	ssyncadd.s32 $0xFFFF9C00  }
0x4b: {  	s28 =	smov.u32 s31;
	_ =	swait.ge [sflag:s22], $0x6400  }
0x4c: {  	s24 =	sadd.s32 $0x1900, s24;
	s25 =	sadd.s32 $0x1900, s25;
	[sflag:s22] =	ssyncset.done $0x0  }
0x4d: {  	s28 =	sadd.s32 s26, s11;
	[sflag:s22] =	ssyncadd.s32 $0xFFFF9C00  }
0x4e: {  	[tilespmem:s3], [sflag:$0x5] =	stream.linear.gather [hbm4b:s28+s3], $0x190, $0x38;
	[tilespmem:$0x16760] =	vst v63  }
0x4f: {  	_ =	swait.ge [sflag:s15], $0x190  }
0x50: {  	[sflag:s15] =	ssyncset.done $0x0  }
0x51: {  	s31 =	sadd.s32 s26, s13;
	[sflag:s15] =	ssyncadd.s32 $0xFFFFFE70  }
0x52: {  	[tilespmem:s16], [sflag:$0x5] =	stream.linear.gather [hbm4b:s31+s3], $0x190, $0x38;
	[tilespmem:$0x16760] =	vst v63  }
0x53: {  	_ =	swait.ge [sflag:s15], $0x190  }
0x54: {  	[sflag:s15] =	ssyncset.done $0x0  }
0x55: {  	[sflag:s15] =	ssyncadd.s32 $0xFFFFFE70  }
0x56: {  	[tilespmem:s17], [sflag:$0x1] =	stream.linear.gather [hbm4b:s24+s3], $0x6400, $0x38;
	[tilespmem:$0x16760] =	vst v63  }
0x57: {  	_ = 	snop  }
0x58: {  	[tilespmem:s18], [sflag:$0x2] =	stream.linear.gather [hbm4b:s25+s3], $0x6400, $0x38;
	[tilespmem:$0x16760] =	vst v63  }
0x59: {  	_ =	swait.ge [sflag:s19], $0x6400  }
0x5a: {  	[sflag:s19] =	ssyncset.done $0x0  }
0x5b: {  	[sflag:s19] =	ssyncadd.s32 $0xFFFF9C00  }
0x5c: {  	[spmem:s2] =	stream.indirect.scatter.add.f32 [tilespmem:s17], [sflag:$0x3], $0x40, s3, s16, $0xb8;
	[tilespmem:$0x16760] =	vst v63  }
0x5d: {  	_ =	swait.ge [sflag:s20], $0x6400  }
0x5e: {  	[sflag:s20] =	ssyncset.done $0x0  }
0x5f: {  	[sflag:s20] =	ssyncadd.s32 $0xFFFF9C00  }
0x60: {  	[spmem:s2] =	stream.indirect.scatter.add.f32 [tilespmem:s18], [sflag:$0x4], $0x40, s16, s16, $0xb8;
	[tilespmem:$0x16760] =	vst v63  }
0x61: {  	_ =	swait.ge [sflag:s21], $0x6400  }
0x62: {  	[sflag:s21] =	ssyncset.done $0x0  }
0x63: {  	[sflag:s21] =	ssyncadd.s32 $0xFFFF9C00  }
0x64: {  	_ =	swait.ge [sflag:s22], $0x6400  }
0x65: {  	[sflag:s22] =	ssyncset.done $0x0  }
0x66: {  	[sflag:s22] =	ssyncadd.s32 $0xFFFF9C00  }
0x67: {  	[tilespmem:s3], [sflag:$0x5] =	stream.linear.gather [hbm4b:s6+s3], $0x190, $0x38;
	[tilespmem:$0x16760] =	vst v63  }
0x68: {  	_ =	swait.ge [sflag:s15], $0x190  }
0x69: {  	[sflag:s15] =	ssyncset.done $0x0  }
0x6a: {  	[sflag:s15] =	ssyncadd.s32 $0xFFFFFE70  }
0x6b: {  	[tilespmem:s17], [sflag:$0x5] =	stream.linear.gather [hbm4b:s7+s3], $0x6400, $0x38;
	[tilespmem:$0x16760] =	vst v63  }
0x6c: {  	_ =	swait.ge [sflag:s15], $0x6400  }
0x6d: {  	[sflag:s15] =	ssyncset.done $0x0  }
0x6e: {  	[sflag:s15] =	ssyncadd.s32 $0xFFFF9C00  }
0x6f: {  	[spmem:s2] =	stream.indirect.scatter.add.f32 [tilespmem:s17], [sflag:$0x5], $0x40, s3, s16, $0xb8;
	[tilespmem:$0x16760] =	vst v63  }
0x70: {  	_ =	swait.ge [sflag:s15], $0x6400  }
0x71: {  	s23 =	sadd.s32 $0x1, s23;
	[sflag:s15] =	ssyncset.done $0x0  }
0x72: {  	p0 =	sne.s32 s23, s9;
	[sflag:s15] =	ssyncadd.s32 $0xFFFF9C00  }
.Ltmp1:
0x73: {  	[bflag:$0x0] =	sbarrier.arrive $0xFFFF;
	(pc) =	sbr.rel @p0 .LBB2_1-.Ltmp1, $4  }
0x74: {  	[hbm:s8], [sflag:s5] =	dma.local [spmem:s14], $0x1388  }
0x75: {  	_ =	swait.ge [sflag:s15], $0x1388  }
0x76: {  	[sflag:s15] =	ssyncset.done $0x0  }
0x77: {  	[sflag:s15] =	ssyncadd.s32 $0xFFFFEC78  }
0x78: {  	_ =	sfence.sel $0x180000  }
0x79: {  	[bflag:$0x0] =	sbarrier.arrive $0xFFFF  }
0x7a: {  	p0 =	sne.s32 s1, $0x0;
	_ =	strace $0x90000050  }
0x7b: {  	s0 =	sadd.s32 @!p0 $0x100000, s0;
	[bflag:$0x2] =	sbarrier.arrive $0xFFFF  }
0x7c: {  	[sflag:s0] =	ssyncadd.tile.s32 @!p0 $0x1;
	_ =	shalt  }
.Lfunc_end2:
_tile_overlayer_lowered:
.L_overlay_start_2:
0x7d: {  	(tag) =	ssettag $0x2  }
0x7e: {  	s0 =	rddreg [dreg:$0x0];
	s2 =	stileid.u32  }
0x7f: {  	s1 =	rddreg [dreg:$0x1];
	p0 =	sne.s32 s2, $0x0  }
0x80: {  	s3 =	rddreg [dreg:$0x2];
	[bflag:$0x3] =	sbarrier.arrive $0xFFFF;
	s2 =	simm.s32 @!p0 $0x1C05  }
0x81: {  	[timem:s3], [sflag:s2] =	dma.local @!p0 [hbm:s0], s1  }
0x82: {  	s0 =	simm.s32 @!p0 $0x5  }
0x83: {  	_ =	swait.ge @!p0 [sflag:s0], s1  }
0x84: {  	s1 =	ssub.s32 @!p0 $0x0, s1;
	[sflag:s0] =	ssyncset.done @!p0 $0x0  }
0x85: {  	[sflag:s0] =	ssyncadd.s32 @!p0 s1  }
0x86: {  	[bflag:$0x3] =	sbarrier.arrive $0xFFFF  }
0x87: {  	_ =	shalt  }

// kernel: kernel.30.cloned.1.call-start
scs
__scs_entry_jumppad:
0x0: {  	(pc) =	sbr.rel $0x88, $3  }
0x1: {  	(tag) =	ssettag $0x0;
	lr =	simm.s32 $0x1  }
0x2: {  	[smem:$0x3F7E] =	sst lr;
	_ =	strace $0xD0000000  }
0x3: {  	_ = 	snop  }
0x4: {  	_ = 	snop  }
0x5: {  	_ = 	snop  }
0x6: {  	_ = 	snop  }
0x7: {  	_ = 	snop  }
__scs_overlays_trampoline_lowered:
0x8: {  	[smem:$0x3F8D] =	sst s0  }
0x9: {  	[smem:$0x3F8E] =	sst s1  }
0xa: {  	[smem:$0x3F8F] =	sst s2  }
0xb: {  	[smem:$0x3F90] =	sst s3  }
0xc: {  	[smem:$0x3F91] =	sst s4  }
0xd: {  	[smem:$0x3F92] =	sst s5  }
0xe: {  	[smem:$0x3F93] =	sst s6  }
0xf: {  	[smem:$0x3F94] =	sst s7  }
0x10: {  	[smem:$0x3F95] =	sst s8  }
0x11: {  	[smem:$0x3F96] =	sst s9;
	s0 =	simm.s32 @!p0 $0x0  }
0x12: {  	s1 =	sld [smem:$0x3F7C];
	s0 =	simm.s32 @p0 $0x1  }
0x13: {  	[smem:$0x3F97] =	sst s0;
	s0 =	simm.s32 @!p1 $0x0  }
0x14: {  	s2 =	sld [smem:$0x3F7B];
	s0 =	simm.s32 @p1 $0x1  }
0x15: {  	[smem:$0x3F98] =	sst s0;
	s0 =	simm.s32 @!p2 $0x0  }
0x16: {  	s3 =	sld [smem:$0x3FDB];
	s0 =	simm.s32 @p2 $0x1  }
0x17: {  	s4 =	simm.s32 $0x1BF5;
	[smem:$0x3F9A] =	sst s0  }
0x18: {  	s0 =	sld [smem:$0x3F7D];
	_ =	swait.ge [sflag:s4], $0x0  }
0x19: {  	s7 =	sld [smem:$0x3F7E]  }
0x1a: {  	s8 =	sadd.s32 $0xFFFFE003, lr  }
0x1b: {  	s9 =	sadd.s32 $0xFFFFFEF7, lr;
	s5 =	simm.s32 $0xFFFFFFFF;
	p2 =	slt.u32 s8, $0xFFFFF086  }
0x1c: {  	p1 =	slt.u32 s9, $0xF7A;
	s5 =	simm.s32 @!p2 $0x0  }
0x1d: {  	s5 =	simm.s32 @p1 $0x1;
	p0 =	seq.s32 s7, s2  }
0x1e: {  	s7 =	smul.u32 @!p0 $0xF7A, s2;
	p2 =	seq.s32 @!p0 s5, $0x0  }
0x1f: {  	s9 =	smul.u32 $0xF7A, s1;
	s8 =	simm.s32 @!p0 $0x1BF5;
	p2 =	por !p2, p0  }
0x20: {  	[sflag:s8] =	ssyncset.s32 @!p0 $0xFFFFF086;
	s6 =	sadd.s32 @!p0 s3, s7;
	s7 =	simm.s32 @!p0 $0x108  }
0x21: {  	s3 =	sadd.s32 s3, s9;
	s6 =	sadd.s32 @!p0 $0x88, s6;
	s7 =	simm.s32 @p2 $0x1082  }
0x22: {  	[simem:s7], [sflag:s8] =	dma.local @!p0 [hbm:s6], $0xF7A  }
0x23: {  	s9 =	sor.u32 $0xD0000000, s2;
	s6 =	simm.s32 $0x108;
	_ =	swait.ge @!p0 [sflag:s8], $0x0  }
0x24: {  	s3 =	sadd.s32 $0x88, s3;
	s6 =	simm.s32 @!p1 $0x1082;
	[sflag:s4] =	ssyncset.s32 $0xFFFFF086  }
0x25: {  	[simem:s6], [sflag:s4] =	dma.local [hbm:s3], $0xF7A  }
0x26: {  	[smem:$0x3F7E] =	sst s1;
	(tag) =	ssettag s2;
	_ =	strace s9  }
0x27: {  	s1 =	sld [smem:$0x3F8E]  }
0x28: {  	s2 =	sld [smem:$0x3F8F]  }
0x29: {  	s4 =	sld [smem:$0x3F91]  }
0x2a: {  	p0 =	seq.s32 s5, $0x0;
	s5 =	sld [smem:$0x3F92]  }
0x2b: {  	s6 =	sld [smem:$0x3F93]  }
0x2c: {  	s7 =	sld [smem:$0x3F94]  }
0x2d: {  	s3 =	simm.s32 $0x108;
	s8 =	sld [smem:$0x3F95]  }
0x2e: {  	s3 =	simm.s32 @!p0 $0x1082;
	s9 =	sld [smem:$0x3F96]  }
0x2f: {  	lr =	sadd.s32 s0, s3;
	s0 =	sld [smem:$0x3F8D]  }
0x30: {  	s3 =	sld [smem:$0x3F90]  }
0x31: {  	[smem:$0x3F99] =	sst s10  }
0x32: {  	s10 =	sld [smem:$0x3F97];
	_ =	sdelay $0x3  }
0x33: {  	p0 =	seq.s32 s10, $0x1;
	s10 =	sld [smem:$0x3F99];
	_ =	sdelay $0x3  }
0x34: {  	[smem:$0x3F99] =	sst s10  }
0x35: {  	s10 =	sld [smem:$0x3F98];
	_ =	sdelay $0x3  }
0x36: {  	p1 =	seq.s32 s10, $0x1;
	s10 =	sld [smem:$0x3F99];
	_ =	sdelay $0x3  }
0x37: {  	[smem:$0x3F99] =	sst s10  }
0x38: {  	s10 =	sld [smem:$0x3F9A]  }
0x39: {  	_ = 	snop;
	(pc) =	sbr.ind lr, $3  }
0x3a: {  	_ = 	snop  }
0x3b: {  	_ = 	snop  }
0x3c: {  	p2 =	seq.s32 s10, $0x1;
	s10 =	sld [smem:$0x3F99]  }
0x3d: {  	_ =	shalt  }
0x3e: {  	_ =	shalt  }
0x3f: {  	_ =	shalt  }
0x40: {  	_ =	shalt  }
0x41: {  	_ =	shalt  }
0x42: {  	_ =	shalt  }
0x43: {  	_ =	shalt  }
0x44: {  	_ =	shalt  }
0x45: {  	_ =	shalt  }
0x46: {  	_ =	shalt  }
0x47: {  	_ =	shalt  }
0x48: {  	_ =	shalt  }
0x49: {  	_ =	shalt  }
0x4a: {  	_ =	shalt  }
0x4b: {  	_ =	shalt  }
0x4c: {  	_ =	shalt  }
0x4d: {  	_ =	shalt  }
0x4e: {  	_ =	shalt  }
0x4f: {  	_ =	shalt  }
0x50: {  	_ =	shalt  }
0x51: {  	_ =	shalt  }
0x52: {  	_ =	shalt  }
0x53: {  	_ =	shalt  }
0x54: {  	_ =	shalt  }
0x55: {  	_ =	shalt  }
0x56: {  	_ =	shalt  }
0x57: {  	_ =	shalt  }
0x58: {  	_ =	shalt  }
0x59: {  	_ =	shalt  }
0x5a: {  	_ =	shalt  }
0x5b: {  	_ =	shalt  }
0x5c: {  	_ =	shalt  }
0x5d: {  	_ =	shalt  }
0x5e: {  	_ =	shalt  }
0x5f: {  	_ =	shalt  }
0x60: {  	_ =	shalt  }
0x61: {  	_ =	shalt  }
0x62: {  	_ =	shalt  }
0x63: {  	_ =	shalt  }
0x64: {  	_ =	shalt  }
0x65: {  	_ =	shalt  }
0x66: {  	_ =	shalt  }
0x67: {  	_ =	shalt  }
0x68: {  	_ =	shalt  }
0x69: {  	_ =	shalt  }
0x6a: {  	_ =	shalt  }
0x6b: {  	_ =	shalt  }
0x6c: {  	_ =	shalt  }
0x6d: {  	_ =	shalt  }
0x6e: {  	_ =	shalt  }
0x6f: {  	_ =	shalt  }
0x70: {  	_ =	shalt  }
0x71: {  	_ =	shalt  }
0x72: {  	_ =	shalt  }
0x73: {  	_ =	shalt  }
0x74: {  	_ =	shalt  }
0x75: {  	_ =	shalt  }
0x76: {  	_ =	shalt  }
0x77: {  	_ =	shalt  }
0x78: {  	_ =	shalt  }
0x79: {  	_ =	shalt  }
0x7a: {  	_ =	shalt  }
0x7b: {  	_ =	shalt  }
0x7c: {  	_ =	shalt  }
0x7d: {  	_ =	shalt  }
0x7e: {  	_ =	shalt  }
0x7f: {  	_ =	shalt  }
0x80: {  	_ =	shalt  }
0x81: {  	_ =	shalt  }
0x82: {  	_ =	shalt  }
0x83: {  	_ =	shalt  }
0x84: {  	_ =	shalt  }
0x85: {  	_ =	shalt  }
0x86: {  	_ =	shalt  }
0x87: {  	_ =	shalt  }
.Lfunc_end0:
.L_simem_size_0:
called_computation.4_lowered:
.L_overlay_start_0:
0x88: {  	s2 =	sld [smem:$0x3FD9]  }
0x89: {  	s3 =	sld [smem:$0x3FFE];
	_ =	sdelay $0x1  }
0x8a: {  	s1 =	srdreg.scid  }
0x8b: {  	s0 =	sand.u32 $0x1, s1  }
0x8c: {  	s16 =	sshll.u32 s0, $0xA;
	s2 =	sadd.s32 s3, s2  }
0x8d: {  	s2 =	sadd.s32 s2, s16  }
0x8e: {  	[smem:$0x3FA5] =	sst s2  }
0x8f: {  	_ = 	snop  }
0x90: {  	(tm) =	ssettm $0x1  }
0x91: {  	s17 =	sld [smem:$0x3FFB];
	_ =	sdelay $0x3  }
0x92: {  	_ =	strace s17  }
0x93: {  	s2 =	sld [smem:$0x3FFC];
	_ =	sdelay $0x3  }
0x94: {  	_ =	strace s2  }
0x95: {  	s2 =	sld [smem:$0x3FFD];
	_ =	sdelay $0x3  }
0x96: {  	_ =	strace s2  }
0x97: {  	_ =	strace $0x8FFFFFFF  }
0x98: {  	s18 =	sld [smem:$0x3FDB];
	_ =	sdelay $0x1  }
0x99: {  	s19 =	simm.s32 $_scs_section_size  }
0x9a: {  	s4 =	simm.s32 $_size__tile_overlayer_lowered;
	s5 =	simm.s32 $_tile_overlayer_lowered  }
0x9b: {  	s22 =	simm.s32 $0x1BFF;
	s21 =	sshll.u32 s5, $0x1;
	s2 =	sadd.s32 s19, s18  }
0x9c: {  	s6 =	simm.s32 $0x0;
	s20 =	sshll.u32 s4, $0x1;
	s4 =	sadd.s32 s21, s2  }
0x9d: {  	[timem:s6], [sflag:s22] =	dma.local [hbm:s4], s20  }
0x9e: {  	_ =	swait.ge [sflag:s22], s20  }
0x9f: {  	s3 =	ssub.s32 $0x0, s20;
	[sflag:s22] =	ssyncset.done $0x0  }
0xa0: {  	[sflag:s22] =	ssyncadd.s32 s3;
	_ =	sdelay $0x1  }
0xa1: {  	s23 =	simm.s32 $0x1B8B  }
0xa2: {  	_ =	swait.ge [sflag:s23], $0x1  }
0xa3: {  	[sflag:s23] =	ssyncset.done $0x0  }
0xa4: {  	s25 =	simm.s32 $0x1B8E;
	s24 =	sld [smem:$0x3FFE];
	[sflag:s23] =	ssyncadd.s32 $0xFFFFFFFF  }
0xa5: {  	s26 =	simm.s32 $execute0_lowered;
	[smem:$0x3FD2] =	sst s25  }
0xa6: {  	s4 =	sshll.u32 s26, $0x1;
	_ =	strace $0x80000052;
	[dreg:$0x1] =	wrdreg $0xFFFFFFFF  }
0xa7: {  	s28 =	simm.s32 $_size_execute0_lowered;
	s2 =	sadd.s32 s2, s4;
	[dreg:$0x0] =	wrdreg $0x0  }
0xa8: {  	s4 =	sshll.u32 s28, $0x1;
	[dreg:$0x2] =	wrdreg s2  }
0xa9: {  	[dreg:$0x3] =	wrdreg s4  }
0xaa: {  	[dreg:$0x4] =	wrdreg $0xC0  }
0xab: {  	_ =	task [dreg:s6], $0x5FFFF  }
0xac: {  	[dreg:$0x1] =	wrdreg $0xFFFFFFFF  }
0xad: {  	[dreg:$0x0] =	wrdreg $0x60  }
0xae: {  	[dreg:$0x2] =	wrdreg s24  }
0xaf: {  	[dreg:$0x3] =	wrdreg $0x9  }
0xb0: {  	_ =	task.clear_ibuf [dreg:s6], $0x4FFFF;
	_ =	strace $0x90000052  }
0xb1: {  	s29 =	simm.s32 $0x9;
	_ =	strace $0x80000054  }
0xb2: {  	_ =	swait.ge [sflag:s29], $0x1  }
0xb3: {  	[sflag:s29] =	ssyncadd.s32 $0xFFFFFFFF  }
0xb4: {  	_ =	strace $0x90000054  }
0xb5: {  	_ =	sfence  }
0xb6: {  	s30 =	sld [smem:$0x0];
	_ =	sdelay $0x2  }
0xb7: {  	s31 =	sshll.u32 s1, $0xD;
	s1 =	sshrl.u32 s1, $0x2  }
0xb8: {  	s3 =	sand.u32 $0x4000, s31;
	s1 =	sadd.s32 s1, s30  }
0xb9: {  	s0 =	sor.u32 s3, s0;
	s1 =	sshll.u32 s1, $0x11  }
0xba: {  	s0 =	sor.u32 s1, s0  }
0xbb: {  	s0 =	sadd.s32 $0x8F2B, s0  }
0xbc: {  	[sflag:s0] =	ssyncadd.remote.s32 $0x1  }
0xbd: {  	_ =	sfence.sel $0xFFFF  }
0xbe: {  	[dreg:$0x0] =	wrdreg $0xFFFFFFFF;
	(pc) =	sbr.abs _section_cstart, $3  }
0xbf: {  	[dreg:$0x1] =	wrdreg $0xFFFFFFFF  }
0xc0: {  	_ =	task.clear_ibuf [dreg:s6], $0x2FFFF;
	_ =	strace $0x9FFFFFFF  }
0xc1: {  	(tm) =	ssettm $0x7FFFFFFF  }
tec
execute0_lowered:
.L_overlay_start_1:
0x0: {  	(tag) =	ssettag $0x1  }
0x1: {  	s0 =	rddreg [dreg:$0x0];
	s1 =	simm.s32 $0x0;
	s2 =	srdreg.scid  }
0x2: {  	s5 =	stileid.u32;
	s18 =	simm.s32 $0xCE40;
	s28 =	simm.s32 $0x2  }
0x3: {  	s29 =	simm.s32 $0x14370;
	s30 =	simm.s32 $0x3;
	s31 =	simm.s32 $0x4  }
0x4: {  	[smem:$0x7FF] =	sst s1;
	s3 =	sadd.s32 $0x93800, s0;
	s4 =	sadd.s32 $0x45400, s0  }
0x5: {  	s2 =	sand.u32 $0x1, s2;
	s7 =	sshll.u32 s5, $0x1;
	s5 =	sadd.s32 $0x3B600, s0  }
0x6: {  	s6 =	sadd.s32 $0x31800, s0;
	s8 =	sadd.s32 $0x1F000, s0;
	s19 =	sadd.s32 $0x1EA00, s0  }
0x7: {  	s20 =	sadd.s32 $0x1E400, s0;
	s11 =	sadd.s32 $0x528000, s0;
	s12 =	sadd.s32 $0x799000, s0  }
0x8: {  	_ =	strace $0x80000053;
	s7 =	sor.u32 s2, s7;
	[dreg:$0x2] =	wrdreg s8  }
0x9: {  	[dreg:$0x3] =	wrdreg s19;
	s2 =	ssub.s32 $0x2, s2;
	s9 =	smul.u32 $0x2710, s7  }
0xa: {  	[dreg:$0x4] =	wrdreg s20;
	s19 =	simm.s32 $0x7;
	s21 =	sshrl.u32 s2, $0x1  }
0xb: {  	s20 =	simm.s32 $0xF550;
	s0 =	ssub.s32 s2, s21;
	s22 =	sadd.s32 $0x2580, s9  }
0xc: {  	s8 =	simm.s32 $0x0;
	s0 =	smax.u32 s0, $0x1;
	s23 =	sshrl.u32 s22, $0x3  }
0xd: {  	s21 =	simm.s32 $0x11C60;
	[dreg:$0x9] =	wrdreg s0;
	s24 =	sadd.s32 s5, s23  }
0xe: {  	s7 =	sshll.u32 s22, $0x3;
	s2 =	sadd.s32 s6, s23;
	[dreg:$0x5] =	wrdreg s24  }
0xf: {  	v0 =	vlaneseq.u32;
	s22 =	simm.s32 $0x320;
	s25 =	sadd.s32 s11, s7;
	[dreg:$0x6] =	wrdreg s2  }
0x10: {  	v0 =	vmul.u32 $0x40, v0;
	s0 =	simm.s32 $0x5;
	s26 =	sadd.s32 s12, s7;
	[dreg:$0x7] =	wrdreg s25  }
0x11: {  	v1 =	vimm.f32 $0.0e+00;
	s23 =	simm.s32 $0x4B0;
	[dreg:$0x8] =	wrdreg s26;
	s24 =	simm.s32 $0x640  }
0x12: {  	v2 =	vor.u32 $0x1, v0;
	v3 =	vor.u32 $0x2, v0;
	v4 =	vor.u32 $0x3, v0;
	s25 =	simm.s32 $0x6A40;
	s26 =	simm.s32 $0x1;
	s2 =	simm.s32 $0x6  }
.LBB2_1:
0x13: {  	[dreg:$0xa] =	wrdreg s8  }
0x14: {  	s7 =	rddreg [dreg:$0x2]  }
0x15: {  	[tilespmem:s18], [sflag:$0x7] =	stream.linear.gather [hbm4b:s7+s1], $0x2710, $0x38;
	[tilespmem:$0x1A770] =	vst v63  }
0x16: {  	_ =	swait.ge [sflag:s19], $0x2710  }
0x17: {  	[sflag:s19] =	ssyncset.done $0x0  }
0x18: {  	s16 =	rddreg [dreg:$0x3];
	[sflag:s19] =	ssyncadd.s32 $0xFFFFD8F0  }
0x19: {  	[tilespmem:s20], [sflag:$0x7] =	stream.linear.gather [hbm4b:s16+s1], $0x2710, $0x38;
	[tilespmem:$0x1A770] =	vst v63  }
0x1a: {  	_ =	swait.ge [sflag:s19], $0x2710  }
0x1b: {  	[sflag:s19] =	ssyncset.done $0x0  }
0x1c: {  	s17 =	rddreg [dreg:$0x4];
	[sflag:s19] =	ssyncadd.s32 $0xFFFFD8F0  }
0x1d: {  	[tilespmem:s21], [sflag:$0x7] =	stream.linear.gather [hbm4b:s17+s1], $0x2710, $0x38;
	[tilespmem:$0x1A770] =	vst v63  }
0x1e: {  	_ =	swait.ge [sflag:s19], $0x2710  }
0x1f: {  	[sflag:s19] =	ssyncset.done $0x0  }
0x20: {  	s8 =	simm.s32 $0x0;
	s7 =	simm.s32 $0x40;
	[sflag:s19] =	ssyncadd.s32 $0xFFFFD8F0  }
.LBB2_2:
0x21: {  	p0 =	sne.s32 s7, $0x18FC0;
	[tilespmem:s8+$0x14370] =	vst v1;
	s8 =	smov.u32 s7;
	s7 =	sadd.s32 $0x40, s7  }
.Ltmp0:
0x22: {  	(pc) =	sbr.rel @p0 .LBB2_2-.Ltmp0, $2  }
0x23: {  	_ =	sdelay $0x2  }
0x24: {  	s8 =	sshra.s32 s8, $0x2  }
0x25: {  	[tilespmem:s8+$0x14370] =	vst v1;
	s8 =	simm.s32 $0x0;
	s10 =	simm.s32 $0x0  }
.LBB2_4:
0x26: {  	s7 =	smul.u32 $0x320, s10;
	_ =	sdelay $0x1  }
0x27: {  	s14 =	sadd.s32 s9, s7  }
0x28: {  	s7 =	sshrl.u32 s14, $0x3  }
0x29: {  	s13 =	sadd.s32 s5, s7  }
0x2a: {  	[tilespmem:s8], [sflag:$0x7] =	stream.linear.gather [hbm4b:s13+s8], $0x190, $0x38;
	[tilespmem:$0x1A770] =	vst v63  }
0x2b: {  	_ =	swait.ge [sflag:s19], $0x190  }
0x2c: {  	[sflag:s19] =	ssyncset.done $0x0  }
0x2d: {  	s15 =	simm.s32 $0x190;
	s7 =	sadd.s32 s6, s7;
	[sflag:s19] =	ssyncadd.s32 $0xFFFFFE70  }
0x2e: {  	[tilespmem:s15], [sflag:$0x7] =	stream.linear.gather [hbm4b:s7+s8], $0x190, $0x38;
	[tilespmem:$0x1A770] =	vst v63  }
0x2f: {  	s13 =	sadd.s32 $0x190, s14;
	_ =	swait.ge [sflag:s19], $0x190  }
0x30: {  	s17 =	sshrl.u32 s13, $0x3;
	[sflag:s19] =	ssyncset.done $0x0  }
0x31: {  	s16 =	sadd.s32 s5, s17;
	[sflag:s19] =	ssyncadd.s32 $0xFFFFFE70  }
0x32: {  	[tilespmem:s22], [sflag:$0x7] =	stream.linear.gather [hbm4b:s16+s8], $0x190, $0x38;
	[tilespmem:$0x1A770] =	vst v63  }
0x33: {  	_ =	swait.ge [sflag:s19], $0x190  }
0x34: {  	[sflag:s19] =	ssyncset.done $0x0  }
0x35: {  	s7 =	sadd.s32 s6, s17;
	[sflag:s19] =	ssyncadd.s32 $0xFFFFFE70  }
0x36: {  	[tilespmem:s23], [sflag:$0x7] =	stream.linear.gather [hbm4b:s7+s8], $0x190, $0x38;
	[tilespmem:$0x1A770] =	vst v63  }
0x37: {  	_ =	swait.ge [sflag:s19], $0x190  }
0x38: {  	[sflag:s19] =	ssyncset.done $0x0  }
0x39: {  	[sflag:s19] =	ssyncadd.s32 $0xFFFFFE70  }
0x3a: {  	[tilespmem:s24], [sflag:$0x1] =	stream.indirect.gather [hbm4b:s3+s15], $0x40, s8, s15, $0xb8;
	[tilespmem:$0x1A770] =	vst v63  }
0x3b: {  	_ = 	snop  }
0x3c: {  	[tilespmem:s25], [sflag:$0x2] =	stream.indirect.gather [hbm4b:s3+s15], $0x40, s22, s15, $0xb8;
	[tilespmem:$0x1A770] =	vst v63  }
0x3d: {  	_ =	swait.ge [sflag:s26], $0x6400  }
0x3e: {  	[sflag:s26] =	ssyncset.done $0x0  }
0x3f: {  	[sflag:s26] =	ssyncadd.s32 $0xFFFF9C00  }
0x40: {  	[tilespmem:s24], [sflag:$0x3] =	stream.indirect.gather.add.f32 [hbm:s4], $0x40, s15, s15, $0xb8;
	[tilespmem:$0x1A770] =	vst v63  }
0x41: {  	_ =	swait.ge [sflag:s28], $0x6400  }
0x42: {  	[sflag:s28] =	ssyncset.done $0x0  }
0x43: {  	[sflag:s28] =	ssyncadd.s32 $0xFFFF9C00  }
0x44: {  	[tilespmem:s25], [sflag:$0x4] =	stream.indirect.gather.add.f32 [hbm:s4], $0x40, s23, s15, $0xb8;
	[tilespmem:$0x1A770] =	vst v63  }
0x45: {  	v6 =	vld [tilespmem:s8+$0x0]  }
0x46: {  	v5 =	vld [tilespmem:s15+$0x0];
	_ =	sdelay $0x4  }
0x47: {  	s17 =	simm.s32 $0x400;
	s16 =	simm.s32 $0x0;
	s7 =	simm.s32 $0x0  }
.LBB2_5:
0x48: {  	p0 =	sne.s32 s17, $0x6000  }
0x49: {  	v7 =	vld.idx.msk [tilespmem:v6+s18+$0x0], $0xffff  }
0x4a: {  	v8 =	vld.idx.msk [tilespmem:v5+s18+$0x0], $0xffff  }
0x4b: {  	v9 =	vld.idx.msk [tilespmem:v6+s20+$0x0], $0xffff  }
0x4c: {  	v10 =	vld.idx.msk [tilespmem:v5+s20+$0x0], $0xffff  }
0x4d: {  	v6 =	vld.idx.msk [tilespmem:v6+s21+$0x0], $0xffff  }
0x4e: {  	v5 =	vld.idx.msk [tilespmem:v5+s21+$0x0], $0xffff;
	_ =	sdelay $0x3  }
0x4f: {  	v7 =	vsub.f32 v7, v8;
	v8 =	vsub.f32 v9, v10;
	_ =	sdelay $0x1  }
0x50: {  	v5 =	vsub.f32 v6, v5;
	v6 =	vmul.f32 v7, v7;
	v9 =	vmul.f32 v8, v8  }
0x51: {  	v10 =	vor.u32 s16, v0  }
0x52: {  	v11 =	vor.u32 s16, v2;
	v6 =	vadd.f32 v9, v6;
	v9 =	vmul.f32 v5, v5  }
0x53: {  	v12 =	vor.u32 s16, v3  }
0x54: {  	v6 =	vadd.f32 v9, v6;
	v9 =	vor.u32 s16, v4;
	s16 =	smov.u32 s17;
	_ =	sdelay $0x1  }
0x55: {  	[tilespmem:v10+s29+$0x0] =	vst.idx.msk $0xffff, v6  }
0x56: {  	[tilespmem:v11+s29+$0x0] =	vst.idx.msk $0xffff, v7  }
0x57: {  	[tilespmem:v12+s29+$0x0] =	vst.idx.msk $0xffff, v8  }
0x58: {  	s15 =	sadd.s32 $0x10, s15;
	[tilespmem:v9+s29+$0x0] =	vst.idx.msk $0xffff, v5  }
0x59: {  	s7 =	sadd.s32 $0x10, s7;
	v5 =	vld [tilespmem:s15+$0x0]  }
0x5a: {  	v6 =	vld [tilespmem:s7+$0x0];
	_ =	sdelay $0x1  }
.Ltmp1:
0x5b: {  	(pc) =	sbr.rel @p0 .LBB2_5-.Ltmp1, $2  }
0x5c: {  	_ =	sdelay $0x2  }
0x5d: {  	s17 =	sadd.s32 $0x400, s17  }
0x5e: {  	_ =	sdelay $0x3  }
0x5f: {  	v7 =	vld.idx.msk [tilespmem:v6+s18+$0x0], $0xffff  }
0x60: {  	v8 =	vld.idx.msk [tilespmem:v5+s18+$0x0], $0xffff  }
0x61: {  	v9 =	vld.idx.msk [tilespmem:v6+s20+$0x0], $0xffff  }
0x62: {  	v10 =	vld.idx.msk [tilespmem:v5+s20+$0x0], $0xffff  }
0x63: {  	v6 =	vld.idx.msk [tilespmem:v6+s21+$0x0], $0xffff  }
0x64: {  	v5 =	vld.idx.msk [tilespmem:v5+s21+$0x0], $0xffff;
	_ =	sdelay $0x2  }
0x65: {  	v7 =	vsub.f32 v7, v8;
	v8 =	vsub.f32 v9, v10;
	_ =	sdelay $0x1  }
0x66: {  	v5 =	vsub.f32 v6, v5;
	v6 =	vmul.f32 v7, v7;
	v9 =	vmul.f32 v8, v8  }
0x67: {  	v61 =	vor.u32 s16, v0  }
0x68: {  	v11 =	vor.u32 s16, v2;
	v62 =	vmul.f32 v5, v5;
	v6 =	vadd.f32 v9, v6  }
0x69: {  	v12 =	vor.u32 s16, v3  }
0x6a: {  	v63 =	vor.u32 s16, v4;
	v6 =	vadd.f32 v62, v6;
	_ =	sdelay $0x1  }
0x6b: {  	[tilespmem:v61+s29+$0x0] =	vst.idx.msk $0xffff, v6  }
0x6c: {  	[tilespmem:v11+s29+$0x0] =	vst.idx.msk $0xffff, v7  }
0x6d: {  	[tilespmem:v12+s29+$0x0] =	vst.idx.msk $0xffff, v8  }
0x6e: {  	[tilespmem:v63+s29+$0x0] =	vst.idx.msk $0xffff, v5  }
0x6f: {  	_ =	swait.ge [sflag:s30], $0x6400  }
0x70: {  	s7 =	sshll.u32 s14, $0x3;
	[sflag:s30] =	ssyncset.done $0x0  }
0x71: {  	s14 =	simm.s32 $0x0;
	s15 =	sadd.s32 s11, s7;
	[sflag:s30] =	ssyncadd.s32 $0xFFFF9C00  }
0x72: {  	[hbm4b:s15+s14] =	stream.linear.scatter [tilespmem:s24], [sflag:$0x5], $0x6400, $0x38;
	[tilespmem:$0x1A770] =	vst v63  }
0x73: {  	s7 =	sadd.s32 s12, s7  }
0x74: {  	[hbm4b:s7+s14] =	stream.linear.scatter [tilespmem:s29], [sflag:$0x7], $0x6400, $0x38;
	[tilespmem:$0x1A770] =	vst v63  }
0x75: {  	_ =	swait.ge [sflag:s19], $0x6400  }
0x76: {  	[sflag:s19] =	ssyncset.done $0x0  }
0x77: {  	s16 =	simm.s32 $0x320;
	[sflag:s19] =	ssyncadd.s32 $0xFFFF9C00  }
0x78: {  	s15 =	simm.s32 $0x4B0;
	v6 =	vld [tilespmem:s16+$0x0]  }
0x79: {  	v5 =	vld [tilespmem:s15+$0x0];
	_ =	sdelay $0x4  }
0x7a: {  	s7 =	simm.s32 $0x400  }
.LBB2_7:
0x7b: {  	p0 =	sne.s32 s7, $0x6000  }
0x7c: {  	v7 =	vld.idx.msk [tilespmem:v6+s18+$0x0], $0xffff  }
0x7d: {  	v8 =	vld.idx.msk [tilespmem:v5+s18+$0x0], $0xffff  }
0x7e: {  	v9 =	vld.idx.msk [tilespmem:v6+s20+$0x0], $0xffff  }
0x7f: {  	v10 =	vld.idx.msk [tilespmem:v5+s20+$0x0], $0xffff  }
0x80: {  	v6 =	vld.idx.msk [tilespmem:v6+s21+$0x0], $0xffff  }
0x81: {  	v5 =	vld.idx.msk [tilespmem:v5+s21+$0x0], $0xffff;
	_ =	sdelay $0x3  }
0x82: {  	v7 =	vsub.f32 v7, v8;
	v8 =	vsub.f32 v9, v10;
	_ =	sdelay $0x1  }
0x83: {  	v5 =	vsub.f32 v6, v5;
	v6 =	vmul.f32 v7, v7;
	v9 =	vmul.f32 v8, v8  }
0x84: {  	v10 =	vor.u32 s14, v0  }
0x85: {  	v11 =	vor.u32 s14, v2;
	v6 =	vadd.f32 v9, v6;
	v9 =	vmul.f32 v5, v5  }
0x86: {  	v12 =	vor.u32 s14, v3  }
0x87: {  	v6 =	vadd.f32 v9, v6;
	v9 =	vor.u32 s14, v4;
	s14 =	smov.u32 s7;
	_ =	sdelay $0x1  }
0x88: {  	[tilespmem:v10+s29+$0x0] =	vst.idx.msk $0xffff, v6  }
0x89: {  	[tilespmem:v11+s29+$0x0] =	vst.idx.msk $0xffff, v7  }
0x8a: {  	[tilespmem:v12+s29+$0x0] =	vst.idx.msk $0xffff, v8  }
0x8b: {  	s15 =	sadd.s32 $0x10, s15;
	[tilespmem:v9+s29+$0x0] =	vst.idx.msk $0xffff, v5  }
0x8c: {  	s16 =	sadd.s32 $0x10, s16;
	v5 =	vld [tilespmem:s15+$0x0]  }
0x8d: {  	v6 =	vld [tilespmem:s16+$0x0];
	_ =	sdelay $0x1  }
.Ltmp2:
0x8e: {  	(pc) =	sbr.rel @p0 .LBB2_7-.Ltmp2, $2  }
0x8f: {  	_ =	sdelay $0x2  }
0x90: {  	s7 =	sadd.s32 $0x400, s7  }
0x91: {  	_ =	sdelay $0x3  }
0x92: {  	v7 =	vld.idx.msk [tilespmem:v6+s18+$0x0], $0xffff  }
0x93: {  	v8 =	vld.idx.msk [tilespmem:v5+s18+$0x0], $0xffff  }
0x94: {  	v9 =	vld.idx.msk [tilespmem:v6+s20+$0x0], $0xffff  }
0x95: {  	v10 =	vld.idx.msk [tilespmem:v5+s20+$0x0], $0xffff  }
0x96: {  	v6 =	vld.idx.msk [tilespmem:v6+s21+$0x0], $0xffff  }
0x97: {  	v5 =	vld.idx.msk [tilespmem:v5+s21+$0x0], $0xffff;
	_ =	sdelay $0x2  }
0x98: {  	v7 =	vsub.f32 v7, v8;
	v60 =	vsub.f32 v9, v10;
	_ =	sdelay $0x1  }
0x99: {  	v5 =	vsub.f32 v6, v5;
	v6 =	vmul.f32 v7, v7;
	v9 =	vmul.f32 v60, v60  }
0x9a: {  	v61 =	vor.u32 s14, v0  }
0x9b: {  	v11 =	vor.u32 s14, v2;
	v62 =	vmul.f32 v5, v5;
	v6 =	vadd.f32 v9, v6  }
0x9c: {  	v12 =	vor.u32 s14, v3  }
0x9d: {  	v63 =	vor.u32 s14, v4;
	v6 =	vadd.f32 v62, v6;
	_ =	sdelay $0x1  }
0x9e: {  	[tilespmem:v61+s29+$0x0] =	vst.idx.msk $0xffff, v6  }
0x9f: {  	[tilespmem:v11+s29+$0x0] =	vst.idx.msk $0xffff, v7  }
0xa0: {  	[tilespmem:v12+s29+$0x0] =	vst.idx.msk $0xffff, v60  }
0xa1: {  	[tilespmem:v63+s29+$0x0] =	vst.idx.msk $0xffff, v5  }
0xa2: {  	_ =	swait.ge [sflag:s31], $0x6400  }
0xa3: {  	s7 =	sshll.u32 s13, $0x3;
	[sflag:s31] =	ssyncset.done $0x0  }
0xa4: {  	s13 =	sadd.s32 s11, s7;
	[sflag:s31] =	ssyncadd.s32 $0xFFFF9C00  }
0xa5: {  	[hbm4b:s13+s1] =	stream.linear.scatter [tilespmem:s25], [sflag:$0x6], $0x6400, $0x38;
	[tilespmem:$0x1A770] =	vst v63  }
0xa6: {  	s7 =	sadd.s32 s12, s7  }
0xa7: {  	[hbm4b:s7+s1] =	stream.linear.scatter [tilespmem:s29], [sflag:$0x7], $0x6400, $0x38;
	[tilespmem:$0x1A770] =	vst v63  }
0xa8: {  	_ =	swait.ge [sflag:s19], $0x6400  }
0xa9: {  	[sflag:s19] =	ssyncset.done $0x0  }
0xaa: {  	s10 =	sadd.s32 $0x1, s10;
	[sflag:s19] =	ssyncadd.s32 $0xFFFF9C00  }
0xab: {  	p0 =	sne.s32 s10, $0xC;
	_ =	swait.ge [sflag:s0], $0x6400  }
.Ltmp3:
0xac: {  	[sflag:s0] =	ssyncset.done $0x0;
	(pc) =	sbr.rel @p0 .LBB2_4-.Ltmp3, $4  }
0xad: {  	[sflag:s0] =	ssyncadd.s32 $0xFFFF9C00  }
0xae: {  	_ =	swait.ge [sflag:s2], $0x6400  }
0xaf: {  	[sflag:s2] =	ssyncset.done $0x0  }
0xb0: {  	[sflag:s2] =	ssyncadd.s32 $0xFFFF9C00  }
0xb1: {  	s8 =	simm.s32 $0x0;
	s7 =	rddreg [dreg:$0x5]  }
0xb2: {  	[tilespmem:s8], [sflag:$0x7] =	stream.linear.gather [hbm4b:s7+s8], $0x190, $0x38;
	[tilespmem:$0x1A770] =	vst v63  }
0xb3: {  	_ =	swait.ge [sflag:s19], $0x190  }
0xb4: {  	[sflag:s19] =	ssyncset.done $0x0  }
0xb5: {  	s10 =	simm.s32 $0x190;
	s17 =	rddreg [dreg:$0x6];
	[sflag:s19] =	ssyncadd.s32 $0xFFFFFE70  }
0xb6: {  	[tilespmem:s10], [sflag:$0x7] =	stream.linear.gather [hbm4b:s17+s8], $0x190, $0x38;
	[tilespmem:$0x1A770] =	vst v63  }
0xb7: {  	_ =	swait.ge [sflag:s19], $0x190  }
0xb8: {  	[sflag:s19] =	ssyncset.done $0x0  }
0xb9: {  	[sflag:s19] =	ssyncadd.s32 $0xFFFFFE70  }
0xba: {  	[tilespmem:s24], [sflag:$0x1] =	stream.indirect.gather [hbm4b:s3+s10], $0x40, s8, s10, $0xb8;
	[tilespmem:$0x1A770] =	vst v63  }
0xbb: {  	_ =	swait.ge [sflag:s26], $0x6400  }
0xbc: {  	[sflag:s26] =	ssyncset.done $0x0  }
0xbd: {  	[sflag:s26] =	ssyncadd.s32 $0xFFFF9C00  }
0xbe: {  	[tilespmem:s24], [sflag:$0x3] =	stream.indirect.gather.add.f32 [hbm:s4], $0x40, s10, s10, $0xb8;
	[tilespmem:$0x1A770] =	vst v63  }
0xbf: {  	v6 =	vld [tilespmem:s8+$0x0]  }
0xc0: {  	v5 =	vld [tilespmem:s10+$0x0];
	_ =	sdelay $0x4  }
0xc1: {  	s13 =	simm.s32 $0x400;
	s7 =	simm.s32 $0x0  }
.LBB2_10:
0xc2: {  	p0 =	sne.s32 s13, $0x6000  }
0xc3: {  	v7 =	vld.idx.msk [tilespmem:v6+s18+$0x0], $0xffff  }
0xc4: {  	v8 =	vld.idx.msk [tilespmem:v5+s18+$0x0], $0xffff  }
0xc5: {  	v9 =	vld.idx.msk [tilespmem:v6+s20+$0x0], $0xffff  }
0xc6: {  	v10 =	vld.idx.msk [tilespmem:v5+s20+$0x0], $0xffff  }
0xc7: {  	v6 =	vld.idx.msk [tilespmem:v6+s21+$0x0], $0xffff  }
0xc8: {  	v5 =	vld.idx.msk [tilespmem:v5+s21+$0x0], $0xffff;
	_ =	sdelay $0x3  }
0xc9: {  	v7 =	vsub.f32 v7, v8;
	v8 =	vsub.f32 v9, v10;
	_ =	sdelay $0x1  }
0xca: {  	v5 =	vsub.f32 v6, v5;
	v6 =	vmul.f32 v7, v7;
	v9 =	vmul.f32 v8, v8  }
0xcb: {  	v10 =	vor.u32 s8, v0  }
0xcc: {  	v11 =	vor.u32 s8, v2;
	v6 =	vadd.f32 v9, v6;
	v9 =	vmul.f32 v5, v5  }
0xcd: {  	v12 =	vor.u32 s8, v3  }
0xce: {  	v6 =	vadd.f32 v9, v6;
	v9 =	vor.u32 s8, v4;
	s8 =	smov.u32 s13;
	_ =	sdelay $0x1  }
0xcf: {  	[tilespmem:v10+s29+$0x0] =	vst.idx.msk $0xffff, v6  }
0xd0: {  	[tilespmem:v11+s29+$0x0] =	vst.idx.msk $0xffff, v7  }
0xd1: {  	[tilespmem:v12+s29+$0x0] =	vst.idx.msk $0xffff, v8  }
0xd2: {  	s10 =	sadd.s32 $0x10, s10;
	[tilespmem:v9+s29+$0x0] =	vst.idx.msk $0xffff, v5  }
0xd3: {  	s7 =	sadd.s32 $0x10, s7;
	v5 =	vld [tilespmem:s10+$0x0]  }
0xd4: {  	v6 =	vld [tilespmem:s7+$0x0];
	_ =	sdelay $0x1  }
.Ltmp4:
0xd5: {  	(pc) =	sbr.rel @p0 .LBB2_10-.Ltmp4, $2  }
0xd6: {  	_ =	sdelay $0x2  }
0xd7: {  	s13 =	sadd.s32 $0x400, s13  }
0xd8: {  	_ =	sdelay $0x3  }
0xd9: {  	v7 =	vld.idx.msk [tilespmem:v6+s18+$0x0], $0xffff  }
0xda: {  	v8 =	vld.idx.msk [tilespmem:v5+s18+$0x0], $0xffff  }
0xdb: {  	v9 =	vld.idx.msk [tilespmem:v6+s20+$0x0], $0xffff  }
0xdc: {  	v10 =	vld.idx.msk [tilespmem:v5+s20+$0x0], $0xffff  }
0xdd: {  	v6 =	vld.idx.msk [tilespmem:v6+s21+$0x0], $0xffff  }
0xde: {  	v5 =	vld.idx.msk [tilespmem:v5+s21+$0x0], $0xffff;
	_ =	sdelay $0x2  }
0xdf: {  	v7 =	vsub.f32 v7, v8;
	v60 =	vsub.f32 v9, v10;
	_ =	sdelay $0x1  }
0xe0: {  	v5 =	vsub.f32 v6, v5;
	v6 =	vmul.f32 v7, v7;
	v9 =	vmul.f32 v60, v60  }
0xe1: {  	v61 =	vor.u32 s8, v0  }
0xe2: {  	v11 =	vor.u32 s8, v2;
	v62 =	vmul.f32 v5, v5;
	v6 =	vadd.f32 v9, v6  }
0xe3: {  	v12 =	vor.u32 s8, v3  }
0xe4: {  	v63 =	vor.u32 s8, v4;
	v6 =	vadd.f32 v62, v6;
	_ =	sdelay $0x1  }
0xe5: {  	[tilespmem:v61+s29+$0x0] =	vst.idx.msk $0xffff, v6  }
0xe6: {  	[tilespmem:v11+s29+$0x0] =	vst.idx.msk $0xffff, v7  }
0xe7: {  	[tilespmem:v12+s29+$0x0] =	vst.idx.msk $0xffff, v60  }
0xe8: {  	[tilespmem:v63+s29+$0x0] =	vst.idx.msk $0xffff, v5  }
0xe9: {  	_ =	swait.ge [sflag:s30], $0x6400  }
0xea: {  	[sflag:s30] =	ssyncset.done $0x0  }
0xeb: {  	s7 =	rddreg [dreg:$0x7];
	[sflag:s30] =	ssyncadd.s32 $0xFFFF9C00  }
0xec: {  	[hbm4b:s7+s1] =	stream.linear.scatter [tilespmem:s24], [sflag:$0x5], $0x6400, $0x38;
	[tilespmem:$0x1A770] =	vst v63  }
0xed: {  	s15 =	rddreg [dreg:$0x8]  }
0xee: {  	[hbm4b:s15+s1] =	stream.linear.scatter [tilespmem:s29], [sflag:$0x7], $0x6400, $0x38;
	[tilespmem:$0x1A770] =	vst v63  }
0xef: {  	_ =	swait.ge [sflag:s19], $0x6400  }
0xf0: {  	[sflag:s19] =	ssyncset.done $0x0  }
0xf1: {  	[sflag:s19] =	ssyncadd.s32 $0xFFFF9C00  }
0xf2: {  	_ =	swait.ge [sflag:s0], $0x6400  }
0xf3: {  	s16 =	rddreg [dreg:$0xa]  }
0xf4: {  	s17 =	rddreg [dreg:$0x9];
	s8 =	sadd.s32 $0x1, s16  }
0xf5: {  	p0 =	sne.s32 s8, s17  }
.Ltmp5:
0xf6: {  	_ = 	snop;
	(pc) =	sbr.rel @p0 .LBB2_1-.Ltmp5, $3  }
0xf7: {  	_ =	sdelay $0x1  }
0xf8: {  	[sflag:s0] =	ssyncset.done $0x0  }
0xf9: {  	[sflag:s0] =	ssyncadd.s32 $0xFFFF9C00  }
0xfa: {  	_ =	sfence.sel $0x180000  }
0xfb: {  	[bflag:$0x0] =	sbarrier.arrive $0xFFFF  }
0xfc: {  	_ =	strace $0x90000053  }
0xfd: {  	s0 =	stileid.u32;
	[bflag:$0x2] =	sbarrier.arrive $0xFFFF  }
0xfe: {  	p0 =	sne.s32 s0, $0x0;
	s0 =	rddreg [dreg:$0x1]  }
0xff: {  	s0 =	sadd.s32 @!p0 $0x100000, s0  }
0x100: {  	[sflag:s0] =	ssyncadd.tile.s32 @!p0 $0x1;
	_ =	shalt  }
.Lfunc_end2:
_tile_overlayer_lowered:
.L_overlay_start_2:
0x101: {  	(tag) =	ssettag $0x2  }
0x102: {  	s0 =	rddreg [dreg:$0x0];
	s2 =	stileid.u32  }
0x103: {  	s1 =	rddreg [dreg:$0x1];
	p0 =	sne.s32 s2, $0x0  }
0x104: {  	s3 =	rddreg [dreg:$0x2];
	[bflag:$0x3] =	sbarrier.arrive $0xFFFF;
	s2 =	simm.s32 @!p0 $0x1C07  }
0x105: {  	[timem:s3], [sflag:s2] =	dma.local @!p0 [hbm:s0], s1  }
0x106: {  	s0 =	simm.s32 @!p0 $0x7  }
0x107: {  	_ =	swait.ge @!p0 [sflag:s0], s1  }
0x108: {  	s1 =	ssub.s32 @!p0 $0x0, s1;
	[sflag:s0] =	ssyncset.done @!p0 $0x0  }
0x109: {  	[sflag:s0] =	ssyncadd.s32 @!p0 s1  }
0x10a: {  	[bflag:$0x3] =	sbarrier.arrive $0xFFFF  }
0x10b: {  	_ =	shalt  }

// kernel: kernel.33.cloned.1.call-start
scs
__scs_entry_jumppad:
0x0: {  	(pc) =	sbr.rel $0x88, $3  }
0x1: {  	(tag) =	ssettag $0x0;
	lr =	simm.s32 $0x1  }
0x2: {  	[smem:$0x3F7E] =	sst lr;
	_ =	strace $0xD0000000  }
0x3: {  	_ = 	snop  }
0x4: {  	_ = 	snop  }
0x5: {  	_ = 	snop  }
0x6: {  	_ = 	snop  }
0x7: {  	_ = 	snop  }
__scs_overlays_trampoline_lowered:
0x8: {  	[smem:$0x3F8D] =	sst s0  }
0x9: {  	[smem:$0x3F8E] =	sst s1  }
0xa: {  	[smem:$0x3F8F] =	sst s2  }
0xb: {  	[smem:$0x3F90] =	sst s3  }
0xc: {  	[smem:$0x3F91] =	sst s4  }
0xd: {  	[smem:$0x3F92] =	sst s5  }
0xe: {  	[smem:$0x3F93] =	sst s6  }
0xf: {  	[smem:$0x3F94] =	sst s7  }
0x10: {  	[smem:$0x3F95] =	sst s8  }
0x11: {  	[smem:$0x3F96] =	sst s9;
	s0 =	simm.s32 @!p0 $0x0  }
0x12: {  	s1 =	sld [smem:$0x3F7C];
	s0 =	simm.s32 @p0 $0x1  }
0x13: {  	[smem:$0x3F97] =	sst s0;
	s0 =	simm.s32 @!p1 $0x0  }
0x14: {  	s2 =	sld [smem:$0x3F7B];
	s0 =	simm.s32 @p1 $0x1  }
0x15: {  	[smem:$0x3F98] =	sst s0;
	s0 =	simm.s32 @!p2 $0x0  }
0x16: {  	s3 =	sld [smem:$0x3FDB];
	s0 =	simm.s32 @p2 $0x1  }
0x17: {  	s4 =	simm.s32 $0x1BF5;
	[smem:$0x3F9A] =	sst s0  }
0x18: {  	s0 =	sld [smem:$0x3F7D];
	_ =	swait.ge [sflag:s4], $0x0  }
0x19: {  	s7 =	sld [smem:$0x3F7E]  }
0x1a: {  	s8 =	sadd.s32 $0xFFFFE003, lr  }
0x1b: {  	s9 =	sadd.s32 $0xFFFFFEF7, lr;
	s5 =	simm.s32 $0xFFFFFFFF;
	p2 =	slt.u32 s8, $0xFFFFF086  }
0x1c: {  	p1 =	slt.u32 s9, $0xF7A;
	s5 =	simm.s32 @!p2 $0x0  }
0x1d: {  	s5 =	simm.s32 @p1 $0x1;
	p0 =	seq.s32 s7, s2  }
0x1e: {  	s7 =	smul.u32 @!p0 $0xF7A, s2;
	p2 =	seq.s32 @!p0 s5, $0x0  }
0x1f: {  	s9 =	smul.u32 $0xF7A, s1;
	s8 =	simm.s32 @!p0 $0x1BF5;
	p2 =	por !p2, p0  }
0x20: {  	[sflag:s8] =	ssyncset.s32 @!p0 $0xFFFFF086;
	s6 =	sadd.s32 @!p0 s3, s7;
	s7 =	simm.s32 @!p0 $0x108  }
0x21: {  	s3 =	sadd.s32 s3, s9;
	s6 =	sadd.s32 @!p0 $0x88, s6;
	s7 =	simm.s32 @p2 $0x1082  }
0x22: {  	[simem:s7], [sflag:s8] =	dma.local @!p0 [hbm:s6], $0xF7A  }
0x23: {  	s9 =	sor.u32 $0xD0000000, s2;
	s6 =	simm.s32 $0x108;
	_ =	swait.ge @!p0 [sflag:s8], $0x0  }
0x24: {  	s3 =	sadd.s32 $0x88, s3;
	s6 =	simm.s32 @!p1 $0x1082;
	[sflag:s4] =	ssyncset.s32 $0xFFFFF086  }
0x25: {  	[simem:s6], [sflag:s4] =	dma.local [hbm:s3], $0xF7A  }
0x26: {  	[smem:$0x3F7E] =	sst s1;
	(tag) =	ssettag s2;
	_ =	strace s9  }
0x27: {  	s1 =	sld [smem:$0x3F8E]  }
0x28: {  	s2 =	sld [smem:$0x3F8F]  }
0x29: {  	s4 =	sld [smem:$0x3F91]  }
0x2a: {  	p0 =	seq.s32 s5, $0x0;
	s5 =	sld [smem:$0x3F92]  }
0x2b: {  	s6 =	sld [smem:$0x3F93]  }
0x2c: {  	s7 =	sld [smem:$0x3F94]  }
0x2d: {  	s3 =	simm.s32 $0x108;
	s8 =	sld [smem:$0x3F95]  }
0x2e: {  	s3 =	simm.s32 @!p0 $0x1082;
	s9 =	sld [smem:$0x3F96]  }
0x2f: {  	lr =	sadd.s32 s0, s3;
	s0 =	sld [smem:$0x3F8D]  }
0x30: {  	s3 =	sld [smem:$0x3F90]  }
0x31: {  	[smem:$0x3F99] =	sst s10  }
0x32: {  	s10 =	sld [smem:$0x3F97];
	_ =	sdelay $0x3  }
0x33: {  	p0 =	seq.s32 s10, $0x1;
	s10 =	sld [smem:$0x3F99];
	_ =	sdelay $0x3  }
0x34: {  	[smem:$0x3F99] =	sst s10  }
0x35: {  	s10 =	sld [smem:$0x3F98];
	_ =	sdelay $0x3  }
0x36: {  	p1 =	seq.s32 s10, $0x1;
	s10 =	sld [smem:$0x3F99];
	_ =	sdelay $0x3  }
0x37: {  	[smem:$0x3F99] =	sst s10  }
0x38: {  	s10 =	sld [smem:$0x3F9A]  }
0x39: {  	_ = 	snop;
	(pc) =	sbr.ind lr, $3  }
0x3a: {  	_ = 	snop  }
0x3b: {  	_ = 	snop  }
0x3c: {  	p2 =	seq.s32 s10, $0x1;
	s10 =	sld [smem:$0x3F99]  }
0x3d: {  	_ =	shalt  }
0x3e: {  	_ =	shalt  }
0x3f: {  	_ =	shalt  }
0x40: {  	_ =	shalt  }
0x41: {  	_ =	shalt  }
0x42: {  	_ =	shalt  }
0x43: {  	_ =	shalt  }
0x44: {  	_ =	shalt  }
0x45: {  	_ =	shalt  }
0x46: {  	_ =	shalt  }
0x47: {  	_ =	shalt  }
0x48: {  	_ =	shalt  }
0x49: {  	_ =	shalt  }
0x4a: {  	_ =	shalt  }
0x4b: {  	_ =	shalt  }
0x4c: {  	_ =	shalt  }
0x4d: {  	_ =	shalt  }
0x4e: {  	_ =	shalt  }
0x4f: {  	_ =	shalt  }
0x50: {  	_ =	shalt  }
0x51: {  	_ =	shalt  }
0x52: {  	_ =	shalt  }
0x53: {  	_ =	shalt  }
0x54: {  	_ =	shalt  }
0x55: {  	_ =	shalt  }
0x56: {  	_ =	shalt  }
0x57: {  	_ =	shalt  }
0x58: {  	_ =	shalt  }
0x59: {  	_ =	shalt  }
0x5a: {  	_ =	shalt  }
0x5b: {  	_ =	shalt  }
0x5c: {  	_ =	shalt  }
0x5d: {  	_ =	shalt  }
0x5e: {  	_ =	shalt  }
0x5f: {  	_ =	shalt  }
0x60: {  	_ =	shalt  }
0x61: {  	_ =	shalt  }
0x62: {  	_ =	shalt  }
0x63: {  	_ =	shalt  }
0x64: {  	_ =	shalt  }
0x65: {  	_ =	shalt  }
0x66: {  	_ =	shalt  }
0x67: {  	_ =	shalt  }
0x68: {  	_ =	shalt  }
0x69: {  	_ =	shalt  }
0x6a: {  	_ =	shalt  }
0x6b: {  	_ =	shalt  }
0x6c: {  	_ =	shalt  }
0x6d: {  	_ =	shalt  }
0x6e: {  	_ =	shalt  }
0x6f: {  	_ =	shalt  }
0x70: {  	_ =	shalt  }
0x71: {  	_ =	shalt  }
0x72: {  	_ =	shalt  }
0x73: {  	_ =	shalt  }
0x74: {  	_ =	shalt  }
0x75: {  	_ =	shalt  }
0x76: {  	_ =	shalt  }
0x77: {  	_ =	shalt  }
0x78: {  	_ =	shalt  }
0x79: {  	_ =	shalt  }
0x7a: {  	_ =	shalt  }
0x7b: {  	_ =	shalt  }
0x7c: {  	_ =	shalt  }
0x7d: {  	_ =	shalt  }
0x7e: {  	_ =	shalt  }
0x7f: {  	_ =	shalt  }
0x80: {  	_ =	shalt  }
0x81: {  	_ =	shalt  }
0x82: {  	_ =	shalt  }
0x83: {  	_ =	shalt  }
0x84: {  	_ =	shalt  }
0x85: {  	_ =	shalt  }
0x86: {  	_ =	shalt  }
0x87: {  	_ =	shalt  }
.Lfunc_end0:
.L_simem_size_0:
called_computation.5_lowered:
.L_overlay_start_0:
0x88: {  	s2 =	sld [smem:$0x3FD9]  }
0x89: {  	s3 =	sld [smem:$0x3FFE];
	_ =	sdelay $0x1  }
0x8a: {  	s1 =	srdreg.scid  }
0x8b: {  	s0 =	sand.u32 $0x1, s1  }
0x8c: {  	s16 =	sshll.u32 s0, $0xA;
	s2 =	sadd.s32 s3, s2  }
0x8d: {  	s2 =	sadd.s32 s2, s16  }
0x8e: {  	[smem:$0x3FA5] =	sst s2  }
0x8f: {  	_ = 	snop  }
0x90: {  	(tm) =	ssettm $0x1  }
0x91: {  	s17 =	sld [smem:$0x3FFB];
	_ =	sdelay $0x3  }
0x92: {  	_ =	strace s17  }
0x93: {  	s2 =	sld [smem:$0x3FFC];
	_ =	sdelay $0x3  }
0x94: {  	_ =	strace s2  }
0x95: {  	s2 =	sld [smem:$0x3FFD];
	_ =	sdelay $0x3  }
0x96: {  	_ =	strace s2  }
0x97: {  	_ =	strace $0x8FFFFFFF  }
0x98: {  	s18 =	sld [smem:$0x3FDB];
	_ =	sdelay $0x1  }
0x99: {  	s19 =	simm.s32 $_scs_section_size  }
0x9a: {  	s4 =	simm.s32 $_size__tile_overlayer_lowered;
	s5 =	simm.s32 $_tile_overlayer_lowered  }
0x9b: {  	s22 =	simm.s32 $0x1BFF;
	s21 =	sshll.u32 s5, $0x1;
	s2 =	sadd.s32 s19, s18  }
0x9c: {  	s6 =	simm.s32 $0x0;
	s20 =	sshll.u32 s4, $0x1;
	s4 =	sadd.s32 s21, s2  }
0x9d: {  	[timem:s6], [sflag:s22] =	dma.local [hbm:s4], s20  }
0x9e: {  	_ =	swait.ge [sflag:s22], s20  }
0x9f: {  	s3 =	ssub.s32 $0x0, s20;
	[sflag:s22] =	ssyncset.done $0x0  }
0xa0: {  	[sflag:s22] =	ssyncadd.s32 s3;
	_ =	sdelay $0x1  }
0xa1: {  	s23 =	simm.s32 $0x1B8B  }
0xa2: {  	_ =	swait.ge [sflag:s23], $0x1  }
0xa3: {  	[sflag:s23] =	ssyncset.done $0x0  }
0xa4: {  	s25 =	simm.s32 $0x1B8E;
	s24 =	sld [smem:$0x3FFE];
	[sflag:s23] =	ssyncadd.s32 $0xFFFFFFFF  }
0xa5: {  	s26 =	simm.s32 $execute0_lowered;
	[smem:$0x3FD2] =	sst s25  }
0xa6: {  	s4 =	sshll.u32 s26, $0x1;
	_ =	strace $0x80000055;
	[dreg:$0x1] =	wrdreg $0xFFFFFFFF  }
0xa7: {  	s28 =	simm.s32 $_size_execute0_lowered;
	s2 =	sadd.s32 s2, s4;
	[dreg:$0x0] =	wrdreg $0x0  }
0xa8: {  	s4 =	sshll.u32 s28, $0x1;
	[dreg:$0x2] =	wrdreg s2  }
0xa9: {  	[dreg:$0x3] =	wrdreg s4  }
0xaa: {  	[dreg:$0x4] =	wrdreg $0xC0  }
0xab: {  	_ =	task [dreg:s6], $0x5FFFF  }
0xac: {  	[dreg:$0x1] =	wrdreg $0xFFFFFFFF  }
0xad: {  	[dreg:$0x0] =	wrdreg $0x60  }
0xae: {  	[dreg:$0x2] =	wrdreg s24  }
0xaf: {  	[dreg:$0x3] =	wrdreg $0xCB200  }
0xb0: {  	[dreg:$0x4] =	wrdreg $0x9  }
0xb1: {  	_ =	task.clear_ibuf [dreg:s6], $0x5FFFF;
	_ =	strace $0x90000055  }
0xb2: {  	s29 =	simm.s32 $0x9;
	_ =	strace $0x80000057  }
0xb3: {  	_ =	swait.ge [sflag:s29], $0x1  }
0xb4: {  	[sflag:s29] =	ssyncadd.s32 $0xFFFFFFFF  }
0xb5: {  	_ =	strace $0x90000057  }
0xb6: {  	_ =	sfence  }
0xb7: {  	s30 =	sld [smem:$0x0];
	_ =	sdelay $0x2  }
0xb8: {  	s31 =	sshll.u32 s1, $0xD;
	s1 =	sshrl.u32 s1, $0x2  }
0xb9: {  	s3 =	sand.u32 $0x4000, s31;
	s1 =	sadd.s32 s1, s30  }
0xba: {  	s0 =	sor.u32 s3, s0;
	s1 =	sshll.u32 s1, $0x11  }
0xbb: {  	s0 =	sor.u32 s1, s0  }
0xbc: {  	s0 =	sadd.s32 $0x8F2B, s0  }
0xbd: {  	[sflag:s0] =	ssyncadd.remote.s32 $0x1  }
0xbe: {  	_ =	sfence.sel $0xFFFF  }
0xbf: {  	[dreg:$0x0] =	wrdreg $0xFFFFFFFF;
	(pc) =	sbr.abs _section_cstart, $3  }
0xc0: {  	[dreg:$0x1] =	wrdreg $0xFFFFFFFF  }
0xc1: {  	_ =	task.clear_ibuf [dreg:s6], $0x2FFFF;
	_ =	strace $0x9FFFFFFF  }
0xc2: {  	(tm) =	ssettm $0x7FFFFFFF  }
0xc3: {  	_ =	shalt  }
tec
execute0_lowered:
.L_overlay_start_1:
0x0: {  	(tag) =	ssettag $0x1  }
0x1: {  	s4 =	rddreg [dreg:$0x0]  }
0x2: {  	s2 =	rddreg [dreg:$0x1]  }
0x3: {  	s0 =	rddreg [dreg:$0x2];
	s1 =	stileid.u32  }
0x4: {  	s3 =	simm.s32 $0x0;
	s6 =	srdreg.scid;
	s18 =	simm.s32 $0x6720  }
0x5: {  	s19 =	simm.s32 $0x1;
	s20 =	simm.s32 $0x2;
	s21 =	simm.s32 $0x3  }
0x6: {  	s22 =	simm.s32 $0x4;
	s5 =	smul.u32 $0x9C40, s1;
	[smem:$0x7FF] =	sst s3  }
0x7: {  	s6 =	sand.u32 $0x1, s6;
	s7 =	smul.u32 $0x1388, s1;
	s12 =	sadd.s32 $0xA0A000, s4  }
0x8: {  	s13 =	sadd.s32 $0x3B600, s4;
	s11 =	sshll.u32 s1, $0x1;
	s26 =	smul.u32 $0x27100, s1  }
0x9: {  	s25 =	sshll.u32 s1, $0x6;
	s16 =	smul.u32 $0x4E20, s1;
	_ =	strace $0x80000056  }
0xa: {  	s10 =	smul.u32 $0x13880, s6;
	s9 =	ssub.s32 $0x2, s6;
	s24 =	sor.u32 s6, s11  }
0xb: {  	s17 =	smul.u32 $0x2710, s6;
	s8 =	sshrl.u32 s5, $0x3;
	s23 =	sshrl.u32 s9, $0x1  }
0xc: {  	s15 =	sadd.s32 s5, s2;
	s5 =	sor.u32 $0x1C05, s25;
	s11 =	sadd.s32 s26, s12  }
0xd: {  	s8 =	sadd.s32 s8, s4;
	s7 =	sadd.s32 s7, s10;
	s9 =	ssub.s32 s9, s23  }
0xe: {  	s29 =	sadd.s32 s17, s16;
	s10 =	sadd.s32 s10, s11;
	s16 =	simm.s32 $0x190  }
0xf: {  	s17 =	simm.s32 $0x320;
	s23 =	simm.s32 $0x0;
	s14 =	sadd.s32 s7, s4  }
0x10: {  	s7 =	smul.u32 $0x2710, s24;
	s4 =	sadd.s32 $0xA400, s8;
	s9 =	smax.u32 s9, $0x1  }
0x11: {  	s30 =	sshrl.u32 s29, $0x3;
	s8 =	sadd.s32 $0x45400, s14;
	s14 =	sadd.s32 $0x190, s29  }
0x12: {  	s11 =	sadd.s32 s30, s13;
	s7 =	sadd.s32 $0x2580, s7;
	s31 =	sshll.u32 s14, $0x3  }
0x13: {  	s14 =	sshrl.u32 s14, $0x3;
	s28 =	sshrl.u32 s7, $0x3;
	s7 =	sshll.u32 s7, $0x3  }
0x14: {  	s6 =	sadd.s32 s13, s28;
	s7 =	sadd.s32 s12, s7;
	s12 =	sadd.s32 s31, s12  }
0x15: {  	s13 =	sadd.s32 s14, s13;
	s14 =	sshrl.u32 s15, $0x3;
	s15 =	simm.s32 $0x5  }
.LBB2_1:
0x16: {  	[spmem:s14], [sflag:s5] =	dma.local [hbm:s4], $0x1388  }
0x17: {  	_ =	swait.ge [sflag:s15], $0x1388  }
0x18: {  	[sflag:s15] =	ssyncset.done $0x0  }
0x19: {  	[sflag:s15] =	ssyncadd.s32 $0xFFFFEC78  }
0x1a: {  	s24 =	sadd.s32 $0x0, s11;
	[bflag:$0x0] =	sbarrier.arrive $0xFFFF  }
0x1b: {  	[tilespmem:s3], [sflag:$0x5] =	stream.linear.gather [hbm4b:s24+s3], $0x190, $0x38;
	[tilespmem:$0x16760] =	vst v63  }
0x1c: {  	_ =	swait.ge [sflag:s15], $0x190  }
0x1d: {  	[sflag:s15] =	ssyncset.done $0x0  }
0x1e: {  	s31 =	sadd.s32 $0x0, s13;
	[sflag:s15] =	ssyncadd.s32 $0xFFFFFE70  }
0x1f: {  	[tilespmem:s16], [sflag:$0x5] =	stream.linear.gather [hbm4b:s31+s3], $0x190, $0x38;
	[tilespmem:$0x16760] =	vst v63  }
0x20: {  	_ =	swait.ge [sflag:s15], $0x190  }
0x21: {  	[sflag:s15] =	ssyncset.done $0x0  }
0x22: {  	[sflag:s15] =	ssyncadd.s32 $0xFFFFFE70  }
0x23: {  	[tilespmem:s17], [sflag:$0x1] =	stream.linear.gather [hbm4b:s10+s3], $0x6400, $0x38;
	[tilespmem:$0x16760] =	vst v63  }
0x24: {  	_ = 	snop  }
0x25: {  	[tilespmem:s18], [sflag:$0x2] =	stream.linear.gather [hbm4b:s12+s3], $0x6400, $0x38;
	[tilespmem:$0x16760] =	vst v63  }
0x26: {  	_ =	swait.ge [sflag:s19], $0x6400  }
0x27: {  	[sflag:s19] =	ssyncset.done $0x0  }
0x28: {  	[sflag:s19] =	ssyncadd.s32 $0xFFFF9C00  }
0x29: {  	[spmem:s2] =	stream.indirect.scatter.add.f32 [tilespmem:s17], [sflag:$0x3], $0x40, s3, s16, $0xb8;
	[tilespmem:$0x16760] =	vst v63  }
0x2a: {  	_ =	swait.ge [sflag:s20], $0x6400  }
0x2b: {  	[sflag:s20] =	ssyncset.done $0x0  }
0x2c: {  	[sflag:s20] =	ssyncadd.s32 $0xFFFF9C00  }
0x2d: {  	[spmem:s2] =	stream.indirect.scatter.add.f32 [tilespmem:s18], [sflag:$0x4], $0x40, s16, s16, $0xb8;
	[tilespmem:$0x16760] =	vst v63  }
0x2e: {  	_ =	swait.ge [sflag:s21], $0x6400  }
0x2f: {  	[sflag:s21] =	ssyncset.done $0x0  }
0x30: {  	[sflag:s21] =	ssyncadd.s32 $0xFFFF9C00  }
0x31: {  	s26 =	simm.s32 $0x64;
	s28 =	simm.s32 $0xC8;
	_ =	swait.ge [sflag:s22], $0x6400  }
0x32: {  	s25 =	sadd.s32 $0x1900, s12;
	s24 =	sadd.s32 $0x1900, s10;
	[sflag:s22] =	ssyncset.done $0x0  }
.LBB2_2:
0x33: {  	s29 =	sadd.s32 s26, s11  }
0x34: {  	[sflag:s22] =	ssyncadd.s32 $0xFFFF9C00;
	s30 =	smov.u32 s28;
	s31 =	sadd.s32 $0x64, s28  }
0x35: {  	[tilespmem:s3], [sflag:$0x5] =	stream.linear.gather [hbm4b:s29+s3], $0x190, $0x38;
	[tilespmem:$0x16760] =	vst v63  }
0x36: {  	p0 =	sne.s32 s28, $0x44C;
	_ =	swait.ge [sflag:s15], $0x190  }
0x37: {  	[sflag:s15] =	ssyncset.done $0x0  }
0x38: {  	s28 =	sadd.s32 s26, s13;
	s26 =	smov.u32 s30;
	[sflag:s15] =	ssyncadd.s32 $0xFFFFFE70  }
0x39: {  	[tilespmem:s16], [sflag:$0x5] =	stream.linear.gather [hbm4b:s28+s3], $0x190, $0x38;
	[tilespmem:$0x16760] =	vst v63  }
0x3a: {  	_ =	swait.ge [sflag:s15], $0x190  }
0x3b: {  	[sflag:s15] =	ssyncset.done $0x0  }
0x3c: {  	[sflag:s15] =	ssyncadd.s32 $0xFFFFFE70  }
0x3d: {  	[tilespmem:s17], [sflag:$0x1] =	stream.linear.gather [hbm4b:s24+s3], $0x6400, $0x38;
	[tilespmem:$0x16760] =	vst v63  }
0x3e: {  	_ = 	snop  }
0x3f: {  	[tilespmem:s18], [sflag:$0x2] =	stream.linear.gather [hbm4b:s25+s3], $0x6400, $0x38;
	[tilespmem:$0x16760] =	vst v63  }
0x40: {  	_ =	swait.ge [sflag:s19], $0x6400  }
0x41: {  	[sflag:s19] =	ssyncset.done $0x0  }
0x42: {  	[sflag:s19] =	ssyncadd.s32 $0xFFFF9C00  }
0x43: {  	[spmem:s2] =	stream.indirect.scatter.add.f32 [tilespmem:s17], [sflag:$0x3], $0x40, s3, s16, $0xb8;
	[tilespmem:$0x16760] =	vst v63  }
0x44: {  	_ =	swait.ge [sflag:s20], $0x6400  }
0x45: {  	[sflag:s20] =	ssyncset.done $0x0  }
0x46: {  	[sflag:s20] =	ssyncadd.s32 $0xFFFF9C00  }
0x47: {  	[spmem:s2] =	stream.indirect.scatter.add.f32 [tilespmem:s18], [sflag:$0x4], $0x40, s16, s16, $0xb8;
	[tilespmem:$0x16760] =	vst v63  }
.Ltmp0:
0x48: {  	_ =	swait.ge [sflag:s21], $0x6400;
	(pc) =	sbr.rel @p0 .LBB2_2-.Ltmp0, $4  }
0x49: {  	[sflag:s21] =	ssyncset.done $0x0  }
0x4a: {  	[sflag:s21] =	ssyncadd.s32 $0xFFFF9C00  }
0x4b: {  	s28 =	smov.u32 s31;
	_ =	swait.ge [sflag:s22], $0x6400  }
0x4c: {  	s24 =	sadd.s32 $0x1900, s24;
	s25 =	sadd.s32 $0x1900, s25;
	[sflag:s22] =	ssyncset.done $0x0  }
0x4d: {  	s28 =	sadd.s32 s26, s11;
	[sflag:s22] =	ssyncadd.s32 $0xFFFF9C00  }
0x4e: {  	[tilespmem:s3], [sflag:$0x5] =	stream.linear.gather [hbm4b:s28+s3], $0x190, $0x38;
	[tilespmem:$0x16760] =	vst v63  }
0x4f: {  	_ =	swait.ge [sflag:s15], $0x190  }
0x50: {  	[sflag:s15] =	ssyncset.done $0x0  }
0x51: {  	s31 =	sadd.s32 s26, s13;
	[sflag:s15] =	ssyncadd.s32 $0xFFFFFE70  }
0x52: {  	[tilespmem:s16], [sflag:$0x5] =	stream.linear.gather [hbm4b:s31+s3], $0x190, $0x38;
	[tilespmem:$0x16760] =	vst v63  }
0x53: {  	_ =	swait.ge [sflag:s15], $0x190  }
0x54: {  	[sflag:s15] =	ssyncset.done $0x0  }
0x55: {  	[sflag:s15] =	ssyncadd.s32 $0xFFFFFE70  }
0x56: {  	[tilespmem:s17], [sflag:$0x1] =	stream.linear.gather [hbm4b:s24+s3], $0x6400, $0x38;
	[tilespmem:$0x16760] =	vst v63  }
0x57: {  	_ = 	snop  }
0x58: {  	[tilespmem:s18], [sflag:$0x2] =	stream.linear.gather [hbm4b:s25+s3], $0x6400, $0x38;
	[tilespmem:$0x16760] =	vst v63  }
0x59: {  	_ =	swait.ge [sflag:s19], $0x6400  }
0x5a: {  	[sflag:s19] =	ssyncset.done $0x0  }
0x5b: {  	[sflag:s19] =	ssyncadd.s32 $0xFFFF9C00  }
0x5c: {  	[spmem:s2] =	stream.indirect.scatter.add.f32 [tilespmem:s17], [sflag:$0x3], $0x40, s3, s16, $0xb8;
	[tilespmem:$0x16760] =	vst v63  }
0x5d: {  	_ =	swait.ge [sflag:s20], $0x6400  }
0x5e: {  	[sflag:s20] =	ssyncset.done $0x0  }
0x5f: {  	[sflag:s20] =	ssyncadd.s32 $0xFFFF9C00  }
0x60: {  	[spmem:s2] =	stream.indirect.scatter.add.f32 [tilespmem:s18], [sflag:$0x4], $0x40, s16, s16, $0xb8;
	[tilespmem:$0x16760] =	vst v63  }
0x61: {  	_ =	swait.ge [sflag:s21], $0x6400  }
0x62: {  	[sflag:s21] =	ssyncset.done $0x0  }
0x63: {  	[sflag:s21] =	ssyncadd.s32 $0xFFFF9C00  }
0x64: {  	_ =	swait.ge [sflag:s22], $0x6400  }
0x65: {  	[sflag:s22] =	ssyncset.done $0x0  }
0x66: {  	[sflag:s22] =	ssyncadd.s32 $0xFFFF9C00  }
0x67: {  	[tilespmem:s3], [sflag:$0x5] =	stream.linear.gather [hbm4b:s6+s3], $0x190, $0x38;
	[tilespmem:$0x16760] =	vst v63  }
0x68: {  	_ =	swait.ge [sflag:s15], $0x190  }
0x69: {  	[sflag:s15] =	ssyncset.done $0x0  }
0x6a: {  	[sflag:s15] =	ssyncadd.s32 $0xFFFFFE70  }
0x6b: {  	[tilespmem:s17], [sflag:$0x5] =	stream.linear.gather [hbm4b:s7+s3], $0x6400, $0x38;
	[tilespmem:$0x16760] =	vst v63  }
0x6c: {  	_ =	swait.ge [sflag:s15], $0x6400  }
0x6d: {  	[sflag:s15] =	ssyncset.done $0x0  }
0x6e: {  	[sflag:s15] =	ssyncadd.s32 $0xFFFF9C00  }
0x6f: {  	[spmem:s2] =	stream.indirect.scatter.add.f32 [tilespmem:s17], [sflag:$0x5], $0x40, s3, s16, $0xb8;
	[tilespmem:$0x16760] =	vst v63  }
0x70: {  	_ =	swait.ge [sflag:s15], $0x6400  }
0x71: {  	s23 =	sadd.s32 $0x1, s23;
	[sflag:s15] =	ssyncset.done $0x0  }
0x72: {  	p0 =	sne.s32 s23, s9;
	[sflag:s15] =	ssyncadd.s32 $0xFFFF9C00  }
.Ltmp1:
0x73: {  	[bflag:$0x0] =	sbarrier.arrive $0xFFFF;
	(pc) =	sbr.rel @p0 .LBB2_1-.Ltmp1, $4  }
0x74: {  	[hbm:s8], [sflag:s5] =	dma.local [spmem:s14], $0x1388  }
0x75: {  	_ =	swait.ge [sflag:s15], $0x1388  }
0x76: {  	[sflag:s15] =	ssyncset.done $0x0  }
0x77: {  	[sflag:s15] =	ssyncadd.s32 $0xFFFFEC78  }
0x78: {  	_ =	sfence.sel $0x180000  }
0x79: {  	[bflag:$0x0] =	sbarrier.arrive $0xFFFF  }
0x7a: {  	p0 =	sne.s32 s1, $0x0;
	_ =	strace $0x90000056  }
0x7b: {  	s0 =	sadd.s32 @!p0 $0x100000, s0;
	[bflag:$0x2] =	sbarrier.arrive $0xFFFF  }
0x7c: {  	[sflag:s0] =	ssyncadd.tile.s32 @!p0 $0x1;
	_ =	shalt  }
.Lfunc_end2:
_tile_overlayer_lowered:
.L_overlay_start_2:
0x7d: {  	(tag) =	ssettag $0x2  }
0x7e: {  	s0 =	rddreg [dreg:$0x0];
	s2 =	stileid.u32  }
0x7f: {  	s1 =	rddreg [dreg:$0x1];
	p0 =	sne.s32 s2, $0x0  }
0x80: {  	s3 =	rddreg [dreg:$0x2];
	[bflag:$0x3] =	sbarrier.arrive $0xFFFF;
	s2 =	simm.s32 @!p0 $0x1C05  }
0x81: {  	[timem:s3], [sflag:s2] =	dma.local @!p0 [hbm:s0], s1  }
0x82: {  	s0 =	simm.s32 @!p0 $0x5  }
0x83: {  	_ =	swait.ge @!p0 [sflag:s0], s1  }
0x84: {  	s1 =	ssub.s32 @!p0 $0x0, s1;
	[sflag:s0] =	ssyncset.done @!p0 $0x0  }
0x85: {  	[sflag:s0] =	ssyncadd.s32 @!p0 s1  }
0x86: {  	[bflag:$0x3] =	sbarrier.arrive $0xFFFF  }
0x87: {  	_ =	shalt  }

// kernel: kernel.36.cloned.1.call-start
scs
__scs_entry_jumppad:
0x0: {  	(pc) =	sbr.rel $0x88, $3  }
0x1: {  	(tag) =	ssettag $0x0;
	lr =	simm.s32 $0x1  }
0x2: {  	[smem:$0x3F7E] =	sst lr;
	_ =	strace $0xD0000000  }
0x3: {  	_ = 	snop  }
0x4: {  	_ = 	snop  }
0x5: {  	_ = 	snop  }
0x6: {  	_ = 	snop  }
0x7: {  	_ = 	snop  }
__scs_overlays_trampoline_lowered:
0x8: {  	[smem:$0x3F8D] =	sst s0  }
0x9: {  	[smem:$0x3F8E] =	sst s1  }
0xa: {  	[smem:$0x3F8F] =	sst s2  }
0xb: {  	[smem:$0x3F90] =	sst s3  }
0xc: {  	[smem:$0x3F91] =	sst s4  }
0xd: {  	[smem:$0x3F92] =	sst s5  }
0xe: {  	[smem:$0x3F93] =	sst s6  }
0xf: {  	[smem:$0x3F94] =	sst s7  }
0x10: {  	[smem:$0x3F95] =	sst s8  }
0x11: {  	[smem:$0x3F96] =	sst s9;
	s0 =	simm.s32 @!p0 $0x0  }
0x12: {  	s1 =	sld [smem:$0x3F7C];
	s0 =	simm.s32 @p0 $0x1  }
0x13: {  	[smem:$0x3F97] =	sst s0;
	s0 =	simm.s32 @!p1 $0x0  }
0x14: {  	s2 =	sld [smem:$0x3F7B];
	s0 =	simm.s32 @p1 $0x1  }
0x15: {  	[smem:$0x3F98] =	sst s0;
	s0 =	simm.s32 @!p2 $0x0  }
0x16: {  	s3 =	sld [smem:$0x3FDB];
	s0 =	simm.s32 @p2 $0x1  }
0x17: {  	s4 =	simm.s32 $0x1BF5;
	[smem:$0x3F9A] =	sst s0  }
0x18: {  	s0 =	sld [smem:$0x3F7D];
	_ =	swait.ge [sflag:s4], $0x0  }
0x19: {  	s7 =	sld [smem:$0x3F7E]  }
0x1a: {  	s8 =	sadd.s32 $0xFFFFE003, lr  }
0x1b: {  	s9 =	sadd.s32 $0xFFFFFEF7, lr;
	s5 =	simm.s32 $0xFFFFFFFF;
	p2 =	slt.u32 s8, $0xFFFFF086  }
0x1c: {  	p1 =	slt.u32 s9, $0xF7A;
	s5 =	simm.s32 @!p2 $0x0  }
0x1d: {  	s5 =	simm.s32 @p1 $0x1;
	p0 =	seq.s32 s7, s2  }
0x1e: {  	s7 =	smul.u32 @!p0 $0xF7A, s2;
	p2 =	seq.s32 @!p0 s5, $0x0  }
0x1f: {  	s9 =	smul.u32 $0xF7A, s1;
	s8 =	simm.s32 @!p0 $0x1BF5;
	p2 =	por !p2, p0  }
0x20: {  	[sflag:s8] =	ssyncset.s32 @!p0 $0xFFFFF086;
	s6 =	sadd.s32 @!p0 s3, s7;
	s7 =	simm.s32 @!p0 $0x108  }
0x21: {  	s3 =	sadd.s32 s3, s9;
	s6 =	sadd.s32 @!p0 $0x88, s6;
	s7 =	simm.s32 @p2 $0x1082  }
0x22: {  	[simem:s7], [sflag:s8] =	dma.local @!p0 [hbm:s6], $0xF7A  }
0x23: {  	s9 =	sor.u32 $0xD0000000, s2;
	s6 =	simm.s32 $0x108;
	_ =	swait.ge @!p0 [sflag:s8], $0x0  }
0x24: {  	s3 =	sadd.s32 $0x88, s3;
	s6 =	simm.s32 @!p1 $0x1082;
	[sflag:s4] =	ssyncset.s32 $0xFFFFF086  }
0x25: {  	[simem:s6], [sflag:s4] =	dma.local [hbm:s3], $0xF7A  }
0x26: {  	[smem:$0x3F7E] =	sst s1;
	(tag) =	ssettag s2;
	_ =	strace s9  }
0x27: {  	s1 =	sld [smem:$0x3F8E]  }
0x28: {  	s2 =	sld [smem:$0x3F8F]  }
0x29: {  	s4 =	sld [smem:$0x3F91]  }
0x2a: {  	p0 =	seq.s32 s5, $0x0;
	s5 =	sld [smem:$0x3F92]  }
0x2b: {  	s6 =	sld [smem:$0x3F93]  }
0x2c: {  	s7 =	sld [smem:$0x3F94]  }
0x2d: {  	s3 =	simm.s32 $0x108;
	s8 =	sld [smem:$0x3F95]  }
0x2e: {  	s3 =	simm.s32 @!p0 $0x1082;
	s9 =	sld [smem:$0x3F96]  }
0x2f: {  	lr =	sadd.s32 s0, s3;
	s0 =	sld [smem:$0x3F8D]  }
0x30: {  	s3 =	sld [smem:$0x3F90]  }
0x31: {  	[smem:$0x3F99] =	sst s10  }
0x32: {  	s10 =	sld [smem:$0x3F97];
	_ =	sdelay $0x3  }
0x33: {  	p0 =	seq.s32 s10, $0x1;
	s10 =	sld [smem:$0x3F99];
	_ =	sdelay $0x3  }
0x34: {  	[smem:$0x3F99] =	sst s10  }
0x35: {  	s10 =	sld [smem:$0x3F98];
	_ =	sdelay $0x3  }
0x36: {  	p1 =	seq.s32 s10, $0x1;
	s10 =	sld [smem:$0x3F99];
	_ =	sdelay $0x3  }
0x37: {  	[smem:$0x3F99] =	sst s10  }
0x38: {  	s10 =	sld [smem:$0x3F9A]  }
0x39: {  	_ = 	snop;
	(pc) =	sbr.ind lr, $3  }
0x3a: {  	_ = 	snop  }
0x3b: {  	_ = 	snop  }
0x3c: {  	p2 =	seq.s32 s10, $0x1;
	s10 =	sld [smem:$0x3F99]  }
0x3d: {  	_ =	shalt  }
0x3e: {  	_ =	shalt  }
0x3f: {  	_ =	shalt  }
0x40: {  	_ =	shalt  }
0x41: {  	_ =	shalt  }
0x42: {  	_ =	shalt  }
0x43: {  	_ =	shalt  }
0x44: {  	_ =	shalt  }
0x45: {  	_ =	shalt  }
0x46: {  	_ =	shalt  }
0x47: {  	_ =	shalt  }
0x48: {  	_ =	shalt  }
0x49: {  	_ =	shalt  }
0x4a: {  	_ =	shalt  }
0x4b: {  	_ =	shalt  }
0x4c: {  	_ =	shalt  }
0x4d: {  	_ =	shalt  }
0x4e: {  	_ =	shalt  }
0x4f: {  	_ =	shalt  }
0x50: {  	_ =	shalt  }
0x51: {  	_ =	shalt  }
0x52: {  	_ =	shalt  }
0x53: {  	_ =	shalt  }
0x54: {  	_ =	shalt  }
0x55: {  	_ =	shalt  }
0x56: {  	_ =	shalt  }
0x57: {  	_ =	shalt  }
0x58: {  	_ =	shalt  }
0x59: {  	_ =	shalt  }
0x5a: {  	_ =	shalt  }
0x5b: {  	_ =	shalt  }
0x5c: {  	_ =	shalt  }
0x5d: {  	_ =	shalt  }
0x5e: {  	_ =	shalt  }
0x5f: {  	_ =	shalt  }
0x60: {  	_ =	shalt  }
0x61: {  	_ =	shalt  }
0x62: {  	_ =	shalt  }
0x63: {  	_ =	shalt  }
0x64: {  	_ =	shalt  }
0x65: {  	_ =	shalt  }
0x66: {  	_ =	shalt  }
0x67: {  	_ =	shalt  }
0x68: {  	_ =	shalt  }
0x69: {  	_ =	shalt  }
0x6a: {  	_ =	shalt  }
0x6b: {  	_ =	shalt  }
0x6c: {  	_ =	shalt  }
0x6d: {  	_ =	shalt  }
0x6e: {  	_ =	shalt  }
0x6f: {  	_ =	shalt  }
0x70: {  	_ =	shalt  }
0x71: {  	_ =	shalt  }
0x72: {  	_ =	shalt  }
0x73: {  	_ =	shalt  }
0x74: {  	_ =	shalt  }
0x75: {  	_ =	shalt  }
0x76: {  	_ =	shalt  }
0x77: {  	_ =	shalt  }
0x78: {  	_ =	shalt  }
0x79: {  	_ =	shalt  }
0x7a: {  	_ =	shalt  }
0x7b: {  	_ =	shalt  }
0x7c: {  	_ =	shalt  }
0x7d: {  	_ =	shalt  }
0x7e: {  	_ =	shalt  }
0x7f: {  	_ =	shalt  }
0x80: {  	_ =	shalt  }
0x81: {  	_ =	shalt  }
0x82: {  	_ =	shalt  }
0x83: {  	_ =	shalt  }
0x84: {  	_ =	shalt  }
0x85: {  	_ =	shalt  }
0x86: {  	_ =	shalt  }
0x87: {  	_ =	shalt  }
.Lfunc_end0:
.L_simem_size_0:
called_computation.6_lowered:
.L_overlay_start_0:
0x88: {  	s2 =	sld [smem:$0x3FD9]  }
0x89: {  	s3 =	sld [smem:$0x3FFE];
	_ =	sdelay $0x1  }
0x8a: {  	s1 =	srdreg.scid  }
0x8b: {  	s0 =	sand.u32 $0x1, s1  }
0x8c: {  	s16 =	sshll.u32 s0, $0xA;
	s2 =	sadd.s32 s3, s2  }
0x8d: {  	s2 =	sadd.s32 s2, s16  }
0x8e: {  	[smem:$0x3FA5] =	sst s2  }
0x8f: {  	_ = 	snop  }
0x90: {  	(tm) =	ssettm $0x1  }
0x91: {  	s17 =	sld [smem:$0x3FFB];
	_ =	sdelay $0x3  }
0x92: {  	_ =	strace s17  }
0x93: {  	s2 =	sld [smem:$0x3FFC];
	_ =	sdelay $0x3  }
0x94: {  	_ =	strace s2  }
0x95: {  	s2 =	sld [smem:$0x3FFD];
	_ =	sdelay $0x3  }
0x96: {  	_ =	strace s2  }
0x97: {  	_ =	strace $0x8FFFFFFF  }
0x98: {  	s18 =	sld [smem:$0x3FDB];
	_ =	sdelay $0x1  }
0x99: {  	s19 =	simm.s32 $_scs_section_size  }
0x9a: {  	s4 =	simm.s32 $_size__tile_overlayer_lowered;
	s5 =	simm.s32 $_tile_overlayer_lowered  }
0x9b: {  	s22 =	simm.s32 $0x1BFF;
	s21 =	sshll.u32 s5, $0x1;
	s2 =	sadd.s32 s19, s18  }
0x9c: {  	s6 =	simm.s32 $0x0;
	s20 =	sshll.u32 s4, $0x1;
	s4 =	sadd.s32 s21, s2  }
0x9d: {  	[timem:s6], [sflag:s22] =	dma.local [hbm:s4], s20  }
0x9e: {  	_ =	swait.ge [sflag:s22], s20  }
0x9f: {  	s3 =	ssub.s32 $0x0, s20;
	[sflag:s22] =	ssyncset.done $0x0  }
0xa0: {  	[sflag:s22] =	ssyncadd.s32 s3;
	_ =	sdelay $0x1  }
0xa1: {  	s23 =	simm.s32 $0x1B8B  }
0xa2: {  	_ =	swait.ge [sflag:s23], $0x1  }
0xa3: {  	[sflag:s23] =	ssyncset.done $0x0  }
0xa4: {  	s25 =	simm.s32 $0x1B8E;
	s24 =	sld [smem:$0x3FFE];
	[sflag:s23] =	ssyncadd.s32 $0xFFFFFFFF  }
0xa5: {  	s26 =	simm.s32 $execute0_lowered;
	[smem:$0x3FD2] =	sst s25  }
0xa6: {  	s4 =	sshll.u32 s26, $0x1;
	_ =	strace $0x80000058;
	[dreg:$0x1] =	wrdreg $0xFFFFFFFF  }
0xa7: {  	s28 =	simm.s32 $_size_execute0_lowered;
	s2 =	sadd.s32 s2, s4;
	[dreg:$0x0] =	wrdreg $0x0  }
0xa8: {  	s4 =	sshll.u32 s28, $0x1;
	[dreg:$0x2] =	wrdreg s2  }
0xa9: {  	[dreg:$0x3] =	wrdreg s4  }
0xaa: {  	[dreg:$0x4] =	wrdreg $0xC0  }
0xab: {  	_ =	task [dreg:s6], $0x5FFFF  }
0xac: {  	[dreg:$0x1] =	wrdreg $0xFFFFFFFF  }
0xad: {  	[dreg:$0x0] =	wrdreg $0x60  }
0xae: {  	[dreg:$0x2] =	wrdreg s24  }
0xaf: {  	[dreg:$0x3] =	wrdreg $0x9  }
0xb0: {  	_ =	task.clear_ibuf [dreg:s6], $0x4FFFF;
	_ =	strace $0x90000058  }
0xb1: {  	s29 =	simm.s32 $0x9;
	_ =	strace $0x8000005A  }
0xb2: {  	_ =	swait.ge [sflag:s29], $0x1  }
0xb3: {  	[sflag:s29] =	ssyncadd.s32 $0xFFFFFFFF  }
0xb4: {  	_ =	strace $0x9000005A  }
0xb5: {  	_ =	sfence  }
0xb6: {  	s30 =	sld [smem:$0x0];
	_ =	sdelay $0x2  }
0xb7: {  	s31 =	sshll.u32 s1, $0xD;
	s1 =	sshrl.u32 s1, $0x2  }
0xb8: {  	s3 =	sand.u32 $0x4000, s31;
	s1 =	sadd.s32 s1, s30  }
0xb9: {  	s0 =	sor.u32 s3, s0;
	s1 =	sshll.u32 s1, $0x11  }
0xba: {  	s0 =	sor.u32 s1, s0  }
0xbb: {  	s0 =	sadd.s32 $0x8F2B, s0  }
0xbc: {  	[sflag:s0] =	ssyncadd.remote.s32 $0x1  }
0xbd: {  	_ =	sfence.sel $0xFFFF  }
0xbe: {  	[dreg:$0x0] =	wrdreg $0xFFFFFFFF;
	(pc) =	sbr.abs _section_cstart, $3  }
0xbf: {  	[dreg:$0x1] =	wrdreg $0xFFFFFFFF  }
0xc0: {  	_ =	task.clear_ibuf [dreg:s6], $0x2FFFF;
	_ =	strace $0x9FFFFFFF  }
0xc1: {  	(tm) =	ssettm $0x7FFFFFFF  }
tec
execute0_lowered:
.L_overlay_start_1:
0x0: {  	(tag) =	ssettag $0x1  }
0x1: {  	s0 =	rddreg [dreg:$0x0];
	s2 =	simm.s32 $0x0  }
0x2: {  	s1 =	srdreg.scid;
	s12 =	stileid.u32;
	s16 =	simm.s32 $0x190  }
0x3: {  	s17 =	simm.s32 $0x320;
	s18 =	simm.s32 $0x4B0;
	s19 =	simm.s32 $0x640  }
0x4: {  	s20 =	simm.s32 $0x6A40;
	s21 =	simm.s32 $0x1;
	s28 =	simm.s32 $0x0  }
0x5: {  	[smem:$0x7FF] =	sst s2;
	s1 =	sand.u32 $0x1, s1;
	s3 =	sshll.u32 s12, $0x1  }
0x6: {  	s4 =	sadd.s32 $0x45400, s0;
	s14 =	sadd.s32 $0x3B600, s0;
	s10 =	smul.u32 $0x4E20, s12  }
0x7: {  	s13 =	sadd.s32 $0x31800, s0;
	s12 =	smul.u32 $0x27100, s12;
	_ =	strace $0x80000059  }
0x8: {  	s5 =	sor.u32 s1, s3;
	s3 =	sadd.s32 $0x93800, s0;
	s11 =	smul.u32 $0x2710, s1  }
0x9: {  	s6 =	ssub.s32 $0x2, s1;
	s0 =	sadd.s32 $0x528000, s0;
	s5 =	smul.u32 $0x2710, s5  }
0xa: {  	s1 =	smul.u32 $0x13880, s1;
	s7 =	sshrl.u32 s6, $0x1;
	s29 =	sadd.s32 s12, s0  }
0xb: {  	s9 =	ssub.s32 s6, s7;
	s26 =	sadd.s32 s11, s10;
	s8 =	sadd.s32 $0x2580, s5  }
0xc: {  	s11 =	sshrl.u32 s26, $0x3;
	s15 =	sadd.s32 $0x190, s26;
	s26 =	simm.s32 $0x6  }
0xd: {  	s22 =	sshrl.u32 s8, $0x3;
	s24 =	sshll.u32 s8, $0x3;
	s8 =	smax.u32 s9, $0x1  }
0xe: {  	s9 =	sadd.s32 s1, s29;
	s10 =	sadd.s32 s11, s13;
	s30 =	sshll.u32 s15, $0x3  }
0xf: {  	s11 =	sadd.s32 s11, s14;
	s31 =	sshrl.u32 s15, $0x3;
	s15 =	simm.s32 $0x7  }
0x10: {  	s23 =	sadd.s32 s14, s22;
	s25 =	sadd.s32 s13, s22;
	s7 =	sadd.s32 s0, s24  }
0x11: {  	s12 =	sadd.s32 s30, s0;
	s13 =	sadd.s32 s31, s13;
	s14 =	sadd.s32 s31, s14  }
0x12: {  	s22 =	simm.s32 $0x2;
	s24 =	simm.s32 $0x4;
	[dreg:$0x2] =	wrdreg s23  }
0x13: {  	[dreg:$0x3] =	wrdreg s25;
	s23 =	simm.s32 $0x3;
	s25 =	simm.s32 $0x5  }
.LBB2_1:
0x14: {  	s0 =	sadd.s32 $0x0, s11  }
0x15: {  	[tilespmem:s2], [sflag:$0x7] =	stream.linear.gather [hbm4b:s0+s2], $0x190, $0x38;
	[tilespmem:$0xCE40] =	vst v63  }
0x16: {  	_ =	swait.ge [sflag:s15], $0x190  }
0x17: {  	[sflag:s15] =	ssyncset.done $0x0  }
0x18: {  	s1 =	sadd.s32 $0x0, s10;
	[sflag:s15] =	ssyncadd.s32 $0xFFFFFE70  }
0x19: {  	[tilespmem:s16], [sflag:$0x7] =	stream.linear.gather [hbm4b:s1+s2], $0x190, $0x38;
	[tilespmem:$0xCE40] =	vst v63  }
0x1a: {  	_ =	swait.ge [sflag:s15], $0x190  }
0x1b: {  	[sflag:s15] =	ssyncset.done $0x0  }
0x1c: {  	s5 =	sadd.s32 $0x0, s14;
	[sflag:s15] =	ssyncadd.s32 $0xFFFFFE70  }
0x1d: {  	[tilespmem:s17], [sflag:$0x7] =	stream.linear.gather [hbm4b:s5+s2], $0x190, $0x38;
	[tilespmem:$0xCE40] =	vst v63  }
0x1e: {  	_ =	swait.ge [sflag:s15], $0x190  }
0x1f: {  	[sflag:s15] =	ssyncset.done $0x0  }
0x20: {  	s6 =	sadd.s32 $0x0, s13;
	[sflag:s15] =	ssyncadd.s32 $0xFFFFFE70  }
0x21: {  	[tilespmem:s18], [sflag:$0x7] =	stream.linear.gather [hbm4b:s6+s2], $0x190, $0x38;
	[tilespmem:$0xCE40] =	vst v63  }
0x22: {  	_ =	swait.ge [sflag:s15], $0x190  }
0x23: {  	[sflag:s15] =	ssyncset.done $0x0  }
0x24: {  	[sflag:s15] =	ssyncadd.s32 $0xFFFFFE70  }
0x25: {  	[tilespmem:s19], [sflag:$0x1] =	stream.indirect.gather [hbm4b:s3+s16], $0x40, s2, s16, $0xb8;
	[tilespmem:$0xCE40] =	vst v63  }
0x26: {  	_ = 	snop  }
0x27: {  	[tilespmem:s20], [sflag:$0x2] =	stream.indirect.gather [hbm4b:s3+s16], $0x40, s17, s16, $0xb8;
	[tilespmem:$0xCE40] =	vst v63  }
0x28: {  	_ =	swait.ge [sflag:s21], $0x6400  }
0x29: {  	[sflag:s21] =	ssyncset.done $0x0  }
0x2a: {  	[sflag:s21] =	ssyncadd.s32 $0xFFFF9C00  }
0x2b: {  	[tilespmem:s19], [sflag:$0x3] =	stream.indirect.gather.add.f32 [hbm:s4], $0x40, s16, s16, $0xb8;
	[tilespmem:$0xCE40] =	vst v63  }
0x2c: {  	_ =	swait.ge [sflag:s22], $0x6400  }
0x2d: {  	[sflag:s22] =	ssyncset.done $0x0  }
0x2e: {  	[sflag:s22] =	ssyncadd.s32 $0xFFFF9C00  }
0x2f: {  	[tilespmem:s20], [sflag:$0x4] =	stream.indirect.gather.add.f32 [hbm:s4], $0x40, s18, s16, $0xb8;
	[tilespmem:$0xCE40] =	vst v63  }
0x30: {  	_ =	swait.ge [sflag:s23], $0x6400  }
0x31: {  	[sflag:s23] =	ssyncset.done $0x0  }
0x32: {  	[sflag:s23] =	ssyncadd.s32 $0xFFFF9C00  }
0x33: {  	[hbm4b:s9+s2] =	stream.linear.scatter [tilespmem:s19], [sflag:$0x5], $0x6400, $0x38;
	[tilespmem:$0xCE40] =	vst v63  }
0x34: {  	_ =	swait.ge [sflag:s24], $0x6400  }
0x35: {  	[sflag:s24] =	ssyncset.done $0x0  }
0x36: {  	[sflag:s24] =	ssyncadd.s32 $0xFFFF9C00  }
0x37: {  	[hbm4b:s12+s2] =	stream.linear.scatter [tilespmem:s20], [sflag:$0x6], $0x6400, $0x38;
	[tilespmem:$0xCE40] =	vst v63  }
0x38: {  	_ =	swait.ge [sflag:s25], $0x6400  }
0x39: {  	[sflag:s25] =	ssyncset.done $0x0  }
0x3a: {  	[sflag:s25] =	ssyncadd.s32 $0xFFFF9C00  }
0x3b: {  	s31 =	simm.s32 $0x64;
	s30 =	sadd.s32 $0x1900, s9;
	_ =	swait.ge [sflag:s26], $0x6400  }
0x3c: {  	s29 =	sadd.s32 $0x1900, s12;
	s0 =	simm.s32 $0xC8;
	[sflag:s26] =	ssyncset.done $0x0  }
.LBB2_2:
0x3d: {  	s5 =	sadd.s32 s31, s11  }
0x3e: {  	[sflag:s26] =	ssyncadd.s32 $0xFFFF9C00;
	s6 =	smov.u32 s0;
	s1 =	sadd.s32 $0x64, s0  }
0x3f: {  	[tilespmem:s2], [sflag:$0x7] =	stream.linear.gather [hbm4b:s5+s2], $0x190, $0x38;
	[tilespmem:$0xCE40] =	vst v63  }
0x40: {  	p0 =	sne.s32 s0, $0x44C;
	_ =	swait.ge [sflag:s15], $0x190  }
0x41: {  	[sflag:s15] =	ssyncset.done $0x0  }
0x42: {  	s0 =	sadd.s32 s31, s10;
	[sflag:s15] =	ssyncadd.s32 $0xFFFFFE70  }
0x43: {  	[tilespmem:s16], [sflag:$0x7] =	stream.linear.gather [hbm4b:s0+s2], $0x190, $0x38;
	[tilespmem:$0xCE40] =	vst v63  }
0x44: {  	_ =	swait.ge [sflag:s15], $0x190  }
0x45: {  	[sflag:s15] =	ssyncset.done $0x0  }
0x46: {  	s0 =	sadd.s32 s31, s14;
	[sflag:s15] =	ssyncadd.s32 $0xFFFFFE70  }
0x47: {  	[tilespmem:s17], [sflag:$0x7] =	stream.linear.gather [hbm4b:s0+s2], $0x190, $0x38;
	[tilespmem:$0xCE40] =	vst v63  }
0x48: {  	_ =	swait.ge [sflag:s15], $0x190  }
0x49: {  	[sflag:s15] =	ssyncset.done $0x0  }
0x4a: {  	s0 =	sadd.s32 s31, s13;
	s31 =	smov.u32 s6;
	[sflag:s15] =	ssyncadd.s32 $0xFFFFFE70  }
0x4b: {  	[tilespmem:s18], [sflag:$0x7] =	stream.linear.gather [hbm4b:s0+s2], $0x190, $0x38;
	[tilespmem:$0xCE40] =	vst v63  }
0x4c: {  	_ =	swait.ge [sflag:s15], $0x190  }
0x4d: {  	[sflag:s15] =	ssyncset.done $0x0  }
0x4e: {  	[sflag:s15] =	ssyncadd.s32 $0xFFFFFE70  }
0x4f: {  	[tilespmem:s19], [sflag:$0x1] =	stream.indirect.gather [hbm4b:s3+s16], $0x40, s2, s16, $0xb8;
	[tilespmem:$0xCE40] =	vst v63  }
0x50: {  	_ = 	snop  }
0x51: {  	[tilespmem:s20], [sflag:$0x2] =	stream.indirect.gather [hbm4b:s3+s16], $0x40, s17, s16, $0xb8;
	[tilespmem:$0xCE40] =	vst v63  }
0x52: {  	_ =	swait.ge [sflag:s21], $0x6400  }
0x53: {  	[sflag:s21] =	ssyncset.done $0x0  }
0x54: {  	[sflag:s21] =	ssyncadd.s32 $0xFFFF9C00  }
0x55: {  	[tilespmem:s19], [sflag:$0x3] =	stream.indirect.gather.add.f32 [hbm:s4], $0x40, s16, s16, $0xb8;
	[tilespmem:$0xCE40] =	vst v63  }
0x56: {  	_ =	swait.ge [sflag:s22], $0x6400  }
0x57: {  	[sflag:s22] =	ssyncset.done $0x0  }
0x58: {  	[sflag:s22] =	ssyncadd.s32 $0xFFFF9C00  }
0x59: {  	[tilespmem:s20], [sflag:$0x4] =	stream.indirect.gather.add.f32 [hbm:s4], $0x40, s18, s16, $0xb8;
	[tilespmem:$0xCE40] =	vst v63  }
0x5a: {  	_ =	swait.ge [sflag:s23], $0x6400  }
0x5b: {  	[sflag:s23] =	ssyncset.done $0x0  }
0x5c: {  	[sflag:s23] =	ssyncadd.s32 $0xFFFF9C00  }
0x5d: {  	[hbm4b:s30+s2] =	stream.linear.scatter [tilespmem:s19], [sflag:$0x5], $0x6400, $0x38;
	[tilespmem:$0xCE40] =	vst v63  }
0x5e: {  	_ =	swait.ge [sflag:s24], $0x6400  }
0x5f: {  	[sflag:s24] =	ssyncset.done $0x0  }
0x60: {  	[sflag:s24] =	ssyncadd.s32 $0xFFFF9C00  }
0x61: {  	[hbm4b:s29+s2] =	stream.linear.scatter [tilespmem:s20], [sflag:$0x6], $0x6400, $0x38;
	[tilespmem:$0xCE40] =	vst v63  }
.Ltmp0:
0x62: {  	_ =	swait.ge [sflag:s25], $0x6400;
	(pc) =	sbr.rel @p0 .LBB2_2-.Ltmp0, $4  }
0x63: {  	[sflag:s25] =	ssyncset.done $0x0  }
0x64: {  	[sflag:s25] =	ssyncadd.s32 $0xFFFF9C00  }
0x65: {  	s0 =	smov.u32 s1;
	_ =	swait.ge [sflag:s26], $0x6400  }
0x66: {  	s30 =	sadd.s32 $0x1900, s30;
	s29 =	sadd.s32 $0x1900, s29;
	[sflag:s26] =	ssyncset.done $0x0  }
0x67: {  	s0 =	sadd.s32 s31, s11;
	[sflag:s26] =	ssyncadd.s32 $0xFFFF9C00  }
0x68: {  	[tilespmem:s2], [sflag:$0x7] =	stream.linear.gather [hbm4b:s0+s2], $0x190, $0x38;
	[tilespmem:$0xCE40] =	vst v63  }
0x69: {  	_ =	swait.ge [sflag:s15], $0x190  }
0x6a: {  	[sflag:s15] =	ssyncset.done $0x0  }
0x6b: {  	s1 =	sadd.s32 s31, s10;
	[sflag:s15] =	ssyncadd.s32 $0xFFFFFE70  }
0x6c: {  	[tilespmem:s16], [sflag:$0x7] =	stream.linear.gather [hbm4b:s1+s2], $0x190, $0x38;
	[tilespmem:$0xCE40] =	vst v63  }
0x6d: {  	_ =	swait.ge [sflag:s15], $0x190  }
0x6e: {  	[sflag:s15] =	ssyncset.done $0x0  }
0x6f: {  	s5 =	sadd.s32 s31, s14;
	[sflag:s15] =	ssyncadd.s32 $0xFFFFFE70  }
0x70: {  	[tilespmem:s17], [sflag:$0x7] =	stream.linear.gather [hbm4b:s5+s2], $0x190, $0x38;
	[tilespmem:$0xCE40] =	vst v63  }
0x71: {  	_ =	swait.ge [sflag:s15], $0x190  }
0x72: {  	[sflag:s15] =	ssyncset.done $0x0  }
0x73: {  	s6 =	sadd.s32 s31, s13;
	[sflag:s15] =	ssyncadd.s32 $0xFFFFFE70  }
0x74: {  	[tilespmem:s18], [sflag:$0x7] =	stream.linear.gather [hbm4b:s6+s2], $0x190, $0x38;
	[tilespmem:$0xCE40] =	vst v63  }
0x75: {  	_ =	swait.ge [sflag:s15], $0x190  }
0x76: {  	[sflag:s15] =	ssyncset.done $0x0  }
0x77: {  	[sflag:s15] =	ssyncadd.s32 $0xFFFFFE70  }
0x78: {  	[tilespmem:s19], [sflag:$0x1] =	stream.indirect.gather [hbm4b:s3+s16], $0x40, s2, s16, $0xb8;
	[tilespmem:$0xCE40] =	vst v63  }
0x79: {  	_ = 	snop  }
0x7a: {  	[tilespmem:s20], [sflag:$0x2] =	stream.indirect.gather [hbm4b:s3+s16], $0x40, s17, s16, $0xb8;
	[tilespmem:$0xCE40] =	vst v63  }
0x7b: {  	_ =	swait.ge [sflag:s21], $0x6400  }
0x7c: {  	[sflag:s21] =	ssyncset.done $0x0  }
0x7d: {  	[sflag:s21] =	ssyncadd.s32 $0xFFFF9C00  }
0x7e: {  	[tilespmem:s19], [sflag:$0x3] =	stream.indirect.gather.add.f32 [hbm:s4], $0x40, s16, s16, $0xb8;
	[tilespmem:$0xCE40] =	vst v63  }
0x7f: {  	_ =	swait.ge [sflag:s22], $0x6400  }
0x80: {  	[sflag:s22] =	ssyncset.done $0x0  }
0x81: {  	[sflag:s22] =	ssyncadd.s32 $0xFFFF9C00  }
0x82: {  	[tilespmem:s20], [sflag:$0x4] =	stream.indirect.gather.add.f32 [hbm:s4], $0x40, s18, s16, $0xb8;
	[tilespmem:$0xCE40] =	vst v63  }
0x83: {  	_ =	swait.ge [sflag:s23], $0x6400  }
0x84: {  	[sflag:s23] =	ssyncset.done $0x0  }
0x85: {  	[sflag:s23] =	ssyncadd.s32 $0xFFFF9C00  }
0x86: {  	[hbm4b:s30+s2] =	stream.linear.scatter [tilespmem:s19], [sflag:$0x5], $0x6400, $0x38;
	[tilespmem:$0xCE40] =	vst v63  }
0x87: {  	_ =	swait.ge [sflag:s24], $0x6400  }
0x88: {  	[sflag:s24] =	ssyncset.done $0x0  }
0x89: {  	[sflag:s24] =	ssyncadd.s32 $0xFFFF9C00  }
0x8a: {  	[hbm4b:s29+s2] =	stream.linear.scatter [tilespmem:s20], [sflag:$0x6], $0x6400, $0x38;
	[tilespmem:$0xCE40] =	vst v63  }
0x8b: {  	_ =	swait.ge [sflag:s25], $0x6400  }
0x8c: {  	[sflag:s25] =	ssyncset.done $0x0  }
0x8d: {  	[sflag:s25] =	ssyncadd.s32 $0xFFFF9C00  }
0x8e: {  	_ =	swait.ge [sflag:s26], $0x6400  }
0x8f: {  	[sflag:s26] =	ssyncset.done $0x0  }
0x90: {  	s30 =	rddreg [dreg:$0x2];
	[sflag:s26] =	ssyncadd.s32 $0xFFFF9C00  }
0x91: {  	[tilespmem:s2], [sflag:$0x7] =	stream.linear.gather [hbm4b:s30+s2], $0x190, $0x38;
	[tilespmem:$0xCE40] =	vst v63  }
0x92: {  	_ =	swait.ge [sflag:s15], $0x190  }
0x93: {  	[sflag:s15] =	ssyncset.done $0x0  }
0x94: {  	s31 =	rddreg [dreg:$0x3];
	[sflag:s15] =	ssyncadd.s32 $0xFFFFFE70  }
0x95: {  	[tilespmem:s16], [sflag:$0x7] =	stream.linear.gather [hbm4b:s31+s2], $0x190, $0x38;
	[tilespmem:$0xCE40] =	vst v63  }
0x96: {  	_ =	swait.ge [sflag:s15], $0x190  }
0x97: {  	[sflag:s15] =	ssyncset.done $0x0  }
0x98: {  	[sflag:s15] =	ssyncadd.s32 $0xFFFFFE70  }
0x99: {  	[tilespmem:s19], [sflag:$0x1] =	stream.indirect.gather [hbm4b:s3+s16], $0x40, s2, s16, $0xb8;
	[tilespmem:$0xCE40] =	vst v63  }
0x9a: {  	_ =	swait.ge [sflag:s21], $0x6400  }
0x9b: {  	[sflag:s21] =	ssyncset.done $0x0  }
0x9c: {  	[sflag:s21] =	ssyncadd.s32 $0xFFFF9C00  }
0x9d: {  	[tilespmem:s19], [sflag:$0x3] =	stream.indirect.gather.add.f32 [hbm:s4], $0x40, s16, s16, $0xb8;
	[tilespmem:$0xCE40] =	vst v63  }
0x9e: {  	s28 =	sadd.s32 $0x1, s28;
	_ =	swait.ge [sflag:s23], $0x6400  }
0x9f: {  	p0 =	sne.s32 s28, s8;
	[sflag:s23] =	ssyncset.done $0x0  }
.Ltmp1:
0xa0: {  	[sflag:s23] =	ssyncadd.s32 $0xFFFF9C00;
	(pc) =	sbr.rel @p0 .LBB2_1-.Ltmp1, $4  }
0xa1: {  	[hbm4b:s7+s2] =	stream.linear.scatter [tilespmem:s19], [sflag:$0x5], $0x6400, $0x38;
	[tilespmem:$0xCE40] =	vst v63  }
0xa2: {  	_ =	swait.ge [sflag:s25], $0x6400  }
0xa3: {  	[sflag:s25] =	ssyncset.done $0x0  }
0xa4: {  	[sflag:s25] =	ssyncadd.s32 $0xFFFF9C00  }
0xa5: {  	_ =	sfence.sel $0x180000  }
0xa6: {  	[bflag:$0x0] =	sbarrier.arrive $0xFFFF  }
0xa7: {  	_ =	strace $0x90000059  }
0xa8: {  	s0 =	stileid.u32;
	[bflag:$0x2] =	sbarrier.arrive $0xFFFF  }
0xa9: {  	p0 =	sne.s32 s0, $0x0;
	s0 =	rddreg [dreg:$0x1]  }
0xaa: {  	s0 =	sadd.s32 @!p0 $0x100000, s0  }
0xab: {  	[sflag:s0] =	ssyncadd.tile.s32 @!p0 $0x1;
	_ =	shalt  }
.Lfunc_end2:
_tile_overlayer_lowered:
.L_overlay_start_2:
0xac: {  	(tag) =	ssettag $0x2  }
0xad: {  	s0 =	rddreg [dreg:$0x0];
	s2 =	stileid.u32  }
0xae: {  	s1 =	rddreg [dreg:$0x1];
	p0 =	sne.s32 s2, $0x0  }
0xaf: {  	s3 =	rddreg [dreg:$0x2];
	[bflag:$0x3] =	sbarrier.arrive $0xFFFF;
	s2 =	simm.s32 @!p0 $0x1C07  }
0xb0: {  	[timem:s3], [sflag:s2] =	dma.local @!p0 [hbm:s0], s1  }
0xb1: {  	s0 =	simm.s32 @!p0 $0x7  }
0xb2: {  	_ =	swait.ge @!p0 [sflag:s0], s1  }
0xb3: {  	s1 =	ssub.s32 @!p0 $0x0, s1;
	[sflag:s0] =	ssyncset.done @!p0 $0x0  }
0xb4: {  	[sflag:s0] =	ssyncadd.s32 @!p0 s1  }
0xb5: {  	[bflag:$0x3] =	sbarrier.arrive $0xFFFF  }
0xb6: {  	_ =	shalt  }

// kernel: kernel.39.cloned.1.call-start
scs
__scs_entry_jumppad:
0x0: {  	(pc) =	sbr.rel $0x88, $3  }
0x1: {  	(tag) =	ssettag $0x0;
	lr =	simm.s32 $0x1  }
0x2: {  	[smem:$0x3F7E] =	sst lr;
	_ =	strace $0xD0000000  }
0x3: {  	_ = 	snop  }
0x4: {  	_ = 	snop  }
0x5: {  	_ = 	snop  }
0x6: {  	_ = 	snop  }
0x7: {  	_ = 	snop  }
__scs_overlays_trampoline_lowered:
0x8: {  	[smem:$0x3F8D] =	sst s0  }
0x9: {  	[smem:$0x3F8E] =	sst s1  }
0xa: {  	[smem:$0x3F8F] =	sst s2  }
0xb: {  	[smem:$0x3F90] =	sst s3  }
0xc: {  	[smem:$0x3F91] =	sst s4  }
0xd: {  	[smem:$0x3F92] =	sst s5  }
0xe: {  	[smem:$0x3F93] =	sst s6  }
0xf: {  	[smem:$0x3F94] =	sst s7  }
0x10: {  	[smem:$0x3F95] =	sst s8  }
0x11: {  	[smem:$0x3F96] =	sst s9;
	s0 =	simm.s32 @!p0 $0x0  }
0x12: {  	s1 =	sld [smem:$0x3F7C];
	s0 =	simm.s32 @p0 $0x1  }
0x13: {  	[smem:$0x3F97] =	sst s0;
	s0 =	simm.s32 @!p1 $0x0  }
0x14: {  	s2 =	sld [smem:$0x3F7B];
	s0 =	simm.s32 @p1 $0x1  }
0x15: {  	[smem:$0x3F98] =	sst s0;
	s0 =	simm.s32 @!p2 $0x0  }
0x16: {  	s3 =	sld [smem:$0x3FDB];
	s0 =	simm.s32 @p2 $0x1  }
0x17: {  	s4 =	simm.s32 $0x1BF5;
	[smem:$0x3F9A] =	sst s0  }
0x18: {  	s0 =	sld [smem:$0x3F7D];
	_ =	swait.ge [sflag:s4], $0x0  }
0x19: {  	s7 =	sld [smem:$0x3F7E]  }
0x1a: {  	s8 =	sadd.s32 $0xFFFFE003, lr  }
0x1b: {  	s9 =	sadd.s32 $0xFFFFFEF7, lr;
	s5 =	simm.s32 $0xFFFFFFFF;
	p2 =	slt.u32 s8, $0xFFFFF086  }
0x1c: {  	p1 =	slt.u32 s9, $0xF7A;
	s5 =	simm.s32 @!p2 $0x0  }
0x1d: {  	s5 =	simm.s32 @p1 $0x1;
	p0 =	seq.s32 s7, s2  }
0x1e: {  	s7 =	smul.u32 @!p0 $0xF7A, s2;
	p2 =	seq.s32 @!p0 s5, $0x0  }
0x1f: {  	s9 =	smul.u32 $0xF7A, s1;
	s8 =	simm.s32 @!p0 $0x1BF5;
	p2 =	por !p2, p0  }
0x20: {  	[sflag:s8] =	ssyncset.s32 @!p0 $0xFFFFF086;
	s6 =	sadd.s32 @!p0 s3, s7;
	s7 =	simm.s32 @!p0 $0x108  }
0x21: {  	s3 =	sadd.s32 s3, s9;
	s6 =	sadd.s32 @!p0 $0x88, s6;
	s7 =	simm.s32 @p2 $0x1082  }
0x22: {  	[simem:s7], [sflag:s8] =	dma.local @!p0 [hbm:s6], $0xF7A  }
0x23: {  	s9 =	sor.u32 $0xD0000000, s2;
	s6 =	simm.s32 $0x108;
	_ =	swait.ge @!p0 [sflag:s8], $0x0  }
0x24: {  	s3 =	sadd.s32 $0x88, s3;
	s6 =	simm.s32 @!p1 $0x1082;
	[sflag:s4] =	ssyncset.s32 $0xFFFFF086  }
0x25: {  	[simem:s6], [sflag:s4] =	dma.local [hbm:s3], $0xF7A  }
0x26: {  	[smem:$0x3F7E] =	sst s1;
	(tag) =	ssettag s2;
	_ =	strace s9  }
0x27: {  	s1 =	sld [smem:$0x3F8E]  }
0x28: {  	s2 =	sld [smem:$0x3F8F]  }
0x29: {  	s4 =	sld [smem:$0x3F91]  }
0x2a: {  	p0 =	seq.s32 s5, $0x0;
	s5 =	sld [smem:$0x3F92]  }
0x2b: {  	s6 =	sld [smem:$0x3F93]  }
0x2c: {  	s7 =	sld [smem:$0x3F94]  }
0x2d: {  	s3 =	simm.s32 $0x108;
	s8 =	sld [smem:$0x3F95]  }
0x2e: {  	s3 =	simm.s32 @!p0 $0x1082;
	s9 =	sld [smem:$0x3F96]  }
0x2f: {  	lr =	sadd.s32 s0, s3;
	s0 =	sld [smem:$0x3F8D]  }
0x30: {  	s3 =	sld [smem:$0x3F90]  }
0x31: {  	[smem:$0x3F99] =	sst s10  }
0x32: {  	s10 =	sld [smem:$0x3F97];
	_ =	sdelay $0x3  }
0x33: {  	p0 =	seq.s32 s10, $0x1;
	s10 =	sld [smem:$0x3F99];
	_ =	sdelay $0x3  }
0x34: {  	[smem:$0x3F99] =	sst s10  }
0x35: {  	s10 =	sld [smem:$0x3F98];
	_ =	sdelay $0x3  }
0x36: {  	p1 =	seq.s32 s10, $0x1;
	s10 =	sld [smem:$0x3F99];
	_ =	sdelay $0x3  }
0x37: {  	[smem:$0x3F99] =	sst s10  }
0x38: {  	s10 =	sld [smem:$0x3F9A]  }
0x39: {  	_ = 	snop;
	(pc) =	sbr.ind lr, $3  }
0x3a: {  	_ = 	snop  }
0x3b: {  	_ = 	snop  }
0x3c: {  	p2 =	seq.s32 s10, $0x1;
	s10 =	sld [smem:$0x3F99]  }
0x3d: {  	_ =	shalt  }
0x3e: {  	_ =	shalt  }
0x3f: {  	_ =	shalt  }
0x40: {  	_ =	shalt  }
0x41: {  	_ =	shalt  }
0x42: {  	_ =	shalt  }
0x43: {  	_ =	shalt  }
0x44: {  	_ =	shalt  }
0x45: {  	_ =	shalt  }
0x46: {  	_ =	shalt  }
0x47: {  	_ =	shalt  }
0x48: {  	_ =	shalt  }
0x49: {  	_ =	shalt  }
0x4a: {  	_ =	shalt  }
0x4b: {  	_ =	shalt  }
0x4c: {  	_ =	shalt  }
0x4d: {  	_ =	shalt  }
0x4e: {  	_ =	shalt  }
0x4f: {  	_ =	shalt  }
0x50: {  	_ =	shalt  }
0x51: {  	_ =	shalt  }
0x52: {  	_ =	shalt  }
0x53: {  	_ =	shalt  }
0x54: {  	_ =	shalt  }
0x55: {  	_ =	shalt  }
0x56: {  	_ =	shalt  }
0x57: {  	_ =	shalt  }
0x58: {  	_ =	shalt  }
0x59: {  	_ =	shalt  }
0x5a: {  	_ =	shalt  }
0x5b: {  	_ =	shalt  }
0x5c: {  	_ =	shalt  }
0x5d: {  	_ =	shalt  }
0x5e: {  	_ =	shalt  }
0x5f: {  	_ =	shalt  }
0x60: {  	_ =	shalt  }
0x61: {  	_ =	shalt  }
0x62: {  	_ =	shalt  }
0x63: {  	_ =	shalt  }
0x64: {  	_ =	shalt  }
0x65: {  	_ =	shalt  }
0x66: {  	_ =	shalt  }
0x67: {  	_ =	shalt  }
0x68: {  	_ =	shalt  }
0x69: {  	_ =	shalt  }
0x6a: {  	_ =	shalt  }
0x6b: {  	_ =	shalt  }
0x6c: {  	_ =	shalt  }
0x6d: {  	_ =	shalt  }
0x6e: {  	_ =	shalt  }
0x6f: {  	_ =	shalt  }
0x70: {  	_ =	shalt  }
0x71: {  	_ =	shalt  }
0x72: {  	_ =	shalt  }
0x73: {  	_ =	shalt  }
0x74: {  	_ =	shalt  }
0x75: {  	_ =	shalt  }
0x76: {  	_ =	shalt  }
0x77: {  	_ =	shalt  }
0x78: {  	_ =	shalt  }
0x79: {  	_ =	shalt  }
0x7a: {  	_ =	shalt  }
0x7b: {  	_ =	shalt  }
0x7c: {  	_ =	shalt  }
0x7d: {  	_ =	shalt  }
0x7e: {  	_ =	shalt  }
0x7f: {  	_ =	shalt  }
0x80: {  	_ =	shalt  }
0x81: {  	_ =	shalt  }
0x82: {  	_ =	shalt  }
0x83: {  	_ =	shalt  }
0x84: {  	_ =	shalt  }
0x85: {  	_ =	shalt  }
0x86: {  	_ =	shalt  }
0x87: {  	_ =	shalt  }
.Lfunc_end0:
.L_simem_size_0:
called_computation.7_lowered:
.L_overlay_start_0:
0x88: {  	s2 =	sld [smem:$0x3FD9]  }
0x89: {  	s3 =	sld [smem:$0x3FFE];
	_ =	sdelay $0x1  }
0x8a: {  	s1 =	srdreg.scid  }
0x8b: {  	s0 =	sand.u32 $0x1, s1  }
0x8c: {  	s16 =	sshll.u32 s0, $0xA;
	s2 =	sadd.s32 s3, s2  }
0x8d: {  	s2 =	sadd.s32 s2, s16  }
0x8e: {  	[smem:$0x3FA5] =	sst s2  }
0x8f: {  	_ = 	snop  }
0x90: {  	(tm) =	ssettm $0x1  }
0x91: {  	s17 =	sld [smem:$0x3FFB];
	_ =	sdelay $0x3  }
0x92: {  	_ =	strace s17  }
0x93: {  	s2 =	sld [smem:$0x3FFC];
	_ =	sdelay $0x3  }
0x94: {  	_ =	strace s2  }
0x95: {  	s2 =	sld [smem:$0x3FFD];
	_ =	sdelay $0x3  }
0x96: {  	_ =	strace s2  }
0x97: {  	_ =	strace $0x8FFFFFFF  }
0x98: {  	s18 =	sld [smem:$0x3FDB];
	_ =	sdelay $0x1  }
0x99: {  	s19 =	simm.s32 $_scs_section_size  }
0x9a: {  	s4 =	simm.s32 $_size__tile_overlayer_lowered;
	s5 =	simm.s32 $_tile_overlayer_lowered  }
0x9b: {  	s22 =	simm.s32 $0x1BFF;
	s21 =	sshll.u32 s5, $0x1;
	s2 =	sadd.s32 s19, s18  }
0x9c: {  	s6 =	simm.s32 $0x0;
	s20 =	sshll.u32 s4, $0x1;
	s4 =	sadd.s32 s21, s2  }
0x9d: {  	[timem:s6], [sflag:s22] =	dma.local [hbm:s4], s20  }
0x9e: {  	_ =	swait.ge [sflag:s22], s20  }
0x9f: {  	s3 =	ssub.s32 $0x0, s20;
	[sflag:s22] =	ssyncset.done $0x0  }
0xa0: {  	[sflag:s22] =	ssyncadd.s32 s3;
	_ =	sdelay $0x1  }
0xa1: {  	s23 =	simm.s32 $0x1B8B  }
0xa2: {  	_ =	swait.ge [sflag:s23], $0x1  }
0xa3: {  	[sflag:s23] =	ssyncset.done $0x0  }
0xa4: {  	s25 =	simm.s32 $0x1B8E;
	s24 =	sld [smem:$0x3FFE];
	[sflag:s23] =	ssyncadd.s32 $0xFFFFFFFF  }
0xa5: {  	s26 =	simm.s32 $execute0_lowered;
	[smem:$0x3FD2] =	sst s25  }
0xa6: {  	s4 =	sshll.u32 s26, $0x1;
	_ =	strace $0x8000005B;
	[dreg:$0x1] =	wrdreg $0xFFFFFFFF  }
0xa7: {  	s28 =	simm.s32 $_size_execute0_lowered;
	s2 =	sadd.s32 s2, s4;
	[dreg:$0x0] =	wrdreg $0x0  }
0xa8: {  	s4 =	sshll.u32 s28, $0x1;
	[dreg:$0x2] =	wrdreg s2  }
0xa9: {  	[dreg:$0x3] =	wrdreg s4  }
0xaa: {  	[dreg:$0x4] =	wrdreg $0xC0  }
0xab: {  	_ =	task [dreg:s6], $0x5FFFF  }
0xac: {  	[dreg:$0x1] =	wrdreg $0xFFFFFFFF  }
0xad: {  	[dreg:$0x0] =	wrdreg $0x60  }
0xae: {  	[dreg:$0x2] =	wrdreg s24  }
0xaf: {  	[dreg:$0x3] =	wrdreg $0xCB200  }
0xb0: {  	[dreg:$0x4] =	wrdreg $0x9  }
0xb1: {  	_ =	task.clear_ibuf [dreg:s6], $0x5FFFF;
	_ =	strace $0x9000005B  }
0xb2: {  	s29 =	simm.s32 $0x9;
	_ =	strace $0x8000005D  }
0xb3: {  	_ =	swait.ge [sflag:s29], $0x1  }
0xb4: {  	[sflag:s29] =	ssyncadd.s32 $0xFFFFFFFF  }
0xb5: {  	_ =	strace $0x9000005D  }
0xb6: {  	_ =	sfence  }
0xb7: {  	s30 =	sld [smem:$0x0];
	_ =	sdelay $0x2  }
0xb8: {  	s31 =	sshll.u32 s1, $0xD;
	s1 =	sshrl.u32 s1, $0x2  }
0xb9: {  	s3 =	sand.u32 $0x4000, s31;
	s1 =	sadd.s32 s1, s30  }
0xba: {  	s0 =	sor.u32 s3, s0;
	s1 =	sshll.u32 s1, $0x11  }
0xbb: {  	s0 =	sor.u32 s1, s0  }
0xbc: {  	s0 =	sadd.s32 $0x8F2B, s0  }
0xbd: {  	[sflag:s0] =	ssyncadd.remote.s32 $0x1  }
0xbe: {  	_ =	sfence.sel $0xFFFF  }
0xbf: {  	[dreg:$0x0] =	wrdreg $0xFFFFFFFF;
	(pc) =	sbr.abs _section_cstart, $3  }
0xc0: {  	[dreg:$0x1] =	wrdreg $0xFFFFFFFF  }
0xc1: {  	_ =	task.clear_ibuf [dreg:s6], $0x2FFFF;
	_ =	strace $0x9FFFFFFF  }
0xc2: {  	(tm) =	ssettm $0x7FFFFFFF  }
0xc3: {  	_ =	shalt  }
tec
execute0_lowered:
.L_overlay_start_1:
0x0: {  	(tag) =	ssettag $0x1  }
0x1: {  	s4 =	rddreg [dreg:$0x0]  }
0x2: {  	s2 =	rddreg [dreg:$0x1]  }
0x3: {  	s0 =	rddreg [dreg:$0x2];
	s1 =	stileid.u32  }
0x4: {  	s3 =	simm.s32 $0x0;
	s6 =	srdreg.scid;
	s18 =	simm.s32 $0x6720  }
0x5: {  	s19 =	simm.s32 $0x1;
	s20 =	simm.s32 $0x2;
	s21 =	simm.s32 $0x3  }
0x6: {  	s22 =	simm.s32 $0x4;
	s5 =	smul.u32 $0x9C40, s1;
	[smem:$0x7FF] =	sst s3  }
0x7: {  	s6 =	sand.u32 $0x1, s6;
	s7 =	smul.u32 $0x1388, s1;
	s12 =	sadd.s32 $0xA0A000, s4  }
0x8: {  	s13 =	sadd.s32 $0x3B600, s4;
	s11 =	sshll.u32 s1, $0x1;
	s26 =	smul.u32 $0x27100, s1  }
0x9: {  	s25 =	sshll.u32 s1, $0x6;
	s16 =	smul.u32 $0x4E20, s1;
	_ =	strace $0x8000005C  }
0xa: {  	s10 =	smul.u32 $0x13880, s6;
	s9 =	ssub.s32 $0x2, s6;
	s24 =	sor.u32 s6, s11  }
0xb: {  	s17 =	smul.u32 $0x2710, s6;
	s8 =	sshrl.u32 s5, $0x3;
	s23 =	sshrl.u32 s9, $0x1  }
0xc: {  	s15 =	sadd.s32 s5, s2;
	s5 =	sor.u32 $0x1C05, s25;
	s11 =	sadd.s32 s26, s12  }
0xd: {  	s8 =	sadd.s32 s8, s4;
	s7 =	sadd.s32 s7, s10;
	s9 =	ssub.s32 s9, s23  }
0xe: {  	s29 =	sadd.s32 s17, s16;
	s10 =	sadd.s32 s10, s11;
	s16 =	simm.s32 $0x190  }
0xf: {  	s17 =	simm.s32 $0x320;
	s23 =	simm.s32 $0x0;
	s14 =	sadd.s32 s7, s4  }
0x10: {  	s7 =	smul.u32 $0x2710, s24;
	s4 =	sadd.s32 $0xA400, s8;
	s9 =	smax.u32 s9, $0x1  }
0x11: {  	s30 =	sshrl.u32 s29, $0x3;
	s8 =	sadd.s32 $0x45400, s14;
	s14 =	sadd.s32 $0x190, s29  }
0x12: {  	s11 =	sadd.s32 s30, s13;
	s7 =	sadd.s32 $0x2580, s7;
	s31 =	sshll.u32 s14, $0x3  }
0x13: {  	s14 =	sshrl.u32 s14, $0x3;
	s28 =	sshrl.u32 s7, $0x3;
	s7 =	sshll.u32 s7, $0x3  }
0x14: {  	s6 =	sadd.s32 s13, s28;
	s7 =	sadd.s32 s12, s7;
	s12 =	sadd.s32 s31, s12  }
0x15: {  	s13 =	sadd.s32 s14, s13;
	s14 =	sshrl.u32 s15, $0x3;
	s15 =	simm.s32 $0x5  }
.LBB2_1:
0x16: {  	[spmem:s14], [sflag:s5] =	dma.local [hbm:s4], $0x1388  }
0x17: {  	_ =	swait.ge [sflag:s15], $0x1388  }
0x18: {  	[sflag:s15] =	ssyncset.done $0x0  }
0x19: {  	[sflag:s15] =	ssyncadd.s32 $0xFFFFEC78  }
0x1a: {  	s24 =	sadd.s32 $0x0, s11;
	[bflag:$0x0] =	sbarrier.arrive $0xFFFF  }
0x1b: {  	[tilespmem:s3], [sflag:$0x5] =	stream.linear.gather [hbm4b:s24+s3], $0x190, $0x38;
	[tilespmem:$0x16760] =	vst v63  }
0x1c: {  	_ =	swait.ge [sflag:s15], $0x190  }
0x1d: {  	[sflag:s15] =	ssyncset.done $0x0  }
0x1e: {  	s31 =	sadd.s32 $0x0, s13;
	[sflag:s15] =	ssyncadd.s32 $0xFFFFFE70  }
0x1f: {  	[tilespmem:s16], [sflag:$0x5] =	stream.linear.gather [hbm4b:s31+s3], $0x190, $0x38;
	[tilespmem:$0x16760] =	vst v63  }
0x20: {  	_ =	swait.ge [sflag:s15], $0x190  }
0x21: {  	[sflag:s15] =	ssyncset.done $0x0  }
0x22: {  	[sflag:s15] =	ssyncadd.s32 $0xFFFFFE70  }
0x23: {  	[tilespmem:s17], [sflag:$0x1] =	stream.linear.gather [hbm4b:s10+s3], $0x6400, $0x38;
	[tilespmem:$0x16760] =	vst v63  }
0x24: {  	_ = 	snop  }
0x25: {  	[tilespmem:s18], [sflag:$0x2] =	stream.linear.gather [hbm4b:s12+s3], $0x6400, $0x38;
	[tilespmem:$0x16760] =	vst v63  }
0x26: {  	_ =	swait.ge [sflag:s19], $0x6400  }
0x27: {  	[sflag:s19] =	ssyncset.done $0x0  }
0x28: {  	[sflag:s19] =	ssyncadd.s32 $0xFFFF9C00  }
0x29: {  	[spmem:s2] =	stream.indirect.scatter.add.f32 [tilespmem:s17], [sflag:$0x3], $0x40, s3, s16, $0xb8;
	[tilespmem:$0x16760] =	vst v63  }
0x2a: {  	_ =	swait.ge [sflag:s20], $0x6400  }
0x2b: {  	[sflag:s20] =	ssyncset.done $0x0  }
0x2c: {  	[sflag:s20] =	ssyncadd.s32 $0xFFFF9C00  }
0x2d: {  	[spmem:s2] =	stream.indirect.scatter.add.f32 [tilespmem:s18], [sflag:$0x4], $0x40, s16, s16, $0xb8;
	[tilespmem:$0x16760] =	vst v63  }
0x2e: {  	_ =	swait.ge [sflag:s21], $0x6400  }
0x2f: {  	[sflag:s21] =	ssyncset.done $0x0  }
0x30: {  	[sflag:s21] =	ssyncadd.s32 $0xFFFF9C00  }
0x31: {  	s26 =	simm.s32 $0x64;
	s28 =	simm.s32 $0xC8;
	_ =	swait.ge [sflag:s22], $0x6400  }
0x32: {  	s25 =	sadd.s32 $0x1900, s12;
	s24 =	sadd.s32 $0x1900, s10;
	[sflag:s22] =	ssyncset.done $0x0  }
.LBB2_2:
0x33: {  	s29 =	sadd.s32 s26, s11  }
0x34: {  	[sflag:s22] =	ssyncadd.s32 $0xFFFF9C00;
	s30 =	smov.u32 s28;
	s31 =	sadd.s32 $0x64, s28  }
0x35: {  	[tilespmem:s3], [sflag:$0x5] =	stream.linear.gather [hbm4b:s29+s3], $0x190, $0x38;
	[tilespmem:$0x16760] =	vst v63  }
0x36: {  	p0 =	sne.s32 s28, $0x44C;
	_ =	swait.ge [sflag:s15], $0x190  }
0x37: {  	[sflag:s15] =	ssyncset.done $0x0  }
0x38: {  	s28 =	sadd.s32 s26, s13;
	s26 =	smov.u32 s30;
	[sflag:s15] =	ssyncadd.s32 $0xFFFFFE70  }
0x39: {  	[tilespmem:s16], [sflag:$0x5] =	stream.linear.gather [hbm4b:s28+s3], $0x190, $0x38;
	[tilespmem:$0x16760] =	vst v63  }
0x3a: {  	_ =	swait.ge [sflag:s15], $0x190  }
0x3b: {  	[sflag:s15] =	ssyncset.done $0x0  }
0x3c: {  	[sflag:s15] =	ssyncadd.s32 $0xFFFFFE70  }
0x3d: {  	[tilespmem:s17], [sflag:$0x1] =	stream.linear.gather [hbm4b:s24+s3], $0x6400, $0x38;
	[tilespmem:$0x16760] =	vst v63  }
0x3e: {  	_ = 	snop  }
0x3f: {  	[tilespmem:s18], [sflag:$0x2] =	stream.linear.gather [hbm4b:s25+s3], $0x6400, $0x38;
	[tilespmem:$0x16760] =	vst v63  }
0x40: {  	_ =	swait.ge [sflag:s19], $0x6400  }
0x41: {  	[sflag:s19] =	ssyncset.done $0x0  }
0x42: {  	[sflag:s19] =	ssyncadd.s32 $0xFFFF9C00  }
0x43: {  	[spmem:s2] =	stream.indirect.scatter.add.f32 [tilespmem:s17], [sflag:$0x3], $0x40, s3, s16, $0xb8;
	[tilespmem:$0x16760] =	vst v63  }
0x44: {  	_ =	swait.ge [sflag:s20], $0x6400  }
0x45: {  	[sflag:s20] =	ssyncset.done $0x0  }
0x46: {  	[sflag:s20] =	ssyncadd.s32 $0xFFFF9C00  }
0x47: {  	[spmem:s2] =	stream.indirect.scatter.add.f32 [tilespmem:s18], [sflag:$0x4], $0x40, s16, s16, $0xb8;
	[tilespmem:$0x16760] =	vst v63  }
.Ltmp0:
0x48: {  	_ =	swait.ge [sflag:s21], $0x6400;
	(pc) =	sbr.rel @p0 .LBB2_2-.Ltmp0, $4  }
0x49: {  	[sflag:s21] =	ssyncset.done $0x0  }
0x4a: {  	[sflag:s21] =	ssyncadd.s32 $0xFFFF9C00  }
0x4b: {  	s28 =	smov.u32 s31;
	_ =	swait.ge [sflag:s22], $0x6400  }
0x4c: {  	s24 =	sadd.s32 $0x1900, s24;
	s25 =	sadd.s32 $0x1900, s25;
	[sflag:s22] =	ssyncset.done $0x0  }
0x4d: {  	s28 =	sadd.s32 s26, s11;
	[sflag:s22] =	ssyncadd.s32 $0xFFFF9C00  }
0x4e: {  	[tilespmem:s3], [sflag:$0x5] =	stream.linear.gather [hbm4b:s28+s3], $0x190, $0x38;
	[tilespmem:$0x16760] =	vst v63  }
0x4f: {  	_ =	swait.ge [sflag:s15], $0x190  }
0x50: {  	[sflag:s15] =	ssyncset.done $0x0  }
0x51: {  	s31 =	sadd.s32 s26, s13;
	[sflag:s15] =	ssyncadd.s32 $0xFFFFFE70  }
0x52: {  	[tilespmem:s16], [sflag:$0x5] =	stream.linear.gather [hbm4b:s31+s3], $0x190, $0x38;
	[tilespmem:$0x16760] =	vst v63  }
0x53: {  	_ =	swait.ge [sflag:s15], $0x190  }
0x54: {  	[sflag:s15] =	ssyncset.done $0x0  }
0x55: {  	[sflag:s15] =	ssyncadd.s32 $0xFFFFFE70  }
0x56: {  	[tilespmem:s17], [sflag:$0x1] =	stream.linear.gather [hbm4b:s24+s3], $0x6400, $0x38;
	[tilespmem:$0x16760] =	vst v63  }
0x57: {  	_ = 	snop  }
0x58: {  	[tilespmem:s18], [sflag:$0x2] =	stream.linear.gather [hbm4b:s25+s3], $0x6400, $0x38;
	[tilespmem:$0x16760] =	vst v63  }
0x59: {  	_ =	swait.ge [sflag:s19], $0x6400  }
0x5a: {  	[sflag:s19] =	ssyncset.done $0x0  }
0x5b: {  	[sflag:s19] =	ssyncadd.s32 $0xFFFF9C00  }
0x5c: {  	[spmem:s2] =	stream.indirect.scatter.add.f32 [tilespmem:s17], [sflag:$0x3], $0x40, s3, s16, $0xb8;
	[tilespmem:$0x16760] =	vst v63  }
0x5d: {  	_ =	swait.ge [sflag:s20], $0x6400  }
0x5e: {  	[sflag:s20] =	ssyncset.done $0x0  }
0x5f: {  	[sflag:s20] =	ssyncadd.s32 $0xFFFF9C00  }
0x60: {  	[spmem:s2] =	stream.indirect.scatter.add.f32 [tilespmem:s18], [sflag:$0x4], $0x40, s16, s16, $0xb8;
	[tilespmem:$0x16760] =	vst v63  }
0x61: {  	_ =	swait.ge [sflag:s21], $0x6400  }
0x62: {  	[sflag:s21] =	ssyncset.done $0x0  }
0x63: {  	[sflag:s21] =	ssyncadd.s32 $0xFFFF9C00  }
0x64: {  	_ =	swait.ge [sflag:s22], $0x6400  }
0x65: {  	[sflag:s22] =	ssyncset.done $0x0  }
0x66: {  	[sflag:s22] =	ssyncadd.s32 $0xFFFF9C00  }
0x67: {  	[tilespmem:s3], [sflag:$0x5] =	stream.linear.gather [hbm4b:s6+s3], $0x190, $0x38;
	[tilespmem:$0x16760] =	vst v63  }
0x68: {  	_ =	swait.ge [sflag:s15], $0x190  }
0x69: {  	[sflag:s15] =	ssyncset.done $0x0  }
0x6a: {  	[sflag:s15] =	ssyncadd.s32 $0xFFFFFE70  }
0x6b: {  	[tilespmem:s17], [sflag:$0x5] =	stream.linear.gather [hbm4b:s7+s3], $0x6400, $0x38;
	[tilespmem:$0x16760] =	vst v63  }
0x6c: {  	_ =	swait.ge [sflag:s15], $0x6400  }
0x6d: {  	[sflag:s15] =	ssyncset.done $0x0  }
0x6e: {  	[sflag:s15] =	ssyncadd.s32 $0xFFFF9C00  }
0x6f: {  	[spmem:s2] =	stream.indirect.scatter.add.f32 [tilespmem:s17], [sflag:$0x5], $0x40, s3, s16, $0xb8;
	[tilespmem:$0x16760] =	vst v63  }
0x70: {  	_ =	swait.ge [sflag:s15], $0x6400  }
0x71: {  	s23 =	sadd.s32 $0x1, s23;
	[sflag:s15] =	ssyncset.done $0x0  }
0x72: {  	p0 =	sne.s32 s23, s9;
	[sflag:s15] =	ssyncadd.s32 $0xFFFF9C00  }
.Ltmp1:
0x73: {  	[bflag:$0x0] =	sbarrier.arrive $0xFFFF;
	(pc) =	sbr.rel @p0 .LBB2_1-.Ltmp1, $4  }
0x74: {  	[hbm:s8], [sflag:s5] =	dma.local [spmem:s14], $0x1388  }
0x75: {  	_ =	swait.ge [sflag:s15], $0x1388  }
0x76: {  	[sflag:s15] =	ssyncset.done $0x0  }
0x77: {  	[sflag:s15] =	ssyncadd.s32 $0xFFFFEC78  }
0x78: {  	_ =	sfence.sel $0x180000  }
0x79: {  	[bflag:$0x0] =	sbarrier.arrive $0xFFFF  }
0x7a: {  	p0 =	sne.s32 s1, $0x0;
	_ =	strace $0x9000005C  }
0x7b: {  	s0 =	sadd.s32 @!p0 $0x100000, s0;
	[bflag:$0x2] =	sbarrier.arrive $0xFFFF  }
0x7c: {  	[sflag:s0] =	ssyncadd.tile.s32 @!p0 $0x1;
	_ =	shalt  }
.Lfunc_end2:
_tile_overlayer_lowered:
.L_overlay_start_2:
0x7d: {  	(tag) =	ssettag $0x2  }
0x7e: {  	s0 =	rddreg [dreg:$0x0];
	s2 =	stileid.u32  }
0x7f: {  	s1 =	rddreg [dreg:$0x1];
	p0 =	sne.s32 s2, $0x0  }
0x80: {  	s3 =	rddreg [dreg:$0x2];
	[bflag:$0x3] =	sbarrier.arrive $0xFFFF;
	s2 =	simm.s32 @!p0 $0x1C05  }
0x81: {  	[timem:s3], [sflag:s2] =	dma.local @!p0 [hbm:s0], s1  }
0x82: {  	s0 =	simm.s32 @!p0 $0x5  }
0x83: {  	_ =	swait.ge @!p0 [sflag:s0], s1  }
0x84: {  	s1 =	ssub.s32 @!p0 $0x0, s1;
	[sflag:s0] =	ssyncset.done @!p0 $0x0  }
0x85: {  	[sflag:s0] =	ssyncadd.s32 @!p0 s1  }
0x86: {  	[bflag:$0x3] =	sbarrier.arrive $0xFFFF  }
0x87: {  	_ =	shalt  }

</sc_bundles>
